<compile_context>
chip_gen: v7x
topology: tpu7x:2x2x1
jax: 0.10.2.dev20260603
libtpu: 0.0.44.dev20260713+nightly
codegen_flags: <defaults>
</compile_context>

<pallas_src>
import functools

import jax
import jax.numpy as jnp
from jax import lax
from jax.experimental import pallas as pl
from jax.experimental.pallas import tpu as pltpu
from jax.experimental.pallas import tpu_sc as plsc

_info = plsc.get_sparse_core_info()
_NC, _NS, _L = _info.num_cores, _info.num_subcores, _info.num_lanes
_NW = _NC * _NS


def _make_transform(F, V, D):
    TILE = 128
    GCOLS = 896
    JFULL = V // TILE
    VFULL = JFULL * TILE
    VTAIL = V - VFULL
    GPF = -(-VFULL // GCOLS)
    NB = F * GPF
    NRING = 2
    per_w = -(-NB // _NW)
    per_w += (-per_w) % NRING
    n_steps = per_w // NRING
    CHU = 16

    mesh = plsc.VectorSubcoreMesh(core_axis_name="c", subcore_axis_name="s")

    @functools.partial(
        pl.kernel,
        mesh=mesh,
        out_type=jax.ShapeDtypeStruct((F * V * D,), jnp.float32),
        compiler_params=pltpu.CompilerParams(needs_layout_passes=False),
        scratch_types=[
            pltpu.VMEM((D, GCOLS), jnp.float32),
            pltpu.VMEM((D, GCOLS), jnp.float32),
            pltpu.VMEM((GCOLS * D,), jnp.float32),
            pltpu.VMEM((GCOLS * D,), jnp.float32),
            pltpu.VMEM((D, VTAIL), jnp.float32),
            pltpu.VMEM((VTAIL * D,), jnp.float32),
            pltpu.SemaphoreType.DMA,
            pltpu.SemaphoreType.DMA,
            pltpu.SemaphoreType.DMA,
            pltpu.SemaphoreType.DMA,
        ],
    )
    def transform_kernel(tab_t, out_flat, sv0, sv1, ov0, ov1,
                         st, ot, is0, is1, os0, os1):
        wid = lax.axis_index("s") * _NC + lax.axis_index("c")
        g0 = wid * per_w
        lanes = lax.iota(jnp.int32, _L)
        zeros = lanes - lanes
        i_lo = lanes
        i_hi = lanes + _L
        isems = [is0, is1]
        osems = [os0, os1]
        svs = [sv0, sv1]
        ovs = [ov0, ov1]

        def loc_of(g):
            g = jnp.minimum(g, NB - 1)
            f = g // GPF
            jg = g - f * GPF
            col0 = jnp.minimum(jg * GCOLS, VFULL - GCOLS)
            return f, col0

        def src_of(g):
            f, col0 = loc_of(g)
            return tab_t.at[f, :, pl.ds(col0, GCOLS)]

        def dst_of(g):
            f, col0 = loc_of(g)
            return out_flat.at[pl.ds(f * V * D + col0 * D, GCOLS * D)]

        diag_c = [(lanes + k) % _L for k in range(_L)]
        diag_w = [((lanes + k) % _L) * D + lanes for k in range(_L)]

        BT = 4

        def make_transpose(ncols):
            def transpose(s, o):
                def tcol(i, carry):
                    c0 = i * _L
                    for d0 in range(0, D, _L):
                        rows = lanes + d0
                        sbase = c0 * D + d0
                        for kb in range(0, _L, BT):
                            vals = [
                                plsc.load_gather(s, [rows, diag_c[kb + t] + c0])
                                for t in range(BT)
                            ]
                            for t in range(BT):
                                plsc.store_scatter(
                                    o, [diag_w[kb + t] + sbase], vals[t]
                                )
                    return carry

                lax.fori_loop(0, ncols // _L, tcol, 0)

            return transpose

        transpose_group = make_transpose(GCOLS)
        transpose_tail = make_transpose(VTAIL)

        for p in range(NRING):
            pltpu.async_copy(src_of(g0 + p), svs[p], isems[p])

        def step(u, carry):
            for p in range(NRING):
                g = g0 + NRING * u + p
                pltpu.make_async_copy(src_of(g), svs[p], isems[p]).wait()

                @pl.when(u > 0)
                def _():
                    pltpu.make_async_copy(ovs[p], dst_of(g),
                                          osems[p]).wait()

                transpose_group(svs[p], ovs[p])
                pltpu.async_copy(ovs[p], dst_of(g), osems[p])
                pltpu.async_copy(src_of(g + NRING), svs[p], isems[p])
            return carry

        lax.fori_loop(0, n_steps, step, 0)

        for p in range(NRING):
            pltpu.make_async_copy(src_of(g0), svs[p], isems[p]).wait()
            pltpu.make_async_copy(ovs[p], dst_of(g0), osems[p]).wait()

        wt = jnp.minimum(wid, F - 1)
        pltpu.sync_copy(tab_t.at[wt, :, pl.ds(VFULL, VTAIL)], st)
        transpose_tail(st, ot)
        pltpu.sync_copy(
            ot, out_flat.at[pl.ds(wt * V * D + VFULL * D, VTAIL * D)]
        )

    return transform_kernel


def _make_gather(F, V, D, N, B):
    assert N % _NW == 0
    per_w = N // _NW
    CHUNK = 512
    ROWS = CHUNK // 128
    assert per_w % CHUNK == 0 and B % CHUNK == 0
    n_chunks = per_w // CHUNK

    mesh = plsc.VectorSubcoreMesh(core_axis_name="c", subcore_axis_name="s")

    @functools.partial(
        pl.kernel,
        mesh=mesh,
        out_type=jax.ShapeDtypeStruct((F, D, B), jnp.float32),
        compiler_params=pltpu.CompilerParams(
            use_tc_tiling_on_sc=False, needs_layout_passes=False
        ),
        scratch_types=[
            pltpu.VMEM((per_w,), jnp.int32),
            pltpu.VMEM((CHUNK, D), jnp.float32),
            pltpu.VMEM((CHUNK, D), jnp.float32),
            pltpu.VMEM((D, CHUNK), jnp.float32),
            pltpu.VMEM((D, CHUNK), jnp.float32),
            pltpu.SemaphoreType.DMA,
            pltpu.SemaphoreType.DMA,
            pltpu.SemaphoreType.DMA,
        ],
    )
    def gather_kernel(tab_hbm, idx_hbm, out_hbm, idx_v, rows0, rows1,
                      tr0, tr1, gsem, osem0, osem1):
        wid = lax.axis_index("s") * _NC + lax.axis_index("c")
        base_w = wid * per_w

        pltpu.sync_copy(idx_hbm.at[pl.ds(base_w, per_w)], idx_v)

        lanes = lax.iota(jnp.int32, _L)

        shift = B.bit_length() - 1
        assert B == 1 << shift

        def add_block(j, carry):
            b = j * _L
            pvec = (base_w + b) + lanes
            idx_v[pl.ds(b, _L)] = (
                idx_v[pl.ds(b, _L)]
                + lax.shift_right_logical(pvec, shift) * V
            )
            return carry

        lax.fori_loop(0, per_w // _L, add_block, 0)

        diag_c = [(lanes + k) % _L for k in range(_L)]

        BT = 4

        def transpose_rows(s, o):
            def tcol(i, carry):
                b0 = i * _L
                brow = lanes + b0
                for d0 in range(0, D, _L):
                    for kb in range(0, _L, BT):
                        dcols = [diag_c[kb + t] + d0 for t in range(BT)]
                        vals = [
                            plsc.load_gather(s, [brow, dcols[t]])
                            for t in range(BT)
                        ]
                        for t in range(BT):
                            plsc.store_scatter(o, [dcols[t], brow], vals[t])
                return carry

            lax.fori_loop(0, CHUNK // _L, tcol, 0)

        rows = [rows0, rows1]
        trs = [tr0, tr1]
        osems = [osem0, osem1]

        def do_chunk(c, p, u):
            cbase = c * CHUNK
            pos0 = base_w + cbase
            f = pos0 // B
            bb = pos0 - f * B
            dst = out_hbm.at[f, :, pl.ds(bb, CHUNK)]
            g_cps = [
                pltpu.async_copy(
                    tab_hbm.at[idx_v.at[pl.ds(cbase + r * 128, 128)]],
                    rows[p].at[pl.ds(r * 128, 128)],
                    gsem,
                )
                for r in range(ROWS)
            ]

            @pl.when(u > 0)
            def _():
                pltpu.make_async_copy(trs[p], dst, osems[p]).wait()

            for cp in g_cps:
                cp.wait()
            transpose_rows(rows[p], trs[p])
            pltpu.async_copy(trs[p], dst, osems[p])

        def step(u, carry):
            do_chunk(2 * u, 0, u)
            do_chunk(2 * u + 1, 1, u)
            return carry

        lax.fori_loop(0, n_chunks // 2, step, 0)

        for p in range(2):
            pltpu.make_async_copy(
                trs[p], out_hbm.at[0, :, pl.ds(0, CHUNK)], osems[p]
            ).wait()

    return gather_kernel


def kernel(inputs, tables):
    B, F = inputs.shape
    _, V, D = tables.shape
    N = B * F
    tab_t = jnp.transpose(tables, (0, 2, 1))
    tab_lin = _make_transform(F, V, D)(tab_t).reshape(F * V, D)
    idx_flat = inputs.T.reshape(N)
    out = _make_gather(F, V, D, N, B)(tab_lin, idx_flat)
    return out.transpose(2, 0, 1)

# --- scband reference (transcript-rebuilt; emitter-appended) ---
"""Pipeline reference for scband-cat-embeddings-18494129177326 (READ-ONLY COPY).

The authoritative reference and input builder live on the scoring server;
editing this copy changes nothing except your own understanding.
"""

import jax, jax.numpy as jnp
import numpy as np

NUM_FIELDS = 26
VOCAB_SIZE = 100000
EMBED_DIM = 32
BATCH = 16384


def setup_inputs(seed: int = 0) -> dict:
    key = jax.random.key(seed)
    k_idx, k_tab = jax.random.split(key)
    # categorical feature ids, pre-encoded as integer vocabulary indices
    # (StringLookup with mask_token=None, num_oov_indices=0, output_mode='int'
    #  is a bijective string->int map, so we model its output directly)
    inputs = jax.random.randint(k_idx, (BATCH, NUM_FIELDS), 0, VOCAB_SIZE, dtype=jnp.int32)
    # one embedding table per categorical feature, stacked: [F, V, D]
    tables = jax.random.normal(k_tab, (NUM_FIELDS, VOCAB_SIZE, EMBED_DIM), dtype=jnp.float32) * 0.02
    return {"inputs": inputs, "tables": tables}


def reference(inputs, tables):
    # For each field f: encoded = lookup(inputs[:, f]) (identity on int ids),
    # then embedding gather table_f[encoded]; finally tf.stack(..., axis=1).
    gather = jax.vmap(lambda table, idx: jnp.take(table, idx, axis=0), in_axes=(0, 1), out_axes=1)
    cat_embeddings = gather(tables, inputs)  # [B, F, D]
    return cat_embeddings

if __name__ == "__main__":
    import jax
    _d = setup_inputs()
    print(jax.jit(kernel)(*tuple(_d.values())))

</pallas_src>

<mosaic_0001>
#map = affine_map<(d0, d1) -> (0, 0)>
#map1 = affine_map<(d0, d1) -> (0)>
#map2 = affine_map<(d0, d1) -> (0, 0, 0)>
module attributes {stable_mosaic.version = 14 : i64} {
  func.func @gather_kernel(%arg0: i32, %arg1: i32, %arg2: memref<2600000x32xf32, #tpu.memory_space<hbm>>, %arg3: memref<425984xi32, #tpu.memory_space<hbm>>, %arg4: memref<26x32x16384xf32, #tpu.memory_space<hbm>>, %arg5: memref<13312xi32, #tpu.memory_space<vmem>>, %arg6: memref<512x32xf32, #tpu.memory_space<vmem>>, %arg7: memref<512x32xf32, #tpu.memory_space<vmem>>, %arg8: memref<32x512xf32, #tpu.memory_space<vmem>>, %arg9: memref<32x512xf32, #tpu.memory_space<vmem>>, %arg10: memref<!tpu.dma_semaphore, #tpu.memory_space<semaphore_mem>>, %arg11: memref<!tpu.dma_semaphore, #tpu.memory_space<semaphore_mem>>, %arg12: memref<!tpu.dma_semaphore, #tpu.memory_space<semaphore_mem>>) attributes {dimension_semantics = [#tpu.dimension_semantics<core_parallel>, #tpu.dimension_semantics<subcore_parallel>], iteration_bounds = array<i64: 2, 16>, scalar_prefetch = 0 : i64, scratch_operands = 8 : i64, tpu.core_type = #tpu.core_type<sc_vector_subcore>, window_params = [{transform_indices = #map}, {transform_indices = #map1}, {transform_indices = #map2}]} {
    %mul3A = arith.constant 2 : i32
    %mul3A_0 = arith.muli %arg1, %mul3A : i32
    %add3A = arith.addi %mul3A_0, %arg0 : i32
    %mul3A_1 = arith.constant 13312 : i32
    %mul3A_2 = arith.muli %add3A, %mul3A_1 : i32
    "tpu.region"() ({
      %run_scoped3A = tpu.sem_alloc : memref<!tpu.dma_semaphore, #tpu.memory_space<semaphore_mem>>
      %dma_start3A = tpu.memref_slice %arg3[%mul3A_2] : memref<425984xi32, #tpu.memory_space<hbm>> -> memref<13312xi32, #tpu.memory_space<hbm>>
      %dma_start3A_424 = tpu.memref_slice %arg3[%mul3A_2] : memref<425984xi32, #tpu.memory_space<hbm>> -> memref<13312xi32, #tpu.memory_space<hbm>>
      tpu.enqueue_dma source(%dma_start3A_424 : memref<13312xi32, #tpu.memory_space<hbm>>) target(%arg5 : memref<13312xi32, #tpu.memory_space<vmem>>) target_semaphore(%run_scoped3A : memref<!tpu.dma_semaphore, #tpu.memory_space<semaphore_mem>>)
      %dma_wait3A_425 = tpu.memref_slice %arg3[%mul3A_2] : memref<425984xi32, #tpu.memory_space<hbm>> -> memref<13312xi32, #tpu.memory_space<hbm>>
      %dma_wait3A_426 = tpu.memref_slice %arg3[%mul3A_2] : memref<425984xi32, #tpu.memory_space<hbm>> -> memref<13312xi32, #tpu.memory_space<hbm>>
      tpu.wait_dma2 semaphore(%run_scoped3A : memref<!tpu.dma_semaphore, #tpu.memory_space<semaphore_mem>>) src(%dma_wait3A_426 : memref<13312xi32, #tpu.memory_space<hbm>>) dst(%arg5 : memref<13312xi32, #tpu.memory_space<vmem>>)
      tpu.yield
    }) : () -> ()
    %iota3A = tpu.iota {dimensions = array<i32: 0>} : vector<16xi32>
    %scan3A = arith.constant 0 : i32
    %scan3A_3 = arith.constant 0 : i32
    %scan3A_4 = arith.constant 832 : i32
    %scan3A_5 = arith.addi %scan3A_3, %scan3A_4 : i32
    %scan3A_6 = arith.constant 1 : i32
    scf.for %scan3A_424 = %scan3A_3 to %scan3A_5 step %scan3A_6  : i32 {
      %mul3A_425 = arith.constant 16 : i32
      %mul3A_426 = arith.muli %scan3A_424, %mul3A_425 : i32
      %add3A_427 = arith.addi %mul3A_2, %mul3A_426 : i32
      %add3A_428 = vector.broadcast %add3A_427 : i32 to vector<16xi32>
      %add3A_429 = arith.addi %add3A_428, %iota3A : vector<16xi32>
      %get3A = arith.index_cast %mul3A_426 : i32 to index
      %get3A_430 = tpu.vector_load %arg5[%get3A] {strides = array<i32>} : memref<13312xi32, #tpu.memory_space<vmem>>, vector<16xi32>,
      %shift_right_logical3A = arith.constant 14 : i32
      %shift_right_logical3A_431 = vector.broadcast %shift_right_logical3A : i32 to vector<16xi32>
      %shift_right_logical3A_432 = arith.shrui %add3A_429, %shift_right_logical3A_431 : vector<16xi32>
      %mul3A_433 = arith.constant 100000 : i32
      %mul3A_434 = vector.broadcast %mul3A_433 : i32 to vector<16xi32>
      %mul3A_435 = arith.muli %shift_right_logical3A_432, %mul3A_434 : vector<16xi32>
      %add3A_436 = arith.addi %get3A_430, %mul3A_435 : vector<16xi32>
      %swap3A = arith.index_cast %mul3A_426 : i32 to index
      %swap3A_437 = tpu.vector_load %arg5[%swap3A] {strides = array<i32>} : memref<13312xi32, #tpu.memory_space<vmem>>, vector<16xi32>,
      tpu.vector_store %arg5[%swap3A], %add3A_436 {strides = array<i32>} : memref<13312xi32, #tpu.memory_space<vmem>>, vector<16xi32>,
    }
    %scan3A_7 = arith.constant 832 : i32
    %add3A_8 = arith.constant 0 : i32
    %add3A_9 = vector.broadcast %add3A_8 : i32 to vector<16xi32>
    %add3A_10 = arith.addi %iota3A, %add3A_9 : vector<16xi32>
    %jit3A = arith.constant 16 : i32
    %eq3A = arith.constant 0 : i32
    %eq3A_11 = arith.cmpi eq, %jit3A, %eq3A : i32
    %jit3A_12 = arith.constant 1 : i32
    %select_n3A = arith.select %eq3A_11, %jit3A_12, %jit3A : i32
    %rem3A = vector.broadcast %select_n3A : i32 to vector<16xi32>
    %rem3A_13 = arith.remsi %add3A_10, %rem3A : vector<16xi32>
    %ne3A = arith.constant 0 : i32
    %ne3A_14 = vector.broadcast %ne3A : i32 to vector<16xi32>
    %ne3A_15 = arith.cmpi ne, %rem3A_13, %ne3A_14 : vector<16xi32>
    %lt3A = arith.constant 0 : i32
    %lt3A_16 = vector.broadcast %lt3A : i32 to vector<16xi32>
    %lt3A_17 = arith.cmpi slt, %rem3A_13, %lt3A_16 : vector<16xi32>
    %lt3A_18 = arith.constant 0 : i32
    %lt3A_19 = arith.cmpi slt, %select_n3A, %lt3A_18 : i32
    %ne3A_20 = vector.broadcast %lt3A_19 : i1 to vector<16xi1>
    %ne3A_21 = vector.broadcast %ne3A_20 : vector<16xi1> to vector<16xi1>
    %ne3A_22 = arith.xori %lt3A_17, %ne3A_21 : vector<16xi1>
    %and3A = arith.andi %ne3A_22, %ne3A_15 : vector<16xi1>
    %add3A_23 = vector.broadcast %select_n3A : i32 to vector<16xi32>
    %add3A_24 = arith.addi %rem3A_13, %add3A_23 : vector<16xi32>
    %select_n3A_25 = arith.select %and3A, %add3A_24, %rem3A_13 : vector<16xi1>, vector<16xi32>
    %add3A_26 = arith.constant 1 : i32
    %add3A_27 = vector.broadcast %add3A_26 : i32 to vector<16xi32>
    %add3A_28 = arith.addi %iota3A, %add3A_27 : vector<16xi32>
    %jit3A_29 = arith.constant 16 : i32
    %eq3A_30 = arith.constant 0 : i32
    %eq3A_31 = arith.cmpi eq, %jit3A_29, %eq3A_30 : i32
    %jit3A_32 = arith.constant 1 : i32
    %select_n3A_33 = arith.select %eq3A_31, %jit3A_32, %jit3A_29 : i32
    %rem3A_34 = vector.broadcast %select_n3A_33 : i32 to vector<16xi32>
    %rem3A_35 = arith.remsi %add3A_28, %rem3A_34 : vector<16xi32>
    %ne3A_36 = arith.constant 0 : i32
    %ne3A_37 = vector.broadcast %ne3A_36 : i32 to vector<16xi32>
    %ne3A_38 = arith.cmpi ne, %rem3A_35, %ne3A_37 : vector<16xi32>
    %lt3A_39 = arith.constant 0 : i32
    %lt3A_40 = vector.broadcast %lt3A_39 : i32 to vector<16xi32>
    %lt3A_41 = arith.cmpi slt, %rem3A_35, %lt3A_40 : vector<16xi32>
    %lt3A_42 = arith.constant 0 : i32
    %lt3A_43 = arith.cmpi slt, %select_n3A_33, %lt3A_42 : i32
    %ne3A_44 = vector.broadcast %lt3A_43 : i1 to vector<16xi1>
    %ne3A_45 = vector.broadcast %ne3A_44 : vector<16xi1> to vector<16xi1>
    %ne3A_46 = arith.xori %lt3A_41, %ne3A_45 : vector<16xi1>
    %and3A_47 = arith.andi %ne3A_46, %ne3A_38 : vector<16xi1>
    %add3A_48 = vector.broadcast %select_n3A_33 : i32 to vector<16xi32>
    %add3A_49 = arith.addi %rem3A_35, %add3A_48 : vector<16xi32>
    %select_n3A_50 = arith.select %and3A_47, %add3A_49, %rem3A_35 : vector<16xi1>, vector<16xi32>
    %add3A_51 = arith.constant 2 : i32
    %add3A_52 = vector.broadcast %add3A_51 : i32 to vector<16xi32>
    %add3A_53 = arith.addi %iota3A, %add3A_52 : vector<16xi32>
    %jit3A_54 = arith.constant 16 : i32
    %eq3A_55 = arith.constant 0 : i32
    %eq3A_56 = arith.cmpi eq, %jit3A_54, %eq3A_55 : i32
    %jit3A_57 = arith.constant 1 : i32
    %select_n3A_58 = arith.select %eq3A_56, %jit3A_57, %jit3A_54 : i32
    %rem3A_59 = vector.broadcast %select_n3A_58 : i32 to vector<16xi32>
    %rem3A_60 = arith.remsi %add3A_53, %rem3A_59 : vector<16xi32>
    %ne3A_61 = arith.constant 0 : i32
    %ne3A_62 = vector.broadcast %ne3A_61 : i32 to vector<16xi32>
    %ne3A_63 = arith.cmpi ne, %rem3A_60, %ne3A_62 : vector<16xi32>
    %lt3A_64 = arith.constant 0 : i32
    %lt3A_65 = vector.broadcast %lt3A_64 : i32 to vector<16xi32>
    %lt3A_66 = arith.cmpi slt, %rem3A_60, %lt3A_65 : vector<16xi32>
    %lt3A_67 = arith.constant 0 : i32
    %lt3A_68 = arith.cmpi slt, %select_n3A_58, %lt3A_67 : i32
    %ne3A_69 = vector.broadcast %lt3A_68 : i1 to vector<16xi1>
    %ne3A_70 = vector.broadcast %ne3A_69 : vector<16xi1> to vector<16xi1>
    %ne3A_71 = arith.xori %lt3A_66, %ne3A_70 : vector<16xi1>
    %and3A_72 = arith.andi %ne3A_71, %ne3A_63 : vector<16xi1>
    %add3A_73 = vector.broadcast %select_n3A_58 : i32 to vector<16xi32>
    %add3A_74 = arith.addi %rem3A_60, %add3A_73 : vector<16xi32>
    %select_n3A_75 = arith.select %and3A_72, %add3A_74, %rem3A_60 : vector<16xi1>, vector<16xi32>
    %add3A_76 = arith.constant 3 : i32
    %add3A_77 = vector.broadcast %add3A_76 : i32 to vector<16xi32>
    %add3A_78 = arith.addi %iota3A, %add3A_77 : vector<16xi32>
    %jit3A_79 = arith.constant 16 : i32
    %eq3A_80 = arith.constant 0 : i32
    %eq3A_81 = arith.cmpi eq, %jit3A_79, %eq3A_80 : i32
    %jit3A_82 = arith.constant 1 : i32
    %select_n3A_83 = arith.select %eq3A_81, %jit3A_82, %jit3A_79 : i32
    %rem3A_84 = vector.broadcast %select_n3A_83 : i32 to vector<16xi32>
    %rem3A_85 = arith.remsi %add3A_78, %rem3A_84 : vector<16xi32>
    %ne3A_86 = arith.constant 0 : i32
    %ne3A_87 = vector.broadcast %ne3A_86 : i32 to vector<16xi32>
    %ne3A_88 = arith.cmpi ne, %rem3A_85, %ne3A_87 : vector<16xi32>
    %lt3A_89 = arith.constant 0 : i32
    %lt3A_90 = vector.broadcast %lt3A_89 : i32 to vector<16xi32>
    %lt3A_91 = arith.cmpi slt, %rem3A_85, %lt3A_90 : vector<16xi32>
    %lt3A_92 = arith.constant 0 : i32
    %lt3A_93 = arith.cmpi slt, %select_n3A_83, %lt3A_92 : i32
    %ne3A_94 = vector.broadcast %lt3A_93 : i1 to vector<16xi1>
    %ne3A_95 = vector.broadcast %ne3A_94 : vector<16xi1> to vector<16xi1>
    %ne3A_96 = arith.xori %lt3A_91, %ne3A_95 : vector<16xi1>
    %and3A_97 = arith.andi %ne3A_96, %ne3A_88 : vector<16xi1>
    %add3A_98 = vector.broadcast %select_n3A_83 : i32 to vector<16xi32>
    %add3A_99 = arith.addi %rem3A_85, %add3A_98 : vector<16xi32>
    %select_n3A_100 = arith.select %and3A_97, %add3A_99, %rem3A_85 : vector<16xi1>, vector<16xi32>
    %add3A_101 = arith.constant 4 : i32
    %add3A_102 = vector.broadcast %add3A_101 : i32 to vector<16xi32>
    %add3A_103 = arith.addi %iota3A, %add3A_102 : vector<16xi32>
    %jit3A_104 = arith.constant 16 : i32
    %eq3A_105 = arith.constant 0 : i32
    %eq3A_106 = arith.cmpi eq, %jit3A_104, %eq3A_105 : i32
    %jit3A_107 = arith.constant 1 : i32
    %select_n3A_108 = arith.select %eq3A_106, %jit3A_107, %jit3A_104 : i32
    %rem3A_109 = vector.broadcast %select_n3A_108 : i32 to vector<16xi32>
    %rem3A_110 = arith.remsi %add3A_103, %rem3A_109 : vector<16xi32>
    %ne3A_111 = arith.constant 0 : i32
    %ne3A_112 = vector.broadcast %ne3A_111 : i32 to vector<16xi32>
    %ne3A_113 = arith.cmpi ne, %rem3A_110, %ne3A_112 : vector<16xi32>
    %lt3A_114 = arith.constant 0 : i32
    %lt3A_115 = vector.broadcast %lt3A_114 : i32 to vector<16xi32>
    %lt3A_116 = arith.cmpi slt, %rem3A_110, %lt3A_115 : vector<16xi32>
    %lt3A_117 = arith.constant 0 : i32
    %lt3A_118 = arith.cmpi slt, %select_n3A_108, %lt3A_117 : i32
    %ne3A_119 = vector.broadcast %lt3A_118 : i1 to vector<16xi1>
    %ne3A_120 = vector.broadcast %ne3A_119 : vector<16xi1> to vector<16xi1>
    %ne3A_121 = arith.xori %lt3A_116, %ne3A_120 : vector<16xi1>
    %and3A_122 = arith.andi %ne3A_121, %ne3A_113 : vector<16xi1>
    %add3A_123 = vector.broadcast %select_n3A_108 : i32 to vector<16xi32>
    %add3A_124 = arith.addi %rem3A_110, %add3A_123 : vector<16xi32>
    %select_n3A_125 = arith.select %and3A_122, %add3A_124, %rem3A_110 : vector<16xi1>, vector<16xi32>
    %add3A_126 = arith.constant 5 : i32
    %add3A_127 = vector.broadcast %add3A_126 : i32 to vector<16xi32>
    %add3A_128 = arith.addi %iota3A, %add3A_127 : vector<16xi32>
    %jit3A_129 = arith.constant 16 : i32
    %eq3A_130 = arith.constant 0 : i32
    %eq3A_131 = arith.cmpi eq, %jit3A_129, %eq3A_130 : i32
    %jit3A_132 = arith.constant 1 : i32
    %select_n3A_133 = arith.select %eq3A_131, %jit3A_132, %jit3A_129 : i32
    %rem3A_134 = vector.broadcast %select_n3A_133 : i32 to vector<16xi32>
    %rem3A_135 = arith.remsi %add3A_128, %rem3A_134 : vector<16xi32>
    %ne3A_136 = arith.constant 0 : i32
    %ne3A_137 = vector.broadcast %ne3A_136 : i32 to vector<16xi32>
    %ne3A_138 = arith.cmpi ne, %rem3A_135, %ne3A_137 : vector<16xi32>
    %lt3A_139 = arith.constant 0 : i32
    %lt3A_140 = vector.broadcast %lt3A_139 : i32 to vector<16xi32>
    %lt3A_141 = arith.cmpi slt, %rem3A_135, %lt3A_140 : vector<16xi32>
    %lt3A_142 = arith.constant 0 : i32
    %lt3A_143 = arith.cmpi slt, %select_n3A_133, %lt3A_142 : i32
    %ne3A_144 = vector.broadcast %lt3A_143 : i1 to vector<16xi1>
    %ne3A_145 = vector.broadcast %ne3A_144 : vector<16xi1> to vector<16xi1>
    %ne3A_146 = arith.xori %lt3A_141, %ne3A_145 : vector<16xi1>
    %and3A_147 = arith.andi %ne3A_146, %ne3A_138 : vector<16xi1>
    %add3A_148 = vector.broadcast %select_n3A_133 : i32 to vector<16xi32>
    %add3A_149 = arith.addi %rem3A_135, %add3A_148 : vector<16xi32>
    %select_n3A_150 = arith.select %and3A_147, %add3A_149, %rem3A_135 : vector<16xi1>, vector<16xi32>
    %add3A_151 = arith.constant 6 : i32
    %add3A_152 = vector.broadcast %add3A_151 : i32 to vector<16xi32>
    %add3A_153 = arith.addi %iota3A, %add3A_152 : vector<16xi32>
    %jit3A_154 = arith.constant 16 : i32
    %eq3A_155 = arith.constant 0 : i32
    %eq3A_156 = arith.cmpi eq, %jit3A_154, %eq3A_155 : i32
    %jit3A_157 = arith.constant 1 : i32
    %select_n3A_158 = arith.select %eq3A_156, %jit3A_157, %jit3A_154 : i32
    %rem3A_159 = vector.broadcast %select_n3A_158 : i32 to vector<16xi32>
    %rem3A_160 = arith.remsi %add3A_153, %rem3A_159 : vector<16xi32>
    %ne3A_161 = arith.constant 0 : i32
    %ne3A_162 = vector.broadcast %ne3A_161 : i32 to vector<16xi32>
    %ne3A_163 = arith.cmpi ne, %rem3A_160, %ne3A_162 : vector<16xi32>
    %lt3A_164 = arith.constant 0 : i32
    %lt3A_165 = vector.broadcast %lt3A_164 : i32 to vector<16xi32>
    %lt3A_166 = arith.cmpi slt, %rem3A_160, %lt3A_165 : vector<16xi32>
    %lt3A_167 = arith.constant 0 : i32
    %lt3A_168 = arith.cmpi slt, %select_n3A_158, %lt3A_167 : i32
    %ne3A_169 = vector.broadcast %lt3A_168 : i1 to vector<16xi1>
    %ne3A_170 = vector.broadcast %ne3A_169 : vector<16xi1> to vector<16xi1>
    %ne3A_171 = arith.xori %lt3A_166, %ne3A_170 : vector<16xi1>
    %and3A_172 = arith.andi %ne3A_171, %ne3A_163 : vector<16xi1>
    %add3A_173 = vector.broadcast %select_n3A_158 : i32 to vector<16xi32>
    %add3A_174 = arith.addi %rem3A_160, %add3A_173 : vector<16xi32>
    %select_n3A_175 = arith.select %and3A_172, %add3A_174, %rem3A_160 : vector<16xi1>, vector<16xi32>
    %add3A_176 = arith.constant 7 : i32
    %add3A_177 = vector.broadcast %add3A_176 : i32 to vector<16xi32>
    %add3A_178 = arith.addi %iota3A, %add3A_177 : vector<16xi32>
    %jit3A_179 = arith.constant 16 : i32
    %eq3A_180 = arith.constant 0 : i32
    %eq3A_181 = arith.cmpi eq, %jit3A_179, %eq3A_180 : i32
    %jit3A_182 = arith.constant 1 : i32
    %select_n3A_183 = arith.select %eq3A_181, %jit3A_182, %jit3A_179 : i32
    %rem3A_184 = vector.broadcast %select_n3A_183 : i32 to vector<16xi32>
    %rem3A_185 = arith.remsi %add3A_178, %rem3A_184 : vector<16xi32>
    %ne3A_186 = arith.constant 0 : i32
    %ne3A_187 = vector.broadcast %ne3A_186 : i32 to vector<16xi32>
    %ne3A_188 = arith.cmpi ne, %rem3A_185, %ne3A_187 : vector<16xi32>
    %lt3A_189 = arith.constant 0 : i32
    %lt3A_190 = vector.broadcast %lt3A_189 : i32 to vector<16xi32>
    %lt3A_191 = arith.cmpi slt, %rem3A_185, %lt3A_190 : vector<16xi32>
    %lt3A_192 = arith.constant 0 : i32
    %lt3A_193 = arith.cmpi slt, %select_n3A_183, %lt3A_192 : i32
    %ne3A_194 = vector.broadcast %lt3A_193 : i1 to vector<16xi1>
    %ne3A_195 = vector.broadcast %ne3A_194 : vector<16xi1> to vector<16xi1>
    %ne3A_196 = arith.xori %lt3A_191, %ne3A_195 : vector<16xi1>
    %and3A_197 = arith.andi %ne3A_196, %ne3A_188 : vector<16xi1>
    %add3A_198 = vector.broadcast %select_n3A_183 : i32 to vector<16xi32>
    %add3A_199 = arith.addi %rem3A_185, %add3A_198 : vector<16xi32>
    %select_n3A_200 = arith.select %and3A_197, %add3A_199, %rem3A_185 : vector<16xi1>, vector<16xi32>
    %add3A_201 = arith.constant 8 : i32
    %add3A_202 = vector.broadcast %add3A_201 : i32 to vector<16xi32>
    %add3A_203 = arith.addi %iota3A, %add3A_202 : vector<16xi32>
    %jit3A_204 = arith.constant 16 : i32
    %eq3A_205 = arith.constant 0 : i32
    %eq3A_206 = arith.cmpi eq, %jit3A_204, %eq3A_205 : i32
    %jit3A_207 = arith.constant 1 : i32
    %select_n3A_208 = arith.select %eq3A_206, %jit3A_207, %jit3A_204 : i32
    %rem3A_209 = vector.broadcast %select_n3A_208 : i32 to vector<16xi32>
    %rem3A_210 = arith.remsi %add3A_203, %rem3A_209 : vector<16xi32>
    %ne3A_211 = arith.constant 0 : i32
    %ne3A_212 = vector.broadcast %ne3A_211 : i32 to vector<16xi32>
    %ne3A_213 = arith.cmpi ne, %rem3A_210, %ne3A_212 : vector<16xi32>
    %lt3A_214 = arith.constant 0 : i32
    %lt3A_215 = vector.broadcast %lt3A_214 : i32 to vector<16xi32>
    %lt3A_216 = arith.cmpi slt, %rem3A_210, %lt3A_215 : vector<16xi32>
    %lt3A_217 = arith.constant 0 : i32
    %lt3A_218 = arith.cmpi slt, %select_n3A_208, %lt3A_217 : i32
    %ne3A_219 = vector.broadcast %lt3A_218 : i1 to vector<16xi1>
    %ne3A_220 = vector.broadcast %ne3A_219 : vector<16xi1> to vector<16xi1>
    %ne3A_221 = arith.xori %lt3A_216, %ne3A_220 : vector<16xi1>
    %and3A_222 = arith.andi %ne3A_221, %ne3A_213 : vector<16xi1>
    %add3A_223 = vector.broadcast %select_n3A_208 : i32 to vector<16xi32>
    %add3A_224 = arith.addi %rem3A_210, %add3A_223 : vector<16xi32>
    %select_n3A_225 = arith.select %and3A_222, %add3A_224, %rem3A_210 : vector<16xi1>, vector<16xi32>
    %add3A_226 = arith.constant 9 : i32
    %add3A_227 = vector.broadcast %add3A_226 : i32 to vector<16xi32>
    %add3A_228 = arith.addi %iota3A, %add3A_227 : vector<16xi32>
    %jit3A_229 = arith.constant 16 : i32
    %eq3A_230 = arith.constant 0 : i32
    %eq3A_231 = arith.cmpi eq, %jit3A_229, %eq3A_230 : i32
    %jit3A_232 = arith.constant 1 : i32
    %select_n3A_233 = arith.select %eq3A_231, %jit3A_232, %jit3A_229 : i32
    %rem3A_234 = vector.broadcast %select_n3A_233 : i32 to vector<16xi32>
    %rem3A_235 = arith.remsi %add3A_228, %rem3A_234 : vector<16xi32>
    %ne3A_236 = arith.constant 0 : i32
    %ne3A_237 = vector.broadcast %ne3A_236 : i32 to vector<16xi32>
    %ne3A_238 = arith.cmpi ne, %rem3A_235, %ne3A_237 : vector<16xi32>
    %lt3A_239 = arith.constant 0 : i32
    %lt3A_240 = vector.broadcast %lt3A_239 : i32 to vector<16xi32>
    %lt3A_241 = arith.cmpi slt, %rem3A_235, %lt3A_240 : vector<16xi32>
    %lt3A_242 = arith.constant 0 : i32
    %lt3A_243 = arith.cmpi slt, %select_n3A_233, %lt3A_242 : i32
    %ne3A_244 = vector.broadcast %lt3A_243 : i1 to vector<16xi1>
    %ne3A_245 = vector.broadcast %ne3A_244 : vector<16xi1> to vector<16xi1>
    %ne3A_246 = arith.xori %lt3A_241, %ne3A_245 : vector<16xi1>
    %and3A_247 = arith.andi %ne3A_246, %ne3A_238 : vector<16xi1>
    %add3A_248 = vector.broadcast %select_n3A_233 : i32 to vector<16xi32>
    %add3A_249 = arith.addi %rem3A_235, %add3A_248 : vector<16xi32>
    %select_n3A_250 = arith.select %and3A_247, %add3A_249, %rem3A_235 : vector<16xi1>, vector<16xi32>
    %add3A_251 = arith.constant 10 : i32
    %add3A_252 = vector.broadcast %add3A_251 : i32 to vector<16xi32>
    %add3A_253 = arith.addi %iota3A, %add3A_252 : vector<16xi32>
    %jit3A_254 = arith.constant 16 : i32
    %eq3A_255 = arith.constant 0 : i32
    %eq3A_256 = arith.cmpi eq, %jit3A_254, %eq3A_255 : i32
    %jit3A_257 = arith.constant 1 : i32
    %select_n3A_258 = arith.select %eq3A_256, %jit3A_257, %jit3A_254 : i32
    %rem3A_259 = vector.broadcast %select_n3A_258 : i32 to vector<16xi32>
    %rem3A_260 = arith.remsi %add3A_253, %rem3A_259 : vector<16xi32>
    %ne3A_261 = arith.constant 0 : i32
    %ne3A_262 = vector.broadcast %ne3A_261 : i32 to vector<16xi32>
    %ne3A_263 = arith.cmpi ne, %rem3A_260, %ne3A_262 : vector<16xi32>
    %lt3A_264 = arith.constant 0 : i32
    %lt3A_265 = vector.broadcast %lt3A_264 : i32 to vector<16xi32>
    %lt3A_266 = arith.cmpi slt, %rem3A_260, %lt3A_265 : vector<16xi32>
    %lt3A_267 = arith.constant 0 : i32
    %lt3A_268 = arith.cmpi slt, %select_n3A_258, %lt3A_267 : i32
    %ne3A_269 = vector.broadcast %lt3A_268 : i1 to vector<16xi1>
    %ne3A_270 = vector.broadcast %ne3A_269 : vector<16xi1> to vector<16xi1>
    %ne3A_271 = arith.xori %lt3A_266, %ne3A_270 : vector<16xi1>
    %and3A_272 = arith.andi %ne3A_271, %ne3A_263 : vector<16xi1>
    %add3A_273 = vector.broadcast %select_n3A_258 : i32 to vector<16xi32>
    %add3A_274 = arith.addi %rem3A_260, %add3A_273 : vector<16xi32>
    %select_n3A_275 = arith.select %and3A_272, %add3A_274, %rem3A_260 : vector<16xi1>, vector<16xi32>
    %add3A_276 = arith.constant 11 : i32
    %add3A_277 = vector.broadcast %add3A_276 : i32 to vector<16xi32>
    %add3A_278 = arith.addi %iota3A, %add3A_277 : vector<16xi32>
    %jit3A_279 = arith.constant 16 : i32
    %eq3A_280 = arith.constant 0 : i32
    %eq3A_281 = arith.cmpi eq, %jit3A_279, %eq3A_280 : i32
    %jit3A_282 = arith.constant 1 : i32
    %select_n3A_283 = arith.select %eq3A_281, %jit3A_282, %jit3A_279 : i32
    %rem3A_284 = vector.broadcast %select_n3A_283 : i32 to vector<16xi32>
    %rem3A_285 = arith.remsi %add3A_278, %rem3A_284 : vector<16xi32>
    %ne3A_286 = arith.constant 0 : i32
    %ne3A_287 = vector.broadcast %ne3A_286 : i32 to vector<16xi32>
    %ne3A_288 = arith.cmpi ne, %rem3A_285, %ne3A_287 : vector<16xi32>
    %lt3A_289 = arith.constant 0 : i32
    %lt3A_290 = vector.broadcast %lt3A_289 : i32 to vector<16xi32>
    %lt3A_291 = arith.cmpi slt, %rem3A_285, %lt3A_290 : vector<16xi32>
    %lt3A_292 = arith.constant 0 : i32
    %lt3A_293 = arith.cmpi slt, %select_n3A_283, %lt3A_292 : i32
    %ne3A_294 = vector.broadcast %lt3A_293 : i1 to vector<16xi1>
    %ne3A_295 = vector.broadcast %ne3A_294 : vector<16xi1> to vector<16xi1>
    %ne3A_296 = arith.xori %lt3A_291, %ne3A_295 : vector<16xi1>
    %and3A_297 = arith.andi %ne3A_296, %ne3A_288 : vector<16xi1>
    %add3A_298 = vector.broadcast %select_n3A_283 : i32 to vector<16xi32>
    %add3A_299 = arith.addi %rem3A_285, %add3A_298 : vector<16xi32>
    %select_n3A_300 = arith.select %and3A_297, %add3A_299, %rem3A_285 : vector<16xi1>, vector<16xi32>
    %add3A_301 = arith.constant 12 : i32
    %add3A_302 = vector.broadcast %add3A_301 : i32 to vector<16xi32>
    %add3A_303 = arith.addi %iota3A, %add3A_302 : vector<16xi32>
    %jit3A_304 = arith.constant 16 : i32
    %eq3A_305 = arith.constant 0 : i32
    %eq3A_306 = arith.cmpi eq, %jit3A_304, %eq3A_305 : i32
    %jit3A_307 = arith.constant 1 : i32
    %select_n3A_308 = arith.select %eq3A_306, %jit3A_307, %jit3A_304 : i32
    %rem3A_309 = vector.broadcast %select_n3A_308 : i32 to vector<16xi32>
    %rem3A_310 = arith.remsi %add3A_303, %rem3A_309 : vector<16xi32>
    %ne3A_311 = arith.constant 0 : i32
    %ne3A_312 = vector.broadcast %ne3A_311 : i32 to vector<16xi32>
    %ne3A_313 = arith.cmpi ne, %rem3A_310, %ne3A_312 : vector<16xi32>
    %lt3A_314 = arith.constant 0 : i32
    %lt3A_315 = vector.broadcast %lt3A_314 : i32 to vector<16xi32>
    %lt3A_316 = arith.cmpi slt, %rem3A_310, %lt3A_315 : vector<16xi32>
    %lt3A_317 = arith.constant 0 : i32
    %lt3A_318 = arith.cmpi slt, %select_n3A_308, %lt3A_317 : i32
    %ne3A_319 = vector.broadcast %lt3A_318 : i1 to vector<16xi1>
    %ne3A_320 = vector.broadcast %ne3A_319 : vector<16xi1> to vector<16xi1>
    %ne3A_321 = arith.xori %lt3A_316, %ne3A_320 : vector<16xi1>
    %and3A_322 = arith.andi %ne3A_321, %ne3A_313 : vector<16xi1>
    %add3A_323 = vector.broadcast %select_n3A_308 : i32 to vector<16xi32>
    %add3A_324 = arith.addi %rem3A_310, %add3A_323 : vector<16xi32>
    %select_n3A_325 = arith.select %and3A_322, %add3A_324, %rem3A_310 : vector<16xi1>, vector<16xi32>
    %add3A_326 = arith.constant 13 : i32
    %add3A_327 = vector.broadcast %add3A_326 : i32 to vector<16xi32>
    %add3A_328 = arith.addi %iota3A, %add3A_327 : vector<16xi32>
    %jit3A_329 = arith.constant 16 : i32
    %eq3A_330 = arith.constant 0 : i32
    %eq3A_331 = arith.cmpi eq, %jit3A_329, %eq3A_330 : i32
    %jit3A_332 = arith.constant 1 : i32
    %select_n3A_333 = arith.select %eq3A_331, %jit3A_332, %jit3A_329 : i32
    %rem3A_334 = vector.broadcast %select_n3A_333 : i32 to vector<16xi32>
    %rem3A_335 = arith.remsi %add3A_328, %rem3A_334 : vector<16xi32>
    %ne3A_336 = arith.constant 0 : i32
    %ne3A_337 = vector.broadcast %ne3A_336 : i32 to vector<16xi32>
    %ne3A_338 = arith.cmpi ne, %rem3A_335, %ne3A_337 : vector<16xi32>
    %lt3A_339 = arith.constant 0 : i32
    %lt3A_340 = vector.broadcast %lt3A_339 : i32 to vector<16xi32>
    %lt3A_341 = arith.cmpi slt, %rem3A_335, %lt3A_340 : vector<16xi32>
    %lt3A_342 = arith.constant 0 : i32
    %lt3A_343 = arith.cmpi slt, %select_n3A_333, %lt3A_342 : i32
    %ne3A_344 = vector.broadcast %lt3A_343 : i1 to vector<16xi1>
    %ne3A_345 = vector.broadcast %ne3A_344 : vector<16xi1> to vector<16xi1>
    %ne3A_346 = arith.xori %lt3A_341, %ne3A_345 : vector<16xi1>
    %and3A_347 = arith.andi %ne3A_346, %ne3A_338 : vector<16xi1>
    %add3A_348 = vector.broadcast %select_n3A_333 : i32 to vector<16xi32>
    %add3A_349 = arith.addi %rem3A_335, %add3A_348 : vector<16xi32>
    %select_n3A_350 = arith.select %and3A_347, %add3A_349, %rem3A_335 : vector<16xi1>, vector<16xi32>
    %add3A_351 = arith.constant 14 : i32
    %add3A_352 = vector.broadcast %add3A_351 : i32 to vector<16xi32>
    %add3A_353 = arith.addi %iota3A, %add3A_352 : vector<16xi32>
    %jit3A_354 = arith.constant 16 : i32
    %eq3A_355 = arith.constant 0 : i32
    %eq3A_356 = arith.cmpi eq, %jit3A_354, %eq3A_355 : i32
    %jit3A_357 = arith.constant 1 : i32
    %select_n3A_358 = arith.select %eq3A_356, %jit3A_357, %jit3A_354 : i32
    %rem3A_359 = vector.broadcast %select_n3A_358 : i32 to vector<16xi32>
    %rem3A_360 = arith.remsi %add3A_353, %rem3A_359 : vector<16xi32>
    %ne3A_361 = arith.constant 0 : i32
    %ne3A_362 = vector.broadcast %ne3A_361 : i32 to vector<16xi32>
    %ne3A_363 = arith.cmpi ne, %rem3A_360, %ne3A_362 : vector<16xi32>
    %lt3A_364 = arith.constant 0 : i32
    %lt3A_365 = vector.broadcast %lt3A_364 : i32 to vector<16xi32>
    %lt3A_366 = arith.cmpi slt, %rem3A_360, %lt3A_365 : vector<16xi32>
    %lt3A_367 = arith.constant 0 : i32
    %lt3A_368 = arith.cmpi slt, %select_n3A_358, %lt3A_367 : i32
    %ne3A_369 = vector.broadcast %lt3A_368 : i1 to vector<16xi1>
    %ne3A_370 = vector.broadcast %ne3A_369 : vector<16xi1> to vector<16xi1>
    %ne3A_371 = arith.xori %lt3A_366, %ne3A_370 : vector<16xi1>
    %and3A_372 = arith.andi %ne3A_371, %ne3A_363 : vector<16xi1>
    %add3A_373 = vector.broadcast %select_n3A_358 : i32 to vector<16xi32>
    %add3A_374 = arith.addi %rem3A_360, %add3A_373 : vector<16xi32>
    %select_n3A_375 = arith.select %and3A_372, %add3A_374, %rem3A_360 : vector<16xi1>, vector<16xi32>
    %add3A_376 = arith.constant 15 : i32
    %add3A_377 = vector.broadcast %add3A_376 : i32 to vector<16xi32>
    %add3A_378 = arith.addi %iota3A, %add3A_377 : vector<16xi32>
    %jit3A_379 = arith.constant 16 : i32
    %eq3A_380 = arith.constant 0 : i32
    %eq3A_381 = arith.cmpi eq, %jit3A_379, %eq3A_380 : i32
    %jit3A_382 = arith.constant 1 : i32
    %select_n3A_383 = arith.select %eq3A_381, %jit3A_382, %jit3A_379 : i32
    %rem3A_384 = vector.broadcast %select_n3A_383 : i32 to vector<16xi32>
    %rem3A_385 = arith.remsi %add3A_378, %rem3A_384 : vector<16xi32>
    %ne3A_386 = arith.constant 0 : i32
    %ne3A_387 = vector.broadcast %ne3A_386 : i32 to vector<16xi32>
    %ne3A_388 = arith.cmpi ne, %rem3A_385, %ne3A_387 : vector<16xi32>
    %lt3A_389 = arith.constant 0 : i32
    %lt3A_390 = vector.broadcast %lt3A_389 : i32 to vector<16xi32>
    %lt3A_391 = arith.cmpi slt, %rem3A_385, %lt3A_390 : vector<16xi32>
    %lt3A_392 = arith.constant 0 : i32
    %lt3A_393 = arith.cmpi slt, %select_n3A_383, %lt3A_392 : i32
    %ne3A_394 = vector.broadcast %lt3A_393 : i1 to vector<16xi1>
    %ne3A_395 = vector.broadcast %ne3A_394 : vector<16xi1> to vector<16xi1>
    %ne3A_396 = arith.xori %lt3A_391, %ne3A_395 : vector<16xi1>
    %and3A_397 = arith.andi %ne3A_396, %ne3A_388 : vector<16xi1>
    %add3A_398 = vector.broadcast %select_n3A_383 : i32 to vector<16xi32>
    %add3A_399 = arith.addi %rem3A_385, %add3A_398 : vector<16xi32>
    %select_n3A_400 = arith.select %and3A_397, %add3A_399, %rem3A_385 : vector<16xi1>, vector<16xi32>
    %scan3A_401 = arith.constant 0 : i32
    %scan3A_402 = arith.constant 0 : i32
    %scan3A_403 = arith.constant 13 : i32
    %scan3A_404 = arith.addi %scan3A_402, %scan3A_403 : i32
    %scan3A_405 = arith.constant 1 : i32
    scf.for %scan3A_424 = %scan3A_402 to %scan3A_404 step %scan3A_405  : i32 {
      %mul3A_425 = arith.constant 2 : i32
      %mul3A_426 = arith.muli %mul3A_425, %scan3A_424 : i32
      %mul3A_427 = arith.constant 512 : i32
      %mul3A_428 = arith.muli %mul3A_426, %mul3A_427 : i32
      %add3A_429 = arith.addi %mul3A_2, %mul3A_428 : i32
      %jit3A_430 = arith.constant 16384 : i32
      %div3A = arith.divsi %add3A_429, %jit3A_430 : i32
      %sign3A = arith.constant 0 : i32
      %sign3A_431 = arith.cmpi sgt, %add3A_429, %sign3A : i32
      %sign3A_432 = arith.extui %sign3A_431 : i1 to i32
      %sign3A_433 = arith.constant 0 : i32
      %sign3A_434 = arith.cmpi slt, %add3A_429, %sign3A_433 : i32
      %sign3A_435 = arith.extui %sign3A_434 : i1 to i32
      %sign3A_436 = arith.subi %sign3A_432, %sign3A_435 : i32
      %sign3A_437 = arith.constant 0 : i32
      %sign3A_438 = arith.cmpi sgt, %jit3A_430, %sign3A_437 : i32
      %sign3A_439 = arith.extui %sign3A_438 : i1 to i32
      %sign3A_440 = arith.constant 0 : i32
      %sign3A_441 = arith.cmpi slt, %jit3A_430, %sign3A_440 : i32
      %sign3A_442 = arith.extui %sign3A_441 : i1 to i32
      %sign3A_443 = arith.subi %sign3A_439, %sign3A_442 : i32
      %ne3A_444 = arith.cmpi ne, %sign3A_436, %sign3A_443 : i32
      %rem3A_445 = arith.remsi %add3A_429, %jit3A_430 : i32
      %ne3A_446 = arith.constant 0 : i32
      %ne3A_447 = arith.cmpi ne, %rem3A_445, %ne3A_446 : i32
      %and3A_448 = arith.andi %ne3A_444, %ne3A_447 : i1
      %sub3A = arith.constant 1 : i32
      %sub3A_449 = arith.subi %div3A, %sub3A : i32
      %select_n3A_450 = arith.select %and3A_448, %sub3A_449, %div3A : i32
      %mul3A_451 = arith.constant 16384 : i32
      %mul3A_452 = arith.muli %select_n3A_450, %mul3A_451 : i32
      %sub3A_453 = arith.subi %add3A_429, %mul3A_452 : i32
      %add3A_454 = arith.constant 0 : i32
      %add3A_455 = arith.addi %mul3A_428, %add3A_454 : i32
      %dma_start3A = arith.constant 0 : i32
      %dma_start3A_456 = arith.constant 0 : i32
      %dma_start3A_457 = tpu.memref_slice %arg6[%dma_start3A, %dma_start3A_456] : memref<512x32xf32, #tpu.memory_space<vmem>> -> memref<128x32xf32, #tpu.memory_space<vmem>>
      %dma_start3A_458 = tpu.memref_slice %arg5[%add3A_455] : memref<13312xi32, #tpu.memory_space<vmem>> -> memref<128xi32, #tpu.memory_space<vmem>>
      %dma_start3A_459 = arith.constant 0 : i32
      %dma_start3A_460 = arith.constant 0 : i32
      %dma_start3A_461 = tpu.memref_slice %arg2[%dma_start3A_459, %dma_start3A_460] : memref<2600000x32xf32, #tpu.memory_space<hbm>> -> memref<2600000x32xf32, #tpu.memory_space<hbm>>
      tpu.enqueue_indirect_dma source(%dma_start3A_461 : memref<2600000x32xf32, #tpu.memory_space<hbm>>) target(%dma_start3A_457 : memref<128x32xf32, #tpu.memory_space<vmem>>) offsets(%dma_start3A_458 : memref<128xi32, #tpu.memory_space<vmem>>) semaphore(%arg10 : memref<!tpu.dma_semaphore, #tpu.memory_space<semaphore_mem>>)
      %add3A_462 = arith.constant 128 : i32
      %add3A_463 = arith.addi %mul3A_428, %add3A_462 : i32
      %dma_start3A_464 = arith.constant 128 : i32
      %dma_start3A_465 = arith.constant 0 : i32
      %dma_start3A_466 = tpu.memref_slice %arg6[%dma_start3A_464, %dma_start3A_465] : memref<512x32xf32, #tpu.memory_space<vmem>> -> memref<128x32xf32, #tpu.memory_space<vmem>>
      %dma_start3A_467 = tpu.memref_slice %arg5[%add3A_463] : memref<13312xi32, #tpu.memory_space<vmem>> -> memref<128xi32, #tpu.memory_space<vmem>>
      %dma_start3A_468 = arith.constant 0 : i32
      %dma_start3A_469 = arith.constant 0 : i32
      %dma_start3A_470 = tpu.memref_slice %arg2[%dma_start3A_468, %dma_start3A_469] : memref<2600000x32xf32, #tpu.memory_space<hbm>> -> memref<2600000x32xf32, #tpu.memory_space<hbm>>
      tpu.enqueue_indirect_dma source(%dma_start3A_470 : memref<2600000x32xf32, #tpu.memory_space<hbm>>) target(%dma_start3A_466 : memref<128x32xf32, #tpu.memory_space<vmem>>) offsets(%dma_start3A_467 : memref<128xi32, #tpu.memory_space<vmem>>) semaphore(%arg10 : memref<!tpu.dma_semaphore, #tpu.memory_space<semaphore_mem>>)
      %add3A_471 = arith.constant 256 : i32
      %add3A_472 = arith.addi %mul3A_428, %add3A_471 : i32
      %dma_start3A_473 = arith.constant 256 : i32
      %dma_start3A_474 = arith.constant 0 : i32
      %dma_start3A_475 = tpu.memref_slice %arg6[%dma_start3A_473, %dma_start3A_474] : memref<512x32xf32, #tpu.memory_space<vmem>> -> memref<128x32xf32, #tpu.memory_space<vmem>>
      %dma_start3A_476 = tpu.memref_slice %arg5[%add3A_472] : memref<13312xi32, #tpu.memory_space<vmem>> -> memref<128xi32, #tpu.memory_space<vmem>>
      %dma_start3A_477 = arith.constant 0 : i32
      %dma_start3A_478 = arith.constant 0 : i32
      %dma_start3A_479 = tpu.memref_slice %arg2[%dma_start3A_477, %dma_start3A_478] : memref<2600000x32xf32, #tpu.memory_space<hbm>> -> memref<2600000x32xf32, #tpu.memory_space<hbm>>
      tpu.enqueue_indirect_dma source(%dma_start3A_479 : memref<2600000x32xf32, #tpu.memory_space<hbm>>) target(%dma_start3A_475 : memref<128x32xf32, #tpu.memory_space<vmem>>) offsets(%dma_start3A_476 : memref<128xi32, #tpu.memory_space<vmem>>) semaphore(%arg10 : memref<!tpu.dma_semaphore, #tpu.memory_space<semaphore_mem>>)
      %add3A_480 = arith.constant 384 : i32
      %add3A_481 = arith.addi %mul3A_428, %add3A_480 : i32
      %dma_start3A_482 = arith.constant 384 : i32
      %dma_start3A_483 = arith.constant 0 : i32
      %dma_start3A_484 = tpu.memref_slice %arg6[%dma_start3A_482, %dma_start3A_483] : memref<512x32xf32, #tpu.memory_space<vmem>> -> memref<128x32xf32, #tpu.memory_space<vmem>>
      %dma_start3A_485 = tpu.memref_slice %arg5[%add3A_481] : memref<13312xi32, #tpu.memory_space<vmem>> -> memref<128xi32, #tpu.memory_space<vmem>>
      %dma_start3A_486 = arith.constant 0 : i32
      %dma_start3A_487 = arith.constant 0 : i32
      %dma_start3A_488 = tpu.memref_slice %arg2[%dma_start3A_486, %dma_start3A_487] : memref<2600000x32xf32, #tpu.memory_space<hbm>> -> memref<2600000x32xf32, #tpu.memory_space<hbm>>
      tpu.enqueue_indirect_dma source(%dma_start3A_488 : memref<2600000x32xf32, #tpu.memory_space<hbm>>) target(%dma_start3A_484 : memref<128x32xf32, #tpu.memory_space<vmem>>) offsets(%dma_start3A_485 : memref<128xi32, #tpu.memory_space<vmem>>) semaphore(%arg10 : memref<!tpu.dma_semaphore, #tpu.memory_space<semaphore_mem>>)
      %gt3A = arith.constant 0 : i32
      %gt3A_489 = arith.cmpi sgt, %scan3A_424, %gt3A : i32
      %convert_element_type3A = arith.extui %gt3A_489 : i1 to i32
      %cond3A = arith.constant 0 : i32
      %cond3A_490 = arith.cmpi ne, %convert_element_type3A, %cond3A : i32
      scf.if %cond3A_490 {
        %dma_wait3A_646 = arith.constant 0 : i32
        %dma_wait3A_647 = tpu.memref_slice %arg4[%select_n3A_450, %dma_wait3A_646, %sub3A_453] : memref<26x32x16384xf32, #tpu.memory_space<hbm>> -> memref<1x32x512xf32, #tpu.memory_space<hbm>>
        %dma_wait3A_648 = tpu.memref_squeeze %dma_wait3A_647 : memref<1x32x512xf32, #tpu.memory_space<hbm>> -> memref<32x512xf32, #tpu.memory_space<hbm>>
        %dma_wait3A_649 = arith.constant 0 : i32
        %dma_wait3A_650 = tpu.memref_slice %arg4[%select_n3A_450, %dma_wait3A_649, %sub3A_453] : memref<26x32x16384xf32, #tpu.memory_space<hbm>> -> memref<1x32x512xf32, #tpu.memory_space<hbm>>
        %dma_wait3A_651 = tpu.memref_squeeze %dma_wait3A_650 : memref<1x32x512xf32, #tpu.memory_space<hbm>> -> memref<32x512xf32, #tpu.memory_space<hbm>>
        tpu.wait_dma2 semaphore(%arg11 : memref<!tpu.dma_semaphore, #tpu.memory_space<semaphore_mem>>) src(%arg8 : memref<32x512xf32, #tpu.memory_space<vmem>>) dst(%dma_wait3A_651 : memref<32x512xf32, #tpu.memory_space<hbm>>)
      } else {
      }
      %dma_wait3A_491 = arith.constant 0 : i32
      %dma_wait3A_492 = arith.constant 0 : i32
      %dma_wait3A_493 = tpu.memref_slice %arg6[%dma_wait3A_491, %dma_wait3A_492] : memref<512x32xf32, #tpu.memory_space<vmem>> -> memref<128x32xf32, #tpu.memory_space<vmem>>
      %dma_wait3A_494 = tpu.memref_slice %arg5[%add3A_455] : memref<13312xi32, #tpu.memory_space<vmem>> -> memref<128xi32, #tpu.memory_space<vmem>>
      %dma_wait3A_495 = arith.constant 0 : i32
      %dma_wait3A_496 = arith.constant 0 : i32
      %dma_wait3A_497 = tpu.memref_slice %arg2[%dma_wait3A_495, %dma_wait3A_496] : memref<2600000x32xf32, #tpu.memory_space<hbm>> -> memref<2600000x32xf32, #tpu.memory_space<hbm>>
      tpu.wait_indirect_dma semaphore(%arg10 : memref<!tpu.dma_semaphore, #tpu.memory_space<semaphore_mem>>) src(%dma_wait3A_497 : memref<2600000x32xf32, #tpu.memory_space<hbm>>) dst(%dma_wait3A_493 : memref<128x32xf32, #tpu.memory_space<vmem>>)
      %dma_wait3A_498 = arith.constant 128 : i32
      %dma_wait3A_499 = arith.constant 0 : i32
      %dma_wait3A_500 = tpu.memref_slice %arg6[%dma_wait3A_498, %dma_wait3A_499] : memref<512x32xf32, #tpu.memory_space<vmem>> -> memref<128x32xf32, #tpu.memory_space<vmem>>
      %dma_wait3A_501 = tpu.memref_slice %arg5[%add3A_463] : memref<13312xi32, #tpu.memory_space<vmem>> -> memref<128xi32, #tpu.memory_space<vmem>>
      %dma_wait3A_502 = arith.constant 0 : i32
      %dma_wait3A_503 = arith.constant 0 : i32
      %dma_wait3A_504 = tpu.memref_slice %arg2[%dma_wait3A_502, %dma_wait3A_503] : memref<2600000x32xf32, #tpu.memory_space<hbm>> -> memref<2600000x32xf32, #tpu.memory_space<hbm>>
      tpu.wait_indirect_dma semaphore(%arg10 : memref<!tpu.dma_semaphore, #tpu.memory_space<semaphore_mem>>) src(%dma_wait3A_504 : memref<2600000x32xf32, #tpu.memory_space<hbm>>) dst(%dma_wait3A_500 : memref<128x32xf32, #tpu.memory_space<vmem>>)
      %dma_wait3A_505 = arith.constant 256 : i32
      %dma_wait3A_506 = arith.constant 0 : i32
      %dma_wait3A_507 = tpu.memref_slice %arg6[%dma_wait3A_505, %dma_wait3A_506] : memref<512x32xf32, #tpu.memory_space<vmem>> -> memref<128x32xf32, #tpu.memory_space<vmem>>
      %dma_wait3A_508 = tpu.memref_slice %arg5[%add3A_472] : memref<13312xi32, #tpu.memory_space<vmem>> -> memref<128xi32, #tpu.memory_space<vmem>>
      %dma_wait3A_509 = arith.constant 0 : i32
      %dma_wait3A_510 = arith.constant 0 : i32
      %dma_wait3A_511 = tpu.memref_slice %arg2[%dma_wait3A_509, %dma_wait3A_510] : memref<2600000x32xf32, #tpu.memory_space<hbm>> -> memref<2600000x32xf32, #tpu.memory_space<hbm>>
      tpu.wait_indirect_dma semaphore(%arg10 : memref<!tpu.dma_semaphore, #tpu.memory_space<semaphore_mem>>) src(%dma_wait3A_511 : memref<2600000x32xf32, #tpu.memory_space<hbm>>) dst(%dma_wait3A_507 : memref<128x32xf32, #tpu.memory_space<vmem>>)
      %dma_wait3A_512 = arith.constant 384 : i32
      %dma_wait3A_513 = arith.constant 0 : i32
      %dma_wait3A_514 = tpu.memref_slice %arg6[%dma_wait3A_512, %dma_wait3A_513] : memref<512x32xf32, #tpu.memory_space<vmem>> -> memref<128x32xf32, #tpu.memory_space<vmem>>
      %dma_wait3A_515 = tpu.memref_slice %arg5[%add3A_481] : memref<13312xi32, #tpu.memory_space<vmem>> -> memref<128xi32, #tpu.memory_space<vmem>>
      %dma_wait3A_516 = arith.constant 0 : i32
      %dma_wait3A_517 = arith.constant 0 : i32
      %dma_wait3A_518 = tpu.memref_slice %arg2[%dma_wait3A_516, %dma_wait3A_517] : memref<2600000x32xf32, #tpu.memory_space<hbm>> -> memref<2600000x32xf32, #tpu.memory_space<hbm>>
      tpu.wait_indirect_dma semaphore(%arg10 : memref<!tpu.dma_semaphore, #tpu.memory_space<semaphore_mem>>) src(%dma_wait3A_518 : memref<2600000x32xf32, #tpu.memory_space<hbm>>) dst(%dma_wait3A_514 : memref<128x32xf32, #tpu.memory_space<vmem>>)
      %scan3A_519 = arith.constant 0 : i32
      %scan3A_520 = arith.constant 0 : i32
      %scan3A_521 = arith.constant 32 : i32
      %scan3A_522 = arith.addi %scan3A_520, %scan3A_521 : i32
      %scan3A_523 = arith.constant 1 : i32
      scf.for %scan3A_646 = %scan3A_520 to %scan3A_522 step %scan3A_523  : i32 {
        %mul3A_647 = arith.constant 16 : i32
        %mul3A_648 = arith.muli %scan3A_646, %mul3A_647 : i32
        %add3A_649 = vector.broadcast %mul3A_648 : i32 to vector<16xi32>
        %add3A_650 = arith.addi %iota3A, %add3A_649 : vector<16xi32>
        %add3A_651 = arith.constant 0 : i32
        %add3A_652 = vector.broadcast %add3A_651 : i32 to vector<16xi32>
        %add3A_653 = arith.addi %select_n3A_25, %add3A_652 : vector<16xi32>
        %add3A_654 = arith.constant 0 : i32
        %add3A_655 = vector.broadcast %add3A_654 : i32 to vector<16xi32>
        %add3A_656 = arith.addi %select_n3A_50, %add3A_655 : vector<16xi32>
        %add3A_657 = arith.constant 0 : i32
        %add3A_658 = vector.broadcast %add3A_657 : i32 to vector<16xi32>
        %add3A_659 = arith.addi %select_n3A_75, %add3A_658 : vector<16xi32>
        %add3A_660 = arith.constant 0 : i32
        %add3A_661 = vector.broadcast %add3A_660 : i32 to vector<16xi32>
        %add3A_662 = arith.addi %select_n3A_100, %add3A_661 : vector<16xi32>
        %gather3A = tpu.vector_load_idx %arg6[%add3A_650, %add3A_653] : memref<512x32xf32, #tpu.memory_space<vmem>>[vector<16xi32>, vector<16xi32>], vector<16xf32>,
        %gather3A_663 = tpu.vector_load_idx %arg6[%add3A_650, %add3A_656] : memref<512x32xf32, #tpu.memory_space<vmem>>[vector<16xi32>, vector<16xi32>], vector<16xf32>,
        %gather3A_664 = tpu.vector_load_idx %arg6[%add3A_650, %add3A_659] : memref<512x32xf32, #tpu.memory_space<vmem>>[vector<16xi32>, vector<16xi32>], vector<16xf32>,
        %gather3A_665 = tpu.vector_load_idx %arg6[%add3A_650, %add3A_662] : memref<512x32xf32, #tpu.memory_space<vmem>>[vector<16xi32>, vector<16xi32>], vector<16xf32>,
        tpu.vector_store_idx %arg8[%add3A_653, %add3A_650], %gather3A : memref<32x512xf32, #tpu.memory_space<vmem>>[vector<16xi32>, vector<16xi32>], vector<16xf32>,
        tpu.vector_store_idx %arg8[%add3A_656, %add3A_650], %gather3A_663 : memref<32x512xf32, #tpu.memory_space<vmem>>[vector<16xi32>, vector<16xi32>], vector<16xf32>,
        tpu.vector_store_idx %arg8[%add3A_659, %add3A_650], %gather3A_664 : memref<32x512xf32, #tpu.memory_space<vmem>>[vector<16xi32>, vector<16xi32>], vector<16xf32>,
        tpu.vector_store_idx %arg8[%add3A_662, %add3A_650], %gather3A_665 : memref<32x512xf32, #tpu.memory_space<vmem>>[vector<16xi32>, vector<16xi32>], vector<16xf32>,
        %add3A_666 = arith.constant 0 : i32
        %add3A_667 = vector.broadcast %add3A_666 : i32 to vector<16xi32>
        %add3A_668 = arith.addi %select_n3A_125, %add3A_667 : vector<16xi32>
        %add3A_669 = arith.constant 0 : i32
        %add3A_670 = vector.broadcast %add3A_669 : i32 to vector<16xi32>
        %add3A_671 = arith.addi %select_n3A_150, %add3A_670 : vector<16xi32>
        %add3A_672 = arith.constant 0 : i32
        %add3A_673 = vector.broadcast %add3A_672 : i32 to vector<16xi32>
        %add3A_674 = arith.addi %select_n3A_175, %add3A_673 : vector<16xi32>
        %add3A_675 = arith.constant 0 : i32
        %add3A_676 = vector.broadcast %add3A_675 : i32 to vector<16xi32>
        %add3A_677 = arith.addi %select_n3A_200, %add3A_676 : vector<16xi32>
        %gather3A_678 = tpu.vector_load_idx %arg6[%add3A_650, %add3A_668] : memref<512x32xf32, #tpu.memory_space<vmem>>[vector<16xi32>, vector<16xi32>], vector<16xf32>,
        %gather3A_679 = tpu.vector_load_idx %arg6[%add3A_650, %add3A_671] : memref<512x32xf32, #tpu.memory_space<vmem>>[vector<16xi32>, vector<16xi32>], vector<16xf32>,
        %gather3A_680 = tpu.vector_load_idx %arg6[%add3A_650, %add3A_674] : memref<512x32xf32, #tpu.memory_space<vmem>>[vector<16xi32>, vector<16xi32>], vector<16xf32>,
        %gather3A_681 = tpu.vector_load_idx %arg6[%add3A_650, %add3A_677] : memref<512x32xf32, #tpu.memory_space<vmem>>[vector<16xi32>, vector<16xi32>], vector<16xf32>,
        tpu.vector_store_idx %arg8[%add3A_668, %add3A_650], %gather3A_678 : memref<32x512xf32, #tpu.memory_space<vmem>>[vector<16xi32>, vector<16xi32>], vector<16xf32>,
        tpu.vector_store_idx %arg8[%add3A_671, %add3A_650], %gather3A_679 : memref<32x512xf32, #tpu.memory_space<vmem>>[vector<16xi32>, vector<16xi32>], vector<16xf32>,
        tpu.vector_store_idx %arg8[%add3A_674, %add3A_650], %gather3A_680 : memref<32x512xf32, #tpu.memory_space<vmem>>[vector<16xi32>, vector<16xi32>], vector<16xf32>,
        tpu.vector_store_idx %arg8[%add3A_677, %add3A_650], %gather3A_681 : memref<32x512xf32, #tpu.memory_space<vmem>>[vector<16xi32>, vector<16xi32>], vector<16xf32>,
        %add3A_682 = arith.constant 0 : i32
        %add3A_683 = vector.broadcast %add3A_682 : i32 to vector<16xi32>
        %add3A_684 = arith.addi %select_n3A_225, %add3A_683 : vector<16xi32>
        %add3A_685 = arith.constant 0 : i32
        %add3A_686 = vector.broadcast %add3A_685 : i32 to vector<16xi32>
        %add3A_687 = arith.addi %select_n3A_250, %add3A_686 : vector<16xi32>
        %add3A_688 = arith.constant 0 : i32
        %add3A_689 = vector.broadcast %add3A_688 : i32 to vector<16xi32>
        %add3A_690 = arith.addi %select_n3A_275, %add3A_689 : vector<16xi32>
        %add3A_691 = arith.constant 0 : i32
        %add3A_692 = vector.broadcast %add3A_691 : i32 to vector<16xi32>
        %add3A_693 = arith.addi %select_n3A_300, %add3A_692 : vector<16xi32>
        %gather3A_694 = tpu.vector_load_idx %arg6[%add3A_650, %add3A_684] : memref<512x32xf32, #tpu.memory_space<vmem>>[vector<16xi32>, vector<16xi32>], vector<16xf32>,
        %gather3A_695 = tpu.vector_load_idx %arg6[%add3A_650, %add3A_687] : memref<512x32xf32, #tpu.memory_space<vmem>>[vector<16xi32>, vector<16xi32>], vector<16xf32>,
        %gather3A_696 = tpu.vector_load_idx %arg6[%add3A_650, %add3A_690] : memref<512x32xf32, #tpu.memory_space<vmem>>[vector<16xi32>, vector<16xi32>], vector<16xf32>,
        %gather3A_697 = tpu.vector_load_idx %arg6[%add3A_650, %add3A_693] : memref<512x32xf32, #tpu.memory_space<vmem>>[vector<16xi32>, vector<16xi32>], vector<16xf32>,
        tpu.vector_store_idx %arg8[%add3A_684, %add3A_650], %gather3A_694 : memref<32x512xf32, #tpu.memory_space<vmem>>[vector<16xi32>, vector<16xi32>], vector<16xf32>,
        tpu.vector_store_idx %arg8[%add3A_687, %add3A_650], %gather3A_695 : memref<32x512xf32, #tpu.memory_space<vmem>>[vector<16xi32>, vector<16xi32>], vector<16xf32>,
        tpu.vector_store_idx %arg8[%add3A_690, %add3A_650], %gather3A_696 : memref<32x512xf32, #tpu.memory_space<vmem>>[vector<16xi32>, vector<16xi32>], vector<16xf32>,
        tpu.vector_store_idx %arg8[%add3A_693, %add3A_650], %gather3A_697 : memref<32x512xf32, #tpu.memory_space<vmem>>[vector<16xi32>, vector<16xi32>], vector<16xf32>,
        %add3A_698 = arith.constant 0 : i32
        %add3A_699 = vector.broadcast %add3A_698 : i32 to vector<16xi32>
        %add3A_700 = arith.addi %select_n3A_325, %add3A_699 : vector<16xi32>
        %add3A_701 = arith.constant 0 : i32
        %add3A_702 = vector.broadcast %add3A_701 : i32 to vector<16xi32>
        %add3A_703 = arith.addi %select_n3A_350, %add3A_702 : vector<16xi32>
        %add3A_704 = arith.constant 0 : i32
        %add3A_705 = vector.broadcast %add3A_704 : i32 to vector<16xi32>
        %add3A_706 = arith.addi %select_n3A_375, %add3A_705 : vector<16xi32>
        %add3A_707 = arith.constant 0 : i32
        %add3A_708 = vector.broadcast %add3A_707 : i32 to vector<16xi32>
        %add3A_709 = arith.addi %select_n3A_400, %add3A_708 : vector<16xi32>
        %gather3A_710 = tpu.vector_load_idx %arg6[%add3A_650, %add3A_700] : memref<512x32xf32, #tpu.memory_space<vmem>>[vector<16xi32>, vector<16xi32>], vector<16xf32>,
        %gather3A_711 = tpu.vector_load_idx %arg6[%add3A_650, %add3A_703] : memref<512x32xf32, #tpu.memory_space<vmem>>[vector<16xi32>, vector<16xi32>], vector<16xf32>,
        %gather3A_712 = tpu.vector_load_idx %arg6[%add3A_650, %add3A_706] : memref<512x32xf32, #tpu.memory_space<vmem>>[vector<16xi32>, vector<16xi32>], vector<16xf32>,
        %gather3A_713 = tpu.vector_load_idx %arg6[%add3A_650, %add3A_709] : memref<512x32xf32, #tpu.memory_space<vmem>>[vector<16xi32>, vector<16xi32>], vector<16xf32>,
        tpu.vector_store_idx %arg8[%add3A_700, %add3A_650], %gather3A_710 : memref<32x512xf32, #tpu.memory_space<vmem>>[vector<16xi32>, vector<16xi32>], vector<16xf32>,
        tpu.vector_store_idx %arg8[%add3A_703, %add3A_650], %gather3A_711 : memref<32x512xf32, #tpu.memory_space<vmem>>[vector<16xi32>, vector<16xi32>], vector<16xf32>,
        tpu.vector_store_idx %arg8[%add3A_706, %add3A_650], %gather3A_712 : memref<32x512xf32, #tpu.memory_space<vmem>>[vector<16xi32>, vector<16xi32>], vector<16xf32>,
        tpu.vector_store_idx %arg8[%add3A_709, %add3A_650], %gather3A_713 : memref<32x512xf32, #tpu.memory_space<vmem>>[vector<16xi32>, vector<16xi32>], vector<16xf32>,
        %add3A_714 = arith.constant 16 : i32
        %add3A_715 = vector.broadcast %add3A_714 : i32 to vector<16xi32>
        %add3A_716 = arith.addi %select_n3A_25, %add3A_715 : vector<16xi32>
        %add3A_717 = arith.constant 16 : i32
        %add3A_718 = vector.broadcast %add3A_717 : i32 to vector<16xi32>
        %add3A_719 = arith.addi %select_n3A_50, %add3A_718 : vector<16xi32>
        %add3A_720 = arith.constant 16 : i32
        %add3A_721 = vector.broadcast %add3A_720 : i32 to vector<16xi32>
        %add3A_722 = arith.addi %select_n3A_75, %add3A_721 : vector<16xi32>
        %add3A_723 = arith.constant 16 : i32
        %add3A_724 = vector.broadcast %add3A_723 : i32 to vector<16xi32>
        %add3A_725 = arith.addi %select_n3A_100, %add3A_724 : vector<16xi32>
        %gather3A_726 = tpu.vector_load_idx %arg6[%add3A_650, %add3A_716] : memref<512x32xf32, #tpu.memory_space<vmem>>[vector<16xi32>, vector<16xi32>], vector<16xf32>,
        %gather3A_727 = tpu.vector_load_idx %arg6[%add3A_650, %add3A_719] : memref<512x32xf32, #tpu.memory_space<vmem>>[vector<16xi32>, vector<16xi32>], vector<16xf32>,
        %gather3A_728 = tpu.vector_load_idx %arg6[%add3A_650, %add3A_722] : memref<512x32xf32, #tpu.memory_space<vmem>>[vector<16xi32>, vector<16xi32>], vector<16xf32>,
        %gather3A_729 = tpu.vector_load_idx %arg6[%add3A_650, %add3A_725] : memref<512x32xf32, #tpu.memory_space<vmem>>[vector<16xi32>, vector<16xi32>], vector<16xf32>,
        tpu.vector_store_idx %arg8[%add3A_716, %add3A_650], %gather3A_726 : memref<32x512xf32, #tpu.memory_space<vmem>>[vector<16xi32>, vector<16xi32>], vector<16xf32>,
        tpu.vector_store_idx %arg8[%add3A_719, %add3A_650], %gather3A_727 : memref<32x512xf32, #tpu.memory_space<vmem>>[vector<16xi32>, vector<16xi32>], vector<16xf32>,
        tpu.vector_store_idx %arg8[%add3A_722, %add3A_650], %gather3A_728 : memref<32x512xf32, #tpu.memory_space<vmem>>[vector<16xi32>, vector<16xi32>], vector<16xf32>,
        tpu.vector_store_idx %arg8[%add3A_725, %add3A_650], %gather3A_729 : memref<32x512xf32, #tpu.memory_space<vmem>>[vector<16xi32>, vector<16xi32>], vector<16xf32>,
        %add3A_730 = arith.constant 16 : i32
        %add3A_731 = vector.broadcast %add3A_730 : i32 to vector<16xi32>
        %add3A_732 = arith.addi %select_n3A_125, %add3A_731 : vector<16xi32>
        %add3A_733 = arith.constant 16 : i32
        %add3A_734 = vector.broadcast %add3A_733 : i32 to vector<16xi32>
        %add3A_735 = arith.addi %select_n3A_150, %add3A_734 : vector<16xi32>
        %add3A_736 = arith.constant 16 : i32
        %add3A_737 = vector.broadcast %add3A_736 : i32 to vector<16xi32>
        %add3A_738 = arith.addi %select_n3A_175, %add3A_737 : vector<16xi32>
        %add3A_739 = arith.constant 16 : i32
        %add3A_740 = vector.broadcast %add3A_739 : i32 to vector<16xi32>
        %add3A_741 = arith.addi %select_n3A_200, %add3A_740 : vector<16xi32>
        %gather3A_742 = tpu.vector_load_idx %arg6[%add3A_650, %add3A_732] : memref<512x32xf32, #tpu.memory_space<vmem>>[vector<16xi32>, vector<16xi32>], vector<16xf32>,
        %gather3A_743 = tpu.vector_load_idx %arg6[%add3A_650, %add3A_735] : memref<512x32xf32, #tpu.memory_space<vmem>>[vector<16xi32>, vector<16xi32>], vector<16xf32>,
        %gather3A_744 = tpu.vector_load_idx %arg6[%add3A_650, %add3A_738] : memref<512x32xf32, #tpu.memory_space<vmem>>[vector<16xi32>, vector<16xi32>], vector<16xf32>,
        %gather3A_745 = tpu.vector_load_idx %arg6[%add3A_650, %add3A_741] : memref<512x32xf32, #tpu.memory_space<vmem>>[vector<16xi32>, vector<16xi32>], vector<16xf32>,
        tpu.vector_store_idx %arg8[%add3A_732, %add3A_650], %gather3A_742 : memref<32x512xf32, #tpu.memory_space<vmem>>[vector<16xi32>, vector<16xi32>], vector<16xf32>,
        tpu.vector_store_idx %arg8[%add3A_735, %add3A_650], %gather3A_743 : memref<32x512xf32, #tpu.memory_space<vmem>>[vector<16xi32>, vector<16xi32>], vector<16xf32>,
        tpu.vector_store_idx %arg8[%add3A_738, %add3A_650], %gather3A_744 : memref<32x512xf32, #tpu.memory_space<vmem>>[vector<16xi32>, vector<16xi32>], vector<16xf32>,
        tpu.vector_store_idx %arg8[%add3A_741, %add3A_650], %gather3A_745 : memref<32x512xf32, #tpu.memory_space<vmem>>[vector<16xi32>, vector<16xi32>], vector<16xf32>,
        %add3A_746 = arith.constant 16 : i32
        %add3A_747 = vector.broadcast %add3A_746 : i32 to vector<16xi32>
        %add3A_748 = arith.addi %select_n3A_225, %add3A_747 : vector<16xi32>
        %add3A_749 = arith.constant 16 : i32
        %add3A_750 = vector.broadcast %add3A_749 : i32 to vector<16xi32>
        %add3A_751 = arith.addi %select_n3A_250, %add3A_750 : vector<16xi32>
        %add3A_752 = arith.constant 16 : i32
        %add3A_753 = vector.broadcast %add3A_752 : i32 to vector<16xi32>
        %add3A_754 = arith.addi %select_n3A_275, %add3A_753 : vector<16xi32>
        %add3A_755 = arith.constant 16 : i32
        %add3A_756 = vector.broadcast %add3A_755 : i32 to vector<16xi32>
        %add3A_757 = arith.addi %select_n3A_300, %add3A_756 : vector<16xi32>
        %gather3A_758 = tpu.vector_load_idx %arg6[%add3A_650, %add3A_748] : memref<512x32xf32, #tpu.memory_space<vmem>>[vector<16xi32>, vector<16xi32>], vector<16xf32>,
        %gather3A_759 = tpu.vector_load_idx %arg6[%add3A_650, %add3A_751] : memref<512x32xf32, #tpu.memory_space<vmem>>[vector<16xi32>, vector<16xi32>], vector<16xf32>,
        %gather3A_760 = tpu.vector_load_idx %arg6[%add3A_650, %add3A_754] : memref<512x32xf32, #tpu.memory_space<vmem>>[vector<16xi32>, vector<16xi32>], vector<16xf32>,
        %gather3A_761 = tpu.vector_load_idx %arg6[%add3A_650, %add3A_757] : memref<512x32xf32, #tpu.memory_space<vmem>>[vector<16xi32>, vector<16xi32>], vector<16xf32>,
        tpu.vector_store_idx %arg8[%add3A_748, %add3A_650], %gather3A_758 : memref<32x512xf32, #tpu.memory_space<vmem>>[vector<16xi32>, vector<16xi32>], vector<16xf32>,
        tpu.vector_store_idx %arg8[%add3A_751, %add3A_650], %gather3A_759 : memref<32x512xf32, #tpu.memory_space<vmem>>[vector<16xi32>, vector<16xi32>], vector<16xf32>,
        tpu.vector_store_idx %arg8[%add3A_754, %add3A_650], %gather3A_760 : memref<32x512xf32, #tpu.memory_space<vmem>>[vector<16xi32>, vector<16xi32>], vector<16xf32>,
        tpu.vector_store_idx %arg8[%add3A_757, %add3A_650], %gather3A_761 : memref<32x512xf32, #tpu.memory_space<vmem>>[vector<16xi32>, vector<16xi32>], vector<16xf32>,
        %add3A_762 = arith.constant 16 : i32
        %add3A_763 = vector.broadcast %add3A_762 : i32 to vector<16xi32>
        %add3A_764 = arith.addi %select_n3A_325, %add3A_763 : vector<16xi32>
        %add3A_765 = arith.constant 16 : i32
        %add3A_766 = vector.broadcast %add3A_765 : i32 to vector<16xi32>
        %add3A_767 = arith.addi %select_n3A_350, %add3A_766 : vector<16xi32>
        %add3A_768 = arith.constant 16 : i32
        %add3A_769 = vector.broadcast %add3A_768 : i32 to vector<16xi32>
        %add3A_770 = arith.addi %select_n3A_375, %add3A_769 : vector<16xi32>
        %add3A_771 = arith.constant 16 : i32
        %add3A_772 = vector.broadcast %add3A_771 : i32 to vector<16xi32>
        %add3A_773 = arith.addi %select_n3A_400, %add3A_772 : vector<16xi32>
        %gather3A_774 = tpu.vector_load_idx %arg6[%add3A_650, %add3A_764] : memref<512x32xf32, #tpu.memory_space<vmem>>[vector<16xi32>, vector<16xi32>], vector<16xf32>,
        %gather3A_775 = tpu.vector_load_idx %arg6[%add3A_650, %add3A_767] : memref<512x32xf32, #tpu.memory_space<vmem>>[vector<16xi32>, vector<16xi32>], vector<16xf32>,
        %gather3A_776 = tpu.vector_load_idx %arg6[%add3A_650, %add3A_770] : memref<512x32xf32, #tpu.memory_space<vmem>>[vector<16xi32>, vector<16xi32>], vector<16xf32>,
        %gather3A_777 = tpu.vector_load_idx %arg6[%add3A_650, %add3A_773] : memref<512x32xf32, #tpu.memory_space<vmem>>[vector<16xi32>, vector<16xi32>], vector<16xf32>,
        tpu.vector_store_idx %arg8[%add3A_764, %add3A_650], %gather3A_774 : memref<32x512xf32, #tpu.memory_space<vmem>>[vector<16xi32>, vector<16xi32>], vector<16xf32>,
        tpu.vector_store_idx %arg8[%add3A_767, %add3A_650], %gather3A_775 : memref<32x512xf32, #tpu.memory_space<vmem>>[vector<16xi32>, vector<16xi32>], vector<16xf32>,
        tpu.vector_store_idx %arg8[%add3A_770, %add3A_650], %gather3A_776 : memref<32x512xf32, #tpu.memory_space<vmem>>[vector<16xi32>, vector<16xi32>], vector<16xf32>,
        tpu.vector_store_idx %arg8[%add3A_773, %add3A_650], %gather3A_777 : memref<32x512xf32, #tpu.memory_space<vmem>>[vector<16xi32>, vector<16xi32>], vector<16xf32>,
      }
      %scan3A_524 = arith.constant 32 : i32
      %dma_start3A_525 = arith.constant 0 : i32
      %dma_start3A_526 = tpu.memref_slice %arg4[%select_n3A_450, %dma_start3A_525, %sub3A_453] : memref<26x32x16384xf32, #tpu.memory_space<hbm>> -> memref<1x32x512xf32, #tpu.memory_space<hbm>>
      %dma_start3A_527 = tpu.memref_squeeze %dma_start3A_526 : memref<1x32x512xf32, #tpu.memory_space<hbm>> -> memref<32x512xf32, #tpu.memory_space<hbm>>
      %dma_start3A_528 = arith.constant 0 : i32
      %dma_start3A_529 = tpu.memref_slice %arg4[%select_n3A_450, %dma_start3A_528, %sub3A_453] : memref<26x32x16384xf32, #tpu.memory_space<hbm>> -> memref<1x32x512xf32, #tpu.memory_space<hbm>>
      %dma_start3A_530 = tpu.memref_squeeze %dma_start3A_529 : memref<1x32x512xf32, #tpu.memory_space<hbm>> -> memref<32x512xf32, #tpu.memory_space<hbm>>
      tpu.enqueue_dma source(%arg8 : memref<32x512xf32, #tpu.memory_space<vmem>>) target(%dma_start3A_530 : memref<32x512xf32, #tpu.memory_space<hbm>>) target_semaphore(%arg11 : memref<!tpu.dma_semaphore, #tpu.memory_space<semaphore_mem>>)
      %mul3A_531 = arith.constant 2 : i32
      %mul3A_532 = arith.muli %mul3A_531, %scan3A_424 : i32
      %add3A_533 = arith.constant 1 : i32
      %add3A_534 = arith.addi %mul3A_532, %add3A_533 : i32
      %mul3A_535 = arith.constant 512 : i32
      %mul3A_536 = arith.muli %add3A_534, %mul3A_535 : i32
      %add3A_537 = arith.addi %mul3A_2, %mul3A_536 : i32
      %jit3A_538 = arith.constant 16384 : i32
      %div3A_539 = arith.divsi %add3A_537, %jit3A_538 : i32
      %sign3A_540 = arith.constant 0 : i32
      %sign3A_541 = arith.cmpi sgt, %add3A_537, %sign3A_540 : i32
      %sign3A_542 = arith.extui %sign3A_541 : i1 to i32
      %sign3A_543 = arith.constant 0 : i32
      %sign3A_544 = arith.cmpi slt, %add3A_537, %sign3A_543 : i32
      %sign3A_545 = arith.extui %sign3A_544 : i1 to i32
      %sign3A_546 = arith.subi %sign3A_542, %sign3A_545 : i32
      %sign3A_547 = arith.constant 0 : i32
      %sign3A_548 = arith.cmpi sgt, %jit3A_538, %sign3A_547 : i32
      %sign3A_549 = arith.extui %sign3A_548 : i1 to i32
      %sign3A_550 = arith.constant 0 : i32
      %sign3A_551 = arith.cmpi slt, %jit3A_538, %sign3A_550 : i32
      %sign3A_552 = arith.extui %sign3A_551 : i1 to i32
      %sign3A_553 = arith.subi %sign3A_549, %sign3A_552 : i32
      %ne3A_554 = arith.cmpi ne, %sign3A_546, %sign3A_553 : i32
      %rem3A_555 = arith.remsi %add3A_537, %jit3A_538 : i32
      %ne3A_556 = arith.constant 0 : i32
      %ne3A_557 = arith.cmpi ne, %rem3A_555, %ne3A_556 : i32
      %and3A_558 = arith.andi %ne3A_554, %ne3A_557 : i1
      %sub3A_559 = arith.constant 1 : i32
      %sub3A_560 = arith.subi %div3A_539, %sub3A_559 : i32
      %select_n3A_561 = arith.select %and3A_558, %sub3A_560, %div3A_539 : i32
      %mul3A_562 = arith.constant 16384 : i32
      %mul3A_563 = arith.muli %select_n3A_561, %mul3A_562 : i32
      %sub3A_564 = arith.subi %add3A_537, %mul3A_563 : i32
      %add3A_565 = arith.constant 0 : i32
      %add3A_566 = arith.addi %mul3A_536, %add3A_565 : i32
      %dma_start3A_567 = arith.constant 0 : i32
      %dma_start3A_568 = arith.constant 0 : i32
      %dma_start3A_569 = tpu.memref_slice %arg7[%dma_start3A_567, %dma_start3A_568] : memref<512x32xf32, #tpu.memory_space<vmem>> -> memref<128x32xf32, #tpu.memory_space<vmem>>
      %dma_start3A_570 = tpu.memref_slice %arg5[%add3A_566] : memref<13312xi32, #tpu.memory_space<vmem>> -> memref<128xi32, #tpu.memory_space<vmem>>
      %dma_start3A_571 = arith.constant 0 : i32
      %dma_start3A_572 = arith.constant 0 : i32
      %dma_start3A_573 = tpu.memref_slice %arg2[%dma_start3A_571, %dma_start3A_572] : memref<2600000x32xf32, #tpu.memory_space<hbm>> -> memref<2600000x32xf32, #tpu.memory_space<hbm>>
      tpu.enqueue_indirect_dma source(%dma_start3A_573 : memref<2600000x32xf32, #tpu.memory_space<hbm>>) target(%dma_start3A_569 : memref<128x32xf32, #tpu.memory_space<vmem>>) offsets(%dma_start3A_570 : memref<128xi32, #tpu.memory_space<vmem>>) semaphore(%arg10 : memref<!tpu.dma_semaphore, #tpu.memory_space<semaphore_mem>>)
      %add3A_574 = arith.constant 128 : i32
      %add3A_575 = arith.addi %mul3A_536, %add3A_574 : i32
      %dma_start3A_576 = arith.constant 128 : i32
      %dma_start3A_577 = arith.constant 0 : i32
      %dma_start3A_578 = tpu.memref_slice %arg7[%dma_start3A_576, %dma_start3A_577] : memref<512x32xf32, #tpu.memory_space<vmem>> -> memref<128x32xf32, #tpu.memory_space<vmem>>
      %dma_start3A_579 = tpu.memref_slice %arg5[%add3A_575] : memref<13312xi32, #tpu.memory_space<vmem>> -> memref<128xi32, #tpu.memory_space<vmem>>
      %dma_start3A_580 = arith.constant 0 : i32
      %dma_start3A_581 = arith.constant 0 : i32
      %dma_start3A_582 = tpu.memref_slice %arg2[%dma_start3A_580, %dma_start3A_581] : memref<2600000x32xf32, #tpu.memory_space<hbm>> -> memref<2600000x32xf32, #tpu.memory_space<hbm>>
      tpu.enqueue_indirect_dma source(%dma_start3A_582 : memref<2600000x32xf32, #tpu.memory_space<hbm>>) target(%dma_start3A_578 : memref<128x32xf32, #tpu.memory_space<vmem>>) offsets(%dma_start3A_579 : memref<128xi32, #tpu.memory_space<vmem>>) semaphore(%arg10 : memref<!tpu.dma_semaphore, #tpu.memory_space<semaphore_mem>>)
      %add3A_583 = arith.constant 256 : i32
      %add3A_584 = arith.addi %mul3A_536, %add3A_583 : i32
      %dma_start3A_585 = arith.constant 256 : i32
      %dma_start3A_586 = arith.constant 0 : i32
      %dma_start3A_587 = tpu.memref_slice %arg7[%dma_start3A_585, %dma_start3A_586] : memref<512x32xf32, #tpu.memory_space<vmem>> -> memref<128x32xf32, #tpu.memory_space<vmem>>
      %dma_start3A_588 = tpu.memref_slice %arg5[%add3A_584] : memref<13312xi32, #tpu.memory_space<vmem>> -> memref<128xi32, #tpu.memory_space<vmem>>
      %dma_start3A_589 = arith.constant 0 : i32
      %dma_start3A_590 = arith.constant 0 : i32
      %dma_start3A_591 = tpu.memref_slice %arg2[%dma_start3A_589, %dma_start3A_590] : memref<2600000x32xf32, #tpu.memory_space<hbm>> -> memref<2600000x32xf32, #tpu.memory_space<hbm>>
      tpu.enqueue_indirect_dma source(%dma_start3A_591 : memref<2600000x32xf32, #tpu.memory_space<hbm>>) target(%dma_start3A_587 : memref<128x32xf32, #tpu.memory_space<vmem>>) offsets(%dma_start3A_588 : memref<128xi32, #tpu.memory_space<vmem>>) semaphore(%arg10 : memref<!tpu.dma_semaphore, #tpu.memory_space<semaphore_mem>>)
      %add3A_592 = arith.constant 384 : i32
      %add3A_593 = arith.addi %mul3A_536, %add3A_592 : i32
      %dma_start3A_594 = arith.constant 384 : i32
      %dma_start3A_595 = arith.constant 0 : i32
      %dma_start3A_596 = tpu.memref_slice %arg7[%dma_start3A_594, %dma_start3A_595] : memref<512x32xf32, #tpu.memory_space<vmem>> -> memref<128x32xf32, #tpu.memory_space<vmem>>
      %dma_start3A_597 = tpu.memref_slice %arg5[%add3A_593] : memref<13312xi32, #tpu.memory_space<vmem>> -> memref<128xi32, #tpu.memory_space<vmem>>
      %dma_start3A_598 = arith.constant 0 : i32
      %dma_start3A_599 = arith.constant 0 : i32
      %dma_start3A_600 = tpu.memref_slice %arg2[%dma_start3A_598, %dma_start3A_599] : memref<2600000x32xf32, #tpu.memory_space<hbm>> -> memref<2600000x32xf32, #tpu.memory_space<hbm>>
      tpu.enqueue_indirect_dma source(%dma_start3A_600 : memref<2600000x32xf32, #tpu.memory_space<hbm>>) target(%dma_start3A_596 : memref<128x32xf32, #tpu.memory_space<vmem>>) offsets(%dma_start3A_597 : memref<128xi32, #tpu.memory_space<vmem>>) semaphore(%arg10 : memref<!tpu.dma_semaphore, #tpu.memory_space<semaphore_mem>>)
      %gt3A_601 = arith.constant 0 : i32
      %gt3A_602 = arith.cmpi sgt, %scan3A_424, %gt3A_601 : i32
      %convert_element_type3A_603 = arith.extui %gt3A_602 : i1 to i32
      %cond3A_604 = arith.constant 0 : i32
      %cond3A_605 = arith.cmpi ne, %convert_element_type3A_603, %cond3A_604 : i32
      scf.if %cond3A_605 {
        %dma_wait3A_646 = arith.constant 0 : i32
        %dma_wait3A_647 = tpu.memref_slice %arg4[%select_n3A_561, %dma_wait3A_646, %sub3A_564] : memref<26x32x16384xf32, #tpu.memory_space<hbm>> -> memref<1x32x512xf32, #tpu.memory_space<hbm>>
        %dma_wait3A_648 = tpu.memref_squeeze %dma_wait3A_647 : memref<1x32x512xf32, #tpu.memory_space<hbm>> -> memref<32x512xf32, #tpu.memory_space<hbm>>
        %dma_wait3A_649 = arith.constant 0 : i32
        %dma_wait3A_650 = tpu.memref_slice %arg4[%select_n3A_561, %dma_wait3A_649, %sub3A_564] : memref<26x32x16384xf32, #tpu.memory_space<hbm>> -> memref<1x32x512xf32, #tpu.memory_space<hbm>>
        %dma_wait3A_651 = tpu.memref_squeeze %dma_wait3A_650 : memref<1x32x512xf32, #tpu.memory_space<hbm>> -> memref<32x512xf32, #tpu.memory_space<hbm>>
        tpu.wait_dma2 semaphore(%arg12 : memref<!tpu.dma_semaphore, #tpu.memory_space<semaphore_mem>>) src(%arg9 : memref<32x512xf32, #tpu.memory_space<vmem>>) dst(%dma_wait3A_651 : memref<32x512xf32, #tpu.memory_space<hbm>>)
      } else {
      }
      %dma_wait3A_606 = arith.constant 0 : i32
      %dma_wait3A_607 = arith.constant 0 : i32
      %dma_wait3A_608 = tpu.memref_slice %arg7[%dma_wait3A_606, %dma_wait3A_607] : memref<512x32xf32, #tpu.memory_space<vmem>> -> memref<128x32xf32, #tpu.memory_space<vmem>>
      %dma_wait3A_609 = tpu.memref_slice %arg5[%add3A_566] : memref<13312xi32, #tpu.memory_space<vmem>> -> memref<128xi32, #tpu.memory_space<vmem>>
      %dma_wait3A_610 = arith.constant 0 : i32
      %dma_wait3A_611 = arith.constant 0 : i32
      %dma_wait3A_612 = tpu.memref_slice %arg2[%dma_wait3A_610, %dma_wait3A_611] : memref<2600000x32xf32, #tpu.memory_space<hbm>> -> memref<2600000x32xf32, #tpu.memory_space<hbm>>
      tpu.wait_indirect_dma semaphore(%arg10 : memref<!tpu.dma_semaphore, #tpu.memory_space<semaphore_mem>>) src(%dma_wait3A_612 : memref<2600000x32xf32, #tpu.memory_space<hbm>>) dst(%dma_wait3A_608 : memref<128x32xf32, #tpu.memory_space<vmem>>)
      %dma_wait3A_613 = arith.constant 128 : i32
      %dma_wait3A_614 = arith.constant 0 : i32
      %dma_wait3A_615 = tpu.memref_slice %arg7[%dma_wait3A_613, %dma_wait3A_614] : memref<512x32xf32, #tpu.memory_space<vmem>> -> memref<128x32xf32, #tpu.memory_space<vmem>>
      %dma_wait3A_616 = tpu.memref_slice %arg5[%add3A_575] : memref<13312xi32, #tpu.memory_space<vmem>> -> memref<128xi32, #tpu.memory_space<vmem>>
      %dma_wait3A_617 = arith.constant 0 : i32
      %dma_wait3A_618 = arith.constant 0 : i32
      %dma_wait3A_619 = tpu.memref_slice %arg2[%dma_wait3A_617, %dma_wait3A_618] : memref<2600000x32xf32, #tpu.memory_space<hbm>> -> memref<2600000x32xf32, #tpu.memory_space<hbm>>
      tpu.wait_indirect_dma semaphore(%arg10 : memref<!tpu.dma_semaphore, #tpu.memory_space<semaphore_mem>>) src(%dma_wait3A_619 : memref<2600000x32xf32, #tpu.memory_space<hbm>>) dst(%dma_wait3A_615 : memref<128x32xf32, #tpu.memory_space<vmem>>)
      %dma_wait3A_620 = arith.constant 256 : i32
      %dma_wait3A_621 = arith.constant 0 : i32
      %dma_wait3A_622 = tpu.memref_slice %arg7[%dma_wait3A_620, %dma_wait3A_621] : memref<512x32xf32, #tpu.memory_space<vmem>> -> memref<128x32xf32, #tpu.memory_space<vmem>>
      %dma_wait3A_623 = tpu.memref_slice %arg5[%add3A_584] : memref<13312xi32, #tpu.memory_space<vmem>> -> memref<128xi32, #tpu.memory_space<vmem>>
      %dma_wait3A_624 = arith.constant 0 : i32
      %dma_wait3A_625 = arith.constant 0 : i32
      %dma_wait3A_626 = tpu.memref_slice %arg2[%dma_wait3A_624, %dma_wait3A_625] : memref<2600000x32xf32, #tpu.memory_space<hbm>> -> memref<2600000x32xf32, #tpu.memory_space<hbm>>
      tpu.wait_indirect_dma semaphore(%arg10 : memref<!tpu.dma_semaphore, #tpu.memory_space<semaphore_mem>>) src(%dma_wait3A_626 : memref<2600000x32xf32, #tpu.memory_space<hbm>>) dst(%dma_wait3A_622 : memref<128x32xf32, #tpu.memory_space<vmem>>)
      %dma_wait3A_627 = arith.constant 384 : i32
      %dma_wait3A_628 = arith.constant 0 : i32
      %dma_wait3A_629 = tpu.memref_slice %arg7[%dma_wait3A_627, %dma_wait3A_628] : memref<512x32xf32, #tpu.memory_space<vmem>> -> memref<128x32xf32, #tpu.memory_space<vmem>>
      %dma_wait3A_630 = tpu.memref_slice %arg5[%add3A_593] : memref<13312xi32, #tpu.memory_space<vmem>> -> memref<128xi32, #tpu.memory_space<vmem>>
      %dma_wait3A_631 = arith.constant 0 : i32
      %dma_wait3A_632 = arith.constant 0 : i32
      %dma_wait3A_633 = tpu.memref_slice %arg2[%dma_wait3A_631, %dma_wait3A_632] : memref<2600000x32xf32, #tpu.memory_space<hbm>> -> memref<2600000x32xf32, #tpu.memory_space<hbm>>
      tpu.wait_indirect_dma semaphore(%arg10 : memref<!tpu.dma_semaphore, #tpu.memory_space<semaphore_mem>>) src(%dma_wait3A_633 : memref<2600000x32xf32, #tpu.memory_space<hbm>>) dst(%dma_wait3A_629 : memref<128x32xf32, #tpu.memory_space<vmem>>)
      %scan3A_634 = arith.constant 0 : i32
      %scan3A_635 = arith.constant 0 : i32
      %scan3A_636 = arith.constant 32 : i32
      %scan3A_637 = arith.addi %scan3A_635, %scan3A_636 : i32
      %scan3A_638 = arith.constant 1 : i32
      scf.for %scan3A_646 = %scan3A_635 to %scan3A_637 step %scan3A_638  : i32 {
        %mul3A_647 = arith.constant 16 : i32
        %mul3A_648 = arith.muli %scan3A_646, %mul3A_647 : i32
        %add3A_649 = vector.broadcast %mul3A_648 : i32 to vector<16xi32>
        %add3A_650 = arith.addi %iota3A, %add3A_649 : vector<16xi32>
        %add3A_651 = arith.constant 0 : i32
        %add3A_652 = vector.broadcast %add3A_651 : i32 to vector<16xi32>
        %add3A_653 = arith.addi %select_n3A_25, %add3A_652 : vector<16xi32>
        %add3A_654 = arith.constant 0 : i32
        %add3A_655 = vector.broadcast %add3A_654 : i32 to vector<16xi32>
        %add3A_656 = arith.addi %select_n3A_50, %add3A_655 : vector<16xi32>
        %add3A_657 = arith.constant 0 : i32
        %add3A_658 = vector.broadcast %add3A_657 : i32 to vector<16xi32>
        %add3A_659 = arith.addi %select_n3A_75, %add3A_658 : vector<16xi32>
        %add3A_660 = arith.constant 0 : i32
        %add3A_661 = vector.broadcast %add3A_660 : i32 to vector<16xi32>
        %add3A_662 = arith.addi %select_n3A_100, %add3A_661 : vector<16xi32>
        %gather3A = tpu.vector_load_idx %arg7[%add3A_650, %add3A_653] : memref<512x32xf32, #tpu.memory_space<vmem>>[vector<16xi32>, vector<16xi32>], vector<16xf32>,
        %gather3A_663 = tpu.vector_load_idx %arg7[%add3A_650, %add3A_656] : memref<512x32xf32, #tpu.memory_space<vmem>>[vector<16xi32>, vector<16xi32>], vector<16xf32>,
        %gather3A_664 = tpu.vector_load_idx %arg7[%add3A_650, %add3A_659] : memref<512x32xf32, #tpu.memory_space<vmem>>[vector<16xi32>, vector<16xi32>], vector<16xf32>,
        %gather3A_665 = tpu.vector_load_idx %arg7[%add3A_650, %add3A_662] : memref<512x32xf32, #tpu.memory_space<vmem>>[vector<16xi32>, vector<16xi32>], vector<16xf32>,
        tpu.vector_store_idx %arg9[%add3A_653, %add3A_650], %gather3A : memref<32x512xf32, #tpu.memory_space<vmem>>[vector<16xi32>, vector<16xi32>], vector<16xf32>,
        tpu.vector_store_idx %arg9[%add3A_656, %add3A_650], %gather3A_663 : memref<32x512xf32, #tpu.memory_space<vmem>>[vector<16xi32>, vector<16xi32>], vector<16xf32>,
        tpu.vector_store_idx %arg9[%add3A_659, %add3A_650], %gather3A_664 : memref<32x512xf32, #tpu.memory_space<vmem>>[vector<16xi32>, vector<16xi32>], vector<16xf32>,
        tpu.vector_store_idx %arg9[%add3A_662, %add3A_650], %gather3A_665 : memref<32x512xf32, #tpu.memory_space<vmem>>[vector<16xi32>, vector<16xi32>], vector<16xf32>,
        %add3A_666 = arith.constant 0 : i32
        %add3A_667 = vector.broadcast %add3A_666 : i32 to vector<16xi32>
        %add3A_668 = arith.addi %select_n3A_125, %add3A_667 : vector<16xi32>
        %add3A_669 = arith.constant 0 : i32
        %add3A_670 = vector.broadcast %add3A_669 : i32 to vector<16xi32>
        %add3A_671 = arith.addi %select_n3A_150, %add3A_670 : vector<16xi32>
        %add3A_672 = arith.constant 0 : i32
        %add3A_673 = vector.broadcast %add3A_672 : i32 to vector<16xi32>
        %add3A_674 = arith.addi %select_n3A_175, %add3A_673 : vector<16xi32>
        %add3A_675 = arith.constant 0 : i32
        %add3A_676 = vector.broadcast %add3A_675 : i32 to vector<16xi32>
        %add3A_677 = arith.addi %select_n3A_200, %add3A_676 : vector<16xi32>
        %gather3A_678 = tpu.vector_load_idx %arg7[%add3A_650, %add3A_668] : memref<512x32xf32, #tpu.memory_space<vmem>>[vector<16xi32>, vector<16xi32>], vector<16xf32>,
        %gather3A_679 = tpu.vector_load_idx %arg7[%add3A_650, %add3A_671] : memref<512x32xf32, #tpu.memory_space<vmem>>[vector<16xi32>, vector<16xi32>], vector<16xf32>,
        %gather3A_680 = tpu.vector_load_idx %arg7[%add3A_650, %add3A_674] : memref<512x32xf32, #tpu.memory_space<vmem>>[vector<16xi32>, vector<16xi32>], vector<16xf32>,
        %gather3A_681 = tpu.vector_load_idx %arg7[%add3A_650, %add3A_677] : memref<512x32xf32, #tpu.memory_space<vmem>>[vector<16xi32>, vector<16xi32>], vector<16xf32>,
        tpu.vector_store_idx %arg9[%add3A_668, %add3A_650], %gather3A_678 : memref<32x512xf32, #tpu.memory_space<vmem>>[vector<16xi32>, vector<16xi32>], vector<16xf32>,
        tpu.vector_store_idx %arg9[%add3A_671, %add3A_650], %gather3A_679 : memref<32x512xf32, #tpu.memory_space<vmem>>[vector<16xi32>, vector<16xi32>], vector<16xf32>,
        tpu.vector_store_idx %arg9[%add3A_674, %add3A_650], %gather3A_680 : memref<32x512xf32, #tpu.memory_space<vmem>>[vector<16xi32>, vector<16xi32>], vector<16xf32>,
        tpu.vector_store_idx %arg9[%add3A_677, %add3A_650], %gather3A_681 : memref<32x512xf32, #tpu.memory_space<vmem>>[vector<16xi32>, vector<16xi32>], vector<16xf32>,
        %add3A_682 = arith.constant 0 : i32
        %add3A_683 = vector.broadcast %add3A_682 : i32 to vector<16xi32>
        %add3A_684 = arith.addi %select_n3A_225, %add3A_683 : vector<16xi32>
        %add3A_685 = arith.constant 0 : i32
        %add3A_686 = vector.broadcast %add3A_685 : i32 to vector<16xi32>
        %add3A_687 = arith.addi %select_n3A_250, %add3A_686 : vector<16xi32>
        %add3A_688 = arith.constant 0 : i32
        %add3A_689 = vector.broadcast %add3A_688 : i32 to vector<16xi32>
        %add3A_690 = arith.addi %select_n3A_275, %add3A_689 : vector<16xi32>
        %add3A_691 = arith.constant 0 : i32
        %add3A_692 = vector.broadcast %add3A_691 : i32 to vector<16xi32>
        %add3A_693 = arith.addi %select_n3A_300, %add3A_692 : vector<16xi32>
        %gather3A_694 = tpu.vector_load_idx %arg7[%add3A_650, %add3A_684] : memref<512x32xf32, #tpu.memory_space<vmem>>[vector<16xi32>, vector<16xi32>], vector<16xf32>,
        %gather3A_695 = tpu.vector_load_idx %arg7[%add3A_650, %add3A_687] : memref<512x32xf32, #tpu.memory_space<vmem>>[vector<16xi32>, vector<16xi32>], vector<16xf32>,
        %gather3A_696 = tpu.vector_load_idx %arg7[%add3A_650, %add3A_690] : memref<512x32xf32, #tpu.memory_space<vmem>>[vector<16xi32>, vector<16xi32>], vector<16xf32>,
        %gather3A_697 = tpu.vector_load_idx %arg7[%add3A_650, %add3A_693] : memref<512x32xf32, #tpu.memory_space<vmem>>[vector<16xi32>, vector<16xi32>], vector<16xf32>,
        tpu.vector_store_idx %arg9[%add3A_684, %add3A_650], %gather3A_694 : memref<32x512xf32, #tpu.memory_space<vmem>>[vector<16xi32>, vector<16xi32>], vector<16xf32>,
        tpu.vector_store_idx %arg9[%add3A_687, %add3A_650], %gather3A_695 : memref<32x512xf32, #tpu.memory_space<vmem>>[vector<16xi32>, vector<16xi32>], vector<16xf32>,
        tpu.vector_store_idx %arg9[%add3A_690, %add3A_650], %gather3A_696 : memref<32x512xf32, #tpu.memory_space<vmem>>[vector<16xi32>, vector<16xi32>], vector<16xf32>,
        tpu.vector_store_idx %arg9[%add3A_693, %add3A_650], %gather3A_697 : memref<32x512xf32, #tpu.memory_space<vmem>>[vector<16xi32>, vector<16xi32>], vector<16xf32>,
        %add3A_698 = arith.constant 0 : i32
        %add3A_699 = vector.broadcast %add3A_698 : i32 to vector<16xi32>
        %add3A_700 = arith.addi %select_n3A_325, %add3A_699 : vector<16xi32>
        %add3A_701 = arith.constant 0 : i32
        %add3A_702 = vector.broadcast %add3A_701 : i32 to vector<16xi32>
        %add3A_703 = arith.addi %select_n3A_350, %add3A_702 : vector<16xi32>
        %add3A_704 = arith.constant 0 : i32
        %add3A_705 = vector.broadcast %add3A_704 : i32 to vector<16xi32>
        %add3A_706 = arith.addi %select_n3A_375, %add3A_705 : vector<16xi32>
        %add3A_707 = arith.constant 0 : i32
        %add3A_708 = vector.broadcast %add3A_707 : i32 to vector<16xi32>
        %add3A_709 = arith.addi %select_n3A_400, %add3A_708 : vector<16xi32>
        %gather3A_710 = tpu.vector_load_idx %arg7[%add3A_650, %add3A_700] : memref<512x32xf32, #tpu.memory_space<vmem>>[vector<16xi32>, vector<16xi32>], vector<16xf32>,
        %gather3A_711 = tpu.vector_load_idx %arg7[%add3A_650, %add3A_703] : memref<512x32xf32, #tpu.memory_space<vmem>>[vector<16xi32>, vector<16xi32>], vector<16xf32>,
        %gather3A_712 = tpu.vector_load_idx %arg7[%add3A_650, %add3A_706] : memref<512x32xf32, #tpu.memory_space<vmem>>[vector<16xi32>, vector<16xi32>], vector<16xf32>,
        %gather3A_713 = tpu.vector_load_idx %arg7[%add3A_650, %add3A_709] : memref<512x32xf32, #tpu.memory_space<vmem>>[vector<16xi32>, vector<16xi32>], vector<16xf32>,
        tpu.vector_store_idx %arg9[%add3A_700, %add3A_650], %gather3A_710 : memref<32x512xf32, #tpu.memory_space<vmem>>[vector<16xi32>, vector<16xi32>], vector<16xf32>,
        tpu.vector_store_idx %arg9[%add3A_703, %add3A_650], %gather3A_711 : memref<32x512xf32, #tpu.memory_space<vmem>>[vector<16xi32>, vector<16xi32>], vector<16xf32>,
        tpu.vector_store_idx %arg9[%add3A_706, %add3A_650], %gather3A_712 : memref<32x512xf32, #tpu.memory_space<vmem>>[vector<16xi32>, vector<16xi32>], vector<16xf32>,
        tpu.vector_store_idx %arg9[%add3A_709, %add3A_650], %gather3A_713 : memref<32x512xf32, #tpu.memory_space<vmem>>[vector<16xi32>, vector<16xi32>], vector<16xf32>,
        %add3A_714 = arith.constant 16 : i32
        %add3A_715 = vector.broadcast %add3A_714 : i32 to vector<16xi32>
        %add3A_716 = arith.addi %select_n3A_25, %add3A_715 : vector<16xi32>
        %add3A_717 = arith.constant 16 : i32
        %add3A_718 = vector.broadcast %add3A_717 : i32 to vector<16xi32>
        %add3A_719 = arith.addi %select_n3A_50, %add3A_718 : vector<16xi32>
        %add3A_720 = arith.constant 16 : i32
        %add3A_721 = vector.broadcast %add3A_720 : i32 to vector<16xi32>
        %add3A_722 = arith.addi %select_n3A_75, %add3A_721 : vector<16xi32>
        %add3A_723 = arith.constant 16 : i32
        %add3A_724 = vector.broadcast %add3A_723 : i32 to vector<16xi32>
        %add3A_725 = arith.addi %select_n3A_100, %add3A_724 : vector<16xi32>
        %gather3A_726 = tpu.vector_load_idx %arg7[%add3A_650, %add3A_716] : memref<512x32xf32, #tpu.memory_space<vmem>>[vector<16xi32>, vector<16xi32>], vector<16xf32>,
        %gather3A_727 = tpu.vector_load_idx %arg7[%add3A_650, %add3A_719] : memref<512x32xf32, #tpu.memory_space<vmem>>[vector<16xi32>, vector<16xi32>], vector<16xf32>,
        %gather3A_728 = tpu.vector_load_idx %arg7[%add3A_650, %add3A_722] : memref<512x32xf32, #tpu.memory_space<vmem>>[vector<16xi32>, vector<16xi32>], vector<16xf32>,
        %gather3A_729 = tpu.vector_load_idx %arg7[%add3A_650, %add3A_725] : memref<512x32xf32, #tpu.memory_space<vmem>>[vector<16xi32>, vector<16xi32>], vector<16xf32>,
        tpu.vector_store_idx %arg9[%add3A_716, %add3A_650], %gather3A_726 : memref<32x512xf32, #tpu.memory_space<vmem>>[vector<16xi32>, vector<16xi32>], vector<16xf32>,
        tpu.vector_store_idx %arg9[%add3A_719, %add3A_650], %gather3A_727 : memref<32x512xf32, #tpu.memory_space<vmem>>[vector<16xi32>, vector<16xi32>], vector<16xf32>,
        tpu.vector_store_idx %arg9[%add3A_722, %add3A_650], %gather3A_728 : memref<32x512xf32, #tpu.memory_space<vmem>>[vector<16xi32>, vector<16xi32>], vector<16xf32>,
        tpu.vector_store_idx %arg9[%add3A_725, %add3A_650], %gather3A_729 : memref<32x512xf32, #tpu.memory_space<vmem>>[vector<16xi32>, vector<16xi32>], vector<16xf32>,
        %add3A_730 = arith.constant 16 : i32
        %add3A_731 = vector.broadcast %add3A_730 : i32 to vector<16xi32>
        %add3A_732 = arith.addi %select_n3A_125, %add3A_731 : vector<16xi32>
        %add3A_733 = arith.constant 16 : i32
        %add3A_734 = vector.broadcast %add3A_733 : i32 to vector<16xi32>
        %add3A_735 = arith.addi %select_n3A_150, %add3A_734 : vector<16xi32>
        %add3A_736 = arith.constant 16 : i32
        %add3A_737 = vector.broadcast %add3A_736 : i32 to vector<16xi32>
        %add3A_738 = arith.addi %select_n3A_175, %add3A_737 : vector<16xi32>
        %add3A_739 = arith.constant 16 : i32
        %add3A_740 = vector.broadcast %add3A_739 : i32 to vector<16xi32>
        %add3A_741 = arith.addi %select_n3A_200, %add3A_740 : vector<16xi32>
        %gather3A_742 = tpu.vector_load_idx %arg7[%add3A_650, %add3A_732] : memref<512x32xf32, #tpu.memory_space<vmem>>[vector<16xi32>, vector<16xi32>], vector<16xf32>,
        %gather3A_743 = tpu.vector_load_idx %arg7[%add3A_650, %add3A_735] : memref<512x32xf32, #tpu.memory_space<vmem>>[vector<16xi32>, vector<16xi32>], vector<16xf32>,
        %gather3A_744 = tpu.vector_load_idx %arg7[%add3A_650, %add3A_738] : memref<512x32xf32, #tpu.memory_space<vmem>>[vector<16xi32>, vector<16xi32>], vector<16xf32>,
        %gather3A_745 = tpu.vector_load_idx %arg7[%add3A_650, %add3A_741] : memref<512x32xf32, #tpu.memory_space<vmem>>[vector<16xi32>, vector<16xi32>], vector<16xf32>,
        tpu.vector_store_idx %arg9[%add3A_732, %add3A_650], %gather3A_742 : memref<32x512xf32, #tpu.memory_space<vmem>>[vector<16xi32>, vector<16xi32>], vector<16xf32>,
        tpu.vector_store_idx %arg9[%add3A_735, %add3A_650], %gather3A_743 : memref<32x512xf32, #tpu.memory_space<vmem>>[vector<16xi32>, vector<16xi32>], vector<16xf32>,
        tpu.vector_store_idx %arg9[%add3A_738, %add3A_650], %gather3A_744 : memref<32x512xf32, #tpu.memory_space<vmem>>[vector<16xi32>, vector<16xi32>], vector<16xf32>,
        tpu.vector_store_idx %arg9[%add3A_741, %add3A_650], %gather3A_745 : memref<32x512xf32, #tpu.memory_space<vmem>>[vector<16xi32>, vector<16xi32>], vector<16xf32>,
        %add3A_746 = arith.constant 16 : i32
        %add3A_747 = vector.broadcast %add3A_746 : i32 to vector<16xi32>
        %add3A_748 = arith.addi %select_n3A_225, %add3A_747 : vector<16xi32>
        %add3A_749 = arith.constant 16 : i32
        %add3A_750 = vector.broadcast %add3A_749 : i32 to vector<16xi32>
        %add3A_751 = arith.addi %select_n3A_250, %add3A_750 : vector<16xi32>
        %add3A_752 = arith.constant 16 : i32
        %add3A_753 = vector.broadcast %add3A_752 : i32 to vector<16xi32>
        %add3A_754 = arith.addi %select_n3A_275, %add3A_753 : vector<16xi32>
        %add3A_755 = arith.constant 16 : i32
        %add3A_756 = vector.broadcast %add3A_755 : i32 to vector<16xi32>
        %add3A_757 = arith.addi %select_n3A_300, %add3A_756 : vector<16xi32>
        %gather3A_758 = tpu.vector_load_idx %arg7[%add3A_650, %add3A_748] : memref<512x32xf32, #tpu.memory_space<vmem>>[vector<16xi32>, vector<16xi32>], vector<16xf32>,
        %gather3A_759 = tpu.vector_load_idx %arg7[%add3A_650, %add3A_751] : memref<512x32xf32, #tpu.memory_space<vmem>>[vector<16xi32>, vector<16xi32>], vector<16xf32>,
        %gather3A_760 = tpu.vector_load_idx %arg7[%add3A_650, %add3A_754] : memref<512x32xf32, #tpu.memory_space<vmem>>[vector<16xi32>, vector<16xi32>], vector<16xf32>,
        %gather3A_761 = tpu.vector_load_idx %arg7[%add3A_650, %add3A_757] : memref<512x32xf32, #tpu.memory_space<vmem>>[vector<16xi32>, vector<16xi32>], vector<16xf32>,
        tpu.vector_store_idx %arg9[%add3A_748, %add3A_650], %gather3A_758 : memref<32x512xf32, #tpu.memory_space<vmem>>[vector<16xi32>, vector<16xi32>], vector<16xf32>,
        tpu.vector_store_idx %arg9[%add3A_751, %add3A_650], %gather3A_759 : memref<32x512xf32, #tpu.memory_space<vmem>>[vector<16xi32>, vector<16xi32>], vector<16xf32>,
        tpu.vector_store_idx %arg9[%add3A_754, %add3A_650], %gather3A_760 : memref<32x512xf32, #tpu.memory_space<vmem>>[vector<16xi32>, vector<16xi32>], vector<16xf32>,
        tpu.vector_store_idx %arg9[%add3A_757, %add3A_650], %gather3A_761 : memref<32x512xf32, #tpu.memory_space<vmem>>[vector<16xi32>, vector<16xi32>], vector<16xf32>,
        %add3A_762 = arith.constant 16 : i32
        %add3A_763 = vector.broadcast %add3A_762 : i32 to vector<16xi32>
        %add3A_764 = arith.addi %select_n3A_325, %add3A_763 : vector<16xi32>
        %add3A_765 = arith.constant 16 : i32
        %add3A_766 = vector.broadcast %add3A_765 : i32 to vector<16xi32>
        %add3A_767 = arith.addi %select_n3A_350, %add3A_766 : vector<16xi32>
        %add3A_768 = arith.constant 16 : i32
        %add3A_769 = vector.broadcast %add3A_768 : i32 to vector<16xi32>
        %add3A_770 = arith.addi %select_n3A_375, %add3A_769 : vector<16xi32>
        %add3A_771 = arith.constant 16 : i32
        %add3A_772 = vector.broadcast %add3A_771 : i32 to vector<16xi32>
        %add3A_773 = arith.addi %select_n3A_400, %add3A_772 : vector<16xi32>
        %gather3A_774 = tpu.vector_load_idx %arg7[%add3A_650, %add3A_764] : memref<512x32xf32, #tpu.memory_space<vmem>>[vector<16xi32>, vector<16xi32>], vector<16xf32>,
        %gather3A_775 = tpu.vector_load_idx %arg7[%add3A_650, %add3A_767] : memref<512x32xf32, #tpu.memory_space<vmem>>[vector<16xi32>, vector<16xi32>], vector<16xf32>,
        %gather3A_776 = tpu.vector_load_idx %arg7[%add3A_650, %add3A_770] : memref<512x32xf32, #tpu.memory_space<vmem>>[vector<16xi32>, vector<16xi32>], vector<16xf32>,
        %gather3A_777 = tpu.vector_load_idx %arg7[%add3A_650, %add3A_773] : memref<512x32xf32, #tpu.memory_space<vmem>>[vector<16xi32>, vector<16xi32>], vector<16xf32>,
        tpu.vector_store_idx %arg9[%add3A_764, %add3A_650], %gather3A_774 : memref<32x512xf32, #tpu.memory_space<vmem>>[vector<16xi32>, vector<16xi32>], vector<16xf32>,
        tpu.vector_store_idx %arg9[%add3A_767, %add3A_650], %gather3A_775 : memref<32x512xf32, #tpu.memory_space<vmem>>[vector<16xi32>, vector<16xi32>], vector<16xf32>,
        tpu.vector_store_idx %arg9[%add3A_770, %add3A_650], %gather3A_776 : memref<32x512xf32, #tpu.memory_space<vmem>>[vector<16xi32>, vector<16xi32>], vector<16xf32>,
        tpu.vector_store_idx %arg9[%add3A_773, %add3A_650], %gather3A_777 : memref<32x512xf32, #tpu.memory_space<vmem>>[vector<16xi32>, vector<16xi32>], vector<16xf32>,
      }
      %scan3A_639 = arith.constant 32 : i32
      %dma_start3A_640 = arith.constant 0 : i32
      %dma_start3A_641 = tpu.memref_slice %arg4[%select_n3A_561, %dma_start3A_640, %sub3A_564] : memref<26x32x16384xf32, #tpu.memory_space<hbm>> -> memref<1x32x512xf32, #tpu.memory_space<hbm>>
      %dma_start3A_642 = tpu.memref_squeeze %dma_start3A_641 : memref<1x32x512xf32, #tpu.memory_space<hbm>> -> memref<32x512xf32, #tpu.memory_space<hbm>>
      %dma_start3A_643 = arith.constant 0 : i32
      %dma_start3A_644 = tpu.memref_slice %arg4[%select_n3A_561, %dma_start3A_643, %sub3A_564] : memref<26x32x16384xf32, #tpu.memory_space<hbm>> -> memref<1x32x512xf32, #tpu.memory_space<hbm>>
      %dma_start3A_645 = tpu.memref_squeeze %dma_start3A_644 : memref<1x32x512xf32, #tpu.memory_space<hbm>> -> memref<32x512xf32, #tpu.memory_space<hbm>>
      tpu.enqueue_dma source(%arg9 : memref<32x512xf32, #tpu.memory_space<vmem>>) target(%dma_start3A_645 : memref<32x512xf32, #tpu.memory_space<hbm>>) target_semaphore(%arg12 : memref<!tpu.dma_semaphore, #tpu.memory_space<semaphore_mem>>)
    }
    %scan3A_406 = arith.constant 13 : i32
    %dma_wait3A = arith.constant 0 : i32
    %dma_wait3A_407 = arith.constant 0 : i32
    %dma_wait3A_408 = arith.constant 0 : i32
    %dma_wait3A_409 = tpu.memref_slice %arg4[%dma_wait3A, %dma_wait3A_407, %dma_wait3A_408] : memref<26x32x16384xf32, #tpu.memory_space<hbm>> -> memref<1x32x512xf32, #tpu.memory_space<hbm>>
    %dma_wait3A_410 = tpu.memref_squeeze %dma_wait3A_409 : memref<1x32x512xf32, #tpu.memory_space<hbm>> -> memref<32x512xf32, #tpu.memory_space<hbm>>
    %dma_wait3A_411 = arith.constant 0 : i32
    %dma_wait3A_412 = arith.constant 0 : i32
    %dma_wait3A_413 = tpu.memref_slice %arg4[%dma_wait3A, %dma_wait3A_411, %dma_wait3A_412] : memref<26x32x16384xf32, #tpu.memory_space<hbm>> -> memref<1x32x512xf32, #tpu.memory_space<hbm>>
    %dma_wait3A_414 = tpu.memref_squeeze %dma_wait3A_413 : memref<1x32x512xf32, #tpu.memory_space<hbm>> -> memref<32x512xf32, #tpu.memory_space<hbm>>
    tpu.wait_dma2 semaphore(%arg11 : memref<!tpu.dma_semaphore, #tpu.memory_space<semaphore_mem>>) src(%arg8 : memref<32x512xf32, #tpu.memory_space<vmem>>) dst(%dma_wait3A_414 : memref<32x512xf32, #tpu.memory_space<hbm>>)
    %dma_wait3A_415 = arith.constant 0 : i32
    %dma_wait3A_416 = arith.constant 0 : i32
    %dma_wait3A_417 = arith.constant 0 : i32
    %dma_wait3A_418 = tpu.memref_slice %arg4[%dma_wait3A_415, %dma_wait3A_416, %dma_wait3A_417] : memref<26x32x16384xf32, #tpu.memory_space<hbm>> -> memref<1x32x512xf32, #tpu.memory_space<hbm>>
    %dma_wait3A_419 = tpu.memref_squeeze %dma_wait3A_418 : memref<1x32x512xf32, #tpu.memory_space<hbm>> -> memref<32x512xf32, #tpu.memory_space<hbm>>
    %dma_wait3A_420 = arith.constant 0 : i32
    %dma_wait3A_421 = arith.constant 0 : i32
    %dma_wait3A_422 = tpu.memref_slice %arg4[%dma_wait3A_415, %dma_wait3A_420, %dma_wait3A_421] : memref<26x32x16384xf32, #tpu.memory_space<hbm>> -> memref<1x32x512xf32, #tpu.memory_space<hbm>>
    %dma_wait3A_423 = tpu.memref_squeeze %dma_wait3A_422 : memref<1x32x512xf32, #tpu.memory_space<hbm>> -> memref<32x512xf32, #tpu.memory_space<hbm>>
    tpu.wait_dma2 semaphore(%arg12 : memref<!tpu.dma_semaphore, #tpu.memory_space<semaphore_mem>>) src(%arg9 : memref<32x512xf32, #tpu.memory_space<vmem>>) dst(%dma_wait3A_423 : memref<32x512xf32, #tpu.memory_space<hbm>>)
    return
  }
}

#map = affine_map<(d0, d1) -> (0, 0, 0)>
#map1 = affine_map<(d0, d1) -> (0)>
module attributes {stable_mosaic.version = 14 : i64} {
  func.func @transform_kernel(%arg0: i32, %arg1: i32, %arg2: memref<26x32x100000xf32, #tpu.memory_space<hbm>>, %arg3: memref<83200000xf32, #tpu.memory_space<hbm>>, %arg4: memref<32x896xf32, #tpu.memory_space<vmem>>, %arg5: memref<32x896xf32, #tpu.memory_space<vmem>>, %arg6: memref<28672xf32, #tpu.memory_space<vmem>>, %arg7: memref<28672xf32, #tpu.memory_space<vmem>>, %arg8: memref<32x32xf32, #tpu.memory_space<vmem>>, %arg9: memref<1024xf32, #tpu.memory_space<vmem>>, %arg10: memref<!tpu.dma_semaphore, #tpu.memory_space<semaphore_mem>>, %arg11: memref<!tpu.dma_semaphore, #tpu.memory_space<semaphore_mem>>, %arg12: memref<!tpu.dma_semaphore, #tpu.memory_space<semaphore_mem>>, %arg13: memref<!tpu.dma_semaphore, #tpu.memory_space<semaphore_mem>>) attributes {dimension_semantics = [#tpu.dimension_semantics<core_parallel>, #tpu.dimension_semantics<subcore_parallel>], iteration_bounds = array<i64: 2, 16>, scalar_prefetch = 0 : i64, scratch_operands = 10 : i64, tpu.core_type = #tpu.core_type<sc_vector_subcore>, window_params = [{transform_indices = #map}, {transform_indices = #map1}]} {
    %mul3A = arith.constant 2 : i32
    %mul3A_0 = arith.muli %arg1, %mul3A : i32
    %add3A = arith.addi %mul3A_0, %arg0 : i32
    %mul3A_1 = arith.constant 92 : i32
    %mul3A_2 = arith.muli %add3A, %mul3A_1 : i32
    %iota3A = tpu.iota {dimensions = array<i32: 0>} : vector<16xi32>
    %sub3A = arith.subi %iota3A, %iota3A : vector<16xi32>
    %add3A_3 = arith.constant 16 : i32
    %add3A_4 = vector.broadcast %add3A_3 : i32 to vector<16xi32>
    %add3A_5 = arith.addi %iota3A, %add3A_4 : vector<16xi32>
    %add3A_6 = arith.constant 0 : i32
    %add3A_7 = vector.broadcast %add3A_6 : i32 to vector<16xi32>
    %add3A_8 = arith.addi %iota3A, %add3A_7 : vector<16xi32>
    %jit3A = arith.constant 16 : i32
    %eq3A = arith.constant 0 : i32
    %eq3A_9 = arith.cmpi eq, %jit3A, %eq3A : i32
    %jit3A_10 = arith.constant 1 : i32
    %select_n3A = arith.select %eq3A_9, %jit3A_10, %jit3A : i32
    %rem3A = vector.broadcast %select_n3A : i32 to vector<16xi32>
    %rem3A_11 = arith.remsi %add3A_8, %rem3A : vector<16xi32>
    %ne3A = arith.constant 0 : i32
    %ne3A_12 = vector.broadcast %ne3A : i32 to vector<16xi32>
    %ne3A_13 = arith.cmpi ne, %rem3A_11, %ne3A_12 : vector<16xi32>
    %lt3A = arith.constant 0 : i32
    %lt3A_14 = vector.broadcast %lt3A : i32 to vector<16xi32>
    %lt3A_15 = arith.cmpi slt, %rem3A_11, %lt3A_14 : vector<16xi32>
    %lt3A_16 = arith.constant 0 : i32
    %lt3A_17 = arith.cmpi slt, %select_n3A, %lt3A_16 : i32
    %ne3A_18 = vector.broadcast %lt3A_17 : i1 to vector<16xi1>
    %ne3A_19 = vector.broadcast %ne3A_18 : vector<16xi1> to vector<16xi1>
    %ne3A_20 = arith.xori %lt3A_15, %ne3A_19 : vector<16xi1>
    %and3A = arith.andi %ne3A_20, %ne3A_13 : vector<16xi1>
    %add3A_21 = vector.broadcast %select_n3A : i32 to vector<16xi32>
    %add3A_22 = arith.addi %rem3A_11, %add3A_21 : vector<16xi32>
    %select_n3A_23 = arith.select %and3A, %add3A_22, %rem3A_11 : vector<16xi1>, vector<16xi32>
    %add3A_24 = arith.constant 1 : i32
    %add3A_25 = vector.broadcast %add3A_24 : i32 to vector<16xi32>
    %add3A_26 = arith.addi %iota3A, %add3A_25 : vector<16xi32>
    %jit3A_27 = arith.constant 16 : i32
    %eq3A_28 = arith.constant 0 : i32
    %eq3A_29 = arith.cmpi eq, %jit3A_27, %eq3A_28 : i32
    %jit3A_30 = arith.constant 1 : i32
    %select_n3A_31 = arith.select %eq3A_29, %jit3A_30, %jit3A_27 : i32
    %rem3A_32 = vector.broadcast %select_n3A_31 : i32 to vector<16xi32>
    %rem3A_33 = arith.remsi %add3A_26, %rem3A_32 : vector<16xi32>
    %ne3A_34 = arith.constant 0 : i32
    %ne3A_35 = vector.broadcast %ne3A_34 : i32 to vector<16xi32>
    %ne3A_36 = arith.cmpi ne, %rem3A_33, %ne3A_35 : vector<16xi32>
    %lt3A_37 = arith.constant 0 : i32
    %lt3A_38 = vector.broadcast %lt3A_37 : i32 to vector<16xi32>
    %lt3A_39 = arith.cmpi slt, %rem3A_33, %lt3A_38 : vector<16xi32>
    %lt3A_40 = arith.constant 0 : i32
    %lt3A_41 = arith.cmpi slt, %select_n3A_31, %lt3A_40 : i32
    %ne3A_42 = vector.broadcast %lt3A_41 : i1 to vector<16xi1>
    %ne3A_43 = vector.broadcast %ne3A_42 : vector<16xi1> to vector<16xi1>
    %ne3A_44 = arith.xori %lt3A_39, %ne3A_43 : vector<16xi1>
    %and3A_45 = arith.andi %ne3A_44, %ne3A_36 : vector<16xi1>
    %add3A_46 = vector.broadcast %select_n3A_31 : i32 to vector<16xi32>
    %add3A_47 = arith.addi %rem3A_33, %add3A_46 : vector<16xi32>
    %select_n3A_48 = arith.select %and3A_45, %add3A_47, %rem3A_33 : vector<16xi1>, vector<16xi32>
    %add3A_49 = arith.constant 2 : i32
    %add3A_50 = vector.broadcast %add3A_49 : i32 to vector<16xi32>
    %add3A_51 = arith.addi %iota3A, %add3A_50 : vector<16xi32>
    %jit3A_52 = arith.constant 16 : i32
    %eq3A_53 = arith.constant 0 : i32
    %eq3A_54 = arith.cmpi eq, %jit3A_52, %eq3A_53 : i32
    %jit3A_55 = arith.constant 1 : i32
    %select_n3A_56 = arith.select %eq3A_54, %jit3A_55, %jit3A_52 : i32
    %rem3A_57 = vector.broadcast %select_n3A_56 : i32 to vector<16xi32>
    %rem3A_58 = arith.remsi %add3A_51, %rem3A_57 : vector<16xi32>
    %ne3A_59 = arith.constant 0 : i32
    %ne3A_60 = vector.broadcast %ne3A_59 : i32 to vector<16xi32>
    %ne3A_61 = arith.cmpi ne, %rem3A_58, %ne3A_60 : vector<16xi32>
    %lt3A_62 = arith.constant 0 : i32
    %lt3A_63 = vector.broadcast %lt3A_62 : i32 to vector<16xi32>
    %lt3A_64 = arith.cmpi slt, %rem3A_58, %lt3A_63 : vector<16xi32>
    %lt3A_65 = arith.constant 0 : i32
    %lt3A_66 = arith.cmpi slt, %select_n3A_56, %lt3A_65 : i32
    %ne3A_67 = vector.broadcast %lt3A_66 : i1 to vector<16xi1>
    %ne3A_68 = vector.broadcast %ne3A_67 : vector<16xi1> to vector<16xi1>
    %ne3A_69 = arith.xori %lt3A_64, %ne3A_68 : vector<16xi1>
    %and3A_70 = arith.andi %ne3A_69, %ne3A_61 : vector<16xi1>
    %add3A_71 = vector.broadcast %select_n3A_56 : i32 to vector<16xi32>
    %add3A_72 = arith.addi %rem3A_58, %add3A_71 : vector<16xi32>
    %select_n3A_73 = arith.select %and3A_70, %add3A_72, %rem3A_58 : vector<16xi1>, vector<16xi32>
    %add3A_74 = arith.constant 3 : i32
    %add3A_75 = vector.broadcast %add3A_74 : i32 to vector<16xi32>
    %add3A_76 = arith.addi %iota3A, %add3A_75 : vector<16xi32>
    %jit3A_77 = arith.constant 16 : i32
    %eq3A_78 = arith.constant 0 : i32
    %eq3A_79 = arith.cmpi eq, %jit3A_77, %eq3A_78 : i32
    %jit3A_80 = arith.constant 1 : i32
    %select_n3A_81 = arith.select %eq3A_79, %jit3A_80, %jit3A_77 : i32
    %rem3A_82 = vector.broadcast %select_n3A_81 : i32 to vector<16xi32>
    %rem3A_83 = arith.remsi %add3A_76, %rem3A_82 : vector<16xi32>
    %ne3A_84 = arith.constant 0 : i32
    %ne3A_85 = vector.broadcast %ne3A_84 : i32 to vector<16xi32>
    %ne3A_86 = arith.cmpi ne, %rem3A_83, %ne3A_85 : vector<16xi32>
    %lt3A_87 = arith.constant 0 : i32
    %lt3A_88 = vector.broadcast %lt3A_87 : i32 to vector<16xi32>
    %lt3A_89 = arith.cmpi slt, %rem3A_83, %lt3A_88 : vector<16xi32>
    %lt3A_90 = arith.constant 0 : i32
    %lt3A_91 = arith.cmpi slt, %select_n3A_81, %lt3A_90 : i32
    %ne3A_92 = vector.broadcast %lt3A_91 : i1 to vector<16xi1>
    %ne3A_93 = vector.broadcast %ne3A_92 : vector<16xi1> to vector<16xi1>
    %ne3A_94 = arith.xori %lt3A_89, %ne3A_93 : vector<16xi1>
    %and3A_95 = arith.andi %ne3A_94, %ne3A_86 : vector<16xi1>
    %add3A_96 = vector.broadcast %select_n3A_81 : i32 to vector<16xi32>
    %add3A_97 = arith.addi %rem3A_83, %add3A_96 : vector<16xi32>
    %select_n3A_98 = arith.select %and3A_95, %add3A_97, %rem3A_83 : vector<16xi1>, vector<16xi32>
    %add3A_99 = arith.constant 4 : i32
    %add3A_100 = vector.broadcast %add3A_99 : i32 to vector<16xi32>
    %add3A_101 = arith.addi %iota3A, %add3A_100 : vector<16xi32>
    %jit3A_102 = arith.constant 16 : i32
    %eq3A_103 = arith.constant 0 : i32
    %eq3A_104 = arith.cmpi eq, %jit3A_102, %eq3A_103 : i32
    %jit3A_105 = arith.constant 1 : i32
    %select_n3A_106 = arith.select %eq3A_104, %jit3A_105, %jit3A_102 : i32
    %rem3A_107 = vector.broadcast %select_n3A_106 : i32 to vector<16xi32>
    %rem3A_108 = arith.remsi %add3A_101, %rem3A_107 : vector<16xi32>
    %ne3A_109 = arith.constant 0 : i32
    %ne3A_110 = vector.broadcast %ne3A_109 : i32 to vector<16xi32>
    %ne3A_111 = arith.cmpi ne, %rem3A_108, %ne3A_110 : vector<16xi32>
    %lt3A_112 = arith.constant 0 : i32
    %lt3A_113 = vector.broadcast %lt3A_112 : i32 to vector<16xi32>
    %lt3A_114 = arith.cmpi slt, %rem3A_108, %lt3A_113 : vector<16xi32>
    %lt3A_115 = arith.constant 0 : i32
    %lt3A_116 = arith.cmpi slt, %select_n3A_106, %lt3A_115 : i32
    %ne3A_117 = vector.broadcast %lt3A_116 : i1 to vector<16xi1>
    %ne3A_118 = vector.broadcast %ne3A_117 : vector<16xi1> to vector<16xi1>
    %ne3A_119 = arith.xori %lt3A_114, %ne3A_118 : vector<16xi1>
    %and3A_120 = arith.andi %ne3A_119, %ne3A_111 : vector<16xi1>
    %add3A_121 = vector.broadcast %select_n3A_106 : i32 to vector<16xi32>
    %add3A_122 = arith.addi %rem3A_108, %add3A_121 : vector<16xi32>
    %select_n3A_123 = arith.select %and3A_120, %add3A_122, %rem3A_108 : vector<16xi1>, vector<16xi32>
    %add3A_124 = arith.constant 5 : i32
    %add3A_125 = vector.broadcast %add3A_124 : i32 to vector<16xi32>
    %add3A_126 = arith.addi %iota3A, %add3A_125 : vector<16xi32>
    %jit3A_127 = arith.constant 16 : i32
    %eq3A_128 = arith.constant 0 : i32
    %eq3A_129 = arith.cmpi eq, %jit3A_127, %eq3A_128 : i32
    %jit3A_130 = arith.constant 1 : i32
    %select_n3A_131 = arith.select %eq3A_129, %jit3A_130, %jit3A_127 : i32
    %rem3A_132 = vector.broadcast %select_n3A_131 : i32 to vector<16xi32>
    %rem3A_133 = arith.remsi %add3A_126, %rem3A_132 : vector<16xi32>
    %ne3A_134 = arith.constant 0 : i32
    %ne3A_135 = vector.broadcast %ne3A_134 : i32 to vector<16xi32>
    %ne3A_136 = arith.cmpi ne, %rem3A_133, %ne3A_135 : vector<16xi32>
    %lt3A_137 = arith.constant 0 : i32
    %lt3A_138 = vector.broadcast %lt3A_137 : i32 to vector<16xi32>
    %lt3A_139 = arith.cmpi slt, %rem3A_133, %lt3A_138 : vector<16xi32>
    %lt3A_140 = arith.constant 0 : i32
    %lt3A_141 = arith.cmpi slt, %select_n3A_131, %lt3A_140 : i32
    %ne3A_142 = vector.broadcast %lt3A_141 : i1 to vector<16xi1>
    %ne3A_143 = vector.broadcast %ne3A_142 : vector<16xi1> to vector<16xi1>
    %ne3A_144 = arith.xori %lt3A_139, %ne3A_143 : vector<16xi1>
    %and3A_145 = arith.andi %ne3A_144, %ne3A_136 : vector<16xi1>
    %add3A_146 = vector.broadcast %select_n3A_131 : i32 to vector<16xi32>
    %add3A_147 = arith.addi %rem3A_133, %add3A_146 : vector<16xi32>
    %select_n3A_148 = arith.select %and3A_145, %add3A_147, %rem3A_133 : vector<16xi1>, vector<16xi32>
    %add3A_149 = arith.constant 6 : i32
    %add3A_150 = vector.broadcast %add3A_149 : i32 to vector<16xi32>
    %add3A_151 = arith.addi %iota3A, %add3A_150 : vector<16xi32>
    %jit3A_152 = arith.constant 16 : i32
    %eq3A_153 = arith.constant 0 : i32
    %eq3A_154 = arith.cmpi eq, %jit3A_152, %eq3A_153 : i32
    %jit3A_155 = arith.constant 1 : i32
    %select_n3A_156 = arith.select %eq3A_154, %jit3A_155, %jit3A_152 : i32
    %rem3A_157 = vector.broadcast %select_n3A_156 : i32 to vector<16xi32>
    %rem3A_158 = arith.remsi %add3A_151, %rem3A_157 : vector<16xi32>
    %ne3A_159 = arith.constant 0 : i32
    %ne3A_160 = vector.broadcast %ne3A_159 : i32 to vector<16xi32>
    %ne3A_161 = arith.cmpi ne, %rem3A_158, %ne3A_160 : vector<16xi32>
    %lt3A_162 = arith.constant 0 : i32
    %lt3A_163 = vector.broadcast %lt3A_162 : i32 to vector<16xi32>
    %lt3A_164 = arith.cmpi slt, %rem3A_158, %lt3A_163 : vector<16xi32>
    %lt3A_165 = arith.constant 0 : i32
    %lt3A_166 = arith.cmpi slt, %select_n3A_156, %lt3A_165 : i32
    %ne3A_167 = vector.broadcast %lt3A_166 : i1 to vector<16xi1>
    %ne3A_168 = vector.broadcast %ne3A_167 : vector<16xi1> to vector<16xi1>
    %ne3A_169 = arith.xori %lt3A_164, %ne3A_168 : vector<16xi1>
    %and3A_170 = arith.andi %ne3A_169, %ne3A_161 : vector<16xi1>
    %add3A_171 = vector.broadcast %select_n3A_156 : i32 to vector<16xi32>
    %add3A_172 = arith.addi %rem3A_158, %add3A_171 : vector<16xi32>
    %select_n3A_173 = arith.select %and3A_170, %add3A_172, %rem3A_158 : vector<16xi1>, vector<16xi32>
    %add3A_174 = arith.constant 7 : i32
    %add3A_175 = vector.broadcast %add3A_174 : i32 to vector<16xi32>
    %add3A_176 = arith.addi %iota3A, %add3A_175 : vector<16xi32>
    %jit3A_177 = arith.constant 16 : i32
    %eq3A_178 = arith.constant 0 : i32
    %eq3A_179 = arith.cmpi eq, %jit3A_177, %eq3A_178 : i32
    %jit3A_180 = arith.constant 1 : i32
    %select_n3A_181 = arith.select %eq3A_179, %jit3A_180, %jit3A_177 : i32
    %rem3A_182 = vector.broadcast %select_n3A_181 : i32 to vector<16xi32>
    %rem3A_183 = arith.remsi %add3A_176, %rem3A_182 : vector<16xi32>
    %ne3A_184 = arith.constant 0 : i32
    %ne3A_185 = vector.broadcast %ne3A_184 : i32 to vector<16xi32>
    %ne3A_186 = arith.cmpi ne, %rem3A_183, %ne3A_185 : vector<16xi32>
    %lt3A_187 = arith.constant 0 : i32
    %lt3A_188 = vector.broadcast %lt3A_187 : i32 to vector<16xi32>
    %lt3A_189 = arith.cmpi slt, %rem3A_183, %lt3A_188 : vector<16xi32>
    %lt3A_190 = arith.constant 0 : i32
    %lt3A_191 = arith.cmpi slt, %select_n3A_181, %lt3A_190 : i32
    %ne3A_192 = vector.broadcast %lt3A_191 : i1 to vector<16xi1>
    %ne3A_193 = vector.broadcast %ne3A_192 : vector<16xi1> to vector<16xi1>
    %ne3A_194 = arith.xori %lt3A_189, %ne3A_193 : vector<16xi1>
    %and3A_195 = arith.andi %ne3A_194, %ne3A_186 : vector<16xi1>
    %add3A_196 = vector.broadcast %select_n3A_181 : i32 to vector<16xi32>
    %add3A_197 = arith.addi %rem3A_183, %add3A_196 : vector<16xi32>
    %select_n3A_198 = arith.select %and3A_195, %add3A_197, %rem3A_183 : vector<16xi1>, vector<16xi32>
    %add3A_199 = arith.constant 8 : i32
    %add3A_200 = vector.broadcast %add3A_199 : i32 to vector<16xi32>
    %add3A_201 = arith.addi %iota3A, %add3A_200 : vector<16xi32>
    %jit3A_202 = arith.constant 16 : i32
    %eq3A_203 = arith.constant 0 : i32
    %eq3A_204 = arith.cmpi eq, %jit3A_202, %eq3A_203 : i32
    %jit3A_205 = arith.constant 1 : i32
    %select_n3A_206 = arith.select %eq3A_204, %jit3A_205, %jit3A_202 : i32
    %rem3A_207 = vector.broadcast %select_n3A_206 : i32 to vector<16xi32>
    %rem3A_208 = arith.remsi %add3A_201, %rem3A_207 : vector<16xi32>
    %ne3A_209 = arith.constant 0 : i32
    %ne3A_210 = vector.broadcast %ne3A_209 : i32 to vector<16xi32>
    %ne3A_211 = arith.cmpi ne, %rem3A_208, %ne3A_210 : vector<16xi32>
    %lt3A_212 = arith.constant 0 : i32
    %lt3A_213 = vector.broadcast %lt3A_212 : i32 to vector<16xi32>
    %lt3A_214 = arith.cmpi slt, %rem3A_208, %lt3A_213 : vector<16xi32>
    %lt3A_215 = arith.constant 0 : i32
    %lt3A_216 = arith.cmpi slt, %select_n3A_206, %lt3A_215 : i32
    %ne3A_217 = vector.broadcast %lt3A_216 : i1 to vector<16xi1>
    %ne3A_218 = vector.broadcast %ne3A_217 : vector<16xi1> to vector<16xi1>
    %ne3A_219 = arith.xori %lt3A_214, %ne3A_218 : vector<16xi1>
    %and3A_220 = arith.andi %ne3A_219, %ne3A_211 : vector<16xi1>
    %add3A_221 = vector.broadcast %select_n3A_206 : i32 to vector<16xi32>
    %add3A_222 = arith.addi %rem3A_208, %add3A_221 : vector<16xi32>
    %select_n3A_223 = arith.select %and3A_220, %add3A_222, %rem3A_208 : vector<16xi1>, vector<16xi32>
    %add3A_224 = arith.constant 9 : i32
    %add3A_225 = vector.broadcast %add3A_224 : i32 to vector<16xi32>
    %add3A_226 = arith.addi %iota3A, %add3A_225 : vector<16xi32>
    %jit3A_227 = arith.constant 16 : i32
    %eq3A_228 = arith.constant 0 : i32
    %eq3A_229 = arith.cmpi eq, %jit3A_227, %eq3A_228 : i32
    %jit3A_230 = arith.constant 1 : i32
    %select_n3A_231 = arith.select %eq3A_229, %jit3A_230, %jit3A_227 : i32
    %rem3A_232 = vector.broadcast %select_n3A_231 : i32 to vector<16xi32>
    %rem3A_233 = arith.remsi %add3A_226, %rem3A_232 : vector<16xi32>
    %ne3A_234 = arith.constant 0 : i32
    %ne3A_235 = vector.broadcast %ne3A_234 : i32 to vector<16xi32>
    %ne3A_236 = arith.cmpi ne, %rem3A_233, %ne3A_235 : vector<16xi32>
    %lt3A_237 = arith.constant 0 : i32
    %lt3A_238 = vector.broadcast %lt3A_237 : i32 to vector<16xi32>
    %lt3A_239 = arith.cmpi slt, %rem3A_233, %lt3A_238 : vector<16xi32>
    %lt3A_240 = arith.constant 0 : i32
    %lt3A_241 = arith.cmpi slt, %select_n3A_231, %lt3A_240 : i32
    %ne3A_242 = vector.broadcast %lt3A_241 : i1 to vector<16xi1>
    %ne3A_243 = vector.broadcast %ne3A_242 : vector<16xi1> to vector<16xi1>
    %ne3A_244 = arith.xori %lt3A_239, %ne3A_243 : vector<16xi1>
    %and3A_245 = arith.andi %ne3A_244, %ne3A_236 : vector<16xi1>
    %add3A_246 = vector.broadcast %select_n3A_231 : i32 to vector<16xi32>
    %add3A_247 = arith.addi %rem3A_233, %add3A_246 : vector<16xi32>
    %select_n3A_248 = arith.select %and3A_245, %add3A_247, %rem3A_233 : vector<16xi1>, vector<16xi32>
    %add3A_249 = arith.constant 10 : i32
    %add3A_250 = vector.broadcast %add3A_249 : i32 to vector<16xi32>
    %add3A_251 = arith.addi %iota3A, %add3A_250 : vector<16xi32>
    %jit3A_252 = arith.constant 16 : i32
    %eq3A_253 = arith.constant 0 : i32
    %eq3A_254 = arith.cmpi eq, %jit3A_252, %eq3A_253 : i32
    %jit3A_255 = arith.constant 1 : i32
    %select_n3A_256 = arith.select %eq3A_254, %jit3A_255, %jit3A_252 : i32
    %rem3A_257 = vector.broadcast %select_n3A_256 : i32 to vector<16xi32>
    %rem3A_258 = arith.remsi %add3A_251, %rem3A_257 : vector<16xi32>
    %ne3A_259 = arith.constant 0 : i32
    %ne3A_260 = vector.broadcast %ne3A_259 : i32 to vector<16xi32>
    %ne3A_261 = arith.cmpi ne, %rem3A_258, %ne3A_260 : vector<16xi32>
    %lt3A_262 = arith.constant 0 : i32
    %lt3A_263 = vector.broadcast %lt3A_262 : i32 to vector<16xi32>
    %lt3A_264 = arith.cmpi slt, %rem3A_258, %lt3A_263 : vector<16xi32>
    %lt3A_265 = arith.constant 0 : i32
    %lt3A_266 = arith.cmpi slt, %select_n3A_256, %lt3A_265 : i32
    %ne3A_267 = vector.broadcast %lt3A_266 : i1 to vector<16xi1>
    %ne3A_268 = vector.broadcast %ne3A_267 : vector<16xi1> to vector<16xi1>
    %ne3A_269 = arith.xori %lt3A_264, %ne3A_268 : vector<16xi1>
    %and3A_270 = arith.andi %ne3A_269, %ne3A_261 : vector<16xi1>
    %add3A_271 = vector.broadcast %select_n3A_256 : i32 to vector<16xi32>
    %add3A_272 = arith.addi %rem3A_258, %add3A_271 : vector<16xi32>
    %select_n3A_273 = arith.select %and3A_270, %add3A_272, %rem3A_258 : vector<16xi1>, vector<16xi32>
    %add3A_274 = arith.constant 11 : i32
    %add3A_275 = vector.broadcast %add3A_274 : i32 to vector<16xi32>
    %add3A_276 = arith.addi %iota3A, %add3A_275 : vector<16xi32>
    %jit3A_277 = arith.constant 16 : i32
    %eq3A_278 = arith.constant 0 : i32
    %eq3A_279 = arith.cmpi eq, %jit3A_277, %eq3A_278 : i32
    %jit3A_280 = arith.constant 1 : i32
    %select_n3A_281 = arith.select %eq3A_279, %jit3A_280, %jit3A_277 : i32
    %rem3A_282 = vector.broadcast %select_n3A_281 : i32 to vector<16xi32>
    %rem3A_283 = arith.remsi %add3A_276, %rem3A_282 : vector<16xi32>
    %ne3A_284 = arith.constant 0 : i32
    %ne3A_285 = vector.broadcast %ne3A_284 : i32 to vector<16xi32>
    %ne3A_286 = arith.cmpi ne, %rem3A_283, %ne3A_285 : vector<16xi32>
    %lt3A_287 = arith.constant 0 : i32
    %lt3A_288 = vector.broadcast %lt3A_287 : i32 to vector<16xi32>
    %lt3A_289 = arith.cmpi slt, %rem3A_283, %lt3A_288 : vector<16xi32>
    %lt3A_290 = arith.constant 0 : i32
    %lt3A_291 = arith.cmpi slt, %select_n3A_281, %lt3A_290 : i32
    %ne3A_292 = vector.broadcast %lt3A_291 : i1 to vector<16xi1>
    %ne3A_293 = vector.broadcast %ne3A_292 : vector<16xi1> to vector<16xi1>
    %ne3A_294 = arith.xori %lt3A_289, %ne3A_293 : vector<16xi1>
    %and3A_295 = arith.andi %ne3A_294, %ne3A_286 : vector<16xi1>
    %add3A_296 = vector.broadcast %select_n3A_281 : i32 to vector<16xi32>
    %add3A_297 = arith.addi %rem3A_283, %add3A_296 : vector<16xi32>
    %select_n3A_298 = arith.select %and3A_295, %add3A_297, %rem3A_283 : vector<16xi1>, vector<16xi32>
    %add3A_299 = arith.constant 12 : i32
    %add3A_300 = vector.broadcast %add3A_299 : i32 to vector<16xi32>
    %add3A_301 = arith.addi %iota3A, %add3A_300 : vector<16xi32>
    %jit3A_302 = arith.constant 16 : i32
    %eq3A_303 = arith.constant 0 : i32
    %eq3A_304 = arith.cmpi eq, %jit3A_302, %eq3A_303 : i32
    %jit3A_305 = arith.constant 1 : i32
    %select_n3A_306 = arith.select %eq3A_304, %jit3A_305, %jit3A_302 : i32
    %rem3A_307 = vector.broadcast %select_n3A_306 : i32 to vector<16xi32>
    %rem3A_308 = arith.remsi %add3A_301, %rem3A_307 : vector<16xi32>
    %ne3A_309 = arith.constant 0 : i32
    %ne3A_310 = vector.broadcast %ne3A_309 : i32 to vector<16xi32>
    %ne3A_311 = arith.cmpi ne, %rem3A_308, %ne3A_310 : vector<16xi32>
    %lt3A_312 = arith.constant 0 : i32
    %lt3A_313 = vector.broadcast %lt3A_312 : i32 to vector<16xi32>
    %lt3A_314 = arith.cmpi slt, %rem3A_308, %lt3A_313 : vector<16xi32>
    %lt3A_315 = arith.constant 0 : i32
    %lt3A_316 = arith.cmpi slt, %select_n3A_306, %lt3A_315 : i32
    %ne3A_317 = vector.broadcast %lt3A_316 : i1 to vector<16xi1>
    %ne3A_318 = vector.broadcast %ne3A_317 : vector<16xi1> to vector<16xi1>
    %ne3A_319 = arith.xori %lt3A_314, %ne3A_318 : vector<16xi1>
    %and3A_320 = arith.andi %ne3A_319, %ne3A_311 : vector<16xi1>
    %add3A_321 = vector.broadcast %select_n3A_306 : i32 to vector<16xi32>
    %add3A_322 = arith.addi %rem3A_308, %add3A_321 : vector<16xi32>
    %select_n3A_323 = arith.select %and3A_320, %add3A_322, %rem3A_308 : vector<16xi1>, vector<16xi32>
    %add3A_324 = arith.constant 13 : i32
    %add3A_325 = vector.broadcast %add3A_324 : i32 to vector<16xi32>
    %add3A_326 = arith.addi %iota3A, %add3A_325 : vector<16xi32>
    %jit3A_327 = arith.constant 16 : i32
    %eq3A_328 = arith.constant 0 : i32
    %eq3A_329 = arith.cmpi eq, %jit3A_327, %eq3A_328 : i32
    %jit3A_330 = arith.constant 1 : i32
    %select_n3A_331 = arith.select %eq3A_329, %jit3A_330, %jit3A_327 : i32
    %rem3A_332 = vector.broadcast %select_n3A_331 : i32 to vector<16xi32>
    %rem3A_333 = arith.remsi %add3A_326, %rem3A_332 : vector<16xi32>
    %ne3A_334 = arith.constant 0 : i32
    %ne3A_335 = vector.broadcast %ne3A_334 : i32 to vector<16xi32>
    %ne3A_336 = arith.cmpi ne, %rem3A_333, %ne3A_335 : vector<16xi32>
    %lt3A_337 = arith.constant 0 : i32
    %lt3A_338 = vector.broadcast %lt3A_337 : i32 to vector<16xi32>
    %lt3A_339 = arith.cmpi slt, %rem3A_333, %lt3A_338 : vector<16xi32>
    %lt3A_340 = arith.constant 0 : i32
    %lt3A_341 = arith.cmpi slt, %select_n3A_331, %lt3A_340 : i32
    %ne3A_342 = vector.broadcast %lt3A_341 : i1 to vector<16xi1>
    %ne3A_343 = vector.broadcast %ne3A_342 : vector<16xi1> to vector<16xi1>
    %ne3A_344 = arith.xori %lt3A_339, %ne3A_343 : vector<16xi1>
    %and3A_345 = arith.andi %ne3A_344, %ne3A_336 : vector<16xi1>
    %add3A_346 = vector.broadcast %select_n3A_331 : i32 to vector<16xi32>
    %add3A_347 = arith.addi %rem3A_333, %add3A_346 : vector<16xi32>
    %select_n3A_348 = arith.select %and3A_345, %add3A_347, %rem3A_333 : vector<16xi1>, vector<16xi32>
    %add3A_349 = arith.constant 14 : i32
    %add3A_350 = vector.broadcast %add3A_349 : i32 to vector<16xi32>
    %add3A_351 = arith.addi %iota3A, %add3A_350 : vector<16xi32>
    %jit3A_352 = arith.constant 16 : i32
    %eq3A_353 = arith.constant 0 : i32
    %eq3A_354 = arith.cmpi eq, %jit3A_352, %eq3A_353 : i32
    %jit3A_355 = arith.constant 1 : i32
    %select_n3A_356 = arith.select %eq3A_354, %jit3A_355, %jit3A_352 : i32
    %rem3A_357 = vector.broadcast %select_n3A_356 : i32 to vector<16xi32>
    %rem3A_358 = arith.remsi %add3A_351, %rem3A_357 : vector<16xi32>
    %ne3A_359 = arith.constant 0 : i32
    %ne3A_360 = vector.broadcast %ne3A_359 : i32 to vector<16xi32>
    %ne3A_361 = arith.cmpi ne, %rem3A_358, %ne3A_360 : vector<16xi32>
    %lt3A_362 = arith.constant 0 : i32
    %lt3A_363 = vector.broadcast %lt3A_362 : i32 to vector<16xi32>
    %lt3A_364 = arith.cmpi slt, %rem3A_358, %lt3A_363 : vector<16xi32>
    %lt3A_365 = arith.constant 0 : i32
    %lt3A_366 = arith.cmpi slt, %select_n3A_356, %lt3A_365 : i32
    %ne3A_367 = vector.broadcast %lt3A_366 : i1 to vector<16xi1>
    %ne3A_368 = vector.broadcast %ne3A_367 : vector<16xi1> to vector<16xi1>
    %ne3A_369 = arith.xori %lt3A_364, %ne3A_368 : vector<16xi1>
    %and3A_370 = arith.andi %ne3A_369, %ne3A_361 : vector<16xi1>
    %add3A_371 = vector.broadcast %select_n3A_356 : i32 to vector<16xi32>
    %add3A_372 = arith.addi %rem3A_358, %add3A_371 : vector<16xi32>
    %select_n3A_373 = arith.select %and3A_370, %add3A_372, %rem3A_358 : vector<16xi1>, vector<16xi32>
    %add3A_374 = arith.constant 15 : i32
    %add3A_375 = vector.broadcast %add3A_374 : i32 to vector<16xi32>
    %add3A_376 = arith.addi %iota3A, %add3A_375 : vector<16xi32>
    %jit3A_377 = arith.constant 16 : i32
    %eq3A_378 = arith.constant 0 : i32
    %eq3A_379 = arith.cmpi eq, %jit3A_377, %eq3A_378 : i32
    %jit3A_380 = arith.constant 1 : i32
    %select_n3A_381 = arith.select %eq3A_379, %jit3A_380, %jit3A_377 : i32
    %rem3A_382 = vector.broadcast %select_n3A_381 : i32 to vector<16xi32>
    %rem3A_383 = arith.remsi %add3A_376, %rem3A_382 : vector<16xi32>
    %ne3A_384 = arith.constant 0 : i32
    %ne3A_385 = vector.broadcast %ne3A_384 : i32 to vector<16xi32>
    %ne3A_386 = arith.cmpi ne, %rem3A_383, %ne3A_385 : vector<16xi32>
    %lt3A_387 = arith.constant 0 : i32
    %lt3A_388 = vector.broadcast %lt3A_387 : i32 to vector<16xi32>
    %lt3A_389 = arith.cmpi slt, %rem3A_383, %lt3A_388 : vector<16xi32>
    %lt3A_390 = arith.constant 0 : i32
    %lt3A_391 = arith.cmpi slt, %select_n3A_381, %lt3A_390 : i32
    %ne3A_392 = vector.broadcast %lt3A_391 : i1 to vector<16xi1>
    %ne3A_393 = vector.broadcast %ne3A_392 : vector<16xi1> to vector<16xi1>
    %ne3A_394 = arith.xori %lt3A_389, %ne3A_393 : vector<16xi1>
    %and3A_395 = arith.andi %ne3A_394, %ne3A_386 : vector<16xi1>
    %add3A_396 = vector.broadcast %select_n3A_381 : i32 to vector<16xi32>
    %add3A_397 = arith.addi %rem3A_383, %add3A_396 : vector<16xi32>
    %select_n3A_398 = arith.select %and3A_395, %add3A_397, %rem3A_383 : vector<16xi1>, vector<16xi32>
    %add3A_399 = arith.constant 0 : i32
    %add3A_400 = vector.broadcast %add3A_399 : i32 to vector<16xi32>
    %add3A_401 = arith.addi %iota3A, %add3A_400 : vector<16xi32>
    %jit3A_402 = arith.constant 16 : i32
    %eq3A_403 = arith.constant 0 : i32
    %eq3A_404 = arith.cmpi eq, %jit3A_402, %eq3A_403 : i32
    %jit3A_405 = arith.constant 1 : i32
    %select_n3A_406 = arith.select %eq3A_404, %jit3A_405, %jit3A_402 : i32
    %rem3A_407 = vector.broadcast %select_n3A_406 : i32 to vector<16xi32>
    %rem3A_408 = arith.remsi %add3A_401, %rem3A_407 : vector<16xi32>
    %ne3A_409 = arith.constant 0 : i32
    %ne3A_410 = vector.broadcast %ne3A_409 : i32 to vector<16xi32>
    %ne3A_411 = arith.cmpi ne, %rem3A_408, %ne3A_410 : vector<16xi32>
    %lt3A_412 = arith.constant 0 : i32
    %lt3A_413 = vector.broadcast %lt3A_412 : i32 to vector<16xi32>
    %lt3A_414 = arith.cmpi slt, %rem3A_408, %lt3A_413 : vector<16xi32>
    %lt3A_415 = arith.constant 0 : i32
    %lt3A_416 = arith.cmpi slt, %select_n3A_406, %lt3A_415 : i32
    %ne3A_417 = vector.broadcast %lt3A_416 : i1 to vector<16xi1>
    %ne3A_418 = vector.broadcast %ne3A_417 : vector<16xi1> to vector<16xi1>
    %ne3A_419 = arith.xori %lt3A_414, %ne3A_418 : vector<16xi1>
    %and3A_420 = arith.andi %ne3A_419, %ne3A_411 : vector<16xi1>
    %add3A_421 = vector.broadcast %select_n3A_406 : i32 to vector<16xi32>
    %add3A_422 = arith.addi %rem3A_408, %add3A_421 : vector<16xi32>
    %select_n3A_423 = arith.select %and3A_420, %add3A_422, %rem3A_408 : vector<16xi1>, vector<16xi32>
    %mul3A_424 = arith.constant 32 : i32
    %mul3A_425 = vector.broadcast %mul3A_424 : i32 to vector<16xi32>
    %mul3A_426 = arith.muli %select_n3A_423, %mul3A_425 : vector<16xi32>
    %add3A_427 = arith.addi %mul3A_426, %iota3A : vector<16xi32>
    %add3A_428 = arith.constant 1 : i32
    %add3A_429 = vector.broadcast %add3A_428 : i32 to vector<16xi32>
    %add3A_430 = arith.addi %iota3A, %add3A_429 : vector<16xi32>
    %jit3A_431 = arith.constant 16 : i32
    %eq3A_432 = arith.constant 0 : i32
    %eq3A_433 = arith.cmpi eq, %jit3A_431, %eq3A_432 : i32
    %jit3A_434 = arith.constant 1 : i32
    %select_n3A_435 = arith.select %eq3A_433, %jit3A_434, %jit3A_431 : i32
    %rem3A_436 = vector.broadcast %select_n3A_435 : i32 to vector<16xi32>
    %rem3A_437 = arith.remsi %add3A_430, %rem3A_436 : vector<16xi32>
    %ne3A_438 = arith.constant 0 : i32
    %ne3A_439 = vector.broadcast %ne3A_438 : i32 to vector<16xi32>
    %ne3A_440 = arith.cmpi ne, %rem3A_437, %ne3A_439 : vector<16xi32>
    %lt3A_441 = arith.constant 0 : i32
    %lt3A_442 = vector.broadcast %lt3A_441 : i32 to vector<16xi32>
    %lt3A_443 = arith.cmpi slt, %rem3A_437, %lt3A_442 : vector<16xi32>
    %lt3A_444 = arith.constant 0 : i32
    %lt3A_445 = arith.cmpi slt, %select_n3A_435, %lt3A_444 : i32
    %ne3A_446 = vector.broadcast %lt3A_445 : i1 to vector<16xi1>
    %ne3A_447 = vector.broadcast %ne3A_446 : vector<16xi1> to vector<16xi1>
    %ne3A_448 = arith.xori %lt3A_443, %ne3A_447 : vector<16xi1>
    %and3A_449 = arith.andi %ne3A_448, %ne3A_440 : vector<16xi1>
    %add3A_450 = vector.broadcast %select_n3A_435 : i32 to vector<16xi32>
    %add3A_451 = arith.addi %rem3A_437, %add3A_450 : vector<16xi32>
    %select_n3A_452 = arith.select %and3A_449, %add3A_451, %rem3A_437 : vector<16xi1>, vector<16xi32>
    %mul3A_453 = arith.constant 32 : i32
    %mul3A_454 = vector.broadcast %mul3A_453 : i32 to vector<16xi32>
    %mul3A_455 = arith.muli %select_n3A_452, %mul3A_454 : vector<16xi32>
    %add3A_456 = arith.addi %mul3A_455, %iota3A : vector<16xi32>
    %add3A_457 = arith.constant 2 : i32
    %add3A_458 = vector.broadcast %add3A_457 : i32 to vector<16xi32>
    %add3A_459 = arith.addi %iota3A, %add3A_458 : vector<16xi32>
    %jit3A_460 = arith.constant 16 : i32
    %eq3A_461 = arith.constant 0 : i32
    %eq3A_462 = arith.cmpi eq, %jit3A_460, %eq3A_461 : i32
    %jit3A_463 = arith.constant 1 : i32
    %select_n3A_464 = arith.select %eq3A_462, %jit3A_463, %jit3A_460 : i32
    %rem3A_465 = vector.broadcast %select_n3A_464 : i32 to vector<16xi32>
    %rem3A_466 = arith.remsi %add3A_459, %rem3A_465 : vector<16xi32>
    %ne3A_467 = arith.constant 0 : i32
    %ne3A_468 = vector.broadcast %ne3A_467 : i32 to vector<16xi32>
    %ne3A_469 = arith.cmpi ne, %rem3A_466, %ne3A_468 : vector<16xi32>
    %lt3A_470 = arith.constant 0 : i32
    %lt3A_471 = vector.broadcast %lt3A_470 : i32 to vector<16xi32>
    %lt3A_472 = arith.cmpi slt, %rem3A_466, %lt3A_471 : vector<16xi32>
    %lt3A_473 = arith.constant 0 : i32
    %lt3A_474 = arith.cmpi slt, %select_n3A_464, %lt3A_473 : i32
    %ne3A_475 = vector.broadcast %lt3A_474 : i1 to vector<16xi1>
    %ne3A_476 = vector.broadcast %ne3A_475 : vector<16xi1> to vector<16xi1>
    %ne3A_477 = arith.xori %lt3A_472, %ne3A_476 : vector<16xi1>
    %and3A_478 = arith.andi %ne3A_477, %ne3A_469 : vector<16xi1>
    %add3A_479 = vector.broadcast %select_n3A_464 : i32 to vector<16xi32>
    %add3A_480 = arith.addi %rem3A_466, %add3A_479 : vector<16xi32>
    %select_n3A_481 = arith.select %and3A_478, %add3A_480, %rem3A_466 : vector<16xi1>, vector<16xi32>
    %mul3A_482 = arith.constant 32 : i32
    %mul3A_483 = vector.broadcast %mul3A_482 : i32 to vector<16xi32>
    %mul3A_484 = arith.muli %select_n3A_481, %mul3A_483 : vector<16xi32>
    %add3A_485 = arith.addi %mul3A_484, %iota3A : vector<16xi32>
    %add3A_486 = arith.constant 3 : i32
    %add3A_487 = vector.broadcast %add3A_486 : i32 to vector<16xi32>
    %add3A_488 = arith.addi %iota3A, %add3A_487 : vector<16xi32>
    %jit3A_489 = arith.constant 16 : i32
    %eq3A_490 = arith.constant 0 : i32
    %eq3A_491 = arith.cmpi eq, %jit3A_489, %eq3A_490 : i32
    %jit3A_492 = arith.constant 1 : i32
    %select_n3A_493 = arith.select %eq3A_491, %jit3A_492, %jit3A_489 : i32
    %rem3A_494 = vector.broadcast %select_n3A_493 : i32 to vector<16xi32>
    %rem3A_495 = arith.remsi %add3A_488, %rem3A_494 : vector<16xi32>
    %ne3A_496 = arith.constant 0 : i32
    %ne3A_497 = vector.broadcast %ne3A_496 : i32 to vector<16xi32>
    %ne3A_498 = arith.cmpi ne, %rem3A_495, %ne3A_497 : vector<16xi32>
    %lt3A_499 = arith.constant 0 : i32
    %lt3A_500 = vector.broadcast %lt3A_499 : i32 to vector<16xi32>
    %lt3A_501 = arith.cmpi slt, %rem3A_495, %lt3A_500 : vector<16xi32>
    %lt3A_502 = arith.constant 0 : i32
    %lt3A_503 = arith.cmpi slt, %select_n3A_493, %lt3A_502 : i32
    %ne3A_504 = vector.broadcast %lt3A_503 : i1 to vector<16xi1>
    %ne3A_505 = vector.broadcast %ne3A_504 : vector<16xi1> to vector<16xi1>
    %ne3A_506 = arith.xori %lt3A_501, %ne3A_505 : vector<16xi1>
    %and3A_507 = arith.andi %ne3A_506, %ne3A_498 : vector<16xi1>
    %add3A_508 = vector.broadcast %select_n3A_493 : i32 to vector<16xi32>
    %add3A_509 = arith.addi %rem3A_495, %add3A_508 : vector<16xi32>
    %select_n3A_510 = arith.select %and3A_507, %add3A_509, %rem3A_495 : vector<16xi1>, vector<16xi32>
    %mul3A_511 = arith.constant 32 : i32
    %mul3A_512 = vector.broadcast %mul3A_511 : i32 to vector<16xi32>
    %mul3A_513 = arith.muli %select_n3A_510, %mul3A_512 : vector<16xi32>
    %add3A_514 = arith.addi %mul3A_513, %iota3A : vector<16xi32>
    %add3A_515 = arith.constant 4 : i32
    %add3A_516 = vector.broadcast %add3A_515 : i32 to vector<16xi32>
    %add3A_517 = arith.addi %iota3A, %add3A_516 : vector<16xi32>
    %jit3A_518 = arith.constant 16 : i32
    %eq3A_519 = arith.constant 0 : i32
    %eq3A_520 = arith.cmpi eq, %jit3A_518, %eq3A_519 : i32
    %jit3A_521 = arith.constant 1 : i32
    %select_n3A_522 = arith.select %eq3A_520, %jit3A_521, %jit3A_518 : i32
    %rem3A_523 = vector.broadcast %select_n3A_522 : i32 to vector<16xi32>
    %rem3A_524 = arith.remsi %add3A_517, %rem3A_523 : vector<16xi32>
    %ne3A_525 = arith.constant 0 : i32
    %ne3A_526 = vector.broadcast %ne3A_525 : i32 to vector<16xi32>
    %ne3A_527 = arith.cmpi ne, %rem3A_524, %ne3A_526 : vector<16xi32>
    %lt3A_528 = arith.constant 0 : i32
    %lt3A_529 = vector.broadcast %lt3A_528 : i32 to vector<16xi32>
    %lt3A_530 = arith.cmpi slt, %rem3A_524, %lt3A_529 : vector<16xi32>
    %lt3A_531 = arith.constant 0 : i32
    %lt3A_532 = arith.cmpi slt, %select_n3A_522, %lt3A_531 : i32
    %ne3A_533 = vector.broadcast %lt3A_532 : i1 to vector<16xi1>
    %ne3A_534 = vector.broadcast %ne3A_533 : vector<16xi1> to vector<16xi1>
    %ne3A_535 = arith.xori %lt3A_530, %ne3A_534 : vector<16xi1>
    %and3A_536 = arith.andi %ne3A_535, %ne3A_527 : vector<16xi1>
    %add3A_537 = vector.broadcast %select_n3A_522 : i32 to vector<16xi32>
    %add3A_538 = arith.addi %rem3A_524, %add3A_537 : vector<16xi32>
    %select_n3A_539 = arith.select %and3A_536, %add3A_538, %rem3A_524 : vector<16xi1>, vector<16xi32>
    %mul3A_540 = arith.constant 32 : i32
    %mul3A_541 = vector.broadcast %mul3A_540 : i32 to vector<16xi32>
    %mul3A_542 = arith.muli %select_n3A_539, %mul3A_541 : vector<16xi32>
    %add3A_543 = arith.addi %mul3A_542, %iota3A : vector<16xi32>
    %add3A_544 = arith.constant 5 : i32
    %add3A_545 = vector.broadcast %add3A_544 : i32 to vector<16xi32>
    %add3A_546 = arith.addi %iota3A, %add3A_545 : vector<16xi32>
    %jit3A_547 = arith.constant 16 : i32
    %eq3A_548 = arith.constant 0 : i32
    %eq3A_549 = arith.cmpi eq, %jit3A_547, %eq3A_548 : i32
    %jit3A_550 = arith.constant 1 : i32
    %select_n3A_551 = arith.select %eq3A_549, %jit3A_550, %jit3A_547 : i32
    %rem3A_552 = vector.broadcast %select_n3A_551 : i32 to vector<16xi32>
    %rem3A_553 = arith.remsi %add3A_546, %rem3A_552 : vector<16xi32>
    %ne3A_554 = arith.constant 0 : i32
    %ne3A_555 = vector.broadcast %ne3A_554 : i32 to vector<16xi32>
    %ne3A_556 = arith.cmpi ne, %rem3A_553, %ne3A_555 : vector<16xi32>
    %lt3A_557 = arith.constant 0 : i32
    %lt3A_558 = vector.broadcast %lt3A_557 : i32 to vector<16xi32>
    %lt3A_559 = arith.cmpi slt, %rem3A_553, %lt3A_558 : vector<16xi32>
    %lt3A_560 = arith.constant 0 : i32
    %lt3A_561 = arith.cmpi slt, %select_n3A_551, %lt3A_560 : i32
    %ne3A_562 = vector.broadcast %lt3A_561 : i1 to vector<16xi1>
    %ne3A_563 = vector.broadcast %ne3A_562 : vector<16xi1> to vector<16xi1>
    %ne3A_564 = arith.xori %lt3A_559, %ne3A_563 : vector<16xi1>
    %and3A_565 = arith.andi %ne3A_564, %ne3A_556 : vector<16xi1>
    %add3A_566 = vector.broadcast %select_n3A_551 : i32 to vector<16xi32>
    %add3A_567 = arith.addi %rem3A_553, %add3A_566 : vector<16xi32>
    %select_n3A_568 = arith.select %and3A_565, %add3A_567, %rem3A_553 : vector<16xi1>, vector<16xi32>
    %mul3A_569 = arith.constant 32 : i32
    %mul3A_570 = vector.broadcast %mul3A_569 : i32 to vector<16xi32>
    %mul3A_571 = arith.muli %select_n3A_568, %mul3A_570 : vector<16xi32>
    %add3A_572 = arith.addi %mul3A_571, %iota3A : vector<16xi32>
    %add3A_573 = arith.constant 6 : i32
    %add3A_574 = vector.broadcast %add3A_573 : i32 to vector<16xi32>
    %add3A_575 = arith.addi %iota3A, %add3A_574 : vector<16xi32>
    %jit3A_576 = arith.constant 16 : i32
    %eq3A_577 = arith.constant 0 : i32
    %eq3A_578 = arith.cmpi eq, %jit3A_576, %eq3A_577 : i32
    %jit3A_579 = arith.constant 1 : i32
    %select_n3A_580 = arith.select %eq3A_578, %jit3A_579, %jit3A_576 : i32
    %rem3A_581 = vector.broadcast %select_n3A_580 : i32 to vector<16xi32>
    %rem3A_582 = arith.remsi %add3A_575, %rem3A_581 : vector<16xi32>
    %ne3A_583 = arith.constant 0 : i32
    %ne3A_584 = vector.broadcast %ne3A_583 : i32 to vector<16xi32>
    %ne3A_585 = arith.cmpi ne, %rem3A_582, %ne3A_584 : vector<16xi32>
    %lt3A_586 = arith.constant 0 : i32
    %lt3A_587 = vector.broadcast %lt3A_586 : i32 to vector<16xi32>
    %lt3A_588 = arith.cmpi slt, %rem3A_582, %lt3A_587 : vector<16xi32>
    %lt3A_589 = arith.constant 0 : i32
    %lt3A_590 = arith.cmpi slt, %select_n3A_580, %lt3A_589 : i32
    %ne3A_591 = vector.broadcast %lt3A_590 : i1 to vector<16xi1>
    %ne3A_592 = vector.broadcast %ne3A_591 : vector<16xi1> to vector<16xi1>
    %ne3A_593 = arith.xori %lt3A_588, %ne3A_592 : vector<16xi1>
    %and3A_594 = arith.andi %ne3A_593, %ne3A_585 : vector<16xi1>
    %add3A_595 = vector.broadcast %select_n3A_580 : i32 to vector<16xi32>
    %add3A_596 = arith.addi %rem3A_582, %add3A_595 : vector<16xi32>
    %select_n3A_597 = arith.select %and3A_594, %add3A_596, %rem3A_582 : vector<16xi1>, vector<16xi32>
    %mul3A_598 = arith.constant 32 : i32
    %mul3A_599 = vector.broadcast %mul3A_598 : i32 to vector<16xi32>
    %mul3A_600 = arith.muli %select_n3A_597, %mul3A_599 : vector<16xi32>
    %add3A_601 = arith.addi %mul3A_600, %iota3A : vector<16xi32>
    %add3A_602 = arith.constant 7 : i32
    %add3A_603 = vector.broadcast %add3A_602 : i32 to vector<16xi32>
    %add3A_604 = arith.addi %iota3A, %add3A_603 : vector<16xi32>
    %jit3A_605 = arith.constant 16 : i32
    %eq3A_606 = arith.constant 0 : i32
    %eq3A_607 = arith.cmpi eq, %jit3A_605, %eq3A_606 : i32
    %jit3A_608 = arith.constant 1 : i32
    %select_n3A_609 = arith.select %eq3A_607, %jit3A_608, %jit3A_605 : i32
    %rem3A_610 = vector.broadcast %select_n3A_609 : i32 to vector<16xi32>
    %rem3A_611 = arith.remsi %add3A_604, %rem3A_610 : vector<16xi32>
    %ne3A_612 = arith.constant 0 : i32
    %ne3A_613 = vector.broadcast %ne3A_612 : i32 to vector<16xi32>
    %ne3A_614 = arith.cmpi ne, %rem3A_611, %ne3A_613 : vector<16xi32>
    %lt3A_615 = arith.constant 0 : i32
    %lt3A_616 = vector.broadcast %lt3A_615 : i32 to vector<16xi32>
    %lt3A_617 = arith.cmpi slt, %rem3A_611, %lt3A_616 : vector<16xi32>
    %lt3A_618 = arith.constant 0 : i32
    %lt3A_619 = arith.cmpi slt, %select_n3A_609, %lt3A_618 : i32
    %ne3A_620 = vector.broadcast %lt3A_619 : i1 to vector<16xi1>
    %ne3A_621 = vector.broadcast %ne3A_620 : vector<16xi1> to vector<16xi1>
    %ne3A_622 = arith.xori %lt3A_617, %ne3A_621 : vector<16xi1>
    %and3A_623 = arith.andi %ne3A_622, %ne3A_614 : vector<16xi1>
    %add3A_624 = vector.broadcast %select_n3A_609 : i32 to vector<16xi32>
    %add3A_625 = arith.addi %rem3A_611, %add3A_624 : vector<16xi32>
    %select_n3A_626 = arith.select %and3A_623, %add3A_625, %rem3A_611 : vector<16xi1>, vector<16xi32>
    %mul3A_627 = arith.constant 32 : i32
    %mul3A_628 = vector.broadcast %mul3A_627 : i32 to vector<16xi32>
    %mul3A_629 = arith.muli %select_n3A_626, %mul3A_628 : vector<16xi32>
    %add3A_630 = arith.addi %mul3A_629, %iota3A : vector<16xi32>
    %add3A_631 = arith.constant 8 : i32
    %add3A_632 = vector.broadcast %add3A_631 : i32 to vector<16xi32>
    %add3A_633 = arith.addi %iota3A, %add3A_632 : vector<16xi32>
    %jit3A_634 = arith.constant 16 : i32
    %eq3A_635 = arith.constant 0 : i32
    %eq3A_636 = arith.cmpi eq, %jit3A_634, %eq3A_635 : i32
    %jit3A_637 = arith.constant 1 : i32
    %select_n3A_638 = arith.select %eq3A_636, %jit3A_637, %jit3A_634 : i32
    %rem3A_639 = vector.broadcast %select_n3A_638 : i32 to vector<16xi32>
    %rem3A_640 = arith.remsi %add3A_633, %rem3A_639 : vector<16xi32>
    %ne3A_641 = arith.constant 0 : i32
    %ne3A_642 = vector.broadcast %ne3A_641 : i32 to vector<16xi32>
    %ne3A_643 = arith.cmpi ne, %rem3A_640, %ne3A_642 : vector<16xi32>
    %lt3A_644 = arith.constant 0 : i32
    %lt3A_645 = vector.broadcast %lt3A_644 : i32 to vector<16xi32>
    %lt3A_646 = arith.cmpi slt, %rem3A_640, %lt3A_645 : vector<16xi32>
    %lt3A_647 = arith.constant 0 : i32
    %lt3A_648 = arith.cmpi slt, %select_n3A_638, %lt3A_647 : i32
    %ne3A_649 = vector.broadcast %lt3A_648 : i1 to vector<16xi1>
    %ne3A_650 = vector.broadcast %ne3A_649 : vector<16xi1> to vector<16xi1>
    %ne3A_651 = arith.xori %lt3A_646, %ne3A_650 : vector<16xi1>
    %and3A_652 = arith.andi %ne3A_651, %ne3A_643 : vector<16xi1>
    %add3A_653 = vector.broadcast %select_n3A_638 : i32 to vector<16xi32>
    %add3A_654 = arith.addi %rem3A_640, %add3A_653 : vector<16xi32>
    %select_n3A_655 = arith.select %and3A_652, %add3A_654, %rem3A_640 : vector<16xi1>, vector<16xi32>
    %mul3A_656 = arith.constant 32 : i32
    %mul3A_657 = vector.broadcast %mul3A_656 : i32 to vector<16xi32>
    %mul3A_658 = arith.muli %select_n3A_655, %mul3A_657 : vector<16xi32>
    %add3A_659 = arith.addi %mul3A_658, %iota3A : vector<16xi32>
    %add3A_660 = arith.constant 9 : i32
    %add3A_661 = vector.broadcast %add3A_660 : i32 to vector<16xi32>
    %add3A_662 = arith.addi %iota3A, %add3A_661 : vector<16xi32>
    %jit3A_663 = arith.constant 16 : i32
    %eq3A_664 = arith.constant 0 : i32
    %eq3A_665 = arith.cmpi eq, %jit3A_663, %eq3A_664 : i32
    %jit3A_666 = arith.constant 1 : i32
    %select_n3A_667 = arith.select %eq3A_665, %jit3A_666, %jit3A_663 : i32
    %rem3A_668 = vector.broadcast %select_n3A_667 : i32 to vector<16xi32>
    %rem3A_669 = arith.remsi %add3A_662, %rem3A_668 : vector<16xi32>
    %ne3A_670 = arith.constant 0 : i32
    %ne3A_671 = vector.broadcast %ne3A_670 : i32 to vector<16xi32>
    %ne3A_672 = arith.cmpi ne, %rem3A_669, %ne3A_671 : vector<16xi32>
    %lt3A_673 = arith.constant 0 : i32
    %lt3A_674 = vector.broadcast %lt3A_673 : i32 to vector<16xi32>
    %lt3A_675 = arith.cmpi slt, %rem3A_669, %lt3A_674 : vector<16xi32>
    %lt3A_676 = arith.constant 0 : i32
    %lt3A_677 = arith.cmpi slt, %select_n3A_667, %lt3A_676 : i32
    %ne3A_678 = vector.broadcast %lt3A_677 : i1 to vector<16xi1>
    %ne3A_679 = vector.broadcast %ne3A_678 : vector<16xi1> to vector<16xi1>
    %ne3A_680 = arith.xori %lt3A_675, %ne3A_679 : vector<16xi1>
    %and3A_681 = arith.andi %ne3A_680, %ne3A_672 : vector<16xi1>
    %add3A_682 = vector.broadcast %select_n3A_667 : i32 to vector<16xi32>
    %add3A_683 = arith.addi %rem3A_669, %add3A_682 : vector<16xi32>
    %select_n3A_684 = arith.select %and3A_681, %add3A_683, %rem3A_669 : vector<16xi1>, vector<16xi32>
    %mul3A_685 = arith.constant 32 : i32
    %mul3A_686 = vector.broadcast %mul3A_685 : i32 to vector<16xi32>
    %mul3A_687 = arith.muli %select_n3A_684, %mul3A_686 : vector<16xi32>
    %add3A_688 = arith.addi %mul3A_687, %iota3A : vector<16xi32>
    %add3A_689 = arith.constant 10 : i32
    %add3A_690 = vector.broadcast %add3A_689 : i32 to vector<16xi32>
    %add3A_691 = arith.addi %iota3A, %add3A_690 : vector<16xi32>
    %jit3A_692 = arith.constant 16 : i32
    %eq3A_693 = arith.constant 0 : i32
    %eq3A_694 = arith.cmpi eq, %jit3A_692, %eq3A_693 : i32
    %jit3A_695 = arith.constant 1 : i32
    %select_n3A_696 = arith.select %eq3A_694, %jit3A_695, %jit3A_692 : i32
    %rem3A_697 = vector.broadcast %select_n3A_696 : i32 to vector<16xi32>
    %rem3A_698 = arith.remsi %add3A_691, %rem3A_697 : vector<16xi32>
    %ne3A_699 = arith.constant 0 : i32
    %ne3A_700 = vector.broadcast %ne3A_699 : i32 to vector<16xi32>
    %ne3A_701 = arith.cmpi ne, %rem3A_698, %ne3A_700 : vector<16xi32>
    %lt3A_702 = arith.constant 0 : i32
    %lt3A_703 = vector.broadcast %lt3A_702 : i32 to vector<16xi32>
    %lt3A_704 = arith.cmpi slt, %rem3A_698, %lt3A_703 : vector<16xi32>
    %lt3A_705 = arith.constant 0 : i32
    %lt3A_706 = arith.cmpi slt, %select_n3A_696, %lt3A_705 : i32
    %ne3A_707 = vector.broadcast %lt3A_706 : i1 to vector<16xi1>
    %ne3A_708 = vector.broadcast %ne3A_707 : vector<16xi1> to vector<16xi1>
    %ne3A_709 = arith.xori %lt3A_704, %ne3A_708 : vector<16xi1>
    %and3A_710 = arith.andi %ne3A_709, %ne3A_701 : vector<16xi1>
    %add3A_711 = vector.broadcast %select_n3A_696 : i32 to vector<16xi32>
    %add3A_712 = arith.addi %rem3A_698, %add3A_711 : vector<16xi32>
    %select_n3A_713 = arith.select %and3A_710, %add3A_712, %rem3A_698 : vector<16xi1>, vector<16xi32>
    %mul3A_714 = arith.constant 32 : i32
    %mul3A_715 = vector.broadcast %mul3A_714 : i32 to vector<16xi32>
    %mul3A_716 = arith.muli %select_n3A_713, %mul3A_715 : vector<16xi32>
    %add3A_717 = arith.addi %mul3A_716, %iota3A : vector<16xi32>
    %add3A_718 = arith.constant 11 : i32
    %add3A_719 = vector.broadcast %add3A_718 : i32 to vector<16xi32>
    %add3A_720 = arith.addi %iota3A, %add3A_719 : vector<16xi32>
    %jit3A_721 = arith.constant 16 : i32
    %eq3A_722 = arith.constant 0 : i32
    %eq3A_723 = arith.cmpi eq, %jit3A_721, %eq3A_722 : i32
    %jit3A_724 = arith.constant 1 : i32
    %select_n3A_725 = arith.select %eq3A_723, %jit3A_724, %jit3A_721 : i32
    %rem3A_726 = vector.broadcast %select_n3A_725 : i32 to vector<16xi32>
    %rem3A_727 = arith.remsi %add3A_720, %rem3A_726 : vector<16xi32>
    %ne3A_728 = arith.constant 0 : i32
    %ne3A_729 = vector.broadcast %ne3A_728 : i32 to vector<16xi32>
    %ne3A_730 = arith.cmpi ne, %rem3A_727, %ne3A_729 : vector<16xi32>
    %lt3A_731 = arith.constant 0 : i32
    %lt3A_732 = vector.broadcast %lt3A_731 : i32 to vector<16xi32>
    %lt3A_733 = arith.cmpi slt, %rem3A_727, %lt3A_732 : vector<16xi32>
    %lt3A_734 = arith.constant 0 : i32
    %lt3A_735 = arith.cmpi slt, %select_n3A_725, %lt3A_734 : i32
    %ne3A_736 = vector.broadcast %lt3A_735 : i1 to vector<16xi1>
    %ne3A_737 = vector.broadcast %ne3A_736 : vector<16xi1> to vector<16xi1>
    %ne3A_738 = arith.xori %lt3A_733, %ne3A_737 : vector<16xi1>
    %and3A_739 = arith.andi %ne3A_738, %ne3A_730 : vector<16xi1>
    %add3A_740 = vector.broadcast %select_n3A_725 : i32 to vector<16xi32>
    %add3A_741 = arith.addi %rem3A_727, %add3A_740 : vector<16xi32>
    %select_n3A_742 = arith.select %and3A_739, %add3A_741, %rem3A_727 : vector<16xi1>, vector<16xi32>
    %mul3A_743 = arith.constant 32 : i32
    %mul3A_744 = vector.broadcast %mul3A_743 : i32 to vector<16xi32>
    %mul3A_745 = arith.muli %select_n3A_742, %mul3A_744 : vector<16xi32>
    %add3A_746 = arith.addi %mul3A_745, %iota3A : vector<16xi32>
    %add3A_747 = arith.constant 12 : i32
    %add3A_748 = vector.broadcast %add3A_747 : i32 to vector<16xi32>
    %add3A_749 = arith.addi %iota3A, %add3A_748 : vector<16xi32>
    %jit3A_750 = arith.constant 16 : i32
    %eq3A_751 = arith.constant 0 : i32
    %eq3A_752 = arith.cmpi eq, %jit3A_750, %eq3A_751 : i32
    %jit3A_753 = arith.constant 1 : i32
    %select_n3A_754 = arith.select %eq3A_752, %jit3A_753, %jit3A_750 : i32
    %rem3A_755 = vector.broadcast %select_n3A_754 : i32 to vector<16xi32>
    %rem3A_756 = arith.remsi %add3A_749, %rem3A_755 : vector<16xi32>
    %ne3A_757 = arith.constant 0 : i32
    %ne3A_758 = vector.broadcast %ne3A_757 : i32 to vector<16xi32>
    %ne3A_759 = arith.cmpi ne, %rem3A_756, %ne3A_758 : vector<16xi32>
    %lt3A_760 = arith.constant 0 : i32
    %lt3A_761 = vector.broadcast %lt3A_760 : i32 to vector<16xi32>
    %lt3A_762 = arith.cmpi slt, %rem3A_756, %lt3A_761 : vector<16xi32>
    %lt3A_763 = arith.constant 0 : i32
    %lt3A_764 = arith.cmpi slt, %select_n3A_754, %lt3A_763 : i32
    %ne3A_765 = vector.broadcast %lt3A_764 : i1 to vector<16xi1>
    %ne3A_766 = vector.broadcast %ne3A_765 : vector<16xi1> to vector<16xi1>
    %ne3A_767 = arith.xori %lt3A_762, %ne3A_766 : vector<16xi1>
    %and3A_768 = arith.andi %ne3A_767, %ne3A_759 : vector<16xi1>
    %add3A_769 = vector.broadcast %select_n3A_754 : i32 to vector<16xi32>
    %add3A_770 = arith.addi %rem3A_756, %add3A_769 : vector<16xi32>
    %select_n3A_771 = arith.select %and3A_768, %add3A_770, %rem3A_756 : vector<16xi1>, vector<16xi32>
    %mul3A_772 = arith.constant 32 : i32
    %mul3A_773 = vector.broadcast %mul3A_772 : i32 to vector<16xi32>
    %mul3A_774 = arith.muli %select_n3A_771, %mul3A_773 : vector<16xi32>
    %add3A_775 = arith.addi %mul3A_774, %iota3A : vector<16xi32>
    %add3A_776 = arith.constant 13 : i32
    %add3A_777 = vector.broadcast %add3A_776 : i32 to vector<16xi32>
    %add3A_778 = arith.addi %iota3A, %add3A_777 : vector<16xi32>
    %jit3A_779 = arith.constant 16 : i32
    %eq3A_780 = arith.constant 0 : i32
    %eq3A_781 = arith.cmpi eq, %jit3A_779, %eq3A_780 : i32
    %jit3A_782 = arith.constant 1 : i32
    %select_n3A_783 = arith.select %eq3A_781, %jit3A_782, %jit3A_779 : i32
    %rem3A_784 = vector.broadcast %select_n3A_783 : i32 to vector<16xi32>
    %rem3A_785 = arith.remsi %add3A_778, %rem3A_784 : vector<16xi32>
    %ne3A_786 = arith.constant 0 : i32
    %ne3A_787 = vector.broadcast %ne3A_786 : i32 to vector<16xi32>
    %ne3A_788 = arith.cmpi ne, %rem3A_785, %ne3A_787 : vector<16xi32>
    %lt3A_789 = arith.constant 0 : i32
    %lt3A_790 = vector.broadcast %lt3A_789 : i32 to vector<16xi32>
    %lt3A_791 = arith.cmpi slt, %rem3A_785, %lt3A_790 : vector<16xi32>
    %lt3A_792 = arith.constant 0 : i32
    %lt3A_793 = arith.cmpi slt, %select_n3A_783, %lt3A_792 : i32
    %ne3A_794 = vector.broadcast %lt3A_793 : i1 to vector<16xi1>
    %ne3A_795 = vector.broadcast %ne3A_794 : vector<16xi1> to vector<16xi1>
    %ne3A_796 = arith.xori %lt3A_791, %ne3A_795 : vector<16xi1>
    %and3A_797 = arith.andi %ne3A_796, %ne3A_788 : vector<16xi1>
    %add3A_798 = vector.broadcast %select_n3A_783 : i32 to vector<16xi32>
    %add3A_799 = arith.addi %rem3A_785, %add3A_798 : vector<16xi32>
    %select_n3A_800 = arith.select %and3A_797, %add3A_799, %rem3A_785 : vector<16xi1>, vector<16xi32>
    %mul3A_801 = arith.constant 32 : i32
    %mul3A_802 = vector.broadcast %mul3A_801 : i32 to vector<16xi32>
    %mul3A_803 = arith.muli %select_n3A_800, %mul3A_802 : vector<16xi32>
    %add3A_804 = arith.addi %mul3A_803, %iota3A : vector<16xi32>
    %add3A_805 = arith.constant 14 : i32
    %add3A_806 = vector.broadcast %add3A_805 : i32 to vector<16xi32>
    %add3A_807 = arith.addi %iota3A, %add3A_806 : vector<16xi32>
    %jit3A_808 = arith.constant 16 : i32
    %eq3A_809 = arith.constant 0 : i32
    %eq3A_810 = arith.cmpi eq, %jit3A_808, %eq3A_809 : i32
    %jit3A_811 = arith.constant 1 : i32
    %select_n3A_812 = arith.select %eq3A_810, %jit3A_811, %jit3A_808 : i32
    %rem3A_813 = vector.broadcast %select_n3A_812 : i32 to vector<16xi32>
    %rem3A_814 = arith.remsi %add3A_807, %rem3A_813 : vector<16xi32>
    %ne3A_815 = arith.constant 0 : i32
    %ne3A_816 = vector.broadcast %ne3A_815 : i32 to vector<16xi32>
    %ne3A_817 = arith.cmpi ne, %rem3A_814, %ne3A_816 : vector<16xi32>
    %lt3A_818 = arith.constant 0 : i32
    %lt3A_819 = vector.broadcast %lt3A_818 : i32 to vector<16xi32>
    %lt3A_820 = arith.cmpi slt, %rem3A_814, %lt3A_819 : vector<16xi32>
    %lt3A_821 = arith.constant 0 : i32
    %lt3A_822 = arith.cmpi slt, %select_n3A_812, %lt3A_821 : i32
    %ne3A_823 = vector.broadcast %lt3A_822 : i1 to vector<16xi1>
    %ne3A_824 = vector.broadcast %ne3A_823 : vector<16xi1> to vector<16xi1>
    %ne3A_825 = arith.xori %lt3A_820, %ne3A_824 : vector<16xi1>
    %and3A_826 = arith.andi %ne3A_825, %ne3A_817 : vector<16xi1>
    %add3A_827 = vector.broadcast %select_n3A_812 : i32 to vector<16xi32>
    %add3A_828 = arith.addi %rem3A_814, %add3A_827 : vector<16xi32>
    %select_n3A_829 = arith.select %and3A_826, %add3A_828, %rem3A_814 : vector<16xi1>, vector<16xi32>
    %mul3A_830 = arith.constant 32 : i32
    %mul3A_831 = vector.broadcast %mul3A_830 : i32 to vector<16xi32>
    %mul3A_832 = arith.muli %select_n3A_829, %mul3A_831 : vector<16xi32>
    %add3A_833 = arith.addi %mul3A_832, %iota3A : vector<16xi32>
    %add3A_834 = arith.constant 15 : i32
    %add3A_835 = vector.broadcast %add3A_834 : i32 to vector<16xi32>
    %add3A_836 = arith.addi %iota3A, %add3A_835 : vector<16xi32>
    %jit3A_837 = arith.constant 16 : i32
    %eq3A_838 = arith.constant 0 : i32
    %eq3A_839 = arith.cmpi eq, %jit3A_837, %eq3A_838 : i32
    %jit3A_840 = arith.constant 1 : i32
    %select_n3A_841 = arith.select %eq3A_839, %jit3A_840, %jit3A_837 : i32
    %rem3A_842 = vector.broadcast %select_n3A_841 : i32 to vector<16xi32>
    %rem3A_843 = arith.remsi %add3A_836, %rem3A_842 : vector<16xi32>
    %ne3A_844 = arith.constant 0 : i32
    %ne3A_845 = vector.broadcast %ne3A_844 : i32 to vector<16xi32>
    %ne3A_846 = arith.cmpi ne, %rem3A_843, %ne3A_845 : vector<16xi32>
    %lt3A_847 = arith.constant 0 : i32
    %lt3A_848 = vector.broadcast %lt3A_847 : i32 to vector<16xi32>
    %lt3A_849 = arith.cmpi slt, %rem3A_843, %lt3A_848 : vector<16xi32>
    %lt3A_850 = arith.constant 0 : i32
    %lt3A_851 = arith.cmpi slt, %select_n3A_841, %lt3A_850 : i32
    %ne3A_852 = vector.broadcast %lt3A_851 : i1 to vector<16xi1>
    %ne3A_853 = vector.broadcast %ne3A_852 : vector<16xi1> to vector<16xi1>
    %ne3A_854 = arith.xori %lt3A_849, %ne3A_853 : vector<16xi1>
    %and3A_855 = arith.andi %ne3A_854, %ne3A_846 : vector<16xi1>
    %add3A_856 = vector.broadcast %select_n3A_841 : i32 to vector<16xi32>
    %add3A_857 = arith.addi %rem3A_843, %add3A_856 : vector<16xi32>
    %select_n3A_858 = arith.select %and3A_855, %add3A_857, %rem3A_843 : vector<16xi1>, vector<16xi32>
    %mul3A_859 = arith.constant 32 : i32
    %mul3A_860 = vector.broadcast %mul3A_859 : i32 to vector<16xi32>
    %mul3A_861 = arith.muli %select_n3A_858, %mul3A_860 : vector<16xi32>
    %add3A_862 = arith.addi %mul3A_861, %iota3A : vector<16xi32>
    %add3A_863 = arith.constant 0 : i32
    %add3A_864 = arith.addi %mul3A_2, %add3A_863 : i32
    %min3A = arith.constant 2911 : i32
    %min3A_865 = arith.minsi %add3A_864, %min3A : i32
    %jit3A_866 = arith.constant 112 : i32
    %div3A = arith.divsi %min3A_865, %jit3A_866 : i32
    %sign3A = arith.constant 0 : i32
    %sign3A_867 = arith.cmpi sgt, %min3A_865, %sign3A : i32
    %sign3A_868 = arith.extui %sign3A_867 : i1 to i32
    %sign3A_869 = arith.constant 0 : i32
    %sign3A_870 = arith.cmpi slt, %min3A_865, %sign3A_869 : i32
    %sign3A_871 = arith.extui %sign3A_870 : i1 to i32
    %sign3A_872 = arith.subi %sign3A_868, %sign3A_871 : i32
    %sign3A_873 = arith.constant 0 : i32
    %sign3A_874 = arith.cmpi sgt, %jit3A_866, %sign3A_873 : i32
    %sign3A_875 = arith.extui %sign3A_874 : i1 to i32
    %sign3A_876 = arith.constant 0 : i32
    %sign3A_877 = arith.cmpi slt, %jit3A_866, %sign3A_876 : i32
    %sign3A_878 = arith.extui %sign3A_877 : i1 to i32
    %sign3A_879 = arith.subi %sign3A_875, %sign3A_878 : i32
    %ne3A_880 = arith.cmpi ne, %sign3A_872, %sign3A_879 : i32
    %rem3A_881 = arith.remsi %min3A_865, %jit3A_866 : i32
    %ne3A_882 = arith.constant 0 : i32
    %ne3A_883 = arith.cmpi ne, %rem3A_881, %ne3A_882 : i32
    %and3A_884 = arith.andi %ne3A_880, %ne3A_883 : i1
    %sub3A_885 = arith.constant 1 : i32
    %sub3A_886 = arith.subi %div3A, %sub3A_885 : i32
    %select_n3A_887 = arith.select %and3A_884, %sub3A_886, %div3A : i32
    %mul3A_888 = arith.constant 112 : i32
    %mul3A_889 = arith.muli %select_n3A_887, %mul3A_888 : i32
    %sub3A_890 = arith.subi %min3A_865, %mul3A_889 : i32
    %mul3A_891 = arith.constant 896 : i32
    %mul3A_892 = arith.muli %sub3A_890, %mul3A_891 : i32
    %min3A_893 = arith.constant 99072 : i32
    %min3A_894 = arith.minsi %mul3A_892, %min3A_893 : i32
    %dma_start3A = arith.constant 0 : i32
    %dma_start3A_895 = tpu.memref_slice %arg2[%select_n3A_887, %dma_start3A, %min3A_894] : memref<26x32x100000xf32, #tpu.memory_space<hbm>> -> memref<1x32x896xf32, #tpu.memory_space<hbm>>
    %dma_start3A_896 = tpu.memref_squeeze %dma_start3A_895 : memref<1x32x896xf32, #tpu.memory_space<hbm>> -> memref<32x896xf32, #tpu.memory_space<hbm>>
    %dma_start3A_897 = arith.constant 0 : i32
    %dma_start3A_898 = tpu.memref_slice %arg2[%select_n3A_887, %dma_start3A_897, %min3A_894] : memref<26x32x100000xf32, #tpu.memory_space<hbm>> -> memref<1x32x896xf32, #tpu.memory_space<hbm>>
    %dma_start3A_899 = tpu.memref_squeeze %dma_start3A_898 : memref<1x32x896xf32, #tpu.memory_space<hbm>> -> memref<32x896xf32, #tpu.memory_space<hbm>>
    tpu.enqueue_dma source(%dma_start3A_899 : memref<32x896xf32, #tpu.memory_space<hbm>>) target(%arg4 : memref<32x896xf32, #tpu.memory_space<vmem>>) target_semaphore(%arg10 : memref<!tpu.dma_semaphore, #tpu.memory_space<semaphore_mem>>)
    %add3A_900 = arith.constant 1 : i32
    %add3A_901 = arith.addi %mul3A_2, %add3A_900 : i32
    %min3A_902 = arith.constant 2911 : i32
    %min3A_903 = arith.minsi %add3A_901, %min3A_902 : i32
    %jit3A_904 = arith.constant 112 : i32
    %div3A_905 = arith.divsi %min3A_903, %jit3A_904 : i32
    %sign3A_906 = arith.constant 0 : i32
    %sign3A_907 = arith.cmpi sgt, %min3A_903, %sign3A_906 : i32
    %sign3A_908 = arith.extui %sign3A_907 : i1 to i32
    %sign3A_909 = arith.constant 0 : i32
    %sign3A_910 = arith.cmpi slt, %min3A_903, %sign3A_909 : i32
    %sign3A_911 = arith.extui %sign3A_910 : i1 to i32
    %sign3A_912 = arith.subi %sign3A_908, %sign3A_911 : i32
    %sign3A_913 = arith.constant 0 : i32
    %sign3A_914 = arith.cmpi sgt, %jit3A_904, %sign3A_913 : i32
    %sign3A_915 = arith.extui %sign3A_914 : i1 to i32
    %sign3A_916 = arith.constant 0 : i32
    %sign3A_917 = arith.cmpi slt, %jit3A_904, %sign3A_916 : i32
    %sign3A_918 = arith.extui %sign3A_917 : i1 to i32
    %sign3A_919 = arith.subi %sign3A_915, %sign3A_918 : i32
    %ne3A_920 = arith.cmpi ne, %sign3A_912, %sign3A_919 : i32
    %rem3A_921 = arith.remsi %min3A_903, %jit3A_904 : i32
    %ne3A_922 = arith.constant 0 : i32
    %ne3A_923 = arith.cmpi ne, %rem3A_921, %ne3A_922 : i32
    %and3A_924 = arith.andi %ne3A_920, %ne3A_923 : i1
    %sub3A_925 = arith.constant 1 : i32
    %sub3A_926 = arith.subi %div3A_905, %sub3A_925 : i32
    %select_n3A_927 = arith.select %and3A_924, %sub3A_926, %div3A_905 : i32
    %mul3A_928 = arith.constant 112 : i32
    %mul3A_929 = arith.muli %select_n3A_927, %mul3A_928 : i32
    %sub3A_930 = arith.subi %min3A_903, %mul3A_929 : i32
    %mul3A_931 = arith.constant 896 : i32
    %mul3A_932 = arith.muli %sub3A_930, %mul3A_931 : i32
    %min3A_933 = arith.constant 99072 : i32
    %min3A_934 = arith.minsi %mul3A_932, %min3A_933 : i32
    %dma_start3A_935 = arith.constant 0 : i32
    %dma_start3A_936 = tpu.memref_slice %arg2[%select_n3A_927, %dma_start3A_935, %min3A_934] : memref<26x32x100000xf32, #tpu.memory_space<hbm>> -> memref<1x32x896xf32, #tpu.memory_space<hbm>>
    %dma_start3A_937 = tpu.memref_squeeze %dma_start3A_936 : memref<1x32x896xf32, #tpu.memory_space<hbm>> -> memref<32x896xf32, #tpu.memory_space<hbm>>
    %dma_start3A_938 = arith.constant 0 : i32
    %dma_start3A_939 = tpu.memref_slice %arg2[%select_n3A_927, %dma_start3A_938, %min3A_934] : memref<26x32x100000xf32, #tpu.memory_space<hbm>> -> memref<1x32x896xf32, #tpu.memory_space<hbm>>
    %dma_start3A_940 = tpu.memref_squeeze %dma_start3A_939 : memref<1x32x896xf32, #tpu.memory_space<hbm>> -> memref<32x896xf32, #tpu.memory_space<hbm>>
    tpu.enqueue_dma source(%dma_start3A_940 : memref<32x896xf32, #tpu.memory_space<hbm>>) target(%arg5 : memref<32x896xf32, #tpu.memory_space<vmem>>) target_semaphore(%arg11 : memref<!tpu.dma_semaphore, #tpu.memory_space<semaphore_mem>>)
    %scan3A = arith.constant 0 : i32
    %scan3A_941 = arith.constant 0 : i32
    %scan3A_942 = arith.constant 46 : i32
    %scan3A_943 = arith.addi %scan3A_941, %scan3A_942 : i32
    %scan3A_944 = arith.constant 1 : i32
    scf.for %scan3A_1121 = %scan3A_941 to %scan3A_943 step %scan3A_944  : i32 {
      %mul3A_1122 = arith.constant 2 : i32
      %mul3A_1123 = arith.muli %mul3A_1122, %scan3A_1121 : i32
      %add3A_1124 = arith.addi %mul3A_2, %mul3A_1123 : i32
      %add3A_1125 = arith.constant 0 : i32
      %add3A_1126 = arith.addi %add3A_1124, %add3A_1125 : i32
      %min3A_1127 = arith.constant 2911 : i32
      %min3A_1128 = arith.minsi %add3A_1126, %min3A_1127 : i32
      %jit3A_1129 = arith.constant 112 : i32
      %div3A_1130 = arith.divsi %min3A_1128, %jit3A_1129 : i32
      %sign3A_1131 = arith.constant 0 : i32
      %sign3A_1132 = arith.cmpi sgt, %min3A_1128, %sign3A_1131 : i32
      %sign3A_1133 = arith.extui %sign3A_1132 : i1 to i32
      %sign3A_1134 = arith.constant 0 : i32
      %sign3A_1135 = arith.cmpi slt, %min3A_1128, %sign3A_1134 : i32
      %sign3A_1136 = arith.extui %sign3A_1135 : i1 to i32
      %sign3A_1137 = arith.subi %sign3A_1133, %sign3A_1136 : i32
      %sign3A_1138 = arith.constant 0 : i32
      %sign3A_1139 = arith.cmpi sgt, %jit3A_1129, %sign3A_1138 : i32
      %sign3A_1140 = arith.extui %sign3A_1139 : i1 to i32
      %sign3A_1141 = arith.constant 0 : i32
      %sign3A_1142 = arith.cmpi slt, %jit3A_1129, %sign3A_1141 : i32
      %sign3A_1143 = arith.extui %sign3A_1142 : i1 to i32
      %sign3A_1144 = arith.subi %sign3A_1140, %sign3A_1143 : i32
      %ne3A_1145 = arith.cmpi ne, %sign3A_1137, %sign3A_1144 : i32
      %rem3A_1146 = arith.remsi %min3A_1128, %jit3A_1129 : i32
      %ne3A_1147 = arith.constant 0 : i32
      %ne3A_1148 = arith.cmpi ne, %rem3A_1146, %ne3A_1147 : i32
      %and3A_1149 = arith.andi %ne3A_1145, %ne3A_1148 : i1
      %sub3A_1150 = arith.constant 1 : i32
      %sub3A_1151 = arith.subi %div3A_1130, %sub3A_1150 : i32
      %select_n3A_1152 = arith.select %and3A_1149, %sub3A_1151, %div3A_1130 : i32
      %mul3A_1153 = arith.constant 112 : i32
      %mul3A_1154 = arith.muli %select_n3A_1152, %mul3A_1153 : i32
      %sub3A_1155 = arith.subi %min3A_1128, %mul3A_1154 : i32
      %mul3A_1156 = arith.constant 896 : i32
      %mul3A_1157 = arith.muli %sub3A_1155, %mul3A_1156 : i32
      %min3A_1158 = arith.constant 99072 : i32
      %min3A_1159 = arith.minsi %mul3A_1157, %min3A_1158 : i32
      %dma_wait3A_1160 = arith.constant 0 : i32
      %dma_wait3A_1161 = tpu.memref_slice %arg2[%select_n3A_1152, %dma_wait3A_1160, %min3A_1159] : memref<26x32x100000xf32, #tpu.memory_space<hbm>> -> memref<1x32x896xf32, #tpu.memory_space<hbm>>
      %dma_wait3A_1162 = tpu.memref_squeeze %dma_wait3A_1161 : memref<1x32x896xf32, #tpu.memory_space<hbm>> -> memref<32x896xf32, #tpu.memory_space<hbm>>
      %dma_wait3A_1163 = arith.constant 0 : i32
      %dma_wait3A_1164 = tpu.memref_slice %arg2[%select_n3A_1152, %dma_wait3A_1163, %min3A_1159] : memref<26x32x100000xf32, #tpu.memory_space<hbm>> -> memref<1x32x896xf32, #tpu.memory_space<hbm>>
      %dma_wait3A_1165 = tpu.memref_squeeze %dma_wait3A_1164 : memref<1x32x896xf32, #tpu.memory_space<hbm>> -> memref<32x896xf32, #tpu.memory_space<hbm>>
      tpu.wait_dma2 semaphore(%arg10 : memref<!tpu.dma_semaphore, #tpu.memory_space<semaphore_mem>>) src(%dma_wait3A_1165 : memref<32x896xf32, #tpu.memory_space<hbm>>) dst(%arg4 : memref<32x896xf32, #tpu.memory_space<vmem>>)
      %gt3A = arith.constant 0 : i32
      %gt3A_1166 = arith.cmpi sgt, %scan3A_1121, %gt3A : i32
      %convert_element_type3A = arith.extui %gt3A_1166 : i1 to i32
      %cond3A = arith.constant 0 : i32
      %cond3A_1167 = arith.cmpi ne, %convert_element_type3A, %cond3A : i32
      scf.if %cond3A_1167 {
        %min3A_1395 = arith.constant 2911 : i32
        %min3A_1396 = arith.minsi %add3A_1126, %min3A_1395 : i32
        %jit3A_1397 = arith.constant 112 : i32
        %div3A_1398 = arith.divsi %min3A_1396, %jit3A_1397 : i32
        %sign3A_1399 = arith.constant 0 : i32
        %sign3A_1400 = arith.cmpi sgt, %min3A_1396, %sign3A_1399 : i32
        %sign3A_1401 = arith.extui %sign3A_1400 : i1 to i32
        %sign3A_1402 = arith.constant 0 : i32
        %sign3A_1403 = arith.cmpi slt, %min3A_1396, %sign3A_1402 : i32
        %sign3A_1404 = arith.extui %sign3A_1403 : i1 to i32
        %sign3A_1405 = arith.subi %sign3A_1401, %sign3A_1404 : i32
        %sign3A_1406 = arith.constant 0 : i32
        %sign3A_1407 = arith.cmpi sgt, %jit3A_1397, %sign3A_1406 : i32
        %sign3A_1408 = arith.extui %sign3A_1407 : i1 to i32
        %sign3A_1409 = arith.constant 0 : i32
        %sign3A_1410 = arith.cmpi slt, %jit3A_1397, %sign3A_1409 : i32
        %sign3A_1411 = arith.extui %sign3A_1410 : i1 to i32
        %sign3A_1412 = arith.subi %sign3A_1408, %sign3A_1411 : i32
        %ne3A_1413 = arith.cmpi ne, %sign3A_1405, %sign3A_1412 : i32
        %rem3A_1414 = arith.remsi %min3A_1396, %jit3A_1397 : i32
        %ne3A_1415 = arith.constant 0 : i32
        %ne3A_1416 = arith.cmpi ne, %rem3A_1414, %ne3A_1415 : i32
        %and3A_1417 = arith.andi %ne3A_1413, %ne3A_1416 : i1
        %sub3A_1418 = arith.constant 1 : i32
        %sub3A_1419 = arith.subi %div3A_1398, %sub3A_1418 : i32
        %select_n3A_1420 = arith.select %and3A_1417, %sub3A_1419, %div3A_1398 : i32
        %mul3A_1421 = arith.constant 112 : i32
        %mul3A_1422 = arith.muli %select_n3A_1420, %mul3A_1421 : i32
        %sub3A_1423 = arith.subi %min3A_1396, %mul3A_1422 : i32
        %mul3A_1424 = arith.constant 896 : i32
        %mul3A_1425 = arith.muli %sub3A_1423, %mul3A_1424 : i32
        %min3A_1426 = arith.constant 99072 : i32
        %min3A_1427 = arith.minsi %mul3A_1425, %min3A_1426 : i32
        %mul3A_1428 = arith.constant 100000 : i32
        %mul3A_1429 = arith.muli %select_n3A_1420, %mul3A_1428 : i32
        %mul3A_1430 = arith.constant 32 : i32
        %mul3A_1431 = arith.muli %mul3A_1429, %mul3A_1430 : i32
        %mul3A_1432 = arith.constant 32 : i32
        %mul3A_1433 = arith.muli %min3A_1427, %mul3A_1432 : i32
        %add3A_1434 = arith.addi %mul3A_1431, %mul3A_1433 : i32
        %dma_wait3A_1435 = tpu.memref_slice %arg3[%add3A_1434] : memref<83200000xf32, #tpu.memory_space<hbm>> -> memref<28672xf32, #tpu.memory_space<hbm>>
        %dma_wait3A_1436 = tpu.memref_slice %arg3[%add3A_1434] : memref<83200000xf32, #tpu.memory_space<hbm>> -> memref<28672xf32, #tpu.memory_space<hbm>>
        tpu.wait_dma2 semaphore(%arg12 : memref<!tpu.dma_semaphore, #tpu.memory_space<semaphore_mem>>) src(%arg6 : memref<28672xf32, #tpu.memory_space<vmem>>) dst(%dma_wait3A_1436 : memref<28672xf32, #tpu.memory_space<hbm>>)
      } else {
      }
      %scan3A_1168 = arith.constant 0 : i32
      %scan3A_1169 = arith.constant 0 : i32
      %scan3A_1170 = arith.constant 56 : i32
      %scan3A_1171 = arith.addi %scan3A_1169, %scan3A_1170 : i32
      %scan3A_1172 = arith.constant 1 : i32
      scf.for %scan3A_1395 = %scan3A_1169 to %scan3A_1171 step %scan3A_1172  : i32 {
        %mul3A_1396 = arith.constant 16 : i32
        %mul3A_1397 = arith.muli %scan3A_1395, %mul3A_1396 : i32
        %add3A_1398 = arith.constant 0 : i32
        %add3A_1399 = vector.broadcast %add3A_1398 : i32 to vector<16xi32>
        %add3A_1400 = arith.addi %iota3A, %add3A_1399 : vector<16xi32>
        %mul3A_1401 = arith.constant 32 : i32
        %mul3A_1402 = arith.muli %mul3A_1397, %mul3A_1401 : i32
        %add3A_1403 = arith.constant 0 : i32
        %add3A_1404 = arith.addi %mul3A_1402, %add3A_1403 : i32
        %add3A_1405 = vector.broadcast %mul3A_1397 : i32 to vector<16xi32>
        %add3A_1406 = arith.addi %select_n3A_23, %add3A_1405 : vector<16xi32>
        %gather3A = tpu.vector_load_idx %arg4[%add3A_1400, %add3A_1406] : memref<32x896xf32, #tpu.memory_space<vmem>>[vector<16xi32>, vector<16xi32>], vector<16xf32>,
        %add3A_1407 = vector.broadcast %mul3A_1397 : i32 to vector<16xi32>
        %add3A_1408 = arith.addi %select_n3A_48, %add3A_1407 : vector<16xi32>
        %gather3A_1409 = tpu.vector_load_idx %arg4[%add3A_1400, %add3A_1408] : memref<32x896xf32, #tpu.memory_space<vmem>>[vector<16xi32>, vector<16xi32>], vector<16xf32>,
        %add3A_1410 = vector.broadcast %mul3A_1397 : i32 to vector<16xi32>
        %add3A_1411 = arith.addi %select_n3A_73, %add3A_1410 : vector<16xi32>
        %gather3A_1412 = tpu.vector_load_idx %arg4[%add3A_1400, %add3A_1411] : memref<32x896xf32, #tpu.memory_space<vmem>>[vector<16xi32>, vector<16xi32>], vector<16xf32>,
        %add3A_1413 = vector.broadcast %mul3A_1397 : i32 to vector<16xi32>
        %add3A_1414 = arith.addi %select_n3A_98, %add3A_1413 : vector<16xi32>
        %gather3A_1415 = tpu.vector_load_idx %arg4[%add3A_1400, %add3A_1414] : memref<32x896xf32, #tpu.memory_space<vmem>>[vector<16xi32>, vector<16xi32>], vector<16xf32>,
        %add3A_1416 = vector.broadcast %add3A_1404 : i32 to vector<16xi32>
        %add3A_1417 = arith.addi %add3A_427, %add3A_1416 : vector<16xi32>
        tpu.vector_store_idx %arg6[%add3A_1417], %gather3A : memref<28672xf32, #tpu.memory_space<vmem>>[vector<16xi32>], vector<16xf32>,
        %add3A_1418 = vector.broadcast %add3A_1404 : i32 to vector<16xi32>
        %add3A_1419 = arith.addi %add3A_456, %add3A_1418 : vector<16xi32>
        tpu.vector_store_idx %arg6[%add3A_1419], %gather3A_1409 : memref<28672xf32, #tpu.memory_space<vmem>>[vector<16xi32>], vector<16xf32>,
        %add3A_1420 = vector.broadcast %add3A_1404 : i32 to vector<16xi32>
        %add3A_1421 = arith.addi %add3A_485, %add3A_1420 : vector<16xi32>
        tpu.vector_store_idx %arg6[%add3A_1421], %gather3A_1412 : memref<28672xf32, #tpu.memory_space<vmem>>[vector<16xi32>], vector<16xf32>,
        %add3A_1422 = vector.broadcast %add3A_1404 : i32 to vector<16xi32>
        %add3A_1423 = arith.addi %add3A_514, %add3A_1422 : vector<16xi32>
        tpu.vector_store_idx %arg6[%add3A_1423], %gather3A_1415 : memref<28672xf32, #tpu.memory_space<vmem>>[vector<16xi32>], vector<16xf32>,
        %add3A_1424 = vector.broadcast %mul3A_1397 : i32 to vector<16xi32>
        %add3A_1425 = arith.addi %select_n3A_123, %add3A_1424 : vector<16xi32>
        %gather3A_1426 = tpu.vector_load_idx %arg4[%add3A_1400, %add3A_1425] : memref<32x896xf32, #tpu.memory_space<vmem>>[vector<16xi32>, vector<16xi32>], vector<16xf32>,
        %add3A_1427 = vector.broadcast %mul3A_1397 : i32 to vector<16xi32>
        %add3A_1428 = arith.addi %select_n3A_148, %add3A_1427 : vector<16xi32>
        %gather3A_1429 = tpu.vector_load_idx %arg4[%add3A_1400, %add3A_1428] : memref<32x896xf32, #tpu.memory_space<vmem>>[vector<16xi32>, vector<16xi32>], vector<16xf32>,
        %add3A_1430 = vector.broadcast %mul3A_1397 : i32 to vector<16xi32>
        %add3A_1431 = arith.addi %select_n3A_173, %add3A_1430 : vector<16xi32>
        %gather3A_1432 = tpu.vector_load_idx %arg4[%add3A_1400, %add3A_1431] : memref<32x896xf32, #tpu.memory_space<vmem>>[vector<16xi32>, vector<16xi32>], vector<16xf32>,
        %add3A_1433 = vector.broadcast %mul3A_1397 : i32 to vector<16xi32>
        %add3A_1434 = arith.addi %select_n3A_198, %add3A_1433 : vector<16xi32>
        %gather3A_1435 = tpu.vector_load_idx %arg4[%add3A_1400, %add3A_1434] : memref<32x896xf32, #tpu.memory_space<vmem>>[vector<16xi32>, vector<16xi32>], vector<16xf32>,
        %add3A_1436 = vector.broadcast %add3A_1404 : i32 to vector<16xi32>
        %add3A_1437 = arith.addi %add3A_543, %add3A_1436 : vector<16xi32>
        tpu.vector_store_idx %arg6[%add3A_1437], %gather3A_1426 : memref<28672xf32, #tpu.memory_space<vmem>>[vector<16xi32>], vector<16xf32>,
        %add3A_1438 = vector.broadcast %add3A_1404 : i32 to vector<16xi32>
        %add3A_1439 = arith.addi %add3A_572, %add3A_1438 : vector<16xi32>
        tpu.vector_store_idx %arg6[%add3A_1439], %gather3A_1429 : memref<28672xf32, #tpu.memory_space<vmem>>[vector<16xi32>], vector<16xf32>,
        %add3A_1440 = vector.broadcast %add3A_1404 : i32 to vector<16xi32>
        %add3A_1441 = arith.addi %add3A_601, %add3A_1440 : vector<16xi32>
        tpu.vector_store_idx %arg6[%add3A_1441], %gather3A_1432 : memref<28672xf32, #tpu.memory_space<vmem>>[vector<16xi32>], vector<16xf32>,
        %add3A_1442 = vector.broadcast %add3A_1404 : i32 to vector<16xi32>
        %add3A_1443 = arith.addi %add3A_630, %add3A_1442 : vector<16xi32>
        tpu.vector_store_idx %arg6[%add3A_1443], %gather3A_1435 : memref<28672xf32, #tpu.memory_space<vmem>>[vector<16xi32>], vector<16xf32>,
        %add3A_1444 = vector.broadcast %mul3A_1397 : i32 to vector<16xi32>
        %add3A_1445 = arith.addi %select_n3A_223, %add3A_1444 : vector<16xi32>
        %gather3A_1446 = tpu.vector_load_idx %arg4[%add3A_1400, %add3A_1445] : memref<32x896xf32, #tpu.memory_space<vmem>>[vector<16xi32>, vector<16xi32>], vector<16xf32>,
        %add3A_1447 = vector.broadcast %mul3A_1397 : i32 to vector<16xi32>
        %add3A_1448 = arith.addi %select_n3A_248, %add3A_1447 : vector<16xi32>
        %gather3A_1449 = tpu.vector_load_idx %arg4[%add3A_1400, %add3A_1448] : memref<32x896xf32, #tpu.memory_space<vmem>>[vector<16xi32>, vector<16xi32>], vector<16xf32>,
        %add3A_1450 = vector.broadcast %mul3A_1397 : i32 to vector<16xi32>
        %add3A_1451 = arith.addi %select_n3A_273, %add3A_1450 : vector<16xi32>
        %gather3A_1452 = tpu.vector_load_idx %arg4[%add3A_1400, %add3A_1451] : memref<32x896xf32, #tpu.memory_space<vmem>>[vector<16xi32>, vector<16xi32>], vector<16xf32>,
        %add3A_1453 = vector.broadcast %mul3A_1397 : i32 to vector<16xi32>
        %add3A_1454 = arith.addi %select_n3A_298, %add3A_1453 : vector<16xi32>
        %gather3A_1455 = tpu.vector_load_idx %arg4[%add3A_1400, %add3A_1454] : memref<32x896xf32, #tpu.memory_space<vmem>>[vector<16xi32>, vector<16xi32>], vector<16xf32>,
        %add3A_1456 = vector.broadcast %add3A_1404 : i32 to vector<16xi32>
        %add3A_1457 = arith.addi %add3A_659, %add3A_1456 : vector<16xi32>
        tpu.vector_store_idx %arg6[%add3A_1457], %gather3A_1446 : memref<28672xf32, #tpu.memory_space<vmem>>[vector<16xi32>], vector<16xf32>,
        %add3A_1458 = vector.broadcast %add3A_1404 : i32 to vector<16xi32>
        %add3A_1459 = arith.addi %add3A_688, %add3A_1458 : vector<16xi32>
        tpu.vector_store_idx %arg6[%add3A_1459], %gather3A_1449 : memref<28672xf32, #tpu.memory_space<vmem>>[vector<16xi32>], vector<16xf32>,
        %add3A_1460 = vector.broadcast %add3A_1404 : i32 to vector<16xi32>
        %add3A_1461 = arith.addi %add3A_717, %add3A_1460 : vector<16xi32>
        tpu.vector_store_idx %arg6[%add3A_1461], %gather3A_1452 : memref<28672xf32, #tpu.memory_space<vmem>>[vector<16xi32>], vector<16xf32>,
        %add3A_1462 = vector.broadcast %add3A_1404 : i32 to vector<16xi32>
        %add3A_1463 = arith.addi %add3A_746, %add3A_1462 : vector<16xi32>
        tpu.vector_store_idx %arg6[%add3A_1463], %gather3A_1455 : memref<28672xf32, #tpu.memory_space<vmem>>[vector<16xi32>], vector<16xf32>,
        %add3A_1464 = vector.broadcast %mul3A_1397 : i32 to vector<16xi32>
        %add3A_1465 = arith.addi %select_n3A_323, %add3A_1464 : vector<16xi32>
        %gather3A_1466 = tpu.vector_load_idx %arg4[%add3A_1400, %add3A_1465] : memref<32x896xf32, #tpu.memory_space<vmem>>[vector<16xi32>, vector<16xi32>], vector<16xf32>,
        %add3A_1467 = vector.broadcast %mul3A_1397 : i32 to vector<16xi32>
        %add3A_1468 = arith.addi %select_n3A_348, %add3A_1467 : vector<16xi32>
        %gather3A_1469 = tpu.vector_load_idx %arg4[%add3A_1400, %add3A_1468] : memref<32x896xf32, #tpu.memory_space<vmem>>[vector<16xi32>, vector<16xi32>], vector<16xf32>,
        %add3A_1470 = vector.broadcast %mul3A_1397 : i32 to vector<16xi32>
        %add3A_1471 = arith.addi %select_n3A_373, %add3A_1470 : vector<16xi32>
        %gather3A_1472 = tpu.vector_load_idx %arg4[%add3A_1400, %add3A_1471] : memref<32x896xf32, #tpu.memory_space<vmem>>[vector<16xi32>, vector<16xi32>], vector<16xf32>,
        %add3A_1473 = vector.broadcast %mul3A_1397 : i32 to vector<16xi32>
        %add3A_1474 = arith.addi %select_n3A_398, %add3A_1473 : vector<16xi32>
        %gather3A_1475 = tpu.vector_load_idx %arg4[%add3A_1400, %add3A_1474] : memref<32x896xf32, #tpu.memory_space<vmem>>[vector<16xi32>, vector<16xi32>], vector<16xf32>,
        %add3A_1476 = vector.broadcast %add3A_1404 : i32 to vector<16xi32>
        %add3A_1477 = arith.addi %add3A_775, %add3A_1476 : vector<16xi32>
        tpu.vector_store_idx %arg6[%add3A_1477], %gather3A_1466 : memref<28672xf32, #tpu.memory_space<vmem>>[vector<16xi32>], vector<16xf32>,
        %add3A_1478 = vector.broadcast %add3A_1404 : i32 to vector<16xi32>
        %add3A_1479 = arith.addi %add3A_804, %add3A_1478 : vector<16xi32>
        tpu.vector_store_idx %arg6[%add3A_1479], %gather3A_1469 : memref<28672xf32, #tpu.memory_space<vmem>>[vector<16xi32>], vector<16xf32>,
        %add3A_1480 = vector.broadcast %add3A_1404 : i32 to vector<16xi32>
        %add3A_1481 = arith.addi %add3A_833, %add3A_1480 : vector<16xi32>
        tpu.vector_store_idx %arg6[%add3A_1481], %gather3A_1472 : memref<28672xf32, #tpu.memory_space<vmem>>[vector<16xi32>], vector<16xf32>,
        %add3A_1482 = vector.broadcast %add3A_1404 : i32 to vector<16xi32>
        %add3A_1483 = arith.addi %add3A_862, %add3A_1482 : vector<16xi32>
        tpu.vector_store_idx %arg6[%add3A_1483], %gather3A_1475 : memref<28672xf32, #tpu.memory_space<vmem>>[vector<16xi32>], vector<16xf32>,
        %add3A_1484 = arith.constant 16 : i32
        %add3A_1485 = vector.broadcast %add3A_1484 : i32 to vector<16xi32>
        %add3A_1486 = arith.addi %iota3A, %add3A_1485 : vector<16xi32>
        %mul3A_1487 = arith.constant 32 : i32
        %mul3A_1488 = arith.muli %mul3A_1397, %mul3A_1487 : i32
        %add3A_1489 = arith.constant 16 : i32
        %add3A_1490 = arith.addi %mul3A_1488, %add3A_1489 : i32
        %add3A_1491 = vector.broadcast %mul3A_1397 : i32 to vector<16xi32>
        %add3A_1492 = arith.addi %select_n3A_23, %add3A_1491 : vector<16xi32>
        %gather3A_1493 = tpu.vector_load_idx %arg4[%add3A_1486, %add3A_1492] : memref<32x896xf32, #tpu.memory_space<vmem>>[vector<16xi32>, vector<16xi32>], vector<16xf32>,
        %add3A_1494 = vector.broadcast %mul3A_1397 : i32 to vector<16xi32>
        %add3A_1495 = arith.addi %select_n3A_48, %add3A_1494 : vector<16xi32>
        %gather3A_1496 = tpu.vector_load_idx %arg4[%add3A_1486, %add3A_1495] : memref<32x896xf32, #tpu.memory_space<vmem>>[vector<16xi32>, vector<16xi32>], vector<16xf32>,
        %add3A_1497 = vector.broadcast %mul3A_1397 : i32 to vector<16xi32>
        %add3A_1498 = arith.addi %select_n3A_73, %add3A_1497 : vector<16xi32>
        %gather3A_1499 = tpu.vector_load_idx %arg4[%add3A_1486, %add3A_1498] : memref<32x896xf32, #tpu.memory_space<vmem>>[vector<16xi32>, vector<16xi32>], vector<16xf32>,
        %add3A_1500 = vector.broadcast %mul3A_1397 : i32 to vector<16xi32>
        %add3A_1501 = arith.addi %select_n3A_98, %add3A_1500 : vector<16xi32>
        %gather3A_1502 = tpu.vector_load_idx %arg4[%add3A_1486, %add3A_1501] : memref<32x896xf32, #tpu.memory_space<vmem>>[vector<16xi32>, vector<16xi32>], vector<16xf32>,
        %add3A_1503 = vector.broadcast %add3A_1490 : i32 to vector<16xi32>
        %add3A_1504 = arith.addi %add3A_427, %add3A_1503 : vector<16xi32>
        tpu.vector_store_idx %arg6[%add3A_1504], %gather3A_1493 : memref<28672xf32, #tpu.memory_space<vmem>>[vector<16xi32>], vector<16xf32>,
        %add3A_1505 = vector.broadcast %add3A_1490 : i32 to vector<16xi32>
        %add3A_1506 = arith.addi %add3A_456, %add3A_1505 : vector<16xi32>
        tpu.vector_store_idx %arg6[%add3A_1506], %gather3A_1496 : memref<28672xf32, #tpu.memory_space<vmem>>[vector<16xi32>], vector<16xf32>,
        %add3A_1507 = vector.broadcast %add3A_1490 : i32 to vector<16xi32>
        %add3A_1508 = arith.addi %add3A_485, %add3A_1507 : vector<16xi32>
        tpu.vector_store_idx %arg6[%add3A_1508], %gather3A_1499 : memref<28672xf32, #tpu.memory_space<vmem>>[vector<16xi32>], vector<16xf32>,
        %add3A_1509 = vector.broadcast %add3A_1490 : i32 to vector<16xi32>
        %add3A_1510 = arith.addi %add3A_514, %add3A_1509 : vector<16xi32>
        tpu.vector_store_idx %arg6[%add3A_1510], %gather3A_1502 : memref<28672xf32, #tpu.memory_space<vmem>>[vector<16xi32>], vector<16xf32>,
        %add3A_1511 = vector.broadcast %mul3A_1397 : i32 to vector<16xi32>
        %add3A_1512 = arith.addi %select_n3A_123, %add3A_1511 : vector<16xi32>
        %gather3A_1513 = tpu.vector_load_idx %arg4[%add3A_1486, %add3A_1512] : memref<32x896xf32, #tpu.memory_space<vmem>>[vector<16xi32>, vector<16xi32>], vector<16xf32>,
        %add3A_1514 = vector.broadcast %mul3A_1397 : i32 to vector<16xi32>
        %add3A_1515 = arith.addi %select_n3A_148, %add3A_1514 : vector<16xi32>
        %gather3A_1516 = tpu.vector_load_idx %arg4[%add3A_1486, %add3A_1515] : memref<32x896xf32, #tpu.memory_space<vmem>>[vector<16xi32>, vector<16xi32>], vector<16xf32>,
        %add3A_1517 = vector.broadcast %mul3A_1397 : i32 to vector<16xi32>
        %add3A_1518 = arith.addi %select_n3A_173, %add3A_1517 : vector<16xi32>
        %gather3A_1519 = tpu.vector_load_idx %arg4[%add3A_1486, %add3A_1518] : memref<32x896xf32, #tpu.memory_space<vmem>>[vector<16xi32>, vector<16xi32>], vector<16xf32>,
        %add3A_1520 = vector.broadcast %mul3A_1397 : i32 to vector<16xi32>
        %add3A_1521 = arith.addi %select_n3A_198, %add3A_1520 : vector<16xi32>
        %gather3A_1522 = tpu.vector_load_idx %arg4[%add3A_1486, %add3A_1521] : memref<32x896xf32, #tpu.memory_space<vmem>>[vector<16xi32>, vector<16xi32>], vector<16xf32>,
        %add3A_1523 = vector.broadcast %add3A_1490 : i32 to vector<16xi32>
        %add3A_1524 = arith.addi %add3A_543, %add3A_1523 : vector<16xi32>
        tpu.vector_store_idx %arg6[%add3A_1524], %gather3A_1513 : memref<28672xf32, #tpu.memory_space<vmem>>[vector<16xi32>], vector<16xf32>,
        %add3A_1525 = vector.broadcast %add3A_1490 : i32 to vector<16xi32>
        %add3A_1526 = arith.addi %add3A_572, %add3A_1525 : vector<16xi32>
        tpu.vector_store_idx %arg6[%add3A_1526], %gather3A_1516 : memref<28672xf32, #tpu.memory_space<vmem>>[vector<16xi32>], vector<16xf32>,
        %add3A_1527 = vector.broadcast %add3A_1490 : i32 to vector<16xi32>
        %add3A_1528 = arith.addi %add3A_601, %add3A_1527 : vector<16xi32>
        tpu.vector_store_idx %arg6[%add3A_1528], %gather3A_1519 : memref<28672xf32, #tpu.memory_space<vmem>>[vector<16xi32>], vector<16xf32>,
        %add3A_1529 = vector.broadcast %add3A_1490 : i32 to vector<16xi32>
        %add3A_1530 = arith.addi %add3A_630, %add3A_1529 : vector<16xi32>
        tpu.vector_store_idx %arg6[%add3A_1530], %gather3A_1522 : memref<28672xf32, #tpu.memory_space<vmem>>[vector<16xi32>], vector<16xf32>,
        %add3A_1531 = vector.broadcast %mul3A_1397 : i32 to vector<16xi32>
        %add3A_1532 = arith.addi %select_n3A_223, %add3A_1531 : vector<16xi32>
        %gather3A_1533 = tpu.vector_load_idx %arg4[%add3A_1486, %add3A_1532] : memref<32x896xf32, #tpu.memory_space<vmem>>[vector<16xi32>, vector<16xi32>], vector<16xf32>,
        %add3A_1534 = vector.broadcast %mul3A_1397 : i32 to vector<16xi32>
        %add3A_1535 = arith.addi %select_n3A_248, %add3A_1534 : vector<16xi32>
        %gather3A_1536 = tpu.vector_load_idx %arg4[%add3A_1486, %add3A_1535] : memref<32x896xf32, #tpu.memory_space<vmem>>[vector<16xi32>, vector<16xi32>], vector<16xf32>,
        %add3A_1537 = vector.broadcast %mul3A_1397 : i32 to vector<16xi32>
        %add3A_1538 = arith.addi %select_n3A_273, %add3A_1537 : vector<16xi32>
        %gather3A_1539 = tpu.vector_load_idx %arg4[%add3A_1486, %add3A_1538] : memref<32x896xf32, #tpu.memory_space<vmem>>[vector<16xi32>, vector<16xi32>], vector<16xf32>,
        %add3A_1540 = vector.broadcast %mul3A_1397 : i32 to vector<16xi32>
        %add3A_1541 = arith.addi %select_n3A_298, %add3A_1540 : vector<16xi32>
        %gather3A_1542 = tpu.vector_load_idx %arg4[%add3A_1486, %add3A_1541] : memref<32x896xf32, #tpu.memory_space<vmem>>[vector<16xi32>, vector<16xi32>], vector<16xf32>,
        %add3A_1543 = vector.broadcast %add3A_1490 : i32 to vector<16xi32>
        %add3A_1544 = arith.addi %add3A_659, %add3A_1543 : vector<16xi32>
        tpu.vector_store_idx %arg6[%add3A_1544], %gather3A_1533 : memref<28672xf32, #tpu.memory_space<vmem>>[vector<16xi32>], vector<16xf32>,
        %add3A_1545 = vector.broadcast %add3A_1490 : i32 to vector<16xi32>
        %add3A_1546 = arith.addi %add3A_688, %add3A_1545 : vector<16xi32>
        tpu.vector_store_idx %arg6[%add3A_1546], %gather3A_1536 : memref<28672xf32, #tpu.memory_space<vmem>>[vector<16xi32>], vector<16xf32>,
        %add3A_1547 = vector.broadcast %add3A_1490 : i32 to vector<16xi32>
        %add3A_1548 = arith.addi %add3A_717, %add3A_1547 : vector<16xi32>
        tpu.vector_store_idx %arg6[%add3A_1548], %gather3A_1539 : memref<28672xf32, #tpu.memory_space<vmem>>[vector<16xi32>], vector<16xf32>,
        %add3A_1549 = vector.broadcast %add3A_1490 : i32 to vector<16xi32>
        %add3A_1550 = arith.addi %add3A_746, %add3A_1549 : vector<16xi32>
        tpu.vector_store_idx %arg6[%add3A_1550], %gather3A_1542 : memref<28672xf32, #tpu.memory_space<vmem>>[vector<16xi32>], vector<16xf32>,
        %add3A_1551 = vector.broadcast %mul3A_1397 : i32 to vector<16xi32>
        %add3A_1552 = arith.addi %select_n3A_323, %add3A_1551 : vector<16xi32>
        %gather3A_1553 = tpu.vector_load_idx %arg4[%add3A_1486, %add3A_1552] : memref<32x896xf32, #tpu.memory_space<vmem>>[vector<16xi32>, vector<16xi32>], vector<16xf32>,
        %add3A_1554 = vector.broadcast %mul3A_1397 : i32 to vector<16xi32>
        %add3A_1555 = arith.addi %select_n3A_348, %add3A_1554 : vector<16xi32>
        %gather3A_1556 = tpu.vector_load_idx %arg4[%add3A_1486, %add3A_1555] : memref<32x896xf32, #tpu.memory_space<vmem>>[vector<16xi32>, vector<16xi32>], vector<16xf32>,
        %add3A_1557 = vector.broadcast %mul3A_1397 : i32 to vector<16xi32>
        %add3A_1558 = arith.addi %select_n3A_373, %add3A_1557 : vector<16xi32>
        %gather3A_1559 = tpu.vector_load_idx %arg4[%add3A_1486, %add3A_1558] : memref<32x896xf32, #tpu.memory_space<vmem>>[vector<16xi32>, vector<16xi32>], vector<16xf32>,
        %add3A_1560 = vector.broadcast %mul3A_1397 : i32 to vector<16xi32>
        %add3A_1561 = arith.addi %select_n3A_398, %add3A_1560 : vector<16xi32>
        %gather3A_1562 = tpu.vector_load_idx %arg4[%add3A_1486, %add3A_1561] : memref<32x896xf32, #tpu.memory_space<vmem>>[vector<16xi32>, vector<16xi32>], vector<16xf32>,
        %add3A_1563 = vector.broadcast %add3A_1490 : i32 to vector<16xi32>
        %add3A_1564 = arith.addi %add3A_775, %add3A_1563 : vector<16xi32>
        tpu.vector_store_idx %arg6[%add3A_1564], %gather3A_1553 : memref<28672xf32, #tpu.memory_space<vmem>>[vector<16xi32>], vector<16xf32>,
        %add3A_1565 = vector.broadcast %add3A_1490 : i32 to vector<16xi32>
        %add3A_1566 = arith.addi %add3A_804, %add3A_1565 : vector<16xi32>
        tpu.vector_store_idx %arg6[%add3A_1566], %gather3A_1556 : memref<28672xf32, #tpu.memory_space<vmem>>[vector<16xi32>], vector<16xf32>,
        %add3A_1567 = vector.broadcast %add3A_1490 : i32 to vector<16xi32>
        %add3A_1568 = arith.addi %add3A_833, %add3A_1567 : vector<16xi32>
        tpu.vector_store_idx %arg6[%add3A_1568], %gather3A_1559 : memref<28672xf32, #tpu.memory_space<vmem>>[vector<16xi32>], vector<16xf32>,
        %add3A_1569 = vector.broadcast %add3A_1490 : i32 to vector<16xi32>
        %add3A_1570 = arith.addi %add3A_862, %add3A_1569 : vector<16xi32>
        tpu.vector_store_idx %arg6[%add3A_1570], %gather3A_1562 : memref<28672xf32, #tpu.memory_space<vmem>>[vector<16xi32>], vector<16xf32>,
      }
      %scan3A_1173 = arith.constant 56 : i32
      %min3A_1174 = arith.constant 2911 : i32
      %min3A_1175 = arith.minsi %add3A_1126, %min3A_1174 : i32
      %jit3A_1176 = arith.constant 112 : i32
      %div3A_1177 = arith.divsi %min3A_1175, %jit3A_1176 : i32
      %sign3A_1178 = arith.constant 0 : i32
      %sign3A_1179 = arith.cmpi sgt, %min3A_1175, %sign3A_1178 : i32
      %sign3A_1180 = arith.extui %sign3A_1179 : i1 to i32
      %sign3A_1181 = arith.constant 0 : i32
      %sign3A_1182 = arith.cmpi slt, %min3A_1175, %sign3A_1181 : i32
      %sign3A_1183 = arith.extui %sign3A_1182 : i1 to i32
      %sign3A_1184 = arith.subi %sign3A_1180, %sign3A_1183 : i32
      %sign3A_1185 = arith.constant 0 : i32
      %sign3A_1186 = arith.cmpi sgt, %jit3A_1176, %sign3A_1185 : i32
      %sign3A_1187 = arith.extui %sign3A_1186 : i1 to i32
      %sign3A_1188 = arith.constant 0 : i32
      %sign3A_1189 = arith.cmpi slt, %jit3A_1176, %sign3A_1188 : i32
      %sign3A_1190 = arith.extui %sign3A_1189 : i1 to i32
      %sign3A_1191 = arith.subi %sign3A_1187, %sign3A_1190 : i32
      %ne3A_1192 = arith.cmpi ne, %sign3A_1184, %sign3A_1191 : i32
      %rem3A_1193 = arith.remsi %min3A_1175, %jit3A_1176 : i32
      %ne3A_1194 = arith.constant 0 : i32
      %ne3A_1195 = arith.cmpi ne, %rem3A_1193, %ne3A_1194 : i32
      %and3A_1196 = arith.andi %ne3A_1192, %ne3A_1195 : i1
      %sub3A_1197 = arith.constant 1 : i32
      %sub3A_1198 = arith.subi %div3A_1177, %sub3A_1197 : i32
      %select_n3A_1199 = arith.select %and3A_1196, %sub3A_1198, %div3A_1177 : i32
      %mul3A_1200 = arith.constant 112 : i32
      %mul3A_1201 = arith.muli %select_n3A_1199, %mul3A_1200 : i32
      %sub3A_1202 = arith.subi %min3A_1175, %mul3A_1201 : i32
      %mul3A_1203 = arith.constant 896 : i32
      %mul3A_1204 = arith.muli %sub3A_1202, %mul3A_1203 : i32
      %min3A_1205 = arith.constant 99072 : i32
      %min3A_1206 = arith.minsi %mul3A_1204, %min3A_1205 : i32
      %mul3A_1207 = arith.constant 100000 : i32
      %mul3A_1208 = arith.muli %select_n3A_1199, %mul3A_1207 : i32
      %mul3A_1209 = arith.constant 32 : i32
      %mul3A_1210 = arith.muli %mul3A_1208, %mul3A_1209 : i32
      %mul3A_1211 = arith.constant 32 : i32
      %mul3A_1212 = arith.muli %min3A_1206, %mul3A_1211 : i32
      %add3A_1213 = arith.addi %mul3A_1210, %mul3A_1212 : i32
      %dma_start3A_1214 = tpu.memref_slice %arg3[%add3A_1213] : memref<83200000xf32, #tpu.memory_space<hbm>> -> memref<28672xf32, #tpu.memory_space<hbm>>
      %dma_start3A_1215 = tpu.memref_slice %arg3[%add3A_1213] : memref<83200000xf32, #tpu.memory_space<hbm>> -> memref<28672xf32, #tpu.memory_space<hbm>>
      tpu.enqueue_dma source(%arg6 : memref<28672xf32, #tpu.memory_space<vmem>>) target(%dma_start3A_1215 : memref<28672xf32, #tpu.memory_space<hbm>>) target_semaphore(%arg12 : memref<!tpu.dma_semaphore, #tpu.memory_space<semaphore_mem>>)
      %add3A_1216 = arith.constant 2 : i32
      %add3A_1217 = arith.addi %add3A_1126, %add3A_1216 : i32
      %min3A_1218 = arith.constant 2911 : i32
      %min3A_1219 = arith.minsi %add3A_1217, %min3A_1218 : i32
      %jit3A_1220 = arith.constant 112 : i32
      %div3A_1221 = arith.divsi %min3A_1219, %jit3A_1220 : i32
      %sign3A_1222 = arith.constant 0 : i32
      %sign3A_1223 = arith.cmpi sgt, %min3A_1219, %sign3A_1222 : i32
      %sign3A_1224 = arith.extui %sign3A_1223 : i1 to i32
      %sign3A_1225 = arith.constant 0 : i32
      %sign3A_1226 = arith.cmpi slt, %min3A_1219, %sign3A_1225 : i32
      %sign3A_1227 = arith.extui %sign3A_1226 : i1 to i32
      %sign3A_1228 = arith.subi %sign3A_1224, %sign3A_1227 : i32
      %sign3A_1229 = arith.constant 0 : i32
      %sign3A_1230 = arith.cmpi sgt, %jit3A_1220, %sign3A_1229 : i32
      %sign3A_1231 = arith.extui %sign3A_1230 : i1 to i32
      %sign3A_1232 = arith.constant 0 : i32
      %sign3A_1233 = arith.cmpi slt, %jit3A_1220, %sign3A_1232 : i32
      %sign3A_1234 = arith.extui %sign3A_1233 : i1 to i32
      %sign3A_1235 = arith.subi %sign3A_1231, %sign3A_1234 : i32
      %ne3A_1236 = arith.cmpi ne, %sign3A_1228, %sign3A_1235 : i32
      %rem3A_1237 = arith.remsi %min3A_1219, %jit3A_1220 : i32
      %ne3A_1238 = arith.constant 0 : i32
      %ne3A_1239 = arith.cmpi ne, %rem3A_1237, %ne3A_1238 : i32
      %and3A_1240 = arith.andi %ne3A_1236, %ne3A_1239 : i1
      %sub3A_1241 = arith.constant 1 : i32
      %sub3A_1242 = arith.subi %div3A_1221, %sub3A_1241 : i32
      %select_n3A_1243 = arith.select %and3A_1240, %sub3A_1242, %div3A_1221 : i32
      %mul3A_1244 = arith.constant 112 : i32
      %mul3A_1245 = arith.muli %select_n3A_1243, %mul3A_1244 : i32
      %sub3A_1246 = arith.subi %min3A_1219, %mul3A_1245 : i32
      %mul3A_1247 = arith.constant 896 : i32
      %mul3A_1248 = arith.muli %sub3A_1246, %mul3A_1247 : i32
      %min3A_1249 = arith.constant 99072 : i32
      %min3A_1250 = arith.minsi %mul3A_1248, %min3A_1249 : i32
      %dma_start3A_1251 = arith.constant 0 : i32
      %dma_start3A_1252 = tpu.memref_slice %arg2[%select_n3A_1243, %dma_start3A_1251, %min3A_1250] : memref<26x32x100000xf32, #tpu.memory_space<hbm>> -> memref<1x32x896xf32, #tpu.memory_space<hbm>>
      %dma_start3A_1253 = tpu.memref_squeeze %dma_start3A_1252 : memref<1x32x896xf32, #tpu.memory_space<hbm>> -> memref<32x896xf32, #tpu.memory_space<hbm>>
      %dma_start3A_1254 = arith.constant 0 : i32
      %dma_start3A_1255 = tpu.memref_slice %arg2[%select_n3A_1243, %dma_start3A_1254, %min3A_1250] : memref<26x32x100000xf32, #tpu.memory_space<hbm>> -> memref<1x32x896xf32, #tpu.memory_space<hbm>>
      %dma_start3A_1256 = tpu.memref_squeeze %dma_start3A_1255 : memref<1x32x896xf32, #tpu.memory_space<hbm>> -> memref<32x896xf32, #tpu.memory_space<hbm>>
      tpu.enqueue_dma source(%dma_start3A_1256 : memref<32x896xf32, #tpu.memory_space<hbm>>) target(%arg4 : memref<32x896xf32, #tpu.memory_space<vmem>>) target_semaphore(%arg10 : memref<!tpu.dma_semaphore, #tpu.memory_space<semaphore_mem>>)
      %mul3A_1257 = arith.constant 2 : i32
      %mul3A_1258 = arith.muli %mul3A_1257, %scan3A_1121 : i32
      %add3A_1259 = arith.addi %mul3A_2, %mul3A_1258 : i32
      %add3A_1260 = arith.constant 1 : i32
      %add3A_1261 = arith.addi %add3A_1259, %add3A_1260 : i32
      %min3A_1262 = arith.constant 2911 : i32
      %min3A_1263 = arith.minsi %add3A_1261, %min3A_1262 : i32
      %jit3A_1264 = arith.constant 112 : i32
      %div3A_1265 = arith.divsi %min3A_1263, %jit3A_1264 : i32
      %sign3A_1266 = arith.constant 0 : i32
      %sign3A_1267 = arith.cmpi sgt, %min3A_1263, %sign3A_1266 : i32
      %sign3A_1268 = arith.extui %sign3A_1267 : i1 to i32
      %sign3A_1269 = arith.constant 0 : i32
      %sign3A_1270 = arith.cmpi slt, %min3A_1263, %sign3A_1269 : i32
      %sign3A_1271 = arith.extui %sign3A_1270 : i1 to i32
      %sign3A_1272 = arith.subi %sign3A_1268, %sign3A_1271 : i32
      %sign3A_1273 = arith.constant 0 : i32
      %sign3A_1274 = arith.cmpi sgt, %jit3A_1264, %sign3A_1273 : i32
      %sign3A_1275 = arith.extui %sign3A_1274 : i1 to i32
      %sign3A_1276 = arith.constant 0 : i32
      %sign3A_1277 = arith.cmpi slt, %jit3A_1264, %sign3A_1276 : i32
      %sign3A_1278 = arith.extui %sign3A_1277 : i1 to i32
      %sign3A_1279 = arith.subi %sign3A_1275, %sign3A_1278 : i32
      %ne3A_1280 = arith.cmpi ne, %sign3A_1272, %sign3A_1279 : i32
      %rem3A_1281 = arith.remsi %min3A_1263, %jit3A_1264 : i32
      %ne3A_1282 = arith.constant 0 : i32
      %ne3A_1283 = arith.cmpi ne, %rem3A_1281, %ne3A_1282 : i32
      %and3A_1284 = arith.andi %ne3A_1280, %ne3A_1283 : i1
      %sub3A_1285 = arith.constant 1 : i32
      %sub3A_1286 = arith.subi %div3A_1265, %sub3A_1285 : i32
      %select_n3A_1287 = arith.select %and3A_1284, %sub3A_1286, %div3A_1265 : i32
      %mul3A_1288 = arith.constant 112 : i32
      %mul3A_1289 = arith.muli %select_n3A_1287, %mul3A_1288 : i32
      %sub3A_1290 = arith.subi %min3A_1263, %mul3A_1289 : i32
      %mul3A_1291 = arith.constant 896 : i32
      %mul3A_1292 = arith.muli %sub3A_1290, %mul3A_1291 : i32
      %min3A_1293 = arith.constant 99072 : i32
      %min3A_1294 = arith.minsi %mul3A_1292, %min3A_1293 : i32
      %dma_wait3A_1295 = arith.constant 0 : i32
      %dma_wait3A_1296 = tpu.memref_slice %arg2[%select_n3A_1287, %dma_wait3A_1295, %min3A_1294] : memref<26x32x100000xf32, #tpu.memory_space<hbm>> -> memref<1x32x896xf32, #tpu.memory_space<hbm>>
      %dma_wait3A_1297 = tpu.memref_squeeze %dma_wait3A_1296 : memref<1x32x896xf32, #tpu.memory_space<hbm>> -> memref<32x896xf32, #tpu.memory_space<hbm>>
      %dma_wait3A_1298 = arith.constant 0 : i32
      %dma_wait3A_1299 = tpu.memref_slice %arg2[%select_n3A_1287, %dma_wait3A_1298, %min3A_1294] : memref<26x32x100000xf32, #tpu.memory_space<hbm>> -> memref<1x32x896xf32, #tpu.memory_space<hbm>>
      %dma_wait3A_1300 = tpu.memref_squeeze %dma_wait3A_1299 : memref<1x32x896xf32, #tpu.memory_space<hbm>> -> memref<32x896xf32, #tpu.memory_space<hbm>>
      tpu.wait_dma2 semaphore(%arg11 : memref<!tpu.dma_semaphore, #tpu.memory_space<semaphore_mem>>) src(%dma_wait3A_1300 : memref<32x896xf32, #tpu.memory_space<hbm>>) dst(%arg5 : memref<32x896xf32, #tpu.memory_space<vmem>>)
      %gt3A_1301 = arith.constant 0 : i32
      %gt3A_1302 = arith.cmpi sgt, %scan3A_1121, %gt3A_1301 : i32
      %convert_element_type3A_1303 = arith.extui %gt3A_1302 : i1 to i32
      %cond3A_1304 = arith.constant 0 : i32
      %cond3A_1305 = arith.cmpi ne, %convert_element_type3A_1303, %cond3A_1304 : i32
      scf.if %cond3A_1305 {
        %min3A_1395 = arith.constant 2911 : i32
        %min3A_1396 = arith.minsi %add3A_1261, %min3A_1395 : i32
        %jit3A_1397 = arith.constant 112 : i32
        %div3A_1398 = arith.divsi %min3A_1396, %jit3A_1397 : i32
        %sign3A_1399 = arith.constant 0 : i32
        %sign3A_1400 = arith.cmpi sgt, %min3A_1396, %sign3A_1399 : i32
        %sign3A_1401 = arith.extui %sign3A_1400 : i1 to i32
        %sign3A_1402 = arith.constant 0 : i32
        %sign3A_1403 = arith.cmpi slt, %min3A_1396, %sign3A_1402 : i32
        %sign3A_1404 = arith.extui %sign3A_1403 : i1 to i32
        %sign3A_1405 = arith.subi %sign3A_1401, %sign3A_1404 : i32
        %sign3A_1406 = arith.constant 0 : i32
        %sign3A_1407 = arith.cmpi sgt, %jit3A_1397, %sign3A_1406 : i32
        %sign3A_1408 = arith.extui %sign3A_1407 : i1 to i32
        %sign3A_1409 = arith.constant 0 : i32
        %sign3A_1410 = arith.cmpi slt, %jit3A_1397, %sign3A_1409 : i32
        %sign3A_1411 = arith.extui %sign3A_1410 : i1 to i32
        %sign3A_1412 = arith.subi %sign3A_1408, %sign3A_1411 : i32
        %ne3A_1413 = arith.cmpi ne, %sign3A_1405, %sign3A_1412 : i32
        %rem3A_1414 = arith.remsi %min3A_1396, %jit3A_1397 : i32
        %ne3A_1415 = arith.constant 0 : i32
        %ne3A_1416 = arith.cmpi ne, %rem3A_1414, %ne3A_1415 : i32
        %and3A_1417 = arith.andi %ne3A_1413, %ne3A_1416 : i1
        %sub3A_1418 = arith.constant 1 : i32
        %sub3A_1419 = arith.subi %div3A_1398, %sub3A_1418 : i32
        %select_n3A_1420 = arith.select %and3A_1417, %sub3A_1419, %div3A_1398 : i32
        %mul3A_1421 = arith.constant 112 : i32
        %mul3A_1422 = arith.muli %select_n3A_1420, %mul3A_1421 : i32
        %sub3A_1423 = arith.subi %min3A_1396, %mul3A_1422 : i32
        %mul3A_1424 = arith.constant 896 : i32
        %mul3A_1425 = arith.muli %sub3A_1423, %mul3A_1424 : i32
        %min3A_1426 = arith.constant 99072 : i32
        %min3A_1427 = arith.minsi %mul3A_1425, %min3A_1426 : i32
        %mul3A_1428 = arith.constant 100000 : i32
        %mul3A_1429 = arith.muli %select_n3A_1420, %mul3A_1428 : i32
        %mul3A_1430 = arith.constant 32 : i32
        %mul3A_1431 = arith.muli %mul3A_1429, %mul3A_1430 : i32
        %mul3A_1432 = arith.constant 32 : i32
        %mul3A_1433 = arith.muli %min3A_1427, %mul3A_1432 : i32
        %add3A_1434 = arith.addi %mul3A_1431, %mul3A_1433 : i32
        %dma_wait3A_1435 = tpu.memref_slice %arg3[%add3A_1434] : memref<83200000xf32, #tpu.memory_space<hbm>> -> memref<28672xf32, #tpu.memory_space<hbm>>
        %dma_wait3A_1436 = tpu.memref_slice %arg3[%add3A_1434] : memref<83200000xf32, #tpu.memory_space<hbm>> -> memref<28672xf32, #tpu.memory_space<hbm>>
        tpu.wait_dma2 semaphore(%arg13 : memref<!tpu.dma_semaphore, #tpu.memory_space<semaphore_mem>>) src(%arg7 : memref<28672xf32, #tpu.memory_space<vmem>>) dst(%dma_wait3A_1436 : memref<28672xf32, #tpu.memory_space<hbm>>)
      } else {
      }
      %scan3A_1306 = arith.constant 0 : i32
      %scan3A_1307 = arith.constant 0 : i32
      %scan3A_1308 = arith.constant 56 : i32
      %scan3A_1309 = arith.addi %scan3A_1307, %scan3A_1308 : i32
      %scan3A_1310 = arith.constant 1 : i32
      scf.for %scan3A_1395 = %scan3A_1307 to %scan3A_1309 step %scan3A_1310  : i32 {
        %mul3A_1396 = arith.constant 16 : i32
        %mul3A_1397 = arith.muli %scan3A_1395, %mul3A_1396 : i32
        %add3A_1398 = arith.constant 0 : i32
        %add3A_1399 = vector.broadcast %add3A_1398 : i32 to vector<16xi32>
        %add3A_1400 = arith.addi %iota3A, %add3A_1399 : vector<16xi32>
        %mul3A_1401 = arith.constant 32 : i32
        %mul3A_1402 = arith.muli %mul3A_1397, %mul3A_1401 : i32
        %add3A_1403 = arith.constant 0 : i32
        %add3A_1404 = arith.addi %mul3A_1402, %add3A_1403 : i32
        %add3A_1405 = vector.broadcast %mul3A_1397 : i32 to vector<16xi32>
        %add3A_1406 = arith.addi %select_n3A_23, %add3A_1405 : vector<16xi32>
        %gather3A = tpu.vector_load_idx %arg5[%add3A_1400, %add3A_1406] : memref<32x896xf32, #tpu.memory_space<vmem>>[vector<16xi32>, vector<16xi32>], vector<16xf32>,
        %add3A_1407 = vector.broadcast %mul3A_1397 : i32 to vector<16xi32>
        %add3A_1408 = arith.addi %select_n3A_48, %add3A_1407 : vector<16xi32>
        %gather3A_1409 = tpu.vector_load_idx %arg5[%add3A_1400, %add3A_1408] : memref<32x896xf32, #tpu.memory_space<vmem>>[vector<16xi32>, vector<16xi32>], vector<16xf32>,
        %add3A_1410 = vector.broadcast %mul3A_1397 : i32 to vector<16xi32>
        %add3A_1411 = arith.addi %select_n3A_73, %add3A_1410 : vector<16xi32>
        %gather3A_1412 = tpu.vector_load_idx %arg5[%add3A_1400, %add3A_1411] : memref<32x896xf32, #tpu.memory_space<vmem>>[vector<16xi32>, vector<16xi32>], vector<16xf32>,
        %add3A_1413 = vector.broadcast %mul3A_1397 : i32 to vector<16xi32>
        %add3A_1414 = arith.addi %select_n3A_98, %add3A_1413 : vector<16xi32>
        %gather3A_1415 = tpu.vector_load_idx %arg5[%add3A_1400, %add3A_1414] : memref<32x896xf32, #tpu.memory_space<vmem>>[vector<16xi32>, vector<16xi32>], vector<16xf32>,
        %add3A_1416 = vector.broadcast %add3A_1404 : i32 to vector<16xi32>
        %add3A_1417 = arith.addi %add3A_427, %add3A_1416 : vector<16xi32>
        tpu.vector_store_idx %arg7[%add3A_1417], %gather3A : memref<28672xf32, #tpu.memory_space<vmem>>[vector<16xi32>], vector<16xf32>,
        %add3A_1418 = vector.broadcast %add3A_1404 : i32 to vector<16xi32>
        %add3A_1419 = arith.addi %add3A_456, %add3A_1418 : vector<16xi32>
        tpu.vector_store_idx %arg7[%add3A_1419], %gather3A_1409 : memref<28672xf32, #tpu.memory_space<vmem>>[vector<16xi32>], vector<16xf32>,
        %add3A_1420 = vector.broadcast %add3A_1404 : i32 to vector<16xi32>
        %add3A_1421 = arith.addi %add3A_485, %add3A_1420 : vector<16xi32>
        tpu.vector_store_idx %arg7[%add3A_1421], %gather3A_1412 : memref<28672xf32, #tpu.memory_space<vmem>>[vector<16xi32>], vector<16xf32>,
        %add3A_1422 = vector.broadcast %add3A_1404 : i32 to vector<16xi32>
        %add3A_1423 = arith.addi %add3A_514, %add3A_1422 : vector<16xi32>
        tpu.vector_store_idx %arg7[%add3A_1423], %gather3A_1415 : memref<28672xf32, #tpu.memory_space<vmem>>[vector<16xi32>], vector<16xf32>,
        %add3A_1424 = vector.broadcast %mul3A_1397 : i32 to vector<16xi32>
        %add3A_1425 = arith.addi %select_n3A_123, %add3A_1424 : vector<16xi32>
        %gather3A_1426 = tpu.vector_load_idx %arg5[%add3A_1400, %add3A_1425] : memref<32x896xf32, #tpu.memory_space<vmem>>[vector<16xi32>, vector<16xi32>], vector<16xf32>,
        %add3A_1427 = vector.broadcast %mul3A_1397 : i32 to vector<16xi32>
        %add3A_1428 = arith.addi %select_n3A_148, %add3A_1427 : vector<16xi32>
        %gather3A_1429 = tpu.vector_load_idx %arg5[%add3A_1400, %add3A_1428] : memref<32x896xf32, #tpu.memory_space<vmem>>[vector<16xi32>, vector<16xi32>], vector<16xf32>,
        %add3A_1430 = vector.broadcast %mul3A_1397 : i32 to vector<16xi32>
        %add3A_1431 = arith.addi %select_n3A_173, %add3A_1430 : vector<16xi32>
        %gather3A_1432 = tpu.vector_load_idx %arg5[%add3A_1400, %add3A_1431] : memref<32x896xf32, #tpu.memory_space<vmem>>[vector<16xi32>, vector<16xi32>], vector<16xf32>,
        %add3A_1433 = vector.broadcast %mul3A_1397 : i32 to vector<16xi32>
        %add3A_1434 = arith.addi %select_n3A_198, %add3A_1433 : vector<16xi32>
        %gather3A_1435 = tpu.vector_load_idx %arg5[%add3A_1400, %add3A_1434] : memref<32x896xf32, #tpu.memory_space<vmem>>[vector<16xi32>, vector<16xi32>], vector<16xf32>,
        %add3A_1436 = vector.broadcast %add3A_1404 : i32 to vector<16xi32>
        %add3A_1437 = arith.addi %add3A_543, %add3A_1436 : vector<16xi32>
        tpu.vector_store_idx %arg7[%add3A_1437], %gather3A_1426 : memref<28672xf32, #tpu.memory_space<vmem>>[vector<16xi32>], vector<16xf32>,
        %add3A_1438 = vector.broadcast %add3A_1404 : i32 to vector<16xi32>
        %add3A_1439 = arith.addi %add3A_572, %add3A_1438 : vector<16xi32>
        tpu.vector_store_idx %arg7[%add3A_1439], %gather3A_1429 : memref<28672xf32, #tpu.memory_space<vmem>>[vector<16xi32>], vector<16xf32>,
        %add3A_1440 = vector.broadcast %add3A_1404 : i32 to vector<16xi32>
        %add3A_1441 = arith.addi %add3A_601, %add3A_1440 : vector<16xi32>
        tpu.vector_store_idx %arg7[%add3A_1441], %gather3A_1432 : memref<28672xf32, #tpu.memory_space<vmem>>[vector<16xi32>], vector<16xf32>,
        %add3A_1442 = vector.broadcast %add3A_1404 : i32 to vector<16xi32>
        %add3A_1443 = arith.addi %add3A_630, %add3A_1442 : vector<16xi32>
        tpu.vector_store_idx %arg7[%add3A_1443], %gather3A_1435 : memref<28672xf32, #tpu.memory_space<vmem>>[vector<16xi32>], vector<16xf32>,
        %add3A_1444 = vector.broadcast %mul3A_1397 : i32 to vector<16xi32>
        %add3A_1445 = arith.addi %select_n3A_223, %add3A_1444 : vector<16xi32>
        %gather3A_1446 = tpu.vector_load_idx %arg5[%add3A_1400, %add3A_1445] : memref<32x896xf32, #tpu.memory_space<vmem>>[vector<16xi32>, vector<16xi32>], vector<16xf32>,
        %add3A_1447 = vector.broadcast %mul3A_1397 : i32 to vector<16xi32>
        %add3A_1448 = arith.addi %select_n3A_248, %add3A_1447 : vector<16xi32>
        %gather3A_1449 = tpu.vector_load_idx %arg5[%add3A_1400, %add3A_1448] : memref<32x896xf32, #tpu.memory_space<vmem>>[vector<16xi32>, vector<16xi32>], vector<16xf32>,
        %add3A_1450 = vector.broadcast %mul3A_1397 : i32 to vector<16xi32>
        %add3A_1451 = arith.addi %select_n3A_273, %add3A_1450 : vector<16xi32>
        %gather3A_1452 = tpu.vector_load_idx %arg5[%add3A_1400, %add3A_1451] : memref<32x896xf32, #tpu.memory_space<vmem>>[vector<16xi32>, vector<16xi32>], vector<16xf32>,
        %add3A_1453 = vector.broadcast %mul3A_1397 : i32 to vector<16xi32>
        %add3A_1454 = arith.addi %select_n3A_298, %add3A_1453 : vector<16xi32>
        %gather3A_1455 = tpu.vector_load_idx %arg5[%add3A_1400, %add3A_1454] : memref<32x896xf32, #tpu.memory_space<vmem>>[vector<16xi32>, vector<16xi32>], vector<16xf32>,
        %add3A_1456 = vector.broadcast %add3A_1404 : i32 to vector<16xi32>
        %add3A_1457 = arith.addi %add3A_659, %add3A_1456 : vector<16xi32>
        tpu.vector_store_idx %arg7[%add3A_1457], %gather3A_1446 : memref<28672xf32, #tpu.memory_space<vmem>>[vector<16xi32>], vector<16xf32>,
        %add3A_1458 = vector.broadcast %add3A_1404 : i32 to vector<16xi32>
        %add3A_1459 = arith.addi %add3A_688, %add3A_1458 : vector<16xi32>
        tpu.vector_store_idx %arg7[%add3A_1459], %gather3A_1449 : memref<28672xf32, #tpu.memory_space<vmem>>[vector<16xi32>], vector<16xf32>,
        %add3A_1460 = vector.broadcast %add3A_1404 : i32 to vector<16xi32>
        %add3A_1461 = arith.addi %add3A_717, %add3A_1460 : vector<16xi32>
        tpu.vector_store_idx %arg7[%add3A_1461], %gather3A_1452 : memref<28672xf32, #tpu.memory_space<vmem>>[vector<16xi32>], vector<16xf32>,
        %add3A_1462 = vector.broadcast %add3A_1404 : i32 to vector<16xi32>
        %add3A_1463 = arith.addi %add3A_746, %add3A_1462 : vector<16xi32>
        tpu.vector_store_idx %arg7[%add3A_1463], %gather3A_1455 : memref<28672xf32, #tpu.memory_space<vmem>>[vector<16xi32>], vector<16xf32>,
        %add3A_1464 = vector.broadcast %mul3A_1397 : i32 to vector<16xi32>
        %add3A_1465 = arith.addi %select_n3A_323, %add3A_1464 : vector<16xi32>
        %gather3A_1466 = tpu.vector_load_idx %arg5[%add3A_1400, %add3A_1465] : memref<32x896xf32, #tpu.memory_space<vmem>>[vector<16xi32>, vector<16xi32>], vector<16xf32>,
        %add3A_1467 = vector.broadcast %mul3A_1397 : i32 to vector<16xi32>
        %add3A_1468 = arith.addi %select_n3A_348, %add3A_1467 : vector<16xi32>
        %gather3A_1469 = tpu.vector_load_idx %arg5[%add3A_1400, %add3A_1468] : memref<32x896xf32, #tpu.memory_space<vmem>>[vector<16xi32>, vector<16xi32>], vector<16xf32>,
        %add3A_1470 = vector.broadcast %mul3A_1397 : i32 to vector<16xi32>
        %add3A_1471 = arith.addi %select_n3A_373, %add3A_1470 : vector<16xi32>
        %gather3A_1472 = tpu.vector_load_idx %arg5[%add3A_1400, %add3A_1471] : memref<32x896xf32, #tpu.memory_space<vmem>>[vector<16xi32>, vector<16xi32>], vector<16xf32>,
        %add3A_1473 = vector.broadcast %mul3A_1397 : i32 to vector<16xi32>
        %add3A_1474 = arith.addi %select_n3A_398, %add3A_1473 : vector<16xi32>
        %gather3A_1475 = tpu.vector_load_idx %arg5[%add3A_1400, %add3A_1474] : memref<32x896xf32, #tpu.memory_space<vmem>>[vector<16xi32>, vector<16xi32>], vector<16xf32>,
        %add3A_1476 = vector.broadcast %add3A_1404 : i32 to vector<16xi32>
        %add3A_1477 = arith.addi %add3A_775, %add3A_1476 : vector<16xi32>
        tpu.vector_store_idx %arg7[%add3A_1477], %gather3A_1466 : memref<28672xf32, #tpu.memory_space<vmem>>[vector<16xi32>], vector<16xf32>,
        %add3A_1478 = vector.broadcast %add3A_1404 : i32 to vector<16xi32>
        %add3A_1479 = arith.addi %add3A_804, %add3A_1478 : vector<16xi32>
        tpu.vector_store_idx %arg7[%add3A_1479], %gather3A_1469 : memref<28672xf32, #tpu.memory_space<vmem>>[vector<16xi32>], vector<16xf32>,
        %add3A_1480 = vector.broadcast %add3A_1404 : i32 to vector<16xi32>
        %add3A_1481 = arith.addi %add3A_833, %add3A_1480 : vector<16xi32>
        tpu.vector_store_idx %arg7[%add3A_1481], %gather3A_1472 : memref<28672xf32, #tpu.memory_space<vmem>>[vector<16xi32>], vector<16xf32>,
        %add3A_1482 = vector.broadcast %add3A_1404 : i32 to vector<16xi32>
        %add3A_1483 = arith.addi %add3A_862, %add3A_1482 : vector<16xi32>
        tpu.vector_store_idx %arg7[%add3A_1483], %gather3A_1475 : memref<28672xf32, #tpu.memory_space<vmem>>[vector<16xi32>], vector<16xf32>,
        %add3A_1484 = arith.constant 16 : i32
        %add3A_1485 = vector.broadcast %add3A_1484 : i32 to vector<16xi32>
        %add3A_1486 = arith.addi %iota3A, %add3A_1485 : vector<16xi32>
        %mul3A_1487 = arith.constant 32 : i32
        %mul3A_1488 = arith.muli %mul3A_1397, %mul3A_1487 : i32
        %add3A_1489 = arith.constant 16 : i32
        %add3A_1490 = arith.addi %mul3A_1488, %add3A_1489 : i32
        %add3A_1491 = vector.broadcast %mul3A_1397 : i32 to vector<16xi32>
        %add3A_1492 = arith.addi %select_n3A_23, %add3A_1491 : vector<16xi32>
        %gather3A_1493 = tpu.vector_load_idx %arg5[%add3A_1486, %add3A_1492] : memref<32x896xf32, #tpu.memory_space<vmem>>[vector<16xi32>, vector<16xi32>], vector<16xf32>,
        %add3A_1494 = vector.broadcast %mul3A_1397 : i32 to vector<16xi32>
        %add3A_1495 = arith.addi %select_n3A_48, %add3A_1494 : vector<16xi32>
        %gather3A_1496 = tpu.vector_load_idx %arg5[%add3A_1486, %add3A_1495] : memref<32x896xf32, #tpu.memory_space<vmem>>[vector<16xi32>, vector<16xi32>], vector<16xf32>,
        %add3A_1497 = vector.broadcast %mul3A_1397 : i32 to vector<16xi32>
        %add3A_1498 = arith.addi %select_n3A_73, %add3A_1497 : vector<16xi32>
        %gather3A_1499 = tpu.vector_load_idx %arg5[%add3A_1486, %add3A_1498] : memref<32x896xf32, #tpu.memory_space<vmem>>[vector<16xi32>, vector<16xi32>], vector<16xf32>,
        %add3A_1500 = vector.broadcast %mul3A_1397 : i32 to vector<16xi32>
        %add3A_1501 = arith.addi %select_n3A_98, %add3A_1500 : vector<16xi32>
        %gather3A_1502 = tpu.vector_load_idx %arg5[%add3A_1486, %add3A_1501] : memref<32x896xf32, #tpu.memory_space<vmem>>[vector<16xi32>, vector<16xi32>], vector<16xf32>,
        %add3A_1503 = vector.broadcast %add3A_1490 : i32 to vector<16xi32>
        %add3A_1504 = arith.addi %add3A_427, %add3A_1503 : vector<16xi32>
        tpu.vector_store_idx %arg7[%add3A_1504], %gather3A_1493 : memref<28672xf32, #tpu.memory_space<vmem>>[vector<16xi32>], vector<16xf32>,
        %add3A_1505 = vector.broadcast %add3A_1490 : i32 to vector<16xi32>
        %add3A_1506 = arith.addi %add3A_456, %add3A_1505 : vector<16xi32>
        tpu.vector_store_idx %arg7[%add3A_1506], %gather3A_1496 : memref<28672xf32, #tpu.memory_space<vmem>>[vector<16xi32>], vector<16xf32>,
        %add3A_1507 = vector.broadcast %add3A_1490 : i32 to vector<16xi32>
        %add3A_1508 = arith.addi %add3A_485, %add3A_1507 : vector<16xi32>
        tpu.vector_store_idx %arg7[%add3A_1508], %gather3A_1499 : memref<28672xf32, #tpu.memory_space<vmem>>[vector<16xi32>], vector<16xf32>,
        %add3A_1509 = vector.broadcast %add3A_1490 : i32 to vector<16xi32>
        %add3A_1510 = arith.addi %add3A_514, %add3A_1509 : vector<16xi32>
        tpu.vector_store_idx %arg7[%add3A_1510], %gather3A_1502 : memref<28672xf32, #tpu.memory_space<vmem>>[vector<16xi32>], vector<16xf32>,
        %add3A_1511 = vector.broadcast %mul3A_1397 : i32 to vector<16xi32>
        %add3A_1512 = arith.addi %select_n3A_123, %add3A_1511 : vector<16xi32>
        %gather3A_1513 = tpu.vector_load_idx %arg5[%add3A_1486, %add3A_1512] : memref<32x896xf32, #tpu.memory_space<vmem>>[vector<16xi32>, vector<16xi32>], vector<16xf32>,
        %add3A_1514 = vector.broadcast %mul3A_1397 : i32 to vector<16xi32>
        %add3A_1515 = arith.addi %select_n3A_148, %add3A_1514 : vector<16xi32>
        %gather3A_1516 = tpu.vector_load_idx %arg5[%add3A_1486, %add3A_1515] : memref<32x896xf32, #tpu.memory_space<vmem>>[vector<16xi32>, vector<16xi32>], vector<16xf32>,
        %add3A_1517 = vector.broadcast %mul3A_1397 : i32 to vector<16xi32>
        %add3A_1518 = arith.addi %select_n3A_173, %add3A_1517 : vector<16xi32>
        %gather3A_1519 = tpu.vector_load_idx %arg5[%add3A_1486, %add3A_1518] : memref<32x896xf32, #tpu.memory_space<vmem>>[vector<16xi32>, vector<16xi32>], vector<16xf32>,
        %add3A_1520 = vector.broadcast %mul3A_1397 : i32 to vector<16xi32>
        %add3A_1521 = arith.addi %select_n3A_198, %add3A_1520 : vector<16xi32>
        %gather3A_1522 = tpu.vector_load_idx %arg5[%add3A_1486, %add3A_1521] : memref<32x896xf32, #tpu.memory_space<vmem>>[vector<16xi32>, vector<16xi32>], vector<16xf32>,
        %add3A_1523 = vector.broadcast %add3A_1490 : i32 to vector<16xi32>
        %add3A_1524 = arith.addi %add3A_543, %add3A_1523 : vector<16xi32>
        tpu.vector_store_idx %arg7[%add3A_1524], %gather3A_1513 : memref<28672xf32, #tpu.memory_space<vmem>>[vector<16xi32>], vector<16xf32>,
        %add3A_1525 = vector.broadcast %add3A_1490 : i32 to vector<16xi32>
        %add3A_1526 = arith.addi %add3A_572, %add3A_1525 : vector<16xi32>
        tpu.vector_store_idx %arg7[%add3A_1526], %gather3A_1516 : memref<28672xf32, #tpu.memory_space<vmem>>[vector<16xi32>], vector<16xf32>,
        %add3A_1527 = vector.broadcast %add3A_1490 : i32 to vector<16xi32>
        %add3A_1528 = arith.addi %add3A_601, %add3A_1527 : vector<16xi32>
        tpu.vector_store_idx %arg7[%add3A_1528], %gather3A_1519 : memref<28672xf32, #tpu.memory_space<vmem>>[vector<16xi32>], vector<16xf32>,
        %add3A_1529 = vector.broadcast %add3A_1490 : i32 to vector<16xi32>
        %add3A_1530 = arith.addi %add3A_630, %add3A_1529 : vector<16xi32>
        tpu.vector_store_idx %arg7[%add3A_1530], %gather3A_1522 : memref<28672xf32, #tpu.memory_space<vmem>>[vector<16xi32>], vector<16xf32>,
        %add3A_1531 = vector.broadcast %mul3A_1397 : i32 to vector<16xi32>
        %add3A_1532 = arith.addi %select_n3A_223, %add3A_1531 : vector<16xi32>
        %gather3A_1533 = tpu.vector_load_idx %arg5[%add3A_1486, %add3A_1532] : memref<32x896xf32, #tpu.memory_space<vmem>>[vector<16xi32>, vector<16xi32>], vector<16xf32>,
        %add3A_1534 = vector.broadcast %mul3A_1397 : i32 to vector<16xi32>
        %add3A_1535 = arith.addi %select_n3A_248, %add3A_1534 : vector<16xi32>
        %gather3A_1536 = tpu.vector_load_idx %arg5[%add3A_1486, %add3A_1535] : memref<32x896xf32, #tpu.memory_space<vmem>>[vector<16xi32>, vector<16xi32>], vector<16xf32>,
        %add3A_1537 = vector.broadcast %mul3A_1397 : i32 to vector<16xi32>
        %add3A_1538 = arith.addi %select_n3A_273, %add3A_1537 : vector<16xi32>
        %gather3A_1539 = tpu.vector_load_idx %arg5[%add3A_1486, %add3A_1538] : memref<32x896xf32, #tpu.memory_space<vmem>>[vector<16xi32>, vector<16xi32>], vector<16xf32>,
        %add3A_1540 = vector.broadcast %mul3A_1397 : i32 to vector<16xi32>
        %add3A_1541 = arith.addi %select_n3A_298, %add3A_1540 : vector<16xi32>
        %gather3A_1542 = tpu.vector_load_idx %arg5[%add3A_1486, %add3A_1541] : memref<32x896xf32, #tpu.memory_space<vmem>>[vector<16xi32>, vector<16xi32>], vector<16xf32>,
        %add3A_1543 = vector.broadcast %add3A_1490 : i32 to vector<16xi32>
        %add3A_1544 = arith.addi %add3A_659, %add3A_1543 : vector<16xi32>
        tpu.vector_store_idx %arg7[%add3A_1544], %gather3A_1533 : memref<28672xf32, #tpu.memory_space<vmem>>[vector<16xi32>], vector<16xf32>,
        %add3A_1545 = vector.broadcast %add3A_1490 : i32 to vector<16xi32>
        %add3A_1546 = arith.addi %add3A_688, %add3A_1545 : vector<16xi32>
        tpu.vector_store_idx %arg7[%add3A_1546], %gather3A_1536 : memref<28672xf32, #tpu.memory_space<vmem>>[vector<16xi32>], vector<16xf32>,
        %add3A_1547 = vector.broadcast %add3A_1490 : i32 to vector<16xi32>
        %add3A_1548 = arith.addi %add3A_717, %add3A_1547 : vector<16xi32>
        tpu.vector_store_idx %arg7[%add3A_1548], %gather3A_1539 : memref<28672xf32, #tpu.memory_space<vmem>>[vector<16xi32>], vector<16xf32>,
        %add3A_1549 = vector.broadcast %add3A_1490 : i32 to vector<16xi32>
        %add3A_1550 = arith.addi %add3A_746, %add3A_1549 : vector<16xi32>
        tpu.vector_store_idx %arg7[%add3A_1550], %gather3A_1542 : memref<28672xf32, #tpu.memory_space<vmem>>[vector<16xi32>], vector<16xf32>,
        %add3A_1551 = vector.broadcast %mul3A_1397 : i32 to vector<16xi32>
        %add3A_1552 = arith.addi %select_n3A_323, %add3A_1551 : vector<16xi32>
        %gather3A_1553 = tpu.vector_load_idx %arg5[%add3A_1486, %add3A_1552] : memref<32x896xf32, #tpu.memory_space<vmem>>[vector<16xi32>, vector<16xi32>], vector<16xf32>,
        %add3A_1554 = vector.broadcast %mul3A_1397 : i32 to vector<16xi32>
        %add3A_1555 = arith.addi %select_n3A_348, %add3A_1554 : vector<16xi32>
        %gather3A_1556 = tpu.vector_load_idx %arg5[%add3A_1486, %add3A_1555] : memref<32x896xf32, #tpu.memory_space<vmem>>[vector<16xi32>, vector<16xi32>], vector<16xf32>,
        %add3A_1557 = vector.broadcast %mul3A_1397 : i32 to vector<16xi32>
        %add3A_1558 = arith.addi %select_n3A_373, %add3A_1557 : vector<16xi32>
        %gather3A_1559 = tpu.vector_load_idx %arg5[%add3A_1486, %add3A_1558] : memref<32x896xf32, #tpu.memory_space<vmem>>[vector<16xi32>, vector<16xi32>], vector<16xf32>,
        %add3A_1560 = vector.broadcast %mul3A_1397 : i32 to vector<16xi32>
        %add3A_1561 = arith.addi %select_n3A_398, %add3A_1560 : vector<16xi32>
        %gather3A_1562 = tpu.vector_load_idx %arg5[%add3A_1486, %add3A_1561] : memref<32x896xf32, #tpu.memory_space<vmem>>[vector<16xi32>, vector<16xi32>], vector<16xf32>,
        %add3A_1563 = vector.broadcast %add3A_1490 : i32 to vector<16xi32>
        %add3A_1564 = arith.addi %add3A_775, %add3A_1563 : vector<16xi32>
        tpu.vector_store_idx %arg7[%add3A_1564], %gather3A_1553 : memref<28672xf32, #tpu.memory_space<vmem>>[vector<16xi32>], vector<16xf32>,
        %add3A_1565 = vector.broadcast %add3A_1490 : i32 to vector<16xi32>
        %add3A_1566 = arith.addi %add3A_804, %add3A_1565 : vector<16xi32>
        tpu.vector_store_idx %arg7[%add3A_1566], %gather3A_1556 : memref<28672xf32, #tpu.memory_space<vmem>>[vector<16xi32>], vector<16xf32>,
        %add3A_1567 = vector.broadcast %add3A_1490 : i32 to vector<16xi32>
        %add3A_1568 = arith.addi %add3A_833, %add3A_1567 : vector<16xi32>
        tpu.vector_store_idx %arg7[%add3A_1568], %gather3A_1559 : memref<28672xf32, #tpu.memory_space<vmem>>[vector<16xi32>], vector<16xf32>,
        %add3A_1569 = vector.broadcast %add3A_1490 : i32 to vector<16xi32>
        %add3A_1570 = arith.addi %add3A_862, %add3A_1569 : vector<16xi32>
        tpu.vector_store_idx %arg7[%add3A_1570], %gather3A_1562 : memref<28672xf32, #tpu.memory_space<vmem>>[vector<16xi32>], vector<16xf32>,
      }
      %scan3A_1311 = arith.constant 56 : i32
      %min3A_1312 = arith.constant 2911 : i32
      %min3A_1313 = arith.minsi %add3A_1261, %min3A_1312 : i32
      %jit3A_1314 = arith.constant 112 : i32
      %div3A_1315 = arith.divsi %min3A_1313, %jit3A_1314 : i32
      %sign3A_1316 = arith.constant 0 : i32
      %sign3A_1317 = arith.cmpi sgt, %min3A_1313, %sign3A_1316 : i32
      %sign3A_1318 = arith.extui %sign3A_1317 : i1 to i32
      %sign3A_1319 = arith.constant 0 : i32
      %sign3A_1320 = arith.cmpi slt, %min3A_1313, %sign3A_1319 : i32
      %sign3A_1321 = arith.extui %sign3A_1320 : i1 to i32
      %sign3A_1322 = arith.subi %sign3A_1318, %sign3A_1321 : i32
      %sign3A_1323 = arith.constant 0 : i32
      %sign3A_1324 = arith.cmpi sgt, %jit3A_1314, %sign3A_1323 : i32
      %sign3A_1325 = arith.extui %sign3A_1324 : i1 to i32
      %sign3A_1326 = arith.constant 0 : i32
      %sign3A_1327 = arith.cmpi slt, %jit3A_1314, %sign3A_1326 : i32
      %sign3A_1328 = arith.extui %sign3A_1327 : i1 to i32
      %sign3A_1329 = arith.subi %sign3A_1325, %sign3A_1328 : i32
      %ne3A_1330 = arith.cmpi ne, %sign3A_1322, %sign3A_1329 : i32
      %rem3A_1331 = arith.remsi %min3A_1313, %jit3A_1314 : i32
      %ne3A_1332 = arith.constant 0 : i32
      %ne3A_1333 = arith.cmpi ne, %rem3A_1331, %ne3A_1332 : i32
      %and3A_1334 = arith.andi %ne3A_1330, %ne3A_1333 : i1
      %sub3A_1335 = arith.constant 1 : i32
      %sub3A_1336 = arith.subi %div3A_1315, %sub3A_1335 : i32
      %select_n3A_1337 = arith.select %and3A_1334, %sub3A_1336, %div3A_1315 : i32
      %mul3A_1338 = arith.constant 112 : i32
      %mul3A_1339 = arith.muli %select_n3A_1337, %mul3A_1338 : i32
      %sub3A_1340 = arith.subi %min3A_1313, %mul3A_1339 : i32
      %mul3A_1341 = arith.constant 896 : i32
      %mul3A_1342 = arith.muli %sub3A_1340, %mul3A_1341 : i32
      %min3A_1343 = arith.constant 99072 : i32
      %min3A_1344 = arith.minsi %mul3A_1342, %min3A_1343 : i32
      %mul3A_1345 = arith.constant 100000 : i32
      %mul3A_1346 = arith.muli %select_n3A_1337, %mul3A_1345 : i32
      %mul3A_1347 = arith.constant 32 : i32
      %mul3A_1348 = arith.muli %mul3A_1346, %mul3A_1347 : i32
      %mul3A_1349 = arith.constant 32 : i32
      %mul3A_1350 = arith.muli %min3A_1344, %mul3A_1349 : i32
      %add3A_1351 = arith.addi %mul3A_1348, %mul3A_1350 : i32
      %dma_start3A_1352 = tpu.memref_slice %arg3[%add3A_1351] : memref<83200000xf32, #tpu.memory_space<hbm>> -> memref<28672xf32, #tpu.memory_space<hbm>>
      %dma_start3A_1353 = tpu.memref_slice %arg3[%add3A_1351] : memref<83200000xf32, #tpu.memory_space<hbm>> -> memref<28672xf32, #tpu.memory_space<hbm>>
      tpu.enqueue_dma source(%arg7 : memref<28672xf32, #tpu.memory_space<vmem>>) target(%dma_start3A_1353 : memref<28672xf32, #tpu.memory_space<hbm>>) target_semaphore(%arg13 : memref<!tpu.dma_semaphore, #tpu.memory_space<semaphore_mem>>)
      %add3A_1354 = arith.constant 2 : i32
      %add3A_1355 = arith.addi %add3A_1261, %add3A_1354 : i32
      %min3A_1356 = arith.constant 2911 : i32
      %min3A_1357 = arith.minsi %add3A_1355, %min3A_1356 : i32
      %jit3A_1358 = arith.constant 112 : i32
      %div3A_1359 = arith.divsi %min3A_1357, %jit3A_1358 : i32
      %sign3A_1360 = arith.constant 0 : i32
      %sign3A_1361 = arith.cmpi sgt, %min3A_1357, %sign3A_1360 : i32
      %sign3A_1362 = arith.extui %sign3A_1361 : i1 to i32
      %sign3A_1363 = arith.constant 0 : i32
      %sign3A_1364 = arith.cmpi slt, %min3A_1357, %sign3A_1363 : i32
      %sign3A_1365 = arith.extui %sign3A_1364 : i1 to i32
      %sign3A_1366 = arith.subi %sign3A_1362, %sign3A_1365 : i32
      %sign3A_1367 = arith.constant 0 : i32
      %sign3A_1368 = arith.cmpi sgt, %jit3A_1358, %sign3A_1367 : i32
      %sign3A_1369 = arith.extui %sign3A_1368 : i1 to i32
      %sign3A_1370 = arith.constant 0 : i32
      %sign3A_1371 = arith.cmpi slt, %jit3A_1358, %sign3A_1370 : i32
      %sign3A_1372 = arith.extui %sign3A_1371 : i1 to i32
      %sign3A_1373 = arith.subi %sign3A_1369, %sign3A_1372 : i32
      %ne3A_1374 = arith.cmpi ne, %sign3A_1366, %sign3A_1373 : i32
      %rem3A_1375 = arith.remsi %min3A_1357, %jit3A_1358 : i32
      %ne3A_1376 = arith.constant 0 : i32
      %ne3A_1377 = arith.cmpi ne, %rem3A_1375, %ne3A_1376 : i32
      %and3A_1378 = arith.andi %ne3A_1374, %ne3A_1377 : i1
      %sub3A_1379 = arith.constant 1 : i32
      %sub3A_1380 = arith.subi %div3A_1359, %sub3A_1379 : i32
      %select_n3A_1381 = arith.select %and3A_1378, %sub3A_1380, %div3A_1359 : i32
      %mul3A_1382 = arith.constant 112 : i32
      %mul3A_1383 = arith.muli %select_n3A_1381, %mul3A_1382 : i32
      %sub3A_1384 = arith.subi %min3A_1357, %mul3A_1383 : i32
      %mul3A_1385 = arith.constant 896 : i32
      %mul3A_1386 = arith.muli %sub3A_1384, %mul3A_1385 : i32
      %min3A_1387 = arith.constant 99072 : i32
      %min3A_1388 = arith.minsi %mul3A_1386, %min3A_1387 : i32
      %dma_start3A_1389 = arith.constant 0 : i32
      %dma_start3A_1390 = tpu.memref_slice %arg2[%select_n3A_1381, %dma_start3A_1389, %min3A_1388] : memref<26x32x100000xf32, #tpu.memory_space<hbm>> -> memref<1x32x896xf32, #tpu.memory_space<hbm>>
      %dma_start3A_1391 = tpu.memref_squeeze %dma_start3A_1390 : memref<1x32x896xf32, #tpu.memory_space<hbm>> -> memref<32x896xf32, #tpu.memory_space<hbm>>
      %dma_start3A_1392 = arith.constant 0 : i32
      %dma_start3A_1393 = tpu.memref_slice %arg2[%select_n3A_1381, %dma_start3A_1392, %min3A_1388] : memref<26x32x100000xf32, #tpu.memory_space<hbm>> -> memref<1x32x896xf32, #tpu.memory_space<hbm>>
      %dma_start3A_1394 = tpu.memref_squeeze %dma_start3A_1393 : memref<1x32x896xf32, #tpu.memory_space<hbm>> -> memref<32x896xf32, #tpu.memory_space<hbm>>
      tpu.enqueue_dma source(%dma_start3A_1394 : memref<32x896xf32, #tpu.memory_space<hbm>>) target(%arg5 : memref<32x896xf32, #tpu.memory_space<vmem>>) target_semaphore(%arg11 : memref<!tpu.dma_semaphore, #tpu.memory_space<semaphore_mem>>)
    }
    %scan3A_945 = arith.constant 46 : i32
    %min3A_946 = arith.constant 2911 : i32
    %min3A_947 = arith.minsi %mul3A_2, %min3A_946 : i32
    %jit3A_948 = arith.constant 112 : i32
    %div3A_949 = arith.divsi %min3A_947, %jit3A_948 : i32
    %sign3A_950 = arith.constant 0 : i32
    %sign3A_951 = arith.cmpi sgt, %min3A_947, %sign3A_950 : i32
    %sign3A_952 = arith.extui %sign3A_951 : i1 to i32
    %sign3A_953 = arith.constant 0 : i32
    %sign3A_954 = arith.cmpi slt, %min3A_947, %sign3A_953 : i32
    %sign3A_955 = arith.extui %sign3A_954 : i1 to i32
    %sign3A_956 = arith.subi %sign3A_952, %sign3A_955 : i32
    %sign3A_957 = arith.constant 0 : i32
    %sign3A_958 = arith.cmpi sgt, %jit3A_948, %sign3A_957 : i32
    %sign3A_959 = arith.extui %sign3A_958 : i1 to i32
    %sign3A_960 = arith.constant 0 : i32
    %sign3A_961 = arith.cmpi slt, %jit3A_948, %sign3A_960 : i32
    %sign3A_962 = arith.extui %sign3A_961 : i1 to i32
    %sign3A_963 = arith.subi %sign3A_959, %sign3A_962 : i32
    %ne3A_964 = arith.cmpi ne, %sign3A_956, %sign3A_963 : i32
    %rem3A_965 = arith.remsi %min3A_947, %jit3A_948 : i32
    %ne3A_966 = arith.constant 0 : i32
    %ne3A_967 = arith.cmpi ne, %rem3A_965, %ne3A_966 : i32
    %and3A_968 = arith.andi %ne3A_964, %ne3A_967 : i1
    %sub3A_969 = arith.constant 1 : i32
    %sub3A_970 = arith.subi %div3A_949, %sub3A_969 : i32
    %select_n3A_971 = arith.select %and3A_968, %sub3A_970, %div3A_949 : i32
    %mul3A_972 = arith.constant 112 : i32
    %mul3A_973 = arith.muli %select_n3A_971, %mul3A_972 : i32
    %sub3A_974 = arith.subi %min3A_947, %mul3A_973 : i32
    %mul3A_975 = arith.constant 896 : i32
    %mul3A_976 = arith.muli %sub3A_974, %mul3A_975 : i32
    %min3A_977 = arith.constant 99072 : i32
    %min3A_978 = arith.minsi %mul3A_976, %min3A_977 : i32
    %dma_wait3A = arith.constant 0 : i32
    %dma_wait3A_979 = tpu.memref_slice %arg2[%select_n3A_971, %dma_wait3A, %min3A_978] : memref<26x32x100000xf32, #tpu.memory_space<hbm>> -> memref<1x32x896xf32, #tpu.memory_space<hbm>>
    %dma_wait3A_980 = tpu.memref_squeeze %dma_wait3A_979 : memref<1x32x896xf32, #tpu.memory_space<hbm>> -> memref<32x896xf32, #tpu.memory_space<hbm>>
    %dma_wait3A_981 = arith.constant 0 : i32
    %dma_wait3A_982 = tpu.memref_slice %arg2[%select_n3A_971, %dma_wait3A_981, %min3A_978] : memref<26x32x100000xf32, #tpu.memory_space<hbm>> -> memref<1x32x896xf32, #tpu.memory_space<hbm>>
    %dma_wait3A_983 = tpu.memref_squeeze %dma_wait3A_982 : memref<1x32x896xf32, #tpu.memory_space<hbm>> -> memref<32x896xf32, #tpu.memory_space<hbm>>
    tpu.wait_dma2 semaphore(%arg10 : memref<!tpu.dma_semaphore, #tpu.memory_space<semaphore_mem>>) src(%dma_wait3A_983 : memref<32x896xf32, #tpu.memory_space<hbm>>) dst(%arg4 : memref<32x896xf32, #tpu.memory_space<vmem>>)
    %min3A_984 = arith.constant 2911 : i32
    %min3A_985 = arith.minsi %mul3A_2, %min3A_984 : i32
    %jit3A_986 = arith.constant 112 : i32
    %div3A_987 = arith.divsi %min3A_985, %jit3A_986 : i32
    %sign3A_988 = arith.constant 0 : i32
    %sign3A_989 = arith.cmpi sgt, %min3A_985, %sign3A_988 : i32
    %sign3A_990 = arith.extui %sign3A_989 : i1 to i32
    %sign3A_991 = arith.constant 0 : i32
    %sign3A_992 = arith.cmpi slt, %min3A_985, %sign3A_991 : i32
    %sign3A_993 = arith.extui %sign3A_992 : i1 to i32
    %sign3A_994 = arith.subi %sign3A_990, %sign3A_993 : i32
    %sign3A_995 = arith.constant 0 : i32
    %sign3A_996 = arith.cmpi sgt, %jit3A_986, %sign3A_995 : i32
    %sign3A_997 = arith.extui %sign3A_996 : i1 to i32
    %sign3A_998 = arith.constant 0 : i32
    %sign3A_999 = arith.cmpi slt, %jit3A_986, %sign3A_998 : i32
    %sign3A_1000 = arith.extui %sign3A_999 : i1 to i32
    %sign3A_1001 = arith.subi %sign3A_997, %sign3A_1000 : i32
    %ne3A_1002 = arith.cmpi ne, %sign3A_994, %sign3A_1001 : i32
    %rem3A_1003 = arith.remsi %min3A_985, %jit3A_986 : i32
    %ne3A_1004 = arith.constant 0 : i32
    %ne3A_1005 = arith.cmpi ne, %rem3A_1003, %ne3A_1004 : i32
    %and3A_1006 = arith.andi %ne3A_1002, %ne3A_1005 : i1
    %sub3A_1007 = arith.constant 1 : i32
    %sub3A_1008 = arith.subi %div3A_987, %sub3A_1007 : i32
    %select_n3A_1009 = arith.select %and3A_1006, %sub3A_1008, %div3A_987 : i32
    %mul3A_1010 = arith.constant 112 : i32
    %mul3A_1011 = arith.muli %select_n3A_1009, %mul3A_1010 : i32
    %sub3A_1012 = arith.subi %min3A_985, %mul3A_1011 : i32
    %mul3A_1013 = arith.constant 896 : i32
    %mul3A_1014 = arith.muli %sub3A_1012, %mul3A_1013 : i32
    %min3A_1015 = arith.constant 99072 : i32
    %min3A_1016 = arith.minsi %mul3A_1014, %min3A_1015 : i32
    %mul3A_1017 = arith.constant 100000 : i32
    %mul3A_1018 = arith.muli %select_n3A_1009, %mul3A_1017 : i32
    %mul3A_1019 = arith.constant 32 : i32
    %mul3A_1020 = arith.muli %mul3A_1018, %mul3A_1019 : i32
    %mul3A_1021 = arith.constant 32 : i32
    %mul3A_1022 = arith.muli %min3A_1016, %mul3A_1021 : i32
    %add3A_1023 = arith.addi %mul3A_1020, %mul3A_1022 : i32
    %dma_wait3A_1024 = tpu.memref_slice %arg3[%add3A_1023] : memref<83200000xf32, #tpu.memory_space<hbm>> -> memref<28672xf32, #tpu.memory_space<hbm>>
    %dma_wait3A_1025 = tpu.memref_slice %arg3[%add3A_1023] : memref<83200000xf32, #tpu.memory_space<hbm>> -> memref<28672xf32, #tpu.memory_space<hbm>>
    tpu.wait_dma2 semaphore(%arg12 : memref<!tpu.dma_semaphore, #tpu.memory_space<semaphore_mem>>) src(%arg6 : memref<28672xf32, #tpu.memory_space<vmem>>) dst(%dma_wait3A_1025 : memref<28672xf32, #tpu.memory_space<hbm>>)
    %min3A_1026 = arith.constant 2911 : i32
    %min3A_1027 = arith.minsi %mul3A_2, %min3A_1026 : i32
    %jit3A_1028 = arith.constant 112 : i32
    %div3A_1029 = arith.divsi %min3A_1027, %jit3A_1028 : i32
    %sign3A_1030 = arith.constant 0 : i32
    %sign3A_1031 = arith.cmpi sgt, %min3A_1027, %sign3A_1030 : i32
    %sign3A_1032 = arith.extui %sign3A_1031 : i1 to i32
    %sign3A_1033 = arith.constant 0 : i32
    %sign3A_1034 = arith.cmpi slt, %min3A_1027, %sign3A_1033 : i32
    %sign3A_1035 = arith.extui %sign3A_1034 : i1 to i32
    %sign3A_1036 = arith.subi %sign3A_1032, %sign3A_1035 : i32
    %sign3A_1037 = arith.constant 0 : i32
    %sign3A_1038 = arith.cmpi sgt, %jit3A_1028, %sign3A_1037 : i32
    %sign3A_1039 = arith.extui %sign3A_1038 : i1 to i32
    %sign3A_1040 = arith.constant 0 : i32
    %sign3A_1041 = arith.cmpi slt, %jit3A_1028, %sign3A_1040 : i32
    %sign3A_1042 = arith.extui %sign3A_1041 : i1 to i32
    %sign3A_1043 = arith.subi %sign3A_1039, %sign3A_1042 : i32
    %ne3A_1044 = arith.cmpi ne, %sign3A_1036, %sign3A_1043 : i32
    %rem3A_1045 = arith.remsi %min3A_1027, %jit3A_1028 : i32
    %ne3A_1046 = arith.constant 0 : i32
    %ne3A_1047 = arith.cmpi ne, %rem3A_1045, %ne3A_1046 : i32
    %and3A_1048 = arith.andi %ne3A_1044, %ne3A_1047 : i1
    %sub3A_1049 = arith.constant 1 : i32
    %sub3A_1050 = arith.subi %div3A_1029, %sub3A_1049 : i32
    %select_n3A_1051 = arith.select %and3A_1048, %sub3A_1050, %div3A_1029 : i32
    %mul3A_1052 = arith.constant 112 : i32
    %mul3A_1053 = arith.muli %select_n3A_1051, %mul3A_1052 : i32
    %sub3A_1054 = arith.subi %min3A_1027, %mul3A_1053 : i32
    %mul3A_1055 = arith.constant 896 : i32
    %mul3A_1056 = arith.muli %sub3A_1054, %mul3A_1055 : i32
    %min3A_1057 = arith.constant 99072 : i32
    %min3A_1058 = arith.minsi %mul3A_1056, %min3A_1057 : i32
    %dma_wait3A_1059 = arith.constant 0 : i32
    %dma_wait3A_1060 = tpu.memref_slice %arg2[%select_n3A_1051, %dma_wait3A_1059, %min3A_1058] : memref<26x32x100000xf32, #tpu.memory_space<hbm>> -> memref<1x32x896xf32, #tpu.memory_space<hbm>>
    %dma_wait3A_1061 = tpu.memref_squeeze %dma_wait3A_1060 : memref<1x32x896xf32, #tpu.memory_space<hbm>> -> memref<32x896xf32, #tpu.memory_space<hbm>>
    %dma_wait3A_1062 = arith.constant 0 : i32
    %dma_wait3A_1063 = tpu.memref_slice %arg2[%select_n3A_1051, %dma_wait3A_1062, %min3A_1058] : memref<26x32x100000xf32, #tpu.memory_space<hbm>> -> memref<1x32x896xf32, #tpu.memory_space<hbm>>
    %dma_wait3A_1064 = tpu.memref_squeeze %dma_wait3A_1063 : memref<1x32x896xf32, #tpu.memory_space<hbm>> -> memref<32x896xf32, #tpu.memory_space<hbm>>
    tpu.wait_dma2 semaphore(%arg11 : memref<!tpu.dma_semaphore, #tpu.memory_space<semaphore_mem>>) src(%dma_wait3A_1064 : memref<32x896xf32, #tpu.memory_space<hbm>>) dst(%arg5 : memref<32x896xf32, #tpu.memory_space<vmem>>)
    %min3A_1065 = arith.constant 2911 : i32
    %min3A_1066 = arith.minsi %mul3A_2, %min3A_1065 : i32
    %jit3A_1067 = arith.constant 112 : i32
    %div3A_1068 = arith.divsi %min3A_1066, %jit3A_1067 : i32
    %sign3A_1069 = arith.constant 0 : i32
    %sign3A_1070 = arith.cmpi sgt, %min3A_1066, %sign3A_1069 : i32
    %sign3A_1071 = arith.extui %sign3A_1070 : i1 to i32
    %sign3A_1072 = arith.constant 0 : i32
    %sign3A_1073 = arith.cmpi slt, %min3A_1066, %sign3A_1072 : i32
    %sign3A_1074 = arith.extui %sign3A_1073 : i1 to i32
    %sign3A_1075 = arith.subi %sign3A_1071, %sign3A_1074 : i32
    %sign3A_1076 = arith.constant 0 : i32
    %sign3A_1077 = arith.cmpi sgt, %jit3A_1067, %sign3A_1076 : i32
    %sign3A_1078 = arith.extui %sign3A_1077 : i1 to i32
    %sign3A_1079 = arith.constant 0 : i32
    %sign3A_1080 = arith.cmpi slt, %jit3A_1067, %sign3A_1079 : i32
    %sign3A_1081 = arith.extui %sign3A_1080 : i1 to i32
    %sign3A_1082 = arith.subi %sign3A_1078, %sign3A_1081 : i32
    %ne3A_1083 = arith.cmpi ne, %sign3A_1075, %sign3A_1082 : i32
    %rem3A_1084 = arith.remsi %min3A_1066, %jit3A_1067 : i32
    %ne3A_1085 = arith.constant 0 : i32
    %ne3A_1086 = arith.cmpi ne, %rem3A_1084, %ne3A_1085 : i32
    %and3A_1087 = arith.andi %ne3A_1083, %ne3A_1086 : i1
    %sub3A_1088 = arith.constant 1 : i32
    %sub3A_1089 = arith.subi %div3A_1068, %sub3A_1088 : i32
    %select_n3A_1090 = arith.select %and3A_1087, %sub3A_1089, %div3A_1068 : i32
    %mul3A_1091 = arith.constant 112 : i32
    %mul3A_1092 = arith.muli %select_n3A_1090, %mul3A_1091 : i32
    %sub3A_1093 = arith.subi %min3A_1066, %mul3A_1092 : i32
    %mul3A_1094 = arith.constant 896 : i32
    %mul3A_1095 = arith.muli %sub3A_1093, %mul3A_1094 : i32
    %min3A_1096 = arith.constant 99072 : i32
    %min3A_1097 = arith.minsi %mul3A_1095, %min3A_1096 : i32
    %mul3A_1098 = arith.constant 100000 : i32
    %mul3A_1099 = arith.muli %select_n3A_1090, %mul3A_1098 : i32
    %mul3A_1100 = arith.constant 32 : i32
    %mul3A_1101 = arith.muli %mul3A_1099, %mul3A_1100 : i32
    %mul3A_1102 = arith.constant 32 : i32
    %mul3A_1103 = arith.muli %min3A_1097, %mul3A_1102 : i32
    %add3A_1104 = arith.addi %mul3A_1101, %mul3A_1103 : i32
    %dma_wait3A_1105 = tpu.memref_slice %arg3[%add3A_1104] : memref<83200000xf32, #tpu.memory_space<hbm>> -> memref<28672xf32, #tpu.memory_space<hbm>>
    %dma_wait3A_1106 = tpu.memref_slice %arg3[%add3A_1104] : memref<83200000xf32, #tpu.memory_space<hbm>> -> memref<28672xf32, #tpu.memory_space<hbm>>
    tpu.wait_dma2 semaphore(%arg13 : memref<!tpu.dma_semaphore, #tpu.memory_space<semaphore_mem>>) src(%arg7 : memref<28672xf32, #tpu.memory_space<vmem>>) dst(%dma_wait3A_1106 : memref<28672xf32, #tpu.memory_space<hbm>>)
    %min3A_1107 = arith.constant 25 : i32
    %min3A_1108 = arith.minsi %add3A, %min3A_1107 : i32
    "tpu.region"() ({
      %run_scoped3A = tpu.sem_alloc : memref<!tpu.dma_semaphore, #tpu.memory_space<semaphore_mem>>
      %dma_start3A_1121 = arith.constant 0 : i32
      %dma_start3A_1122 = arith.constant 99968 : i32
      %dma_start3A_1123 = tpu.memref_slice %arg2[%min3A_1108, %dma_start3A_1121, %dma_start3A_1122] : memref<26x32x100000xf32, #tpu.memory_space<hbm>> -> memref<1x32x32xf32, #tpu.memory_space<hbm>>
      %dma_start3A_1124 = tpu.memref_squeeze %dma_start3A_1123 : memref<1x32x32xf32, #tpu.memory_space<hbm>> -> memref<32x32xf32, #tpu.memory_space<hbm>>
      %dma_start3A_1125 = arith.constant 0 : i32
      %dma_start3A_1126 = arith.constant 99968 : i32
      %dma_start3A_1127 = tpu.memref_slice %arg2[%min3A_1108, %dma_start3A_1125, %dma_start3A_1126] : memref<26x32x100000xf32, #tpu.memory_space<hbm>> -> memref<1x32x32xf32, #tpu.memory_space<hbm>>
      %dma_start3A_1128 = tpu.memref_squeeze %dma_start3A_1127 : memref<1x32x32xf32, #tpu.memory_space<hbm>> -> memref<32x32xf32, #tpu.memory_space<hbm>>
      tpu.enqueue_dma source(%dma_start3A_1128 : memref<32x32xf32, #tpu.memory_space<hbm>>) target(%arg8 : memref<32x32xf32, #tpu.memory_space<vmem>>) target_semaphore(%run_scoped3A : memref<!tpu.dma_semaphore, #tpu.memory_space<semaphore_mem>>)
      %dma_wait3A_1129 = arith.constant 0 : i32
      %dma_wait3A_1130 = arith.constant 99968 : i32
      %dma_wait3A_1131 = tpu.memref_slice %arg2[%min3A_1108, %dma_wait3A_1129, %dma_wait3A_1130] : memref<26x32x100000xf32, #tpu.memory_space<hbm>> -> memref<1x32x32xf32, #tpu.memory_space<hbm>>
      %dma_wait3A_1132 = tpu.memref_squeeze %dma_wait3A_1131 : memref<1x32x32xf32, #tpu.memory_space<hbm>> -> memref<32x32xf32, #tpu.memory_space<hbm>>
      %dma_wait3A_1133 = arith.constant 0 : i32
      %dma_wait3A_1134 = arith.constant 99968 : i32
      %dma_wait3A_1135 = tpu.memref_slice %arg2[%min3A_1108, %dma_wait3A_1133, %dma_wait3A_1134] : memref<26x32x100000xf32, #tpu.memory_space<hbm>> -> memref<1x32x32xf32, #tpu.memory_space<hbm>>
      %dma_wait3A_1136 = tpu.memref_squeeze %dma_wait3A_1135 : memref<1x32x32xf32, #tpu.memory_space<hbm>> -> memref<32x32xf32, #tpu.memory_space<hbm>>
      tpu.wait_dma2 semaphore(%run_scoped3A : memref<!tpu.dma_semaphore, #tpu.memory_space<semaphore_mem>>) src(%dma_wait3A_1136 : memref<32x32xf32, #tpu.memory_space<hbm>>) dst(%arg8 : memref<32x32xf32, #tpu.memory_space<vmem>>)
      tpu.yield
    }) : () -> ()
    %scan3A_1109 = arith.constant 0 : i32
    %scan3A_1110 = arith.constant 0 : i32
    %scan3A_1111 = arith.constant 2 : i32
    %scan3A_1112 = arith.addi %scan3A_1110, %scan3A_1111 : i32
    %scan3A_1113 = arith.constant 1 : i32
    scf.for %scan3A_1121 = %scan3A_1110 to %scan3A_1112 step %scan3A_1113  : i32 {
      %mul3A_1122 = arith.constant 16 : i32
      %mul3A_1123 = arith.muli %scan3A_1121, %mul3A_1122 : i32
      %add3A_1124 = arith.constant 0 : i32
      %add3A_1125 = vector.broadcast %add3A_1124 : i32 to vector<16xi32>
      %add3A_1126 = arith.addi %iota3A, %add3A_1125 : vector<16xi32>
      %mul3A_1127 = arith.constant 32 : i32
      %mul3A_1128 = arith.muli %mul3A_1123, %mul3A_1127 : i32
      %add3A_1129 = arith.constant 0 : i32
      %add3A_1130 = arith.addi %mul3A_1128, %add3A_1129 : i32
      %add3A_1131 = vector.broadcast %mul3A_1123 : i32 to vector<16xi32>
      %add3A_1132 = arith.addi %select_n3A_23, %add3A_1131 : vector<16xi32>
      %gather3A = tpu.vector_load_idx %arg8[%add3A_1126, %add3A_1132] : memref<32x32xf32, #tpu.memory_space<vmem>>[vector<16xi32>, vector<16xi32>], vector<16xf32>,
      %add3A_1133 = vector.broadcast %mul3A_1123 : i32 to vector<16xi32>
      %add3A_1134 = arith.addi %select_n3A_48, %add3A_1133 : vector<16xi32>
      %gather3A_1135 = tpu.vector_load_idx %arg8[%add3A_1126, %add3A_1134] : memref<32x32xf32, #tpu.memory_space<vmem>>[vector<16xi32>, vector<16xi32>], vector<16xf32>,
      %add3A_1136 = vector.broadcast %mul3A_1123 : i32 to vector<16xi32>
      %add3A_1137 = arith.addi %select_n3A_73, %add3A_1136 : vector<16xi32>
      %gather3A_1138 = tpu.vector_load_idx %arg8[%add3A_1126, %add3A_1137] : memref<32x32xf32, #tpu.memory_space<vmem>>[vector<16xi32>, vector<16xi32>], vector<16xf32>,
      %add3A_1139 = vector.broadcast %mul3A_1123 : i32 to vector<16xi32>
      %add3A_1140 = arith.addi %select_n3A_98, %add3A_1139 : vector<16xi32>
      %gather3A_1141 = tpu.vector_load_idx %arg8[%add3A_1126, %add3A_1140] : memref<32x32xf32, #tpu.memory_space<vmem>>[vector<16xi32>, vector<16xi32>], vector<16xf32>,
      %add3A_1142 = vector.broadcast %add3A_1130 : i32 to vector<16xi32>
      %add3A_1143 = arith.addi %add3A_427, %add3A_1142 : vector<16xi32>
      tpu.vector_store_idx %arg9[%add3A_1143], %gather3A : memref<1024xf32, #tpu.memory_space<vmem>>[vector<16xi32>], vector<16xf32>,
      %add3A_1144 = vector.broadcast %add3A_1130 : i32 to vector<16xi32>
      %add3A_1145 = arith.addi %add3A_456, %add3A_1144 : vector<16xi32>
      tpu.vector_store_idx %arg9[%add3A_1145], %gather3A_1135 : memref<1024xf32, #tpu.memory_space<vmem>>[vector<16xi32>], vector<16xf32>,
      %add3A_1146 = vector.broadcast %add3A_1130 : i32 to vector<16xi32>
      %add3A_1147 = arith.addi %add3A_485, %add3A_1146 : vector<16xi32>
      tpu.vector_store_idx %arg9[%add3A_1147], %gather3A_1138 : memref<1024xf32, #tpu.memory_space<vmem>>[vector<16xi32>], vector<16xf32>,
      %add3A_1148 = vector.broadcast %add3A_1130 : i32 to vector<16xi32>
      %add3A_1149 = arith.addi %add3A_514, %add3A_1148 : vector<16xi32>
      tpu.vector_store_idx %arg9[%add3A_1149], %gather3A_1141 : memref<1024xf32, #tpu.memory_space<vmem>>[vector<16xi32>], vector<16xf32>,
      %add3A_1150 = vector.broadcast %mul3A_1123 : i32 to vector<16xi32>
      %add3A_1151 = arith.addi %select_n3A_123, %add3A_1150 : vector<16xi32>
      %gather3A_1152 = tpu.vector_load_idx %arg8[%add3A_1126, %add3A_1151] : memref<32x32xf32, #tpu.memory_space<vmem>>[vector<16xi32>, vector<16xi32>], vector<16xf32>,
      %add3A_1153 = vector.broadcast %mul3A_1123 : i32 to vector<16xi32>
      %add3A_1154 = arith.addi %select_n3A_148, %add3A_1153 : vector<16xi32>
      %gather3A_1155 = tpu.vector_load_idx %arg8[%add3A_1126, %add3A_1154] : memref<32x32xf32, #tpu.memory_space<vmem>>[vector<16xi32>, vector<16xi32>], vector<16xf32>,
      %add3A_1156 = vector.broadcast %mul3A_1123 : i32 to vector<16xi32>
      %add3A_1157 = arith.addi %select_n3A_173, %add3A_1156 : vector<16xi32>
      %gather3A_1158 = tpu.vector_load_idx %arg8[%add3A_1126, %add3A_1157] : memref<32x32xf32, #tpu.memory_space<vmem>>[vector<16xi32>, vector<16xi32>], vector<16xf32>,
      %add3A_1159 = vector.broadcast %mul3A_1123 : i32 to vector<16xi32>
      %add3A_1160 = arith.addi %select_n3A_198, %add3A_1159 : vector<16xi32>
      %gather3A_1161 = tpu.vector_load_idx %arg8[%add3A_1126, %add3A_1160] : memref<32x32xf32, #tpu.memory_space<vmem>>[vector<16xi32>, vector<16xi32>], vector<16xf32>,
      %add3A_1162 = vector.broadcast %add3A_1130 : i32 to vector<16xi32>
      %add3A_1163 = arith.addi %add3A_543, %add3A_1162 : vector<16xi32>
      tpu.vector_store_idx %arg9[%add3A_1163], %gather3A_1152 : memref<1024xf32, #tpu.memory_space<vmem>>[vector<16xi32>], vector<16xf32>,
      %add3A_1164 = vector.broadcast %add3A_1130 : i32 to vector<16xi32>
      %add3A_1165 = arith.addi %add3A_572, %add3A_1164 : vector<16xi32>
      tpu.vector_store_idx %arg9[%add3A_1165], %gather3A_1155 : memref<1024xf32, #tpu.memory_space<vmem>>[vector<16xi32>], vector<16xf32>,
      %add3A_1166 = vector.broadcast %add3A_1130 : i32 to vector<16xi32>
      %add3A_1167 = arith.addi %add3A_601, %add3A_1166 : vector<16xi32>
      tpu.vector_store_idx %arg9[%add3A_1167], %gather3A_1158 : memref<1024xf32, #tpu.memory_space<vmem>>[vector<16xi32>], vector<16xf32>,
      %add3A_1168 = vector.broadcast %add3A_1130 : i32 to vector<16xi32>
      %add3A_1169 = arith.addi %add3A_630, %add3A_1168 : vector<16xi32>
      tpu.vector_store_idx %arg9[%add3A_1169], %gather3A_1161 : memref<1024xf32, #tpu.memory_space<vmem>>[vector<16xi32>], vector<16xf32>,
      %add3A_1170 = vector.broadcast %mul3A_1123 : i32 to vector<16xi32>
      %add3A_1171 = arith.addi %select_n3A_223, %add3A_1170 : vector<16xi32>
      %gather3A_1172 = tpu.vector_load_idx %arg8[%add3A_1126, %add3A_1171] : memref<32x32xf32, #tpu.memory_space<vmem>>[vector<16xi32>, vector<16xi32>], vector<16xf32>,
      %add3A_1173 = vector.broadcast %mul3A_1123 : i32 to vector<16xi32>
      %add3A_1174 = arith.addi %select_n3A_248, %add3A_1173 : vector<16xi32>
      %gather3A_1175 = tpu.vector_load_idx %arg8[%add3A_1126, %add3A_1174] : memref<32x32xf32, #tpu.memory_space<vmem>>[vector<16xi32>, vector<16xi32>], vector<16xf32>,
      %add3A_1176 = vector.broadcast %mul3A_1123 : i32 to vector<16xi32>
      %add3A_1177 = arith.addi %select_n3A_273, %add3A_1176 : vector<16xi32>
      %gather3A_1178 = tpu.vector_load_idx %arg8[%add3A_1126, %add3A_1177] : memref<32x32xf32, #tpu.memory_space<vmem>>[vector<16xi32>, vector<16xi32>], vector<16xf32>,
      %add3A_1179 = vector.broadcast %mul3A_1123 : i32 to vector<16xi32>
      %add3A_1180 = arith.addi %select_n3A_298, %add3A_1179 : vector<16xi32>
      %gather3A_1181 = tpu.vector_load_idx %arg8[%add3A_1126, %add3A_1180] : memref<32x32xf32, #tpu.memory_space<vmem>>[vector<16xi32>, vector<16xi32>], vector<16xf32>,
      %add3A_1182 = vector.broadcast %add3A_1130 : i32 to vector<16xi32>
      %add3A_1183 = arith.addi %add3A_659, %add3A_1182 : vector<16xi32>
      tpu.vector_store_idx %arg9[%add3A_1183], %gather3A_1172 : memref<1024xf32, #tpu.memory_space<vmem>>[vector<16xi32>], vector<16xf32>,
      %add3A_1184 = vector.broadcast %add3A_1130 : i32 to vector<16xi32>
      %add3A_1185 = arith.addi %add3A_688, %add3A_1184 : vector<16xi32>
      tpu.vector_store_idx %arg9[%add3A_1185], %gather3A_1175 : memref<1024xf32, #tpu.memory_space<vmem>>[vector<16xi32>], vector<16xf32>,
      %add3A_1186 = vector.broadcast %add3A_1130 : i32 to vector<16xi32>
      %add3A_1187 = arith.addi %add3A_717, %add3A_1186 : vector<16xi32>
      tpu.vector_store_idx %arg9[%add3A_1187], %gather3A_1178 : memref<1024xf32, #tpu.memory_space<vmem>>[vector<16xi32>], vector<16xf32>,
      %add3A_1188 = vector.broadcast %add3A_1130 : i32 to vector<16xi32>
      %add3A_1189 = arith.addi %add3A_746, %add3A_1188 : vector<16xi32>
      tpu.vector_store_idx %arg9[%add3A_1189], %gather3A_1181 : memref<1024xf32, #tpu.memory_space<vmem>>[vector<16xi32>], vector<16xf32>,
      %add3A_1190 = vector.broadcast %mul3A_1123 : i32 to vector<16xi32>
      %add3A_1191 = arith.addi %select_n3A_323, %add3A_1190 : vector<16xi32>
      %gather3A_1192 = tpu.vector_load_idx %arg8[%add3A_1126, %add3A_1191] : memref<32x32xf32, #tpu.memory_space<vmem>>[vector<16xi32>, vector<16xi32>], vector<16xf32>,
      %add3A_1193 = vector.broadcast %mul3A_1123 : i32 to vector<16xi32>
      %add3A_1194 = arith.addi %select_n3A_348, %add3A_1193 : vector<16xi32>
      %gather3A_1195 = tpu.vector_load_idx %arg8[%add3A_1126, %add3A_1194] : memref<32x32xf32, #tpu.memory_space<vmem>>[vector<16xi32>, vector<16xi32>], vector<16xf32>,
      %add3A_1196 = vector.broadcast %mul3A_1123 : i32 to vector<16xi32>
      %add3A_1197 = arith.addi %select_n3A_373, %add3A_1196 : vector<16xi32>
      %gather3A_1198 = tpu.vector_load_idx %arg8[%add3A_1126, %add3A_1197] : memref<32x32xf32, #tpu.memory_space<vmem>>[vector<16xi32>, vector<16xi32>], vector<16xf32>,
      %add3A_1199 = vector.broadcast %mul3A_1123 : i32 to vector<16xi32>
      %add3A_1200 = arith.addi %select_n3A_398, %add3A_1199 : vector<16xi32>
      %gather3A_1201 = tpu.vector_load_idx %arg8[%add3A_1126, %add3A_1200] : memref<32x32xf32, #tpu.memory_space<vmem>>[vector<16xi32>, vector<16xi32>], vector<16xf32>,
      %add3A_1202 = vector.broadcast %add3A_1130 : i32 to vector<16xi32>
      %add3A_1203 = arith.addi %add3A_775, %add3A_1202 : vector<16xi32>
      tpu.vector_store_idx %arg9[%add3A_1203], %gather3A_1192 : memref<1024xf32, #tpu.memory_space<vmem>>[vector<16xi32>], vector<16xf32>,
      %add3A_1204 = vector.broadcast %add3A_1130 : i32 to vector<16xi32>
      %add3A_1205 = arith.addi %add3A_804, %add3A_1204 : vector<16xi32>
      tpu.vector_store_idx %arg9[%add3A_1205], %gather3A_1195 : memref<1024xf32, #tpu.memory_space<vmem>>[vector<16xi32>], vector<16xf32>,
      %add3A_1206 = vector.broadcast %add3A_1130 : i32 to vector<16xi32>
      %add3A_1207 = arith.addi %add3A_833, %add3A_1206 : vector<16xi32>
      tpu.vector_store_idx %arg9[%add3A_1207], %gather3A_1198 : memref<1024xf32, #tpu.memory_space<vmem>>[vector<16xi32>], vector<16xf32>,
      %add3A_1208 = vector.broadcast %add3A_1130 : i32 to vector<16xi32>
      %add3A_1209 = arith.addi %add3A_862, %add3A_1208 : vector<16xi32>
      tpu.vector_store_idx %arg9[%add3A_1209], %gather3A_1201 : memref<1024xf32, #tpu.memory_space<vmem>>[vector<16xi32>], vector<16xf32>,
      %add3A_1210 = arith.constant 16 : i32
      %add3A_1211 = vector.broadcast %add3A_1210 : i32 to vector<16xi32>
      %add3A_1212 = arith.addi %iota3A, %add3A_1211 : vector<16xi32>
      %mul3A_1213 = arith.constant 32 : i32
      %mul3A_1214 = arith.muli %mul3A_1123, %mul3A_1213 : i32
      %add3A_1215 = arith.constant 16 : i32
      %add3A_1216 = arith.addi %mul3A_1214, %add3A_1215 : i32
      %add3A_1217 = vector.broadcast %mul3A_1123 : i32 to vector<16xi32>
      %add3A_1218 = arith.addi %select_n3A_23, %add3A_1217 : vector<16xi32>
      %gather3A_1219 = tpu.vector_load_idx %arg8[%add3A_1212, %add3A_1218] : memref<32x32xf32, #tpu.memory_space<vmem>>[vector<16xi32>, vector<16xi32>], vector<16xf32>,
      %add3A_1220 = vector.broadcast %mul3A_1123 : i32 to vector<16xi32>
      %add3A_1221 = arith.addi %select_n3A_48, %add3A_1220 : vector<16xi32>
      %gather3A_1222 = tpu.vector_load_idx %arg8[%add3A_1212, %add3A_1221] : memref<32x32xf32, #tpu.memory_space<vmem>>[vector<16xi32>, vector<16xi32>], vector<16xf32>,
      %add3A_1223 = vector.broadcast %mul3A_1123 : i32 to vector<16xi32>
      %add3A_1224 = arith.addi %select_n3A_73, %add3A_1223 : vector<16xi32>
      %gather3A_1225 = tpu.vector_load_idx %arg8[%add3A_1212, %add3A_1224] : memref<32x32xf32, #tpu.memory_space<vmem>>[vector<16xi32>, vector<16xi32>], vector<16xf32>,
      %add3A_1226 = vector.broadcast %mul3A_1123 : i32 to vector<16xi32>
      %add3A_1227 = arith.addi %select_n3A_98, %add3A_1226 : vector<16xi32>
      %gather3A_1228 = tpu.vector_load_idx %arg8[%add3A_1212, %add3A_1227] : memref<32x32xf32, #tpu.memory_space<vmem>>[vector<16xi32>, vector<16xi32>], vector<16xf32>,
      %add3A_1229 = vector.broadcast %add3A_1216 : i32 to vector<16xi32>
      %add3A_1230 = arith.addi %add3A_427, %add3A_1229 : vector<16xi32>
      tpu.vector_store_idx %arg9[%add3A_1230], %gather3A_1219 : memref<1024xf32, #tpu.memory_space<vmem>>[vector<16xi32>], vector<16xf32>,
      %add3A_1231 = vector.broadcast %add3A_1216 : i32 to vector<16xi32>
      %add3A_1232 = arith.addi %add3A_456, %add3A_1231 : vector<16xi32>
      tpu.vector_store_idx %arg9[%add3A_1232], %gather3A_1222 : memref<1024xf32, #tpu.memory_space<vmem>>[vector<16xi32>], vector<16xf32>,
      %add3A_1233 = vector.broadcast %add3A_1216 : i32 to vector<16xi32>
      %add3A_1234 = arith.addi %add3A_485, %add3A_1233 : vector<16xi32>
      tpu.vector_store_idx %arg9[%add3A_1234], %gather3A_1225 : memref<1024xf32, #tpu.memory_space<vmem>>[vector<16xi32>], vector<16xf32>,
      %add3A_1235 = vector.broadcast %add3A_1216 : i32 to vector<16xi32>
      %add3A_1236 = arith.addi %add3A_514, %add3A_1235 : vector<16xi32>
      tpu.vector_store_idx %arg9[%add3A_1236], %gather3A_1228 : memref<1024xf32, #tpu.memory_space<vmem>>[vector<16xi32>], vector<16xf32>,
      %add3A_1237 = vector.broadcast %mul3A_1123 : i32 to vector<16xi32>
      %add3A_1238 = arith.addi %select_n3A_123, %add3A_1237 : vector<16xi32>
      %gather3A_1239 = tpu.vector_load_idx %arg8[%add3A_1212, %add3A_1238] : memref<32x32xf32, #tpu.memory_space<vmem>>[vector<16xi32>, vector<16xi32>], vector<16xf32>,
      %add3A_1240 = vector.broadcast %mul3A_1123 : i32 to vector<16xi32>
      %add3A_1241 = arith.addi %select_n3A_148, %add3A_1240 : vector<16xi32>
      %gather3A_1242 = tpu.vector_load_idx %arg8[%add3A_1212, %add3A_1241] : memref<32x32xf32, #tpu.memory_space<vmem>>[vector<16xi32>, vector<16xi32>], vector<16xf32>,
      %add3A_1243 = vector.broadcast %mul3A_1123 : i32 to vector<16xi32>
      %add3A_1244 = arith.addi %select_n3A_173, %add3A_1243 : vector<16xi32>
      %gather3A_1245 = tpu.vector_load_idx %arg8[%add3A_1212, %add3A_1244] : memref<32x32xf32, #tpu.memory_space<vmem>>[vector<16xi32>, vector<16xi32>], vector<16xf32>,
      %add3A_1246 = vector.broadcast %mul3A_1123 : i32 to vector<16xi32>
      %add3A_1247 = arith.addi %select_n3A_198, %add3A_1246 : vector<16xi32>
      %gather3A_1248 = tpu.vector_load_idx %arg8[%add3A_1212, %add3A_1247] : memref<32x32xf32, #tpu.memory_space<vmem>>[vector<16xi32>, vector<16xi32>], vector<16xf32>,
      %add3A_1249 = vector.broadcast %add3A_1216 : i32 to vector<16xi32>
      %add3A_1250 = arith.addi %add3A_543, %add3A_1249 : vector<16xi32>
      tpu.vector_store_idx %arg9[%add3A_1250], %gather3A_1239 : memref<1024xf32, #tpu.memory_space<vmem>>[vector<16xi32>], vector<16xf32>,
      %add3A_1251 = vector.broadcast %add3A_1216 : i32 to vector<16xi32>
      %add3A_1252 = arith.addi %add3A_572, %add3A_1251 : vector<16xi32>
      tpu.vector_store_idx %arg9[%add3A_1252], %gather3A_1242 : memref<1024xf32, #tpu.memory_space<vmem>>[vector<16xi32>], vector<16xf32>,
      %add3A_1253 = vector.broadcast %add3A_1216 : i32 to vector<16xi32>
      %add3A_1254 = arith.addi %add3A_601, %add3A_1253 : vector<16xi32>
      tpu.vector_store_idx %arg9[%add3A_1254], %gather3A_1245 : memref<1024xf32, #tpu.memory_space<vmem>>[vector<16xi32>], vector<16xf32>,
      %add3A_1255 = vector.broadcast %add3A_1216 : i32 to vector<16xi32>
      %add3A_1256 = arith.addi %add3A_630, %add3A_1255 : vector<16xi32>
      tpu.vector_store_idx %arg9[%add3A_1256], %gather3A_1248 : memref<1024xf32, #tpu.memory_space<vmem>>[vector<16xi32>], vector<16xf32>,
      %add3A_1257 = vector.broadcast %mul3A_1123 : i32 to vector<16xi32>
      %add3A_1258 = arith.addi %select_n3A_223, %add3A_1257 : vector<16xi32>
      %gather3A_1259 = tpu.vector_load_idx %arg8[%add3A_1212, %add3A_1258] : memref<32x32xf32, #tpu.memory_space<vmem>>[vector<16xi32>, vector<16xi32>], vector<16xf32>,
      %add3A_1260 = vector.broadcast %mul3A_1123 : i32 to vector<16xi32>
      %add3A_1261 = arith.addi %select_n3A_248, %add3A_1260 : vector<16xi32>
      %gather3A_1262 = tpu.vector_load_idx %arg8[%add3A_1212, %add3A_1261] : memref<32x32xf32, #tpu.memory_space<vmem>>[vector<16xi32>, vector<16xi32>], vector<16xf32>,
      %add3A_1263 = vector.broadcast %mul3A_1123 : i32 to vector<16xi32>
      %add3A_1264 = arith.addi %select_n3A_273, %add3A_1263 : vector<16xi32>
      %gather3A_1265 = tpu.vector_load_idx %arg8[%add3A_1212, %add3A_1264] : memref<32x32xf32, #tpu.memory_space<vmem>>[vector<16xi32>, vector<16xi32>], vector<16xf32>,
      %add3A_1266 = vector.broadcast %mul3A_1123 : i32 to vector<16xi32>
      %add3A_1267 = arith.addi %select_n3A_298, %add3A_1266 : vector<16xi32>
      %gather3A_1268 = tpu.vector_load_idx %arg8[%add3A_1212, %add3A_1267] : memref<32x32xf32, #tpu.memory_space<vmem>>[vector<16xi32>, vector<16xi32>], vector<16xf32>,
      %add3A_1269 = vector.broadcast %add3A_1216 : i32 to vector<16xi32>
      %add3A_1270 = arith.addi %add3A_659, %add3A_1269 : vector<16xi32>
      tpu.vector_store_idx %arg9[%add3A_1270], %gather3A_1259 : memref<1024xf32, #tpu.memory_space<vmem>>[vector<16xi32>], vector<16xf32>,
      %add3A_1271 = vector.broadcast %add3A_1216 : i32 to vector<16xi32>
      %add3A_1272 = arith.addi %add3A_688, %add3A_1271 : vector<16xi32>
      tpu.vector_store_idx %arg9[%add3A_1272], %gather3A_1262 : memref<1024xf32, #tpu.memory_space<vmem>>[vector<16xi32>], vector<16xf32>,
      %add3A_1273 = vector.broadcast %add3A_1216 : i32 to vector<16xi32>
      %add3A_1274 = arith.addi %add3A_717, %add3A_1273 : vector<16xi32>
      tpu.vector_store_idx %arg9[%add3A_1274], %gather3A_1265 : memref<1024xf32, #tpu.memory_space<vmem>>[vector<16xi32>], vector<16xf32>,
      %add3A_1275 = vector.broadcast %add3A_1216 : i32 to vector<16xi32>
      %add3A_1276 = arith.addi %add3A_746, %add3A_1275 : vector<16xi32>
      tpu.vector_store_idx %arg9[%add3A_1276], %gather3A_1268 : memref<1024xf32, #tpu.memory_space<vmem>>[vector<16xi32>], vector<16xf32>,
      %add3A_1277 = vector.broadcast %mul3A_1123 : i32 to vector<16xi32>
      %add3A_1278 = arith.addi %select_n3A_323, %add3A_1277 : vector<16xi32>
      %gather3A_1279 = tpu.vector_load_idx %arg8[%add3A_1212, %add3A_1278] : memref<32x32xf32, #tpu.memory_space<vmem>>[vector<16xi32>, vector<16xi32>], vector<16xf32>,
      %add3A_1280 = vector.broadcast %mul3A_1123 : i32 to vector<16xi32>
      %add3A_1281 = arith.addi %select_n3A_348, %add3A_1280 : vector<16xi32>
      %gather3A_1282 = tpu.vector_load_idx %arg8[%add3A_1212, %add3A_1281] : memref<32x32xf32, #tpu.memory_space<vmem>>[vector<16xi32>, vector<16xi32>], vector<16xf32>,
      %add3A_1283 = vector.broadcast %mul3A_1123 : i32 to vector<16xi32>
      %add3A_1284 = arith.addi %select_n3A_373, %add3A_1283 : vector<16xi32>
      %gather3A_1285 = tpu.vector_load_idx %arg8[%add3A_1212, %add3A_1284] : memref<32x32xf32, #tpu.memory_space<vmem>>[vector<16xi32>, vector<16xi32>], vector<16xf32>,
      %add3A_1286 = vector.broadcast %mul3A_1123 : i32 to vector<16xi32>
      %add3A_1287 = arith.addi %select_n3A_398, %add3A_1286 : vector<16xi32>
      %gather3A_1288 = tpu.vector_load_idx %arg8[%add3A_1212, %add3A_1287] : memref<32x32xf32, #tpu.memory_space<vmem>>[vector<16xi32>, vector<16xi32>], vector<16xf32>,
      %add3A_1289 = vector.broadcast %add3A_1216 : i32 to vector<16xi32>
      %add3A_1290 = arith.addi %add3A_775, %add3A_1289 : vector<16xi32>
      tpu.vector_store_idx %arg9[%add3A_1290], %gather3A_1279 : memref<1024xf32, #tpu.memory_space<vmem>>[vector<16xi32>], vector<16xf32>,
      %add3A_1291 = vector.broadcast %add3A_1216 : i32 to vector<16xi32>
      %add3A_1292 = arith.addi %add3A_804, %add3A_1291 : vector<16xi32>
      tpu.vector_store_idx %arg9[%add3A_1292], %gather3A_1282 : memref<1024xf32, #tpu.memory_space<vmem>>[vector<16xi32>], vector<16xf32>,
      %add3A_1293 = vector.broadcast %add3A_1216 : i32 to vector<16xi32>
      %add3A_1294 = arith.addi %add3A_833, %add3A_1293 : vector<16xi32>
      tpu.vector_store_idx %arg9[%add3A_1294], %gather3A_1285 : memref<1024xf32, #tpu.memory_space<vmem>>[vector<16xi32>], vector<16xf32>,
      %add3A_1295 = vector.broadcast %add3A_1216 : i32 to vector<16xi32>
      %add3A_1296 = arith.addi %add3A_862, %add3A_1295 : vector<16xi32>
      tpu.vector_store_idx %arg9[%add3A_1296], %gather3A_1288 : memref<1024xf32, #tpu.memory_space<vmem>>[vector<16xi32>], vector<16xf32>,
    }
    %scan3A_1114 = arith.constant 2 : i32
    %mul3A_1115 = arith.constant 100000 : i32
    %mul3A_1116 = arith.muli %min3A_1108, %mul3A_1115 : i32
    %mul3A_1117 = arith.constant 32 : i32
    %mul3A_1118 = arith.muli %mul3A_1116, %mul3A_1117 : i32
    %add3A_1119 = arith.constant 3198976 : i32
    %add3A_1120 = arith.addi %mul3A_1118, %add3A_1119 : i32
    "tpu.region"() ({
      %run_scoped3A = tpu.sem_alloc : memref<!tpu.dma_semaphore, #tpu.memory_space<semaphore_mem>>
      %dma_start3A_1121 = tpu.memref_slice %arg3[%add3A_1120] : memref<83200000xf32, #tpu.memory_space<hbm>> -> memref<1024xf32, #tpu.memory_space<hbm>>
      %dma_start3A_1122 = tpu.memref_slice %arg3[%add3A_1120] : memref<83200000xf32, #tpu.memory_space<hbm>> -> memref<1024xf32, #tpu.memory_space<hbm>>
      tpu.enqueue_dma source(%arg9 : memref<1024xf32, #tpu.memory_space<vmem>>) target(%dma_start3A_1122 : memref<1024xf32, #tpu.memory_space<hbm>>) target_semaphore(%run_scoped3A : memref<!tpu.dma_semaphore, #tpu.memory_space<semaphore_mem>>)
      %dma_wait3A_1123 = tpu.memref_slice %arg3[%add3A_1120] : memref<83200000xf32, #tpu.memory_space<hbm>> -> memref<1024xf32, #tpu.memory_space<hbm>>
      %dma_wait3A_1124 = tpu.memref_slice %arg3[%add3A_1120] : memref<83200000xf32, #tpu.memory_space<hbm>> -> memref<1024xf32, #tpu.memory_space<hbm>>
      tpu.wait_dma2 semaphore(%run_scoped3A : memref<!tpu.dma_semaphore, #tpu.memory_space<semaphore_mem>>) src(%arg9 : memref<1024xf32, #tpu.memory_space<vmem>>) dst(%dma_wait3A_1124 : memref<1024xf32, #tpu.memory_space<hbm>>)
      tpu.yield
    }) : () -> ()
    return
  }
}

</mosaic_0001>

<sc_bundles>
// kernel: kernel.4.cloned.1.call-start
scs
__scs_entry_jumppad:
0x0: {  	(pc) =	sbr.rel $0x88, $3  }
0x1: {  	(tag) =	ssettag $0x0;
	lr =	simm.s32 $0x1  }
0x2: {  	[smem:$0x3F9F] =	sst lr;
	_ =	strace $0xD0000000  }
0x3: {  	_ = 	snop  }
0x4: {  	_ = 	snop  }
0x5: {  	_ = 	snop  }
0x6: {  	_ = 	snop  }
0x7: {  	_ = 	snop  }
__scs_overlays_trampoline_lowered:
0x8: {  	[smem:$0x3FAE] =	sst s0  }
0x9: {  	[smem:$0x3FAF] =	sst s1  }
0xa: {  	[smem:$0x3FB0] =	sst s2  }
0xb: {  	[smem:$0x3FB1] =	sst s3  }
0xc: {  	[smem:$0x3FB2] =	sst s4  }
0xd: {  	[smem:$0x3FB3] =	sst s5  }
0xe: {  	[smem:$0x3FB4] =	sst s6  }
0xf: {  	[smem:$0x3FB5] =	sst s7  }
0x10: {  	[smem:$0x3FB6] =	sst s8  }
0x11: {  	[smem:$0x3FB7] =	sst s9;
	s0 =	simm.s32 @!p0 $0x0  }
0x12: {  	s1 =	sld [smem:$0x3F9D];
	s0 =	simm.s32 @p0 $0x1  }
0x13: {  	[smem:$0x3FB8] =	sst s0;
	s0 =	simm.s32 @!p1 $0x0  }
0x14: {  	s2 =	sld [smem:$0x3F9C];
	s0 =	simm.s32 @p1 $0x1  }
0x15: {  	[smem:$0x3FB9] =	sst s0;
	s0 =	simm.s32 @!p2 $0x0  }
0x16: {  	s3 =	sld [smem:$0x3FDB];
	s0 =	simm.s32 @p2 $0x1  }
0x17: {  	s4 =	simm.s32 $0x1BF5;
	[smem:$0x3FBB] =	sst s0  }
0x18: {  	s0 =	sld [smem:$0x3F9E];
	_ =	swait.ge [sflag:s4], $0x0  }
0x19: {  	s7 =	sld [smem:$0x3F9F]  }
0x1a: {  	s8 =	sadd.s32 $0xFFFFE003, lr  }
0x1b: {  	s9 =	sadd.s32 $0xFFFFFEF7, lr;
	s5 =	simm.s32 $0xFFFFFFFF;
	p2 =	slt.u32 s8, $0xFFFFF086  }
0x1c: {  	p1 =	slt.u32 s9, $0xF7A;
	s5 =	simm.s32 @!p2 $0x0  }
0x1d: {  	s5 =	simm.s32 @p1 $0x1;
	p0 =	seq.s32 s7, s2  }
0x1e: {  	s7 =	smul.u32 @!p0 $0xF7A, s2;
	p2 =	seq.s32 @!p0 s5, $0x0  }
0x1f: {  	s9 =	smul.u32 $0xF7A, s1;
	s8 =	simm.s32 @!p0 $0x1BF5;
	p2 =	por !p2, p0  }
0x20: {  	[sflag:s8] =	ssyncset.s32 @!p0 $0xFFFFF086;
	s6 =	sadd.s32 @!p0 s3, s7;
	s7 =	simm.s32 @!p0 $0x108  }
0x21: {  	s3 =	sadd.s32 s3, s9;
	s6 =	sadd.s32 @!p0 $0x88, s6;
	s7 =	simm.s32 @p2 $0x1082  }
0x22: {  	[simem:s7], [sflag:s8] =	dma.local @!p0 [hbm:s6], $0xF7A  }
0x23: {  	s9 =	sor.u32 $0xD0000000, s2;
	s6 =	simm.s32 $0x108;
	_ =	swait.ge @!p0 [sflag:s8], $0x0  }
0x24: {  	s3 =	sadd.s32 $0x88, s3;
	s6 =	simm.s32 @!p1 $0x1082;
	[sflag:s4] =	ssyncset.s32 $0xFFFFF086  }
0x25: {  	[simem:s6], [sflag:s4] =	dma.local [hbm:s3], $0xF7A  }
0x26: {  	[smem:$0x3F9F] =	sst s1;
	(tag) =	ssettag s2;
	_ =	strace s9  }
0x27: {  	s1 =	sld [smem:$0x3FAF]  }
0x28: {  	s2 =	sld [smem:$0x3FB0]  }
0x29: {  	s4 =	sld [smem:$0x3FB2]  }
0x2a: {  	p0 =	seq.s32 s5, $0x0;
	s5 =	sld [smem:$0x3FB3]  }
0x2b: {  	s6 =	sld [smem:$0x3FB4]  }
0x2c: {  	s7 =	sld [smem:$0x3FB5]  }
0x2d: {  	s3 =	simm.s32 $0x108;
	s8 =	sld [smem:$0x3FB6]  }
0x2e: {  	s3 =	simm.s32 @!p0 $0x1082;
	s9 =	sld [smem:$0x3FB7]  }
0x2f: {  	lr =	sadd.s32 s0, s3;
	s0 =	sld [smem:$0x3FAE]  }
0x30: {  	s3 =	sld [smem:$0x3FB1]  }
0x31: {  	[smem:$0x3FBA] =	sst s10  }
0x32: {  	s10 =	sld [smem:$0x3FB8];
	_ =	sdelay $0x3  }
0x33: {  	p0 =	seq.s32 s10, $0x1;
	s10 =	sld [smem:$0x3FBA];
	_ =	sdelay $0x3  }
0x34: {  	[smem:$0x3FBA] =	sst s10  }
0x35: {  	s10 =	sld [smem:$0x3FB9];
	_ =	sdelay $0x3  }
0x36: {  	p1 =	seq.s32 s10, $0x1;
	s10 =	sld [smem:$0x3FBA];
	_ =	sdelay $0x3  }
0x37: {  	[smem:$0x3FBA] =	sst s10  }
0x38: {  	s10 =	sld [smem:$0x3FBB]  }
0x39: {  	_ = 	snop;
	(pc) =	sbr.ind lr, $3  }
0x3a: {  	_ = 	snop  }
0x3b: {  	_ = 	snop  }
0x3c: {  	p2 =	seq.s32 s10, $0x1;
	s10 =	sld [smem:$0x3FBA]  }
0x3d: {  	_ =	shalt  }
0x3e: {  	_ =	shalt  }
0x3f: {  	_ =	shalt  }
0x40: {  	_ =	shalt  }
0x41: {  	_ =	shalt  }
0x42: {  	_ =	shalt  }
0x43: {  	_ =	shalt  }
0x44: {  	_ =	shalt  }
0x45: {  	_ =	shalt  }
0x46: {  	_ =	shalt  }
0x47: {  	_ =	shalt  }
0x48: {  	_ =	shalt  }
0x49: {  	_ =	shalt  }
0x4a: {  	_ =	shalt  }
0x4b: {  	_ =	shalt  }
0x4c: {  	_ =	shalt  }
0x4d: {  	_ =	shalt  }
0x4e: {  	_ =	shalt  }
0x4f: {  	_ =	shalt  }
0x50: {  	_ =	shalt  }
0x51: {  	_ =	shalt  }
0x52: {  	_ =	shalt  }
0x53: {  	_ =	shalt  }
0x54: {  	_ =	shalt  }
0x55: {  	_ =	shalt  }
0x56: {  	_ =	shalt  }
0x57: {  	_ =	shalt  }
0x58: {  	_ =	shalt  }
0x59: {  	_ =	shalt  }
0x5a: {  	_ =	shalt  }
0x5b: {  	_ =	shalt  }
0x5c: {  	_ =	shalt  }
0x5d: {  	_ =	shalt  }
0x5e: {  	_ =	shalt  }
0x5f: {  	_ =	shalt  }
0x60: {  	_ =	shalt  }
0x61: {  	_ =	shalt  }
0x62: {  	_ =	shalt  }
0x63: {  	_ =	shalt  }
0x64: {  	_ =	shalt  }
0x65: {  	_ =	shalt  }
0x66: {  	_ =	shalt  }
0x67: {  	_ =	shalt  }
0x68: {  	_ =	shalt  }
0x69: {  	_ =	shalt  }
0x6a: {  	_ =	shalt  }
0x6b: {  	_ =	shalt  }
0x6c: {  	_ =	shalt  }
0x6d: {  	_ =	shalt  }
0x6e: {  	_ =	shalt  }
0x6f: {  	_ =	shalt  }
0x70: {  	_ =	shalt  }
0x71: {  	_ =	shalt  }
0x72: {  	_ =	shalt  }
0x73: {  	_ =	shalt  }
0x74: {  	_ =	shalt  }
0x75: {  	_ =	shalt  }
0x76: {  	_ =	shalt  }
0x77: {  	_ =	shalt  }
0x78: {  	_ =	shalt  }
0x79: {  	_ =	shalt  }
0x7a: {  	_ =	shalt  }
0x7b: {  	_ =	shalt  }
0x7c: {  	_ =	shalt  }
0x7d: {  	_ =	shalt  }
0x7e: {  	_ =	shalt  }
0x7f: {  	_ =	shalt  }
0x80: {  	_ =	shalt  }
0x81: {  	_ =	shalt  }
0x82: {  	_ =	shalt  }
0x83: {  	_ =	shalt  }
0x84: {  	_ =	shalt  }
0x85: {  	_ =	shalt  }
0x86: {  	_ =	shalt  }
0x87: {  	_ =	shalt  }
.Lfunc_end0:
.L_simem_size_0:
called_computation_lowered:
.L_overlay_start_0:
0x88: {  	s2 =	sld [smem:$0x3FD9]  }
0x89: {  	s3 =	sld [smem:$0x3FFE];
	_ =	sdelay $0x1  }
0x8a: {  	s1 =	srdreg.scid  }
0x8b: {  	s0 =	sand.u32 $0x1, s1  }
0x8c: {  	s17 =	sshll.u32 s0, $0xA;
	s2 =	sadd.s32 s3, s2  }
0x8d: {  	s2 =	sadd.s32 s2, s17  }
0x8e: {  	[smem:$0x3FC6] =	sst s2  }
0x8f: {  	_ = 	snop  }
0x90: {  	s2 =	sld [smem:$0x3FC8];
	(tm) =	ssettm $0x1  }
0x91: {  	s18 =	sld [smem:$0x3FFB];
	_ =	sdelay $0x3  }
0x92: {  	_ =	strace s18  }
0x93: {  	s3 =	sld [smem:$0x3FFC];
	_ =	sdelay $0x3  }
0x94: {  	_ =	strace s3  }
0x95: {  	s3 =	sld [smem:$0x3FFD];
	_ =	sdelay $0x3  }
0x96: {  	_ =	strace s3  }
0x97: {  	_ =	strace $0x8FFFFFFF  }
0x98: {  	s19 =	sld [smem:$0x3FDB];
	_ =	sdelay $0x1  }
0x99: {  	s4 =	simm.s32 $_scs_section_size  }
0x9a: {  	s5 =	simm.s32 $_size__tile_overlayer_lowered;
	s6 =	simm.s32 $_tile_overlayer_lowered  }
0x9b: {  	s22 =	simm.s32 $0x1BFF;
	s21 =	sshll.u32 s6, $0x1;
	s3 =	sadd.s32 s4, s19  }
0x9c: {  	s7 =	simm.s32 $0x0;
	s20 =	sshll.u32 s5, $0x1;
	s5 =	sadd.s32 s21, s3  }
0x9d: {  	[timem:s7], [sflag:s22] =	dma.local [hbm:s5], s20  }
0x9e: {  	_ =	swait.ge [sflag:s22], s20  }
0x9f: {  	s4 =	ssub.s32 $0x0, s20;
	[sflag:s22] =	ssyncset.done $0x0  }
0xa0: {  	[sflag:s22] =	ssyncadd.s32 s4;
	_ =	sdelay $0x1  }
0xa1: {  	s23 =	simm.s32 $0x1B8B  }
0xa2: {  	_ =	swait.ge [sflag:s23], $0x1  }
0xa3: {  	[sflag:s23] =	ssyncset.done $0x0  }
0xa4: {  	s25 =	simm.s32 $0x1B8E;
	s24 =	sld [smem:$0x3FFE];
	[sflag:s23] =	ssyncadd.s32 $0xFFFFFFFF  }
0xa5: {  	s26 =	simm.s32 $execute0_lowered;
	[smem:$0x3FD2] =	sst s25  }
0xa6: {  	s5 =	sshll.u32 s26, $0x1;
	_ =	strace $0x80000046;
	[dreg:$0x1] =	wrdreg $0xFFFFFFFF  }
0xa7: {  	s28 =	simm.s32 $_size_execute0_lowered;
	s3 =	sadd.s32 s3, s5;
	[dreg:$0x0] =	wrdreg $0x0  }
0xa8: {  	s5 =	sshll.u32 s28, $0x1;
	[dreg:$0x2] =	wrdreg s3  }
0xa9: {  	[dreg:$0x3] =	wrdreg s5  }
0xaa: {  	[dreg:$0x4] =	wrdreg $0xC0  }
0xab: {  	_ =	task [dreg:s7], $0x5FFFF  }
0xac: {  	[dreg:$0x1] =	wrdreg $0xFFFFFFFF  }
0xad: {  	[dreg:$0x0] =	wrdreg $0x60  }
0xae: {  	[dreg:$0x2] =	wrdreg s2  }
0xaf: {  	[dreg:$0x3] =	wrdreg s24  }
0xb0: {  	[dreg:$0x4] =	wrdreg $0x9  }
0xb1: {  	_ =	task.clear_ibuf [dreg:s7], $0x5FFFF;
	_ =	strace $0x90000046  }
0xb2: {  	s29 =	simm.s32 $0x9;
	_ =	strace $0x80000048  }
0xb3: {  	_ =	swait.ge [sflag:s29], $0x1  }
0xb4: {  	[sflag:s29] =	ssyncadd.s32 $0xFFFFFFFF  }
0xb5: {  	_ =	strace $0x90000048  }
0xb6: {  	_ =	sfence  }
0xb7: {  	s30 =	sld [smem:$0x0];
	_ =	sdelay $0x2  }
0xb8: {  	s31 =	sshll.u32 s1, $0xD;
	s1 =	sshrl.u32 s1, $0x2  }
0xb9: {  	s3 =	sand.u32 $0x4000, s31;
	s1 =	sadd.s32 s1, s30  }
0xba: {  	s0 =	sor.u32 s3, s0;
	s1 =	sshll.u32 s1, $0x11  }
0xbb: {  	s0 =	sor.u32 s1, s0  }
0xbc: {  	s0 =	sadd.s32 $0x8F2B, s0  }
0xbd: {  	[sflag:s0] =	ssyncadd.remote.s32 $0x1  }
0xbe: {  	_ =	sfence.sel $0xFFFF  }
0xbf: {  	[dreg:$0x0] =	wrdreg $0xFFFFFFFF;
	(pc) =	sbr.abs _section_cstart, $3  }
0xc0: {  	[dreg:$0x1] =	wrdreg $0xFFFFFFFF  }
0xc1: {  	_ =	task.clear_ibuf [dreg:s7], $0x2FFFF;
	_ =	strace $0x9FFFFFFF  }
0xc2: {  	(tm) =	ssettm $0x7FFFFFFF  }
0xc3: {  	_ =	shalt  }
tec
execute0_lowered:
.L_overlay_start_1:
0x0: {  	(tag) =	ssettag $0x1  }
0x1: {  	vm10 =	vcmask $0x300;
	vm9 =	vcmask $0x704  }
0x2: {  	vm8 =	vcmask $0xB08;
	vm7 =	vcmask $0xF0C;
	vm6 =	vcmask $0x1310  }
0x3: {  	vm5 =	vcmask $0x1714;
	vm4 =	vcmask $0x1B18;
	v0 =	vimm.s32 $0x83624120  }
0x4: {  	vm3 =	vcmask $0x1F1C;
	vm2 =	vcmask $0x2320;
	vm1 =	vcmask $0x2724  }
0x5: {  	vm0 =	vcmask $0x2B28;
	v1 =	vimm.s32 $0xE6C5A4;
	vm11 =	vcmask $0xF00  }
0x6: {  	v2 =	vimm.s32 $0xA3826140;
	v3 =	vimm.s32 $0x168;
	vm12 =	vcmask $0x1B10  }
0x7: {  	v4 =	vimm.s32 $0xE2C1A0;
	vm13 =	vcmask $0xB00;
	vm14 =	vcmask $0x1F14  }
0x8: {  	v5 =	vimm.s32 $0x10F;
	v9 =	vimm.s32 $0x12F;
	v10 =	vimm.s32 $0x8BEECDAC  }
0x9: {  	vm15 =	vcmask $0x3324;
	v14 =	vimm.s32 $0xCBAA89EC;
	v15 =	vimm.s32 $0x780  }
0xa: {  	v16 =	vimm.s32 $0x781;
	v17 =	vimm.s32 $0x782;
	v18 =	vimm.s32 $0x783  }
0xb: {  	v19 =	vimm.s32 $0x784;
	v20 =	vimm.s32 $0x785;
	v21 =	vimm.s32 $0x786  }
0xc: {  	v22 =	vimm.s32 $0x787;
	v23 =	vimm.s32 $0x788;
	v24 =	vimm.s32 $0x789  }
0xd: {  	v25 =	vimm.s32 $0x78A;
	v26 =	vimm.s32 $0x78B;
	v27 =	vimm.s32 $0x78C  }
0xe: {  	v28 =	vimm.s32 $0x78D;
	v29 =	vimm.s32 $0x78E;
	v30 =	vimm.s32 $0xF80  }
0xf: {  	v31 =	vimm.s32 $0xF81;
	v32 =	vimm.s32 $0xF82;
	v33 =	vimm.s32 $0xF83  }
0x10: {  	v34 =	vimm.s32 $0xF84;
	v35 =	vimm.s32 $0xF85;
	v36 =	vimm.s32 $0xF86  }
0x11: {  	v37 =	vimm.s32 $0xF87;
	v38 =	vimm.s32 $0xF88;
	v39 =	vimm.s32 $0xF89  }
0x12: {  	v40 =	vimm.s32 $0xF8A;
	v41 =	vimm.s32 $0xF8B;
	v42 =	vimm.s32 $0xF8C  }
0x13: {  	v43 =	vimm.s32 $0xF8D;
	v44 =	vimm.s32 $0xF8E;
	v47 =	vimm.s32 $0xC3A28160  }
0x14: {  	v48 =	vimm.s32 $0xE3C2A180;
	v63 =	vimm.s32 $0x543210FE;
	v0 =	vunpack.c.0.s8.s32 v0  }
0x15: {  	v1 =	vunpack.c.0.s8.s32 v1;
	v2 =	vunpack.c.0.s8.s32 v2;
	v3 =	vsel vm9, $0x189, v3  }
0x16: {  	v4 =	vunpack.c.0.s8.s32 v4;
	v5 =	vsel vm10, $0x120, v5;
	v9 =	vsel vm10, $0x140, v9  }
0x17: {  	v10 =	vunpack.c.0.s8.s32 v10;
	v15 =	vsel vm10, $0x1, v15;
	v16 =	vsel vm10, $0x2, v16  }
0x18: {  	v17 =	vsel vm10, $0x3, v17;
	v18 =	vsel vm10, $0x4, v18;
	v19 =	vsel vm10, $0x5, v19  }
0x19: {  	v20 =	vsel vm10, $0x6, v20;
	v21 =	vsel vm10, $0x7, v21;
	v22 =	vsel vm10, $0x8, v22  }
0x1a: {  	v23 =	vsel vm10, $0x9, v23;
	v24 =	vsel vm10, $0xA, v24;
	v25 =	vsel vm10, $0xB, v25  }
0x1b: {  	v26 =	vsel vm10, $0xC, v26;
	v27 =	vsel vm10, $0xD, v27;
	v28 =	vsel vm10, $0xE, v28  }
0x1c: {  	v29 =	vsel vm10, $0xF, v29;
	v30 =	vsel vm10, $0x801, v30;
	v31 =	vsel vm10, $0x802, v31  }
0x1d: {  	v32 =	vsel vm10, $0x803, v32;
	v33 =	vsel vm10, $0x804, v33;
	v34 =	vsel vm10, $0x805, v34  }
0x1e: {  	v35 =	vsel vm10, $0x806, v35;
	v36 =	vsel vm10, $0x807, v36;
	v37 =	vsel vm10, $0x808, v37  }
0x1f: {  	v38 =	vsel vm10, $0x809, v38;
	v39 =	vsel vm10, $0x80A, v39;
	v40 =	vsel vm10, $0x80B, v40  }
0x20: {  	v41 =	vsel vm10, $0x80C, v41;
	v42 =	vsel vm10, $0x80D, v42;
	v43 =	vsel vm10, $0x80E, v43  }
0x21: {  	v44 =	vsel vm10, $0x80F, v44;
	v47 =	vunpack.c.0.s8.s32 v47;
	v48 =	vunpack.c.0.s8.s32 v48  }
0x22: {  	v3 =	vsel vm8, $0x1AA, v3;
	v5 =	vsel vm9, $0x141, v5;
	v9 =	vsel vm9, $0x161, v9  }
0x23: {  	v15 =	vsel vm9, $0x82, v15;
	v16 =	vsel vm9, $0x83, v16;
	v17 =	vsel vm9, $0x84, v17  }
0x24: {  	v18 =	vsel vm9, $0x85, v18;
	v19 =	vsel vm9, $0x86, v19;
	v20 =	vsel vm9, $0x87, v20  }
0x25: {  	v21 =	vsel vm9, $0x88, v21;
	v22 =	vsel vm9, $0x89, v22;
	v23 =	vsel vm9, $0x8A, v23  }
0x26: {  	v24 =	vsel vm9, $0x8B, v24;
	v25 =	vsel vm9, $0x8C, v25;
	v26 =	vsel vm9, $0x8D, v26  }
0x27: {  	v27 =	vsel vm9, $0x8E, v27;
	v28 =	vsel vm9, $0x8F, v28;
	v29 =	vsel vm9, $0x80, v29  }
0x28: {  	v30 =	vsel vm9, $0x882, v30;
	v31 =	vsel vm9, $0x883, v31;
	v32 =	vsel vm9, $0x884, v32  }
0x29: {  	v33 =	vsel vm9, $0x885, v33;
	v34 =	vsel vm9, $0x886, v34;
	v35 =	vsel vm9, $0x887, v35  }
0x2a: {  	v36 =	vsel vm9, $0x888, v36;
	v37 =	vsel vm9, $0x889, v37;
	v38 =	vsel vm9, $0x88A, v38  }
0x2b: {  	v39 =	vsel vm9, $0x88B, v39;
	v40 =	vsel vm9, $0x88C, v40;
	v41 =	vsel vm9, $0x88D, v41  }
0x2c: {  	v42 =	vsel vm9, $0x88E, v42;
	v43 =	vsel vm9, $0x88F, v43;
	v44 =	vsel vm9, $0x880, v44  }
0x2d: {  	v0 =	vand.u32 $0xFF, v0;
	v1 =	vand.u32 $0xFF, v1;
	v2 =	vand.u32 $0xFF, v2  }
0x2e: {  	v3 =	vsel vm7, $0x1CB, v3;
	v7 =	vsel vm8, $0x162, v5;
	v10 =	vand.u32 $0xFF, v10  }
0x2f: {  	v15 =	vsel vm8, $0x103, v15;
	v16 =	vsel vm8, $0x104, v16;
	v17 =	vsel vm8, $0x105, v17  }
0x30: {  	v18 =	vsel vm8, $0x106, v18;
	v19 =	vsel vm8, $0x107, v19;
	v20 =	vsel vm8, $0x108, v20  }
0x31: {  	v21 =	vsel vm8, $0x109, v21;
	v22 =	vsel vm8, $0x10A, v22;
	v23 =	vsel vm8, $0x10B, v23  }
0x32: {  	v24 =	vsel vm8, $0x10C, v24;
	v25 =	vsel vm8, $0x10D, v25;
	v26 =	vsel vm8, $0x10E, v26  }
0x33: {  	v27 =	vsel vm8, $0x10F, v27;
	v28 =	vsel vm8, $0x100, v28;
	v29 =	vsel vm8, $0x101, v29  }
0x34: {  	v30 =	vsel vm8, $0x903, v30;
	v31 =	vsel vm8, $0x904, v31;
	v32 =	vsel vm8, $0x905, v32  }
0x35: {  	v33 =	vsel vm8, $0x906, v33;
	v34 =	vsel vm8, $0x907, v34;
	v35 =	vsel vm8, $0x908, v35  }
0x36: {  	v36 =	vsel vm8, $0x909, v36;
	v37 =	vsel vm8, $0x90A, v37;
	v38 =	vsel vm8, $0x90B, v38  }
0x37: {  	v39 =	vsel vm8, $0x90C, v39;
	v40 =	vsel vm8, $0x90D, v40;
	v41 =	vsel vm8, $0x90E, v41  }
0x38: {  	v42 =	vsel vm8, $0x90F, v42;
	v43 =	vsel vm8, $0x900, v43;
	v44 =	vsel vm8, $0x901, v44  }
0x39: {  	v47 =	vand.u32 $0xFF, v47;
	v48 =	vand.u32 $0xFF, v48;
	v0 =	vnsel vm11, $0xF, v0  }
0x3a: {  	v11 =	vnsel vm11, $0x2F, v2;
	v2 =	vand.u32 $0xFF, v4;
	vm11 =	vcmask $0x1F10  }
0x3b: {  	v15 =	vsel vm7, $0x184, v15;
	v16 =	vsel vm7, $0x185, v16;
	v17 =	vsel vm7, $0x186, v17  }
0x3c: {  	v18 =	vsel vm7, $0x187, v18;
	v19 =	vsel vm7, $0x188, v19;
	v20 =	vsel vm7, $0x189, v20  }
0x3d: {  	v21 =	vsel vm7, $0x18A, v21;
	v22 =	vsel vm7, $0x18B, v22;
	v23 =	vsel vm7, $0x18C, v23  }
0x3e: {  	v24 =	vsel vm7, $0x18D, v24;
	v25 =	vsel vm7, $0x18E, v25;
	v26 =	vsel vm7, $0x18F, v26  }
0x3f: {  	v27 =	vsel vm7, $0x180, v27;
	v28 =	vsel vm7, $0x181, v28;
	v29 =	vsel vm7, $0x182, v29  }
0x40: {  	v30 =	vsel vm7, $0x984, v30;
	v31 =	vsel vm7, $0x985, v31;
	v32 =	vsel vm7, $0x986, v32  }
0x41: {  	v33 =	vsel vm7, $0x987, v33;
	v34 =	vsel vm7, $0x988, v34;
	v35 =	vsel vm7, $0x989, v35  }
0x42: {  	v36 =	vsel vm7, $0x98A, v36;
	v37 =	vsel vm7, $0x98B, v37;
	v38 =	vsel vm7, $0x98C, v38  }
0x43: {  	v39 =	vsel vm7, $0x98D, v39;
	v40 =	vsel vm7, $0x98E, v40;
	v41 =	vsel vm7, $0x98F, v41  }
0x44: {  	v42 =	vsel vm7, $0x980, v42;
	v43 =	vsel vm7, $0x981, v43;
	v44 =	vsel vm7, $0x982, v44  }
0x45: {  	v47 =	vsel vm6, $0xE4, v47;
	v48 =	vsel vm6, $0x104, v48;
	v6 =	vsel vm12, v1, v0  }
0x46: {  	v0 =	vsel vm6, $0x1EC, v3;
	v1 =	vimm.s32 $0x4F2E0D00;
	v3 =	vimm.s32 $0x188  }
0x47: {  	v2 =	vnsel vm13, $0x8F, v2;
	vm13 =	vcmask $0x3B2C;
	vm12 =	vcmask $0x2B1C  }
0x48: {  	v11 =	vsel vm6, $0xC4, v11;
	v15 =	vsel vm6, $0x205, v15;
	v16 =	vsel vm6, $0x206, v16  }
0x49: {  	v17 =	vsel vm6, $0x207, v17;
	v18 =	vsel vm6, $0x208, v18;
	v19 =	vsel vm6, $0x209, v19  }
0x4a: {  	v20 =	vsel vm6, $0x20A, v20;
	v21 =	vsel vm6, $0x20B, v21;
	v22 =	vsel vm6, $0x20C, v22  }
0x4b: {  	v23 =	vsel vm6, $0x20D, v23;
	v24 =	vsel vm6, $0x20E, v24;
	v25 =	vsel vm6, $0x20F, v25  }
0x4c: {  	v26 =	vsel vm6, $0x200, v26;
	v27 =	vsel vm6, $0x201, v27;
	v28 =	vsel vm6, $0x202, v28  }
0x4d: {  	v29 =	vsel vm6, $0x203, v29;
	v30 =	vsel vm6, $0xA05, v30;
	v31 =	vsel vm6, $0xA06, v31  }
0x4e: {  	v32 =	vsel vm6, $0xA07, v32;
	v33 =	vsel vm6, $0xA08, v33;
	v34 =	vsel vm6, $0xA09, v34  }
0x4f: {  	v35 =	vsel vm6, $0xA0A, v35;
	v36 =	vsel vm6, $0xA0B, v36;
	v37 =	vsel vm6, $0xA0C, v37  }
0x50: {  	v38 =	vsel vm6, $0xA0D, v38;
	v39 =	vsel vm6, $0xA0E, v39;
	v40 =	vsel vm6, $0xA0F, v40  }
0x51: {  	v41 =	vsel vm6, $0xA00, v41;
	v42 =	vsel vm6, $0xA01, v42;
	v43 =	vsel vm6, $0xA02, v43  }
0x52: {  	v44 =	vsel vm6, $0xA03, v44;
	v47 =	vsel vm5, $0x105, v47;
	v48 =	vsel vm5, $0x125, v48  }
0x53: {  	v1 =	vunpack.c.0.s8.s32 v1;
	v3 =	vsel vm9, $0x1A9, v3;
	v2 =	vsel vm7, $0x103, v2  }
0x54: {  	v11 =	vsel vm5, $0xE5, v11;
	v15 =	vsel vm5, $0x286, v15;
	v16 =	vsel vm5, $0x287, v16  }
0x55: {  	v17 =	vsel vm5, $0x288, v17;
	v18 =	vsel vm5, $0x289, v18;
	v19 =	vsel vm5, $0x28A, v19  }
0x56: {  	v20 =	vsel vm5, $0x28B, v20;
	v21 =	vsel vm5, $0x28C, v21;
	v22 =	vsel vm5, $0x28D, v22  }
0x57: {  	v23 =	vsel vm5, $0x28E, v23;
	v24 =	vsel vm5, $0x28F, v24;
	v25 =	vsel vm5, $0x280, v25  }
0x58: {  	v26 =	vsel vm5, $0x281, v26;
	v27 =	vsel vm5, $0x282, v27;
	v28 =	vsel vm5, $0x283, v28  }
0x59: {  	v29 =	vsel vm5, $0x284, v29;
	v30 =	vsel vm5, $0xA86, v30;
	v31 =	vsel vm5, $0xA87, v31  }
0x5a: {  	v32 =	vsel vm5, $0xA88, v32;
	v33 =	vsel vm5, $0xA89, v33;
	v34 =	vsel vm5, $0xA8A, v34  }
0x5b: {  	v35 =	vsel vm5, $0xA8B, v35;
	v36 =	vsel vm5, $0xA8C, v36;
	v37 =	vsel vm5, $0xA8D, v37  }
0x5c: {  	v38 =	vsel vm5, $0xA8E, v38;
	v39 =	vsel vm5, $0xA8F, v39;
	v40 =	vsel vm5, $0xA80, v40  }
0x5d: {  	v41 =	vsel vm5, $0xA81, v41;
	v42 =	vsel vm5, $0xA82, v42;
	v43 =	vsel vm5, $0xA83, v43  }
0x5e: {  	v44 =	vsel vm5, $0xA84, v44;
	v47 =	vsel vm4, $0x126, v47;
	v48 =	vsel vm4, $0x146, v48  }
0x5f: {  	v6 =	vsel vm3, $0x107, v6;
	v11 =	vsel vm4, $0x106, v11;
	v15 =	vsel vm4, $0x307, v15  }
0x60: {  	v16 =	vsel vm4, $0x308, v16;
	v17 =	vsel vm4, $0x309, v17;
	v18 =	vsel vm4, $0x30A, v18  }
0x61: {  	v19 =	vsel vm4, $0x30B, v19;
	v20 =	vsel vm4, $0x30C, v20;
	v21 =	vsel vm4, $0x30D, v21  }
0x62: {  	v22 =	vsel vm4, $0x30E, v22;
	v23 =	vsel vm4, $0x30F, v23;
	v24 =	vsel vm4, $0x300, v24  }
0x63: {  	v25 =	vsel vm4, $0x301, v25;
	v26 =	vsel vm4, $0x302, v26;
	v27 =	vsel vm4, $0x303, v27  }
0x64: {  	v28 =	vsel vm4, $0x304, v28;
	v29 =	vsel vm4, $0x305, v29;
	v30 =	vsel vm4, $0xB07, v30  }
0x65: {  	v31 =	vsel vm4, $0xB08, v31;
	v32 =	vsel vm4, $0xB09, v32;
	v33 =	vsel vm4, $0xB0A, v33  }
0x66: {  	v34 =	vsel vm4, $0xB0B, v34;
	v35 =	vsel vm4, $0xB0C, v35;
	v36 =	vsel vm4, $0xB0D, v36  }
0x67: {  	v37 =	vsel vm4, $0xB0E, v37;
	v38 =	vsel vm4, $0xB0F, v38;
	v39 =	vsel vm4, $0xB00, v39  }
0x68: {  	v40 =	vsel vm4, $0xB01, v40;
	v41 =	vsel vm4, $0xB02, v41;
	v42 =	vsel vm4, $0xB03, v42  }
0x69: {  	v43 =	vsel vm4, $0xB04, v43;
	v44 =	vsel vm4, $0xB05, v44;
	v47 =	vsel vm3, $0x147, v47  }
0x6a: {  	v6 =	vsel vm2, $0x128, v6;
	v45 =	vsel vm14, v1, v0;
	v0 =	vsel vm8, $0x1CA, v3  }
0x6b: {  	v1 =	vsel vm6, $0x124, v2;
	v2 =	vimm.s32 $0x6F4E2D0C;
	v3 =	vimm.s32 $0xCF  }
0x6c: {  	vm14 =	vcmask $0x3728;
	v11 =	vsel vm3, $0x127, v11;
	v15 =	vsel vm3, $0x388, v15  }
0x6d: {  	v16 =	vsel vm3, $0x389, v16;
	v17 =	vsel vm3, $0x38A, v17;
	v18 =	vsel vm3, $0x38B, v18  }
0x6e: {  	v19 =	vsel vm3, $0x38C, v19;
	v20 =	vsel vm3, $0x38D, v20;
	v21 =	vsel vm3, $0x38E, v21  }
0x6f: {  	v22 =	vsel vm3, $0x38F, v22;
	v23 =	vsel vm3, $0x380, v23;
	v24 =	vsel vm3, $0x381, v24  }
0x70: {  	v25 =	vsel vm3, $0x382, v25;
	v26 =	vsel vm3, $0x383, v26;
	v27 =	vsel vm3, $0x384, v27  }
0x71: {  	v28 =	vsel vm3, $0x385, v28;
	v29 =	vsel vm3, $0x386, v29;
	v30 =	vsel vm3, $0xB88, v30  }
0x72: {  	v31 =	vsel vm3, $0xB89, v31;
	v32 =	vsel vm3, $0xB8A, v32;
	v33 =	vsel vm3, $0xB8B, v33  }
0x73: {  	v34 =	vsel vm3, $0xB8C, v34;
	v35 =	vsel vm3, $0xB8D, v35;
	v36 =	vsel vm3, $0xB8E, v36  }
0x74: {  	v37 =	vsel vm3, $0xB8F, v37;
	v38 =	vsel vm3, $0xB80, v38;
	v39 =	vsel vm3, $0xB81, v39  }
0x75: {  	v40 =	vsel vm3, $0xB82, v40;
	v41 =	vsel vm3, $0xB83, v41;
	v42 =	vsel vm3, $0xB84, v42  }
0x76: {  	v43 =	vsel vm3, $0xB85, v43;
	v44 =	vsel vm3, $0xB86, v44;
	v6 =	vsel vm1, $0x149, v6  }
0x77: {  	v4 =	vsel vm7, $0x1EB, v0;
	v0 =	vsel vm5, $0x145, v1;
	v1 =	vimm.s32 $0xAF  }
0x78: {  	v8 =	vunpack.c.0.s8.s32 v2;
	v2 =	vimm.s32 $0xB6E4D2C;
	v3 =	vsel vm10, $0xE0, v3  }
0x79: {  	v11 =	vsel vm2, $0x148, v11;
	v15 =	vsel vm2, $0x409, v15;
	v16 =	vsel vm2, $0x40A, v16  }
0x7a: {  	v17 =	vsel vm2, $0x40B, v17;
	v18 =	vsel vm2, $0x40C, v18;
	v19 =	vsel vm2, $0x40D, v19  }
0x7b: {  	v20 =	vsel vm2, $0x40E, v20;
	v21 =	vsel vm2, $0x40F, v21;
	v22 =	vsel vm2, $0x400, v22  }
0x7c: {  	v23 =	vsel vm2, $0x401, v23;
	v24 =	vsel vm2, $0x402, v24;
	v25 =	vsel vm2, $0x403, v25  }
0x7d: {  	v26 =	vsel vm2, $0x404, v26;
	v27 =	vsel vm2, $0x405, v27;
	v28 =	vsel vm2, $0x406, v28  }
0x7e: {  	v29 =	vsel vm2, $0x407, v29;
	v30 =	vsel vm2, $0xC09, v30;
	v31 =	vsel vm2, $0xC0A, v31  }
0x7f: {  	v32 =	vsel vm2, $0xC0B, v32;
	v33 =	vsel vm2, $0xC0C, v33;
	v34 =	vsel vm2, $0xC0D, v34  }
0x80: {  	v35 =	vsel vm2, $0xC0E, v35;
	v36 =	vsel vm2, $0xC0F, v36;
	v37 =	vsel vm2, $0xC00, v37  }
0x81: {  	v38 =	vsel vm2, $0xC01, v38;
	v39 =	vsel vm2, $0xC02, v39;
	v40 =	vsel vm2, $0xC03, v40  }
0x82: {  	v41 =	vsel vm2, $0xC04, v41;
	v42 =	vsel vm2, $0xC05, v42;
	v43 =	vsel vm2, $0xC06, v43  }
0x83: {  	v44 =	vsel vm2, $0xC07, v44;
	v6 =	vsel vm0, $0x16A, v6;
	v45 =	vcombine.low v47, v45  }
0x84: {  	v0 =	vsel vm4, $0x166, v0;
	v1 =	vsel vm10, $0xC0, v1;
	v2 =	vunpack.c.0.s8.s32 v2  }
0x85: {  	v11 =	vsel vm1, $0x169, v11;
	v15 =	vsel vm1, $0x48A, v15;
	v16 =	vsel vm1, $0x48B, v16  }
0x86: {  	v17 =	vsel vm1, $0x48C, v17;
	v18 =	vsel vm1, $0x48D, v18;
	v19 =	vsel vm1, $0x48E, v19  }
0x87: {  	v20 =	vsel vm1, $0x48F, v20;
	v21 =	vsel vm1, $0x480, v21;
	v22 =	vsel vm1, $0x481, v22  }
0x88: {  	v23 =	vsel vm1, $0x482, v23;
	v24 =	vsel vm1, $0x483, v24;
	v25 =	vsel vm1, $0x484, v25  }
0x89: {  	v26 =	vsel vm1, $0x485, v26;
	v27 =	vsel vm1, $0x486, v27;
	v28 =	vsel vm1, $0x487, v28  }
0x8a: {  	v29 =	vsel vm1, $0x488, v29;
	v30 =	vsel vm1, $0xC8A, v30;
	v31 =	vsel vm1, $0xC8B, v31  }
0x8b: {  	v32 =	vsel vm1, $0xC8C, v32;
	v33 =	vsel vm1, $0xC8D, v33;
	v34 =	vsel vm1, $0xC8E, v34  }
0x8c: {  	v35 =	vsel vm1, $0xC8F, v35;
	v36 =	vsel vm1, $0xC80, v36;
	v37 =	vsel vm1, $0xC81, v37  }
0x8d: {  	v38 =	vsel vm1, $0xC82, v38;
	v39 =	vsel vm1, $0xC83, v39;
	v40 =	vsel vm1, $0xC84, v40  }
0x8e: {  	v41 =	vsel vm1, $0xC85, v41;
	v42 =	vsel vm1, $0xC86, v42;
	v43 =	vsel vm1, $0xC87, v43  }
0x8f: {  	v44 =	vsel vm1, $0xC88, v44;
	v0 =	vsel vm3, $0x187, v0;
	v1 =	vsel vm9, $0xE1, v1  }
0x90: {  	v46 =	vsel vm11, v8, v4;
	v4 =	vimm.s32 $0x6B4A2908;
	v8 =	vimm.s32 $0xEFCEAD8C  }
0x91: {  	v11 =	vsel vm0, $0x18A, v11;
	v15 =	vsel vm0, $0x50B, v15;
	v16 =	vsel vm0, $0x50C, v16  }
0x92: {  	v17 =	vsel vm0, $0x50D, v17;
	v18 =	vsel vm0, $0x50E, v18;
	v19 =	vsel vm0, $0x50F, v19  }
0x93: {  	v20 =	vsel vm0, $0x500, v20;
	v21 =	vsel vm0, $0x501, v21;
	v22 =	vsel vm0, $0x502, v22  }
0x94: {  	v23 =	vsel vm0, $0x503, v23;
	v24 =	vsel vm0, $0x504, v24;
	v25 =	vsel vm0, $0x505, v25  }
0x95: {  	v26 =	vsel vm0, $0x506, v26;
	v27 =	vsel vm0, $0x507, v27;
	v28 =	vsel vm0, $0x508, v28  }
0x96: {  	v29 =	vsel vm0, $0x509, v29;
	v30 =	vsel vm0, $0xD0B, v30;
	v31 =	vsel vm0, $0xD0C, v31  }
0x97: {  	v32 =	vsel vm0, $0xD0D, v32;
	v33 =	vsel vm0, $0xD0E, v33;
	v34 =	vsel vm0, $0xD0F, v34  }
0x98: {  	v35 =	vsel vm0, $0xD00, v35;
	v36 =	vsel vm0, $0xD01, v36;
	v37 =	vsel vm0, $0xD02, v37  }
0x99: {  	v38 =	vsel vm0, $0xD03, v38;
	v39 =	vsel vm0, $0xD04, v39;
	v40 =	vsel vm0, $0xD05, v40  }
0x9a: {  	v41 =	vsel vm0, $0xD06, v41;
	v42 =	vsel vm0, $0xD07, v42;
	v43 =	vsel vm0, $0xD08, v43  }
0x9b: {  	v44 =	vsel vm0, $0xD09, v44;
	v0 =	vsel vm2, $0x1A8, v0;
	v1 =	vsel vm8, $0x102, v1  }
0x9c: {  	v2 =	vand.u32 $0xFF, v2;
	v0 =	vsel vm1, $0x1C9, v0;
	v1 =	vsel vm7, $0x123, v1  }
0x9d: {  	v4 =	vunpack.c.0.s8.s32 v4;
	v0 =	vsel vm0, $0x1EA, v0;
	v1 =	vsel vm6, $0x144, v1  }
0x9e: {  	v1 =	vsel vm5, $0x165, v1;
	v0 =	vsel vm13, v2, v0;
	v2 =	vsel vm9, $0x101, v3  }
0x9f: {  	v3 =	vimm.s32 $0x2B0A6D4C;
	v1 =	vsel vm4, $0x186, v1;
	v2 =	vsel vm8, $0x122, v2  }
0xa0: {  	v3 =	vunpack.c.0.s8.s32 v3;
	v1 =	vsel vm3, $0x1A7, v1;
	v2 =	vsel vm7, $0x143, v2  }
0xa1: {  	v8 =	vunpack.c.0.s8.s32 v8;
	v1 =	vsel vm2, $0x1C8, v1;
	v2 =	vsel vm6, $0x164, v2  }
0xa2: {  	v3 =	vand.u32 $0xFF, v3;
	v1 =	vsel vm1, $0x1E9, v1;
	v2 =	vsel vm5, $0x185, v2  }
0xa3: {  	v4 =	vand.u32 $0xFF, v4;
	v2 =	vsel vm4, $0x1A6, v2;
	v5 =	vsel vm14, v3, v1  }
0xa4: {  	v1 =	vsel vm3, $0x1C7, v2;
	v2 =	vsel vm7, $0x183, v7;
	v7 =	vimm.s32 $0x4B2A096C  }
0xa5: {  	v3 =	vsel vm2, $0x1E8, v1;
	v1 =	vsel vm6, $0x1A4, v2;
	v2 =	vimm.s32 $0x76A4928  }
0xa6: {  	v8 =	vand.u32 $0xFF, v8;
	v7 =	vunpack.c.0.s8.s32 v7;
	v2 =	vunpack.c.0.s8.s32 v2  }
0xa7: {  	v49 =	vsel vm11, v8, v4;
	v8 =	vimm.s32 $0x18F;
	v1 =	vsel vm5, $0x1C5, v1  }
0xa8: {  	v1 =	vsel vm4, $0x1E6, v1;
	v12 =	vand.u32 $0xFF, v7;
	v2 =	vand.u32 $0xFF, v2  }
0xa9: {  	v1 =	vsel vm12, v2, v1;
	v2 =	vsel vm8, $0x182, v9;
	v9 =	vimm.s32 $0x27066948  }
0xaa: {  	v2 =	vsel vm7, $0x1A3, v2;
	v9 =	vunpack.c.0.s8.s32 v9;
	v1 =	vsel vm13, v10, v1  }
0xab: {  	vm13 =	vcmask $0x2718;
	v10 =	vimm.s32 $0x14F;
	v2 =	vsel vm6, $0x1C4, v2  }
0xac: {  	v2 =	vsel vm5, $0x1E5, v2;
	v7 =	vand.u32 $0xFF, v9;
	v9 =	vimm.s32 $0xAB8AEDCC  }
0xad: {  	v9 =	vunpack.c.0.s8.s32 v9;
	v2 =	vsel vm13, v7, v2;
	v7 =	vsel vm10, $0x160, v10  }
0xae: {  	v8 =	vsel vm10, $0x1A0, v8;
	v10 =	vimm.s32 $0x47260568;
	v7 =	vsel vm9, $0x181, v7  }
0xaf: {  	v10 =	vunpack.c.0.s8.s32 v10;
	v9 =	vand.u32 $0xFF, v9;
	v13 =	vsel vm8, $0x1A2, v7  }
0xb0: {  	v7 =	vsel vm14, v9, v2;
	v2 =	vsel vm7, $0x1C3, v13;
	v9 =	vunpack.c.0.s8.s32 v14  }
0xb1: {  	v10 =	vand.u32 $0xFF, v10;
	vm14 =	vcmask $0x2314;
	v13 =	vsel vm6, $0x1E4, v2  }
0xb2: {  	v2 =	vsel vm15, v12, v3;
	v3 =	vsel vm14, v10, v13;
	v9 =	vand.u32 $0xFF, v9  }
0xb3: {  	v8 =	vsel vm9, $0x1C1, v8;
	v3 =	vsel vm15, v9, v3;
	v9 =	vimm.s32 $0x16F  }
0xb4: {  	v8 =	vsel vm8, $0x1E2, v8;
	v10 =	vimm.s32 $0x67462504;
	v9 =	vsel vm10, $0x180, v9  }
0xb5: {  	v14 =	vimm.s32 $0x1CF;
	v10 =	vunpack.c.0.s8.s32 v10;
	v9 =	vsel vm9, $0x1A1, v9  }
0xb6: {  	v12 =	vimm.s32 $0xEBCAA988;
	v14 =	vsel vm10, $0x1E0, v14;
	v9 =	vsel vm8, $0x1C2, v9  }
0xb7: {  	v12 =	vunpack.c.0.s8.s32 v12;
	v10 =	vand.u32 $0xFF, v10;
	v9 =	vsel vm7, $0x1E3, v9  }
0xb8: {  	vm15 =	vcmask $0x2F20;
	v4 =	vsel vm11, v10, v9;
	v10 =	vimm.s32 $0x3664524  }
0xb9: {  	v9 =	vand.u32 $0xFF, v12;
	v12 =	vimm.s32 $0x23026544;
	v10 =	vunpack.c.0.s8.s32 v10  }
0xba: {  	v4 =	vsel vm15, v9, v4;
	v9 =	vimm.s32 $0x87EAC9A8;
	v12 =	vunpack.c.0.s8.s32 v12  }
0xbb: {  	vm15 =	vcmask $0x1B0C;
	v9 =	vunpack.c.0.s8.s32 v9;
	v10 =	vand.u32 $0xFF, v10  }
0xbc: {  	v13 =	vimm.s32 $0x1AF;
	v12 =	vand.u32 $0xFF, v12;
	v8 =	vsel vm15, v10, v8  }
0xbd: {  	v9 =	vand.u32 $0xFF, v9;
	v10 =	vsel vm10, $0x1C0, v13;
	vm15 =	vcmask $0x1708  }
0xbe: {  	v13 =	vimm.s32 $0xC7A685E8;
	v10 =	vsel vm9, $0x1E1, v10;
	v8 =	vsel vm12, v9, v8  }
0xbf: {  	v13 =	vunpack.c.0.s8.s32 v13;
	vm12 =	vcmask $0x2F2C;
	v9 =	vsel vm15, v12, v10  }
0xc0: {  	v10 =	vimm.s32 $0x43220164;
	v12 =	vimm.s32 $0xA786E9C8;
	vm15 =	vcmask $0x1304  }
0xc1: {  	v6 =	vsel vm12, $0x18B, v6;
	v11 =	vsel vm12, $0x1AB, v11;
	v8 =	vsel vm12, $0x10B, v8  }
0xc2: {  	v15 =	vsel vm12, $0x58C, v15;
	v16 =	vsel vm12, $0x58D, v16;
	v17 =	vsel vm12, $0x58E, v17  }
0xc3: {  	v18 =	vsel vm12, $0x58F, v18;
	v19 =	vsel vm12, $0x580, v19;
	v20 =	vsel vm12, $0x581, v20  }
0xc4: {  	v21 =	vsel vm12, $0x582, v21;
	v22 =	vsel vm12, $0x583, v22;
	v23 =	vsel vm12, $0x584, v23  }
0xc5: {  	v24 =	vsel vm12, $0x585, v24;
	v25 =	vsel vm12, $0x586, v25;
	v26 =	vsel vm12, $0x587, v26  }
0xc6: {  	v27 =	vsel vm12, $0x588, v27;
	v28 =	vsel vm12, $0x589, v28;
	v29 =	vsel vm12, $0x58A, v29  }
0xc7: {  	v30 =	vsel vm12, $0xD8C, v30;
	v31 =	vsel vm12, $0xD8D, v31;
	v32 =	vsel vm12, $0xD8E, v32  }
0xc8: {  	v33 =	vsel vm12, $0xD8F, v33;
	v34 =	vsel vm12, $0xD80, v34;
	v35 =	vsel vm12, $0xD81, v35  }
0xc9: {  	v36 =	vsel vm12, $0xD82, v36;
	v37 =	vsel vm12, $0xD83, v37;
	v38 =	vsel vm12, $0xD84, v38  }
0xca: {  	v39 =	vsel vm12, $0xD85, v39;
	v40 =	vsel vm12, $0xD86, v40;
	v10 =	vunpack.c.0.s8.s32 v10  }
0xcb: {  	v41 =	vsel vm12, $0xD87, v41;
	v42 =	vsel vm12, $0xD88, v42;
	v12 =	vunpack.c.0.s8.s32 v12  }
0xcc: {  	v43 =	vsel vm12, $0xD89, v43;
	v44 =	vsel vm12, $0xD8A, v44;
	v10 =	vand.u32 $0xFF, v10  }
0xcd: {  	v13 =	vand.u32 $0xFF, v13;
	v12 =	vand.u32 $0xFF, v12;
	v10 =	vsel vm15, v10, v14  }
0xce: {  	v9 =	vsel vm13, v12, v9;
	v12 =	vimm.s32 $0x1F80;
	v14 =	vimm.s32 $0x5780  }
0xcf: {  	vm13 =	vcmask $0x3330;
	vm15 =	vcmask $0x3B38;
	v10 =	vsel vm14, v13, v10  }
0xd0: {  	v12 =	vsel vm10, $0x0, v12;
	v13 =	vimm.s32 $0x100;
	v14 =	vsel vm10, $0x3800, v14  }
0xd1: {  	v9 =	vsel vm0, $0x10A, v9;
	vm14 =	vcmask $0x3734;
	v6 =	vsel vm13, $0x1AC, v6  }
0xd2: {  	v11 =	vsel vm13, $0x1CC, v11;
	v4 =	vsel vm13, $0x10C, v4;
	v8 =	vsel vm13, $0x12C, v8  }
0xd3: {  	v15 =	vsel vm13, $0x60D, v15;
	v16 =	vsel vm13, $0x60E, v16;
	v17 =	vsel vm13, $0x60F, v17  }
0xd4: {  	v18 =	vsel vm13, $0x600, v18;
	v19 =	vsel vm13, $0x601, v19;
	v20 =	vsel vm13, $0x602, v20  }
0xd5: {  	v21 =	vsel vm13, $0x603, v21;
	v22 =	vsel vm13, $0x604, v22;
	v23 =	vsel vm13, $0x605, v23  }
0xd6: {  	v24 =	vsel vm13, $0x606, v24;
	v25 =	vsel vm13, $0x607, v25;
	v26 =	vsel vm13, $0x608, v26  }
0xd7: {  	v27 =	vsel vm13, $0x609, v27;
	v28 =	vsel vm13, $0x60A, v28;
	v29 =	vsel vm13, $0x60B, v29  }
0xd8: {  	v30 =	vsel vm13, $0xE0D, v30;
	v31 =	vsel vm13, $0xE0E, v31;
	v32 =	vsel vm13, $0xE0F, v32  }
0xd9: {  	v33 =	vsel vm13, $0xE00, v33;
	v34 =	vsel vm13, $0xE01, v34;
	v35 =	vsel vm13, $0xE02, v35  }
0xda: {  	v36 =	vsel vm13, $0xE03, v36;
	v37 =	vsel vm13, $0xE04, v37;
	v38 =	vsel vm13, $0xE05, v38  }
0xdb: {  	v39 =	vsel vm13, $0xE06, v39;
	v40 =	vsel vm13, $0xE07, v40;
	v41 =	vsel vm13, $0xE08, v41  }
0xdc: {  	v42 =	vsel vm13, $0xE09, v42;
	v43 =	vsel vm13, $0xE0A, v43;
	v44 =	vsel vm13, $0xE0B, v44  }
0xdd: {  	v5 =	vsel vm15, $0x8E, v5;
	v7 =	vsel vm15, $0x10E, v7;
	v12 =	vsel vm9, $0x80, v12  }
0xde: {  	v13 =	vsel vm9, $0x121, v13;
	v14 =	vsel vm9, $0x3880, v14;
	v10 =	vsel vm1, $0x109, v10  }
0xdf: {  	v9 =	vsel vm12, $0x12B, v9;
	v6 =	vsel vm14, $0x1CD, v6;
	v11 =	vsel vm14, $0x1ED, v11  }
0xe0: {  	v52 =	vsel vm14, $0x12D, v4;
	v53 =	vsel vm14, $0x14D, v8;
	v15 =	vsel vm14, $0x68E, v15  }
0xe1: {  	v16 =	vsel vm14, $0x68F, v16;
	v17 =	vsel vm14, $0x680, v17;
	v18 =	vsel vm14, $0x681, v18  }
0xe2: {  	v19 =	vsel vm14, $0x682, v19;
	v20 =	vsel vm14, $0x683, v20;
	v21 =	vsel vm14, $0x684, v21  }
0xe3: {  	v22 =	vsel vm14, $0x685, v22;
	v23 =	vsel vm14, $0x686, v23;
	v24 =	vsel vm14, $0x687, v24  }
0xe4: {  	v25 =	vsel vm14, $0x688, v25;
	v26 =	vsel vm14, $0x689, v26;
	v27 =	vsel vm14, $0x68A, v27  }
0xe5: {  	v28 =	vsel vm14, $0x68B, v28;
	v29 =	vsel vm14, $0x68C, v29;
	v30 =	vsel vm14, $0xE8E, v30  }
0xe6: {  	v31 =	vsel vm14, $0xE8F, v31;
	v32 =	vsel vm14, $0xE80, v32;
	v33 =	vsel vm14, $0xE81, v33  }
0xe7: {  	v34 =	vsel vm14, $0xE82, v34;
	v35 =	vsel vm14, $0xE83, v35;
	v36 =	vsel vm14, $0xE84, v36  }
0xe8: {  	v37 =	vsel vm14, $0xE85, v37;
	v38 =	vsel vm14, $0xE86, v38;
	v39 =	vsel vm14, $0xE87, v39  }
0xe9: {  	v40 =	vsel vm14, $0xE88, v40;
	v41 =	vsel vm14, $0xE89, v41;
	v42 =	vsel vm14, $0xE8A, v42  }
0xea: {  	v43 =	vsel vm14, $0xE8B, v43;
	v44 =	vsel vm14, $0xE8C, v44;
	v4 =	vimm.s32 $0x87654321  }
0xeb: {  	v8 =	vimm.s32 $0x10FEDCBA;
	v12 =	vsel vm8, $0x100, v12;
	v13 =	vsel vm8, $0x142, v13  }
0xec: {  	v14 =	vsel vm8, $0x3900, v14;
	v10 =	vsel vm0, $0x12A, v10;
	v9 =	vsel vm13, $0x14C, v9  }
0xed: {  	v4 =	vunpack.c.l.s4.s8 v4;
	v8 =	vunpack.c.l.s4.s8 v8;
	v15 =	vsel vm15, $0x70F, v15  }
0xee: {  	v12 =	vsel vm7, $0x180, v12;
	v13 =	vsel vm7, $0x163, v13;
	v14 =	vsel vm7, $0x3980, v14  }
0xef: {  	v10 =	vsel vm12, $0x14B, v10;
	v54 =	vsel vm14, $0x16D, v9;
	v9 =	vimm.s32 $0x98765432  }
0xf0: {  	[tilespmem:$0x1FE20] =	vst v15;
	v15 =	vsel vm15, $0x700, v16;
	v12 =	vsel vm6, $0x200, v12;
	v13 =	vsel vm6, $0x184, v13  }
0xf1: {  	v14 =	vsel vm6, $0x3A00, v14;
	v10 =	vsel vm13, $0x16C, v10;
	v9 =	vunpack.c.l.s4.s8 v9  }
0xf2: {  	v57 =	vunpack.c.0.s8.s32 v4;
	v58 =	vunpack.c.0.s8.s32 v8;
	v4 =	vsel vm15, $0xE, v11  }
0xf3: {  	v11 =	vsel vm15, $0x18E, v54;
	[tilespmem:$0x1FE30] =	vst v15;
	v15 =	vsel vm15, $0x701, v17;
	v12 =	vsel vm5, $0x280, v12  }
0xf4: {  	v13 =	vsel vm5, $0x1A5, v13;
	v14 =	vsel vm5, $0x3A80, v14;
	v55 =	vsel vm14, $0x18D, v10  }
0xf5: {  	v10 =	vimm.s32 $0x210FEDCB;
	[tilespmem:$0x1FE40] =	vst v15;
	v15 =	vsel vm15, $0x702, v18;
	v12 =	vsel vm4, $0x300, v12  }
0xf6: {  	v13 =	vsel vm4, $0x1C6, v13;
	v51 =	vsel vm4, $0x3B00, v14;
	v14 =	vsel vm3, $0x167, v48  }
0xf7: {  	v48 =	vsel vm14, $0x8D, v2;
	v59 =	vunpack.c.0.s8.s32 v9;
	v9 =	vsel vm15, $0x14E, v52  }
0xf8: {  	[tilespmem:$0x1FE50] =	vst v15;
	v15 =	vsel vm15, $0x703, v19;
	v12 =	vsel vm3, $0x380, v12;
	v50 =	vsel vm3, $0x1E7, v13  }
0xf9: {  	v13 =	vsel vm3, $0x3B80, v51;
	v51 =	vsel vm14, $0x10D, v3;
	v3 =	vimm.s32 $0xFEDCBA9  }
0xfa: {  	[tilespmem:$0x1FE60] =	vst v15;
	v15 =	vsel vm15, $0x704, v20;
	v46 =	vcombine.low v14, v46;
	v14 =	vimm.s32 $0xCBA98765  }
0xfb: {  	v12 =	vsel vm2, $0x1C00, v12;
	v13 =	vsel vm2, $0x5400, v13;
	v3 =	vunpack.c.l.s4.s8 v3  }
0xfc: {  	v8 =	vsel vm15, $0x12E, v51;
	[tilespmem:$0x1FE70] =	vst v15;
	v15 =	vsel vm15, $0x705, v21;
	v16 =	vcombine.low v59, v58  }
0xfd: {  	v14 =	vunpack.c.l.s4.s8 v14;
	v49 =	vcombine.low v50, v49;
	v12 =	vsel vm1, $0x1C80, v12  }
0xfe: {  	v13 =	vsel vm1, $0x5480, v13;
	[tilespmem:$0x1FE80] =	vst v15;
	v15 =	vsel vm15, $0x706, v22;
	v12 =	vsel vm0, $0x1D00, v12  }
0xff: {  	v13 =	vsel vm0, $0x5500, v13;
	v56 =	vunpack.c.0.s8.s32 v3;
	v3 =	vunpack.c.l.s4.s8 v10  }
0x100: {  	[tilespmem:$0x1FE90] =	vst v15;
	v15 =	vsel vm15, $0x707, v23;
	v14 =	vunpack.c.0.s8.s32 v14;
	v12 =	vsel vm12, $0x1D80, v12  }
0x101: {  	v13 =	vsel vm12, $0x5580, v13;
	[tilespmem:$0x1FEA0] =	vst v15;
	v15 =	vsel vm15, $0x708, v24;
	v12 =	vsel vm13, $0x1E00, v12  }
0x102: {  	v13 =	vsel vm13, $0x5600, v13;
	v60 =	vunpack.c.0.s8.s32 v3;
	v3 =	vsel vm15, $0x1EE, v6  }
0x103: {  	v6 =	vsel vm15, $0xAE, v48;
	[tilespmem:$0x1FEB0] =	vst v15;
	v15 =	vsel vm15, $0x709, v25;
	v62 =	vcombine.low v56, v57  }
0x104: {  	v12 =	vsel vm14, $0x1E80, v12;
	v13 =	vsel vm14, $0x5680, v13;
	[tilespmem:$0x1FEC0] =	vst v15;
	v15 =	vsel vm15, $0x70A, v26  }
0x105: {  	v2 =	vsel vm15, $0x1F00, v12;
	v12 =	vimm.s32 $0xA9876543;
	[tilespmem:$0x1FED0] =	vst v15;
	v15 =	vsel vm15, $0x70B, v27  }
0x106: {  	s0 =	srdreg.scid;
	s1 =	stileid.u32;
	v13 =	vsel vm15, $0x5700, v13;
	v10 =	vunpack.c.l.s4.s8 v12;
	[tilespmem:$0x1FEE0] =	vst v15;
	v15 =	vsel vm15, $0x70C, v28  }
0x107: {  	s2 =	sand.u32 $0x1, s0;
	s24 =	sshll.u32 s1, $0x1;
	v12 =	vsel vm15, $0x1AE, v55;
	v28 =	vcombine.low v58, v59;
	[tilespmem:$0x1FEF0] =	vst v15;
	v15 =	vsel vm15, $0x70D, v29  }
0x108: {  	s0 =	sor.u32 s2, s24;
	v29 =	vimm.s32 $0xDCBA9876;
	v61 =	vunpack.c.0.s8.s32 v10;
	[tilespmem:$0x1FF00] =	vst v15;
	v15 =	vsel vm15, $0xF0F, v30  }
0x109: {  	s12 =	simm.s32 $0x1C00;
	s25 =	smul.u32 $0x276DC4, s0;
	v10 =	vsel vm15, $0x16E, v53;
	v24 =	vunpack.c.l.s4.s8 v29;
	[tilespmem:$0x1FF10] =	vst v15;
	v15 =	vsel vm15, $0xF00, v31  }
0x10a: {  	s5 =	rddreg [dreg:$0x1];
	s6 =	simm.s32 $0x1;
	s13 =	simm.s32 $0xC3800;
	v58 =	vand.u32 $0xF, v28;
	v31 =	vimm.s32 $0x6543210F;
	[tilespmem:$0x1FF20] =	vst v15;
	v15 =	vsel vm15, $0xF01, v32  }
0x10b: {  	s14 =	simm.s32 $0x7000;
	s15 =	simm.s32 $0xE000;
	s16 =	simm.s32 $0x2;
	v17 =	vcombine.low v61, v60;
	v30 =	vcombine.low v60, v61;
	v32 =	vimm.s32 $0xEDCBA987  }
0x10c: {  	s17 =	simm.s32 $0x15000;
	s18 =	simm.s32 $0x3;
	s3 =	sand.u32 $0xFFF0, s25;
	v51 =	vunpack.c.l.s4.s8 v31;
	v24 =	vunpack.c.0.s8.s32 v24;
	[tilespmem:$0x1FF30] =	vst v15;
	v15 =	vsel vm15, $0xF02, v33  }
0x10d: {  	s19 =	simm.s32 $0x4;
	s1 =	sshll.u32 s25, $0xC;
	s3 =	sshrl.u32 s3, $0x4;
	v50 =	vunpack.c.l.s4.s8 v32;
	[tilespmem:$0x1FF40] =	vst v15;
	v15 =	vsel vm15, $0xF03, v34;
	v34 =	vimm.s32 $0x3210FEDC  }
0x10e: {  	s20 =	simm.s32 $0x400;
	s21 =	simm.s32 $0x1C000;
	s1 =	sor.u32 s1, s3;
	v59 =	vand.u32 $0xF, v30;
	[tilespmem:$0x1FF50] =	vst v15;
	v15 =	vsel vm15, $0xF04, v35;
	v18 =	vunpack.c.l.s4.s8 v34  }
0x10f: {  	s22 =	simm.s32 $0x5;
	s23 =	simm.s32 $0x1D000;
	s1 =	sand.u32 $0xCFFF, s1;
	v35 =	vimm.s32 $0xBA987654;
	v34 =	vunpack.c.0.s8.s32 v51;
	v51 =	vand.u32 $0xF, v17  }
0x110: {  	p0 =	seq.s32 s0, $0x0;
	s26 =	smul.u32 $0x3494C, s0;
	p1 =	sgt.u32 s1, $0x249;
	[tilespmem:$0x1FF60] =	vst v15;
	v15 =	vsel vm15, $0xF05, v36;
	v36 =	vimm.s32 $0xFEDCBA98;
	v19 =	vunpack.c.l.s4.s8 v35  }
0x111: {  	s4 =	smul.u32 $0x5C, s0;
	s0 =	smin.u32 s0, $0x19;
	p0 =	por !p0, !p1;
	v35 =	vunpack.c.0.s8.s32 v50;
	v50 =	vand.u32 $0xF, v16;
	[tilespmem:$0x1FF70] =	vst v15;
	v15 =	vsel vm15, $0xF06, v37  }
0x112: {  	s5 =	sadd.s32 $0xA00, s5;
	s30 =	smul.u32 $0x30E000, s0;
	p0 =	por !p0, !p0;
	v37 =	vimm.s32 $0x76543210;
	v20 =	vunpack.c.l.s4.s8 v36;
	v18 =	vunpack.c.0.s8.s32 v18  }
0x113: {  	s0 =	smul.u32 $0x30D400, s0;
	s7 =	sshrl.u32 s26, $0x12;
	s6 =	simm.s32 @!p0 $0x0;
	[tilespmem:$0x1FF80] =	vst v15;
	v15 =	vsel vm15, $0xF07, v38;
	v21 =	vunpack.c.l.s4.s8 v37;
	v19 =	vunpack.c.0.s8.s32 v19  }
0x114: {  	s2 =	ssub.s32 $0x2, s2;
	s9 =	smul.u32 $0xFFFFFF90, s7;
	s6 =	ssub.s32 s7, s6;
	v38 =	vimm.s32 $0x43210FED;
	[tilespmem:$0x1FF90] =	vst v15;
	v15 =	vsel vm15, $0xF08, v39;
	v20 =	vunpack.c.0.s8.s32 v20  }
0x115: {  	s24 =	simm.s32 $0x0;
	s10 =	sshrl.u32 s2, $0x1;
	s8 =	smul.u32 $0xFFFFFF90, s6;
	v22 =	vunpack.c.l.s4.s8 v38;
	v38 =	vcombine.low v35, v34;
	[tilespmem:$0x1FFA0] =	vst v15;
	v15 =	vsel vm15, $0xF09, v40  }
0x116: {  	s2 =	ssub.s32 s2, s10;
	s11 =	smul.u32 $0x61C00, s7;
	s0 =	sshrl.u32 s0, $0x3;
	v40 =	vsel vm15, $0xF0A, v41;
	v41 =	vsel vm15, $0xF0B, v42;
	v42 =	vsel vm15, $0xF0C, v43  }
0x117: {  	s3 =	simm.s32 $0x0;
	s9 =	sadd.s32 s4, s9;
	s8 =	sadd.s32 s4, s8;
	v43 =	vsel vm15, $0xF0D, v44;
	v44 =	vlaneseq.u32;
	v21 =	vunpack.c.0.s8.s32 v21  }
0x118: {  	s0 =	sadd.s32 s5, s0;
	s9 =	sor.u32 $0x1, s9;
	s8 =	smul.u32 $0x380, s8;
	[tilespmem:$0x1FFB0] =	vst v15;
	v15 =	vcombine.low v57, v56;
	v20 =	vand.u32 $0xF, v20;
	v39 =	vunpack.c.0.s8.s32 v22  }
0x119: {  	[smem:$0x7FF] =	sst s3;
	s10 =	sadd.s32 $0x61A00, s0;
	s9 =	smul.u32 $0x380, s9;
	v22 =	vunpack.c.l.s4.s8 v63;
	v52 =	vmul.u32 $0x21, v44;
	v56 =	vand.u32 $0xF, v38  }
0x11a: {  	s1 =	rddreg [dreg:$0x0];
	s28 =	smul.u32 $0x61C00, s6;
	p0 =	slt.s32 s8, $0x18300;
	v48 =	vcombine.low v20, v21;
	v47 =	vand.u32 $0xF, v15;
	v15 =	vcombine.low v19, v18  }
0x11b: {  	s6 =	simm.s32 $0x1;
	s8 =	simm.s32 @!p0 $0x18300;
	p0 =	slt.s32 s9, $0x18300;
	v18 =	vcombine.low v18, v19;
	v33 =	vcombine.low v14, v39;
	v22 =	vunpack.c.0.s8.s32 v22  }
0x11c: {  	s29 =	sadd.s32 s28, s8;
	s9 =	simm.s32 @!p0 $0x18300;
	v57 =	vand.u32 $0xF, v62;
	_ =	strace $0x80000047;
	[tilespmem:$0x1FFC0] =	vst v41;
	v14 =	vcombine.low v39, v14;
	v39 =	vcombine.low v34, v35  }
0x11d: {  	s8 =	sshrl.u32 s30, $0x3;
	s7 =	sand.u32 $0x1FFFFF00, s29;
	s9 =	sadd.s32 s11, s9;
	[tilespmem:$0x1FFD0] =	vst v42;
	v36 =	vcombine.low v24, v22;
	v37 =	vcombine.low v22, v24;
	v53 =	vand.u32 $0xF, v15  }
0x11e: {  	s31 =	sadd.s32 s1, s8;
	s11 =	smax.u32 s2, $0x1;
	s9 =	sand.u32 $0x1FFFFF80, s9;
	[tilespmem:$0x1FFE0] =	vst v43;
	v54 =	vand.u32 $0xF, v33;
	v60 =	vand.u32 $0xF, v18;
	v61 =	vand.u32 $0xF, v14  }
0x11f: {  	s7 =	sadd.s32 s1, s7;
	s8 =	sadd.s32 s1, s9;
	s9 =	sadd.s32 $0x18680, s31;
	[tilespmem:$0x1FFF0] =	vst v40;
	v63 =	vand.u32 $0xF, v39;
	v55 =	vand.u32 $0xF, v36;
	v62 =	vand.u32 $0xF, v37  }
.LBB2_1:
0x120: {  	[tilespmem:s3], [sflag:$0x1] =	stream.strided.gather [hbm4b:s7+s12], $0x7000, s13, s12, $0x38;
	[tilespmem:$0x1D400] =	vst v63  }
0x121: {  	s25 =	simm.s32 $0x0  }
0x122: {  	[tilespmem:s14], [sflag:$0x2] =	stream.strided.gather [hbm4b:s8+s12], $0x7000, s13, s12, $0x38;
	[tilespmem:$0x1D400] =	vst v63  }
.LBB2_2:
0x123: {  	s28 =	simm.s32 $0x0  }
0x124: {  	v14 =	vmov s28  }
0x125: {  	v14 =	vshll.u32 v14, $0x3  }
0x126: {  	v15 =	vor.u32 s28, v44;
	v14 =	vand.u32 $0x1C00, v14  }
0x127: {  	_ =	swait.ge [sflag:s6], $0x7000;
	v16 =	vor.u32 s28, v47;
	v15 =	vand.u32 $0x7F, v15;
	v17 =	vadd.s32 v2, v14  }
0x128: {  	p0 =	seq.s32 s25, $0x0;
	[sflag:s6] =	ssyncset.done $0x0;
	v18 =	vor.u32 s28, v50;
	v16 =	vand.u32 $0x7F, v16;
	v19 =	vor.u32 v15, v17  }
0x129: {  	s0 =	simm.s32 @!p0 $0x3;
	v20 =	vor.u32 s28, v51;
	[sflag:s6] =	ssyncadd.s32 $0xFFFF9000;
	v18 =	vand.u32 $0x7F, v18;
	v21 =	vor.u32 v16, v17  }
0x12a: {  	v20 =	vand.u32 $0x7F, v20;
	_ =	swait.ge @!p0 [sflag:s0], $0x7000;
	v22 =	vor.u32 v18, v17  }
0x12b: {  	[sflag:s0] =	ssyncset.done @!p0 $0x0;
	v23 =	vor.u32 v20, v17  }
0x12c: {  	[sflag:s0] =	ssyncadd.s32 @!p0 $0xFFFF9000  }
0x12d: {  	v24 =	vor.u32 s28, v52;
	v19 =	vld.idx.msk [tilespmem:v19+s3+$0x0], $0xffff  }
0x12e: {  	v25 =	vor.u32 s28, v3;
	v21 =	vld.idx.msk [tilespmem:v21+s3+$0x0], $0xffff  }
0x12f: {  	v26 =	vor.u32 s28, v4;
	v27 =	vor.u32 s28, v53;
	v22 =	vld.idx.msk [tilespmem:v22+s3+$0x0], $0xffff  }
0x130: {  	v28 =	vor.u32 s28, v45;
	v29 =	vor.u32 s28, v54;
	v27 =	vand.u32 $0x7F, v27;
	v23 =	vld.idx.msk [tilespmem:v23+s3+$0x0], $0xffff  }
0x131: {  	v31 =	vor.u32 s28, v55;
	v29 =	vand.u32 $0x7F, v29;
	v30 =	vor.u32 v27, v17  }
0x132: {  	v37 =	vor.u32 s28, v56;
	[tilespmem:v24+s15+$0x0] =	vst.idx.msk $0xffff, v19;
	v19 =	vor.u32 v29, v17;
	v24 =	vand.u32 $0x7F, v31  }
0x133: {  	[tilespmem:v25+s15+$0x0] =	vst.idx.msk $0xffff, v21;
	v21 =	vor.u32 v24, v17;
	v25 =	vand.u32 $0x7F, v37  }
0x134: {  	[tilespmem:v26+s15+$0x0] =	vst.idx.msk $0xffff, v22;
	v22 =	vor.u32 v25, v17  }
0x135: {  	[tilespmem:v28+s15+$0x0] =	vst.idx.msk $0xffff, v23  }
0x136: {  	v26 =	vor.u32 s28, v46;
	v23 =	vld.idx.msk [tilespmem:v30+s3+$0x0], $0xffff  }
0x137: {  	v38 =	vor.u32 s28, v0;
	v19 =	vld.idx.msk [tilespmem:v19+s3+$0x0], $0xffff  }
0x138: {  	v39 =	vor.u32 s28, v5;
	v40 =	vor.u32 s28, v48;
	v21 =	vld.idx.msk [tilespmem:v21+s3+$0x0], $0xffff  }
0x139: {  	v32 =	vor.u32 s28, v6;
	v33 =	vor.u32 s28, v57;
	v31 =	vand.u32 $0x7F, v40;
	v22 =	vld.idx.msk [tilespmem:v22+s3+$0x0], $0xffff  }
0x13a: {  	v35 =	vor.u32 s28, v58;
	v33 =	vand.u32 $0x7F, v33;
	v34 =	vor.u32 v31, v17  }
0x13b: {  	v41 =	vor.u32 s28, v59;
	[tilespmem:v26+s15+$0x0] =	vst.idx.msk $0xffff, v23;
	v23 =	vor.u32 v33, v17;
	v26 =	vand.u32 $0x7F, v35  }
0x13c: {  	v28 =	vand.u32 $0x7F, v41;
	[tilespmem:v38+s15+$0x0] =	vst.idx.msk $0xffff, v19;
	v19 =	vor.u32 v26, v17  }
0x13d: {  	[tilespmem:v39+s15+$0x0] =	vst.idx.msk $0xffff, v21;
	v21 =	vor.u32 v28, v17  }
0x13e: {  	[tilespmem:v32+s15+$0x0] =	vst.idx.msk $0xffff, v22  }
0x13f: {  	v42 =	vor.u32 s28, v49;
	v22 =	vld.idx.msk [tilespmem:v34+s3+$0x0], $0xffff  }
0x140: {  	v43 =	vor.u32 s28, v1;
	v23 =	vld.idx.msk [tilespmem:v23+s3+$0x0], $0xffff  }
0x141: {  	v41 =	vor.u32 s28, v60;
	v34 =	vor.u32 s28, v7;
	v19 =	vld.idx.msk [tilespmem:v19+s3+$0x0], $0xffff  }
0x142: {  	v36 =	vor.u32 s28, v8;
	v37 =	vor.u32 s28, v61;
	v35 =	vand.u32 $0x7F, v41;
	v21 =	vld.idx.msk [tilespmem:v21+s3+$0x0], $0xffff  }
0x143: {  	v37 =	vand.u32 $0x7F, v37;
	v38 =	vor.u32 v35, v17;
	v39 =	vor.u32 s28, v62  }
0x144: {  	v30 =	vand.u32 $0x7F, v39;
	[tilespmem:v42+s15+$0x0] =	vst.idx.msk $0xffff, v22;
	v22 =	vor.u32 v37, v17;
	v42 =	vor.u32 s28, v63  }
0x145: {  	[tilespmem:v43+s15+$0x0] =	vst.idx.msk $0xffff, v23;
	v23 =	vor.u32 v30, v17;
	v43 =	vand.u32 $0x7F, v42  }
0x146: {  	[tilespmem:v34+s15+$0x0] =	vst.idx.msk $0xffff, v19;
	v17 =	vor.u32 v43, v17  }
0x147: {  	[tilespmem:v36+s15+$0x0] =	vst.idx.msk $0xffff, v21  }
0x148: {  	v21 =	vor.u32 s28, v9;
	v19 =	vld.idx.msk [tilespmem:v38+s3+$0x0], $0xffff  }
0x149: {  	v40 =	vor.u32 s28, v10;
	v22 =	vld.idx.msk [tilespmem:v22+s3+$0x0], $0xffff  }
0x14a: {  	v41 =	vor.u32 s28, v11;
	v23 =	vld.idx.msk [tilespmem:v23+s3+$0x0], $0xffff  }
0x14b: {  	v14 =	vadd.s32 v13, v14;
	v42 =	vor.u32 s28, v12;
	v17 =	vld.idx.msk [tilespmem:v17+s3+$0x0], $0xffff  }
0x14c: {  	v15 =	vor.u32 v15, v14  }
0x14d: {  	v16 =	vor.u32 v16, v14;
	[tilespmem:v21+s15+$0x0] =	vst.idx.msk $0xffff, v19  }
0x14e: {  	v18 =	vor.u32 v18, v14;
	[tilespmem:v40+s15+$0x0] =	vst.idx.msk $0xffff, v22  }
0x14f: {  	v19 =	vor.u32 v20, v14;
	[tilespmem:v41+s15+$0x0] =	vst.idx.msk $0xffff, v23  }
0x150: {  	s31 =	simm.s32 $0x10;
	[tilespmem:v42+s15+$0x0] =	vst.idx.msk $0xffff, v17  }
0x151: {  	v17 =	vor.u32 s31, v52;
	v15 =	vld.idx.msk [tilespmem:v15+s3+$0x0], $0xffff  }
0x152: {  	v20 =	vor.u32 s31, v3;
	v16 =	vld.idx.msk [tilespmem:v16+s3+$0x0], $0xffff  }
0x153: {  	v21 =	vor.u32 s31, v4;
	v18 =	vld.idx.msk [tilespmem:v18+s3+$0x0], $0xffff  }
0x154: {  	v22 =	vor.u32 s31, v45;
	v19 =	vld.idx.msk [tilespmem:v19+s3+$0x0], $0xffff  }
0x155: {  	v23 =	vor.u32 v27, v14  }
0x156: {  	[tilespmem:v17+s15+$0x0] =	vst.idx.msk $0xffff, v15;
	v15 =	vor.u32 v29, v14  }
0x157: {  	[tilespmem:v20+s15+$0x0] =	vst.idx.msk $0xffff, v16;
	v16 =	vor.u32 v24, v14  }
0x158: {  	v17 =	vor.u32 v25, v14;
	[tilespmem:v21+s15+$0x0] =	vst.idx.msk $0xffff, v18  }
0x159: {  	[tilespmem:v22+s15+$0x0] =	vst.idx.msk $0xffff, v19  }
0x15a: {  	v19 =	vor.u32 s31, v46;
	v18 =	vld.idx.msk [tilespmem:v23+s3+$0x0], $0xffff  }
0x15b: {  	v20 =	vor.u32 s31, v0;
	v15 =	vld.idx.msk [tilespmem:v15+s3+$0x0], $0xffff  }
0x15c: {  	v21 =	vor.u32 s31, v5;
	v16 =	vld.idx.msk [tilespmem:v16+s3+$0x0], $0xffff  }
0x15d: {  	v22 =	vor.u32 s31, v6;
	v17 =	vld.idx.msk [tilespmem:v17+s3+$0x0], $0xffff  }
0x15e: {  	v23 =	vor.u32 v31, v14  }
0x15f: {  	[tilespmem:v19+s15+$0x0] =	vst.idx.msk $0xffff, v18;
	v18 =	vor.u32 v33, v14  }
0x160: {  	[tilespmem:v20+s15+$0x0] =	vst.idx.msk $0xffff, v15;
	v15 =	vor.u32 v26, v14  }
0x161: {  	[tilespmem:v21+s15+$0x0] =	vst.idx.msk $0xffff, v16;
	v16 =	vor.u32 v28, v14  }
0x162: {  	[tilespmem:v22+s15+$0x0] =	vst.idx.msk $0xffff, v17  }
0x163: {  	v19 =	vor.u32 s31, v49;
	v17 =	vld.idx.msk [tilespmem:v23+s3+$0x0], $0xffff  }
0x164: {  	v20 =	vor.u32 s31, v1;
	v18 =	vld.idx.msk [tilespmem:v18+s3+$0x0], $0xffff  }
0x165: {  	v21 =	vor.u32 s31, v7;
	v15 =	vld.idx.msk [tilespmem:v15+s3+$0x0], $0xffff  }
0x166: {  	v22 =	vor.u32 s31, v8;
	v16 =	vld.idx.msk [tilespmem:v16+s3+$0x0], $0xffff  }
0x167: {  	v23 =	vor.u32 v35, v14  }
0x168: {  	[tilespmem:v19+s15+$0x0] =	vst.idx.msk $0xffff, v17  }
0x169: {  	s26 =	sshll.u32 s25, $0x1;
	v17 =	vor.u32 v37, v14;
	[tilespmem:v20+s15+$0x0] =	vst.idx.msk $0xffff, v18  }
0x16a: {  	s26 =	sadd.s32 s4, s26;
	v18 =	vor.u32 v30, v14;
	[tilespmem:v21+s15+$0x0] =	vst.idx.msk $0xffff, v15  }
0x16b: {  	s0 =	smin.u32 s26, $0xB5F;
	[tilespmem:v22+s15+$0x0] =	vst.idx.msk $0xffff, v16  }
0x16c: {  	s29 =	smulhi.u32 $0x2492493, s0;
	v14 =	vor.u32 v43, v14;
	v20 =	vor.u32 s31, v9;
	v15 =	vld.idx.msk [tilespmem:v23+s3+$0x0], $0xffff  }
0x16d: {  	v25 =	vor.u32 s31, v51  }
0x16e: {  	s2 =	smul.u32 $0xFFFFFF90, s29;
	v24 =	vor.u32 s31, v10;
	v26 =	vor.u32 s31, v11;
	v16 =	vmov s31;
	v27 =	vld.idx.msk [tilespmem:v17+s3+$0x0], $0xffff  }
0x16f: {  	v22 =	vor.u32 s31, v47;
	v16 =	vshll.u32 v16, $0x3;
	v17 =	vor.u32 s31, v50;
	v43 =	vld.idx.msk [tilespmem:v18+s3+$0x0], $0xffff  }
0x170: {  	s0 =	sadd.s32 s0, s2;
	v23 =	vand.u32 $0x1C00, v16;
	v18 =	vor.u32 s31, v44;
	v16 =	vand.u32 $0x7F, v17  }
0x171: {  	s30 =	smul.u32 $0x380, s0;
	v21 =	vld.idx.msk [tilespmem:v14+s3+$0x0], $0xffff;
	v19 =	vadd.s32 v2, v23;
	v17 =	vand.u32 $0x7F, v18;
	[tilespmem:v20+s15+$0x0] =	vst.idx.msk $0xffff, v15;
	v20 =	vor.u32 s31, v12  }
0x172: {  	v14 =	vadd.s32 v13, v23;
	v18 =	vand.u32 $0x7F, v22;
	v23 =	vor.u32 v17, v19  }
0x173: {  	p1 =	slt.s32 s30, $0x18300;
	v22 =	vor.u32 v16, v19;
	v15 =	vand.u32 $0x7F, v25;
	v25 =	vor.u32 v18, v19;
	[tilespmem:v24+s15+$0x0] =	vst.idx.msk $0xffff, v27  }
0x174: {  	s2 =	simm.s32 $0x20;
	s30 =	simm.s32 @!p1 $0x18300;
	v18 =	vor.u32 v18, v14;
	v24 =	vor.u32 v15, v19;
	[tilespmem:v26+s15+$0x0] =	vst.idx.msk $0xffff, v43  }
.LBB2_3:
0x175: {  	p1 =	sne.s32 s2, $0x370  }
0x176: {  	[tilespmem:v20+s15+$0x0] =	vst.idx.msk $0xffff, v21;
	s28 =	sadd.s32 $0x200, s28;
	s0 =	smov.u32 s2;
	s2 =	sadd.s32 $0x10, s2  }
0x177: {  	v21 =	vld.idx.msk [tilespmem:v23+s3+$0x0], $0xffff  }
0x178: {  	v23 =	vld.idx.msk [tilespmem:v25+s3+$0x0], $0xffff;
	v25 =	vor.u32 s28, v52  }
0x179: {  	v26 =	vor.u32 s28, v3;
	v22 =	vld.idx.msk [tilespmem:v22+s3+$0x0], $0xffff  }
0x17a: {  	v20 =	vor.u32 s31, v53;
	v27 =	vor.u32 s28, v4;
	v24 =	vld.idx.msk [tilespmem:v24+s3+$0x0], $0xffff  }
0x17b: {  	v29 =	vor.u32 s31, v54;
	v28 =	vor.u32 s28, v45;
	v20 =	vand.u32 $0x7F, v20  }
0x17c: {  	v31 =	vor.u32 s31, v55;
	v29 =	vand.u32 $0x7F, v29;
	v30 =	vor.u32 v20, v19  }
0x17d: {  	[tilespmem:v25+s15+$0x0] =	vst.idx.msk $0xffff, v21;
	v21 =	vor.u32 v29, v19;
	v25 =	vand.u32 $0x7F, v31;
	v31 =	vor.u32 s31, v56  }
0x17e: {  	[tilespmem:v26+s15+$0x0] =	vst.idx.msk $0xffff, v23;
	v23 =	vor.u32 v25, v19;
	v26 =	vand.u32 $0x7F, v31  }
0x17f: {  	[tilespmem:v27+s15+$0x0] =	vst.idx.msk $0xffff, v22;
	v22 =	vor.u32 v26, v19  }
0x180: {  	[tilespmem:v28+s15+$0x0] =	vst.idx.msk $0xffff, v24  }
0x181: {  	v24 =	vld.idx.msk [tilespmem:v30+s3+$0x0], $0xffff  }
0x182: {  	v27 =	vor.u32 s28, v46;
	v21 =	vld.idx.msk [tilespmem:v21+s3+$0x0], $0xffff  }
0x183: {  	v28 =	vor.u32 s28, v0;
	v23 =	vld.idx.msk [tilespmem:v23+s3+$0x0], $0xffff  }
0x184: {  	v31 =	vor.u32 s31, v48;
	v30 =	vor.u32 s28, v5;
	v22 =	vld.idx.msk [tilespmem:v22+s3+$0x0], $0xffff  }
0x185: {  	v33 =	vor.u32 s31, v57;
	v32 =	vor.u32 s28, v6;
	v31 =	vand.u32 $0x7F, v31  }
0x186: {  	v35 =	vor.u32 s31, v58;
	v33 =	vand.u32 $0x7F, v33;
	v34 =	vor.u32 v31, v19  }
0x187: {  	[tilespmem:v27+s15+$0x0] =	vst.idx.msk $0xffff, v24;
	v24 =	vor.u32 v33, v19;
	v27 =	vand.u32 $0x7F, v35;
	v35 =	vor.u32 s31, v59  }
0x188: {  	[tilespmem:v28+s15+$0x0] =	vst.idx.msk $0xffff, v21;
	v21 =	vor.u32 v27, v19;
	v28 =	vand.u32 $0x7F, v35  }
0x189: {  	[tilespmem:v30+s15+$0x0] =	vst.idx.msk $0xffff, v23;
	v23 =	vor.u32 v28, v19  }
0x18a: {  	[tilespmem:v32+s15+$0x0] =	vst.idx.msk $0xffff, v22  }
0x18b: {  	v22 =	vld.idx.msk [tilespmem:v34+s3+$0x0], $0xffff  }
0x18c: {  	v30 =	vor.u32 s28, v49;
	v24 =	vld.idx.msk [tilespmem:v24+s3+$0x0], $0xffff  }
0x18d: {  	v32 =	vor.u32 s28, v1;
	v21 =	vld.idx.msk [tilespmem:v21+s3+$0x0], $0xffff  }
0x18e: {  	v35 =	vor.u32 s31, v60;
	v34 =	vor.u32 s28, v7;
	v23 =	vld.idx.msk [tilespmem:v23+s3+$0x0], $0xffff  }
0x18f: {  	v37 =	vor.u32 s31, v61;
	v36 =	vor.u32 s28, v8;
	v35 =	vand.u32 $0x7F, v35  }
0x190: {  	v39 =	vor.u32 s31, v62;
	v37 =	vand.u32 $0x7F, v37;
	v38 =	vor.u32 v35, v19  }
0x191: {  	[tilespmem:v30+s15+$0x0] =	vst.idx.msk $0xffff, v22;
	v22 =	vor.u32 v37, v19;
	v30 =	vand.u32 $0x7F, v39;
	v39 =	vor.u32 s31, v63;
	s31 =	smov.u32 s0  }
0x192: {  	[tilespmem:v32+s15+$0x0] =	vst.idx.msk $0xffff, v24;
	v24 =	vor.u32 v30, v19;
	v32 =	vand.u32 $0x7F, v39  }
0x193: {  	[tilespmem:v34+s15+$0x0] =	vst.idx.msk $0xffff, v21;
	v19 =	vor.u32 v32, v19  }
0x194: {  	[tilespmem:v36+s15+$0x0] =	vst.idx.msk $0xffff, v23  }
0x195: {  	v21 =	vld.idx.msk [tilespmem:v38+s3+$0x0], $0xffff  }
0x196: {  	v23 =	vor.u32 s28, v9;
	v22 =	vld.idx.msk [tilespmem:v22+s3+$0x0], $0xffff  }
0x197: {  	v34 =	vor.u32 s28, v10;
	v24 =	vld.idx.msk [tilespmem:v24+s3+$0x0], $0xffff  }
0x198: {  	v36 =	vor.u32 s28, v11;
	v19 =	vld.idx.msk [tilespmem:v19+s3+$0x0], $0xffff  }
0x199: {  	v38 =	vor.u32 s28, v12  }
0x19a: {  	v17 =	vor.u32 v17, v14  }
0x19b: {  	[tilespmem:v23+s15+$0x0] =	vst.idx.msk $0xffff, v21  }
0x19c: {  	v16 =	vor.u32 v16, v14;
	[tilespmem:v34+s15+$0x0] =	vst.idx.msk $0xffff, v22  }
0x19d: {  	v15 =	vor.u32 v15, v14;
	[tilespmem:v36+s15+$0x0] =	vst.idx.msk $0xffff, v24  }
0x19e: {  	[tilespmem:v38+s15+$0x0] =	vst.idx.msk $0xffff, v19  }
0x19f: {  	s0 =	sadd.s32 $0x10, s28;
	v17 =	vld.idx.msk [tilespmem:v17+s3+$0x0], $0xffff  }
0x1a0: {  	v19 =	vor.u32 s0, v52;
	v18 =	vld.idx.msk [tilespmem:v18+s3+$0x0], $0xffff  }
0x1a1: {  	v21 =	vor.u32 s0, v3;
	v16 =	vld.idx.msk [tilespmem:v16+s3+$0x0], $0xffff  }
0x1a2: {  	v22 =	vor.u32 s0, v4;
	v15 =	vld.idx.msk [tilespmem:v15+s3+$0x0], $0xffff  }
0x1a3: {  	v23 =	vor.u32 s0, v45  }
0x1a4: {  	v20 =	vor.u32 v20, v14  }
0x1a5: {  	[tilespmem:v19+s15+$0x0] =	vst.idx.msk $0xffff, v17;
	v17 =	vor.u32 v29, v14  }
0x1a6: {  	[tilespmem:v21+s15+$0x0] =	vst.idx.msk $0xffff, v18;
	v18 =	vor.u32 v25, v14  }
0x1a7: {  	[tilespmem:v22+s15+$0x0] =	vst.idx.msk $0xffff, v16;
	v16 =	vor.u32 v26, v14  }
0x1a8: {  	[tilespmem:v23+s15+$0x0] =	vst.idx.msk $0xffff, v15  }
0x1a9: {  	v15 =	vld.idx.msk [tilespmem:v20+s3+$0x0], $0xffff  }
0x1aa: {  	v19 =	vor.u32 s0, v46;
	v17 =	vld.idx.msk [tilespmem:v17+s3+$0x0], $0xffff  }
0x1ab: {  	v20 =	vor.u32 s0, v0;
	v18 =	vld.idx.msk [tilespmem:v18+s3+$0x0], $0xffff  }
0x1ac: {  	v21 =	vor.u32 s0, v5;
	v16 =	vld.idx.msk [tilespmem:v16+s3+$0x0], $0xffff  }
0x1ad: {  	v22 =	vor.u32 s0, v6  }
0x1ae: {  	v23 =	vor.u32 v31, v14  }
0x1af: {  	[tilespmem:v19+s15+$0x0] =	vst.idx.msk $0xffff, v15;
	v15 =	vor.u32 v33, v14  }
0x1b0: {  	[tilespmem:v20+s15+$0x0] =	vst.idx.msk $0xffff, v17;
	v17 =	vor.u32 v27, v14  }
0x1b1: {  	[tilespmem:v21+s15+$0x0] =	vst.idx.msk $0xffff, v18;
	v18 =	vor.u32 v28, v14  }
0x1b2: {  	[tilespmem:v22+s15+$0x0] =	vst.idx.msk $0xffff, v16  }
0x1b3: {  	v16 =	vld.idx.msk [tilespmem:v23+s3+$0x0], $0xffff  }
0x1b4: {  	v19 =	vor.u32 s0, v49;
	v15 =	vld.idx.msk [tilespmem:v15+s3+$0x0], $0xffff  }
0x1b5: {  	v20 =	vor.u32 s0, v1;
	v17 =	vld.idx.msk [tilespmem:v17+s3+$0x0], $0xffff  }
0x1b6: {  	v21 =	vor.u32 s0, v7;
	v18 =	vld.idx.msk [tilespmem:v18+s3+$0x0], $0xffff  }
0x1b7: {  	v22 =	vor.u32 s0, v8  }
0x1b8: {  	v23 =	vor.u32 v35, v14  }
0x1b9: {  	[tilespmem:v19+s15+$0x0] =	vst.idx.msk $0xffff, v16;
	v16 =	vor.u32 v37, v14  }
0x1ba: {  	v19 =	vor.u32 v30, v14;
	[tilespmem:v20+s15+$0x0] =	vst.idx.msk $0xffff, v15  }
0x1bb: {  	v14 =	vor.u32 v32, v14;
	[tilespmem:v21+s15+$0x0] =	vst.idx.msk $0xffff, v17  }
0x1bc: {  	v20 =	vor.u32 s0, v12;
	[tilespmem:v22+s15+$0x0] =	vst.idx.msk $0xffff, v18  }
0x1bd: {  	v26 =	vor.u32 s0, v9;
	v27 =	vor.u32 s0, v10;
	v28 =	vor.u32 s0, v11;
	v18 =	vld.idx.msk [tilespmem:v23+s3+$0x0], $0xffff  }
0x1be: {  	v15 =	vmov s31;
	v17 =	vor.u32 s31, v51;
	v22 =	vor.u32 s31, v47;
	v29 =	vld.idx.msk [tilespmem:v16+s3+$0x0], $0xffff  }
0x1bf: {  	v21 =	vor.u32 s31, v50;
	v16 =	vshll.u32 v15, $0x3;
	v15 =	vand.u32 $0x7F, v17;
	v30 =	vld.idx.msk [tilespmem:v19+s3+$0x0], $0xffff  }
0x1c0: {  	v17 =	vor.u32 s31, v44;
	v23 =	vand.u32 $0x1C00, v16;
	v16 =	vand.u32 $0x7F, v21;
	v21 =	vld.idx.msk [tilespmem:v14+s3+$0x0], $0xffff  }
.Ltmp0:
0x1c1: {  	v17 =	vand.u32 $0x7F, v17;
	v19 =	vadd.s32 v2, v23;
	v14 =	vadd.s32 v13, v23;
	(pc) =	sbr.rel @p1 .LBB2_3-.Ltmp0, $4  }
0x1c2: {  	v31 =	vand.u32 $0x7F, v22;
	v23 =	vor.u32 v17, v19;
	v22 =	vor.u32 v16, v19  }
0x1c3: {  	v25 =	vor.u32 v31, v19;
	v24 =	vor.u32 v15, v19;
	[tilespmem:v26+s15+$0x0] =	vst.idx.msk $0xffff, v18  }
0x1c4: {  	v18 =	vor.u32 v31, v14;
	[tilespmem:v27+s15+$0x0] =	vst.idx.msk $0xffff, v29  }
0x1c5: {  	[tilespmem:v28+s15+$0x0] =	vst.idx.msk $0xffff, v30  }
0x1c6: {  	_ =	sdelay $0x3  }
0x1c7: {  	[tilespmem:v20+s15+$0x0] =	vst.idx.msk $0xffff, v21;
	s0 =	sadd.s32 $0x200, s28  }
0x1c8: {  	v20 =	vld.idx.msk [tilespmem:v23+s3+$0x0], $0xffff;
	v21 =	vor.u32 s0, v52  }
0x1c9: {  	v23 =	vld.idx.msk [tilespmem:v25+s3+$0x0], $0xffff;
	v25 =	vor.u32 s0, v3  }
0x1ca: {  	v27 =	vor.u32 s31, v53;
	v22 =	vld.idx.msk [tilespmem:v22+s3+$0x0], $0xffff;
	v26 =	vor.u32 s0, v4  }
0x1cb: {  	v29 =	vor.u32 s31, v54;
	v24 =	vld.idx.msk [tilespmem:v24+s3+$0x0], $0xffff;
	v28 =	vor.u32 s0, v45;
	v27 =	vand.u32 $0x7F, v27  }
0x1cc: {  	v31 =	vor.u32 s31, v55;
	v29 =	vand.u32 $0x7F, v29;
	v30 =	vor.u32 v27, v19  }
0x1cd: {  	v38 =	vor.u32 s31, v56;
	[tilespmem:v21+s15+$0x0] =	vst.idx.msk $0xffff, v20;
	v20 =	vor.u32 v29, v19;
	v21 =	vand.u32 $0x7F, v31  }
0x1ce: {  	[tilespmem:v25+s15+$0x0] =	vst.idx.msk $0xffff, v23;
	v23 =	vor.u32 v21, v19;
	v25 =	vand.u32 $0x7F, v38  }
0x1cf: {  	[tilespmem:v26+s15+$0x0] =	vst.idx.msk $0xffff, v22;
	v22 =	vor.u32 v25, v19  }
0x1d0: {  	[tilespmem:v28+s15+$0x0] =	vst.idx.msk $0xffff, v24  }
0x1d1: {  	v26 =	vor.u32 s0, v46;
	v24 =	vld.idx.msk [tilespmem:v30+s3+$0x0], $0xffff  }
0x1d2: {  	v39 =	vor.u32 s0, v0;
	v20 =	vld.idx.msk [tilespmem:v20+s3+$0x0], $0xffff  }
0x1d3: {  	v41 =	vor.u32 s31, v48;
	v40 =	vor.u32 s0, v5;
	v23 =	vld.idx.msk [tilespmem:v23+s3+$0x0], $0xffff  }
0x1d4: {  	v33 =	vor.u32 s31, v57;
	v32 =	vor.u32 s0, v6;
	v31 =	vand.u32 $0x7F, v41;
	v22 =	vld.idx.msk [tilespmem:v22+s3+$0x0], $0xffff  }
0x1d5: {  	v35 =	vor.u32 s31, v58;
	v33 =	vand.u32 $0x7F, v33;
	v34 =	vor.u32 v31, v19  }
0x1d6: {  	v42 =	vor.u32 s31, v59;
	[tilespmem:v26+s15+$0x0] =	vst.idx.msk $0xffff, v24;
	v24 =	vor.u32 v33, v19;
	v26 =	vand.u32 $0x7F, v35  }
0x1d7: {  	v28 =	vand.u32 $0x7F, v42;
	[tilespmem:v39+s15+$0x0] =	vst.idx.msk $0xffff, v20;
	v20 =	vor.u32 v26, v19  }
0x1d8: {  	[tilespmem:v40+s15+$0x0] =	vst.idx.msk $0xffff, v23;
	v23 =	vor.u32 v28, v19  }
0x1d9: {  	[tilespmem:v32+s15+$0x0] =	vst.idx.msk $0xffff, v22  }
0x1da: {  	v43 =	vor.u32 s0, v49;
	v22 =	vld.idx.msk [tilespmem:v34+s3+$0x0], $0xffff  }
0x1db: {  	v32 =	vor.u32 s0, v1;
	v24 =	vld.idx.msk [tilespmem:v24+s3+$0x0], $0xffff  }
0x1dc: {  	v42 =	vor.u32 s31, v60;
	v34 =	vor.u32 s0, v7;
	v20 =	vld.idx.msk [tilespmem:v20+s3+$0x0], $0xffff  }
0x1dd: {  	v37 =	vor.u32 s31, v61;
	v36 =	vor.u32 s0, v8;
	v35 =	vand.u32 $0x7F, v42;
	v23 =	vld.idx.msk [tilespmem:v23+s3+$0x0], $0xffff  }
0x1de: {  	v37 =	vand.u32 $0x7F, v37;
	v38 =	vor.u32 v35, v19;
	v39 =	vor.u32 s31, v62  }
0x1df: {  	v30 =	vand.u32 $0x7F, v39;
	[tilespmem:v43+s15+$0x0] =	vst.idx.msk $0xffff, v22;
	v22 =	vor.u32 v37, v19;
	v43 =	vor.u32 s31, v63  }
0x1e0: {  	[tilespmem:v32+s15+$0x0] =	vst.idx.msk $0xffff, v24;
	v24 =	vor.u32 v30, v19;
	v40 =	vand.u32 $0x7F, v43  }
0x1e1: {  	[tilespmem:v34+s15+$0x0] =	vst.idx.msk $0xffff, v20;
	v19 =	vor.u32 v40, v19  }
0x1e2: {  	[tilespmem:v36+s15+$0x0] =	vst.idx.msk $0xffff, v23  }
0x1e3: {  	v23 =	vor.u32 s0, v9;
	v20 =	vld.idx.msk [tilespmem:v38+s3+$0x0], $0xffff  }
0x1e4: {  	v41 =	vor.u32 s0, v10;
	v22 =	vld.idx.msk [tilespmem:v22+s3+$0x0], $0xffff  }
0x1e5: {  	v42 =	vor.u32 s0, v11;
	v24 =	vld.idx.msk [tilespmem:v24+s3+$0x0], $0xffff  }
0x1e6: {  	v43 =	vor.u32 s0, v12;
	v19 =	vld.idx.msk [tilespmem:v19+s3+$0x0], $0xffff  }
0x1e7: {  	v17 =	vor.u32 v17, v14  }
0x1e8: {  	[tilespmem:v23+s15+$0x0] =	vst.idx.msk $0xffff, v20  }
0x1e9: {  	v16 =	vor.u32 v16, v14;
	[tilespmem:v41+s15+$0x0] =	vst.idx.msk $0xffff, v22  }
0x1ea: {  	v15 =	vor.u32 v15, v14;
	[tilespmem:v42+s15+$0x0] =	vst.idx.msk $0xffff, v24  }
0x1eb: {  	s0 =	sadd.s32 $0x10, s0;
	[tilespmem:v43+s15+$0x0] =	vst.idx.msk $0xffff, v19  }
0x1ec: {  	v19 =	vor.u32 s0, v52;
	v17 =	vld.idx.msk [tilespmem:v17+s3+$0x0], $0xffff  }
0x1ed: {  	v20 =	vor.u32 s0, v3;
	v18 =	vld.idx.msk [tilespmem:v18+s3+$0x0], $0xffff  }
0x1ee: {  	v22 =	vor.u32 s0, v4;
	v16 =	vld.idx.msk [tilespmem:v16+s3+$0x0], $0xffff  }
0x1ef: {  	v23 =	vor.u32 s0, v45;
	v15 =	vld.idx.msk [tilespmem:v15+s3+$0x0], $0xffff  }
0x1f0: {  	v24 =	vor.u32 v27, v14  }
0x1f1: {  	[tilespmem:v19+s15+$0x0] =	vst.idx.msk $0xffff, v17;
	v17 =	vor.u32 v29, v14  }
0x1f2: {  	[tilespmem:v20+s15+$0x0] =	vst.idx.msk $0xffff, v18;
	v18 =	vor.u32 v21, v14  }
0x1f3: {  	[tilespmem:v22+s15+$0x0] =	vst.idx.msk $0xffff, v16;
	v16 =	vor.u32 v25, v14  }
0x1f4: {  	[tilespmem:v23+s15+$0x0] =	vst.idx.msk $0xffff, v15  }
0x1f5: {  	v19 =	vor.u32 s0, v46;
	v15 =	vld.idx.msk [tilespmem:v24+s3+$0x0], $0xffff  }
0x1f6: {  	v20 =	vor.u32 s0, v0;
	v17 =	vld.idx.msk [tilespmem:v17+s3+$0x0], $0xffff  }
0x1f7: {  	v21 =	vor.u32 s0, v5;
	v18 =	vld.idx.msk [tilespmem:v18+s3+$0x0], $0xffff  }
0x1f8: {  	v22 =	vor.u32 s0, v6;
	v16 =	vld.idx.msk [tilespmem:v16+s3+$0x0], $0xffff  }
0x1f9: {  	v23 =	vor.u32 v31, v14  }
0x1fa: {  	[tilespmem:v19+s15+$0x0] =	vst.idx.msk $0xffff, v15;
	v15 =	vor.u32 v33, v14  }
0x1fb: {  	[tilespmem:v20+s15+$0x0] =	vst.idx.msk $0xffff, v17;
	v17 =	vor.u32 v26, v14  }
0x1fc: {  	[tilespmem:v21+s15+$0x0] =	vst.idx.msk $0xffff, v18;
	v18 =	vor.u32 v28, v14  }
0x1fd: {  	[tilespmem:v22+s15+$0x0] =	vst.idx.msk $0xffff, v16  }
0x1fe: {  	v19 =	vor.u32 s0, v49;
	v16 =	vld.idx.msk [tilespmem:v23+s3+$0x0], $0xffff  }
0x1ff: {  	v20 =	vor.u32 s0, v1;
	v15 =	vld.idx.msk [tilespmem:v15+s3+$0x0], $0xffff  }
0x200: {  	v21 =	vor.u32 s0, v7;
	v17 =	vld.idx.msk [tilespmem:v17+s3+$0x0], $0xffff  }
0x201: {  	v22 =	vor.u32 s0, v8;
	v18 =	vld.idx.msk [tilespmem:v18+s3+$0x0], $0xffff  }
0x202: {  	v23 =	vor.u32 v35, v14  }
0x203: {  	[tilespmem:v19+s15+$0x0] =	vst.idx.msk $0xffff, v16;
	v16 =	vor.u32 v37, v14  }
0x204: {  	[tilespmem:v20+s15+$0x0] =	vst.idx.msk $0xffff, v15;
	v15 =	vor.u32 v30, v14  }
0x205: {  	s2 =	smin.u32 s26, $0xB5D;
	v14 =	vor.u32 v40, v14;
	[tilespmem:v21+s15+$0x0] =	vst.idx.msk $0xffff, v17  }
0x206: {  	s2 =	sadd.s32 $0x2, s2;
	v19 =	vor.u32 s0, v10;
	[tilespmem:v22+s15+$0x0] =	vst.idx.msk $0xffff, v18  }
0x207: {  	v20 =	vor.u32 s0, v11;
	v21 =	vor.u32 s0, v12;
	v18 =	vor.u32 s0, v9;
	s0 =	smulhi.u32 $0x2492493, s2;
	v17 =	vld.idx.msk [tilespmem:v23+s3+$0x0], $0xffff  }
0x208: {  	s28 =	smul.u32 $0x30D400, s29;
	v16 =	vld.idx.msk [tilespmem:v16+s3+$0x0], $0xffff  }
0x209: {  	s29 =	sshll.u32 s30, $0x5;
	s30 =	smul.u32 $0xFFFFFF90, s0;
	v15 =	vld.idx.msk [tilespmem:v15+s3+$0x0], $0xffff  }
0x20a: {  	v14 =	vld.idx.msk [tilespmem:v14+s3+$0x0], $0xffff  }
0x20b: {  	s2 =	sadd.s32 s2, s30  }
0x20c: {  	s2 =	smul.u32 $0x380, s2;
	[tilespmem:v18+s15+$0x0] =	vst.idx.msk $0xffff, v17  }
0x20d: {  	s28 =	sadd.s32 s28, s29;
	[tilespmem:v19+s15+$0x0] =	vst.idx.msk $0xffff, v16  }
0x20e: {  	s28 =	sshrl.u32 s28, $0x3;
	p1 =	slt.s32 s2, $0x18300;
	[tilespmem:v20+s15+$0x0] =	vst.idx.msk $0xffff, v15  }
0x20f: {  	s28 =	sadd.s32 s5, s28;
	s0 =	smul.u32 $0x61C00, s0;
	s2 =	simm.s32 @!p1 $0x18300;
	[tilespmem:v21+s15+$0x0] =	vst.idx.msk $0xffff, v14  }
0x210: {  	[hbm4b:s28+s3] =	stream.linear.scatter [tilespmem:s15], [sflag:$0x3], $0x7000, $0x38;
	[tilespmem:$0x1D400] =	vst v63  }
0x211: {  	s0 =	sadd.s32 s0, s2;
	s28 =	simm.s32 $0x0  }
0x212: {  	s0 =	sand.u32 $0x1FFFFF80, s0;
	v14 =	vmov s28  }
0x213: {  	s0 =	sadd.s32 s1, s0;
	v14 =	vshll.u32 v14, $0x3  }
0x214: {  	v15 =	vor.u32 s28, v44;
	[tilespmem:s3], [sflag:$0x1] =	stream.strided.gather [hbm4b:s0+s12], $0x7000, s13, s12, $0x38;
	v14 =	vand.u32 $0x1C00, v14;
	[tilespmem:$0x1D400] =	vst v63  }
0x215: {  	v16 =	vor.u32 s28, v47;
	v15 =	vand.u32 $0x7F, v15;
	_ =	swait.ge [sflag:s16], $0x7000;
	v17 =	vadd.s32 v2, v14  }
0x216: {  	v18 =	vor.u32 s28, v50;
	v16 =	vand.u32 $0x7F, v16;
	[sflag:s16] =	ssyncset.done $0x0;
	v19 =	vor.u32 v15, v17  }
0x217: {  	v20 =	vor.u32 s28, v51;
	s0 =	simm.s32 @!p0 $0x4;
	v18 =	vand.u32 $0x7F, v18;
	[sflag:s16] =	ssyncadd.s32 $0xFFFF9000;
	v21 =	vor.u32 v16, v17  }
0x218: {  	v20 =	vand.u32 $0x7F, v20;
	v22 =	vor.u32 v18, v17;
	_ =	swait.ge @!p0 [sflag:s0], $0x7000  }
0x219: {  	v23 =	vor.u32 v20, v17;
	[sflag:s0] =	ssyncset.done @!p0 $0x0  }
0x21a: {  	[sflag:s0] =	ssyncadd.s32 @!p0 $0xFFFF9000  }
0x21b: {  	v24 =	vor.u32 s28, v52;
	v19 =	vld.idx.msk [tilespmem:v19+s14+$0x0], $0xffff  }
0x21c: {  	v25 =	vor.u32 s28, v3;
	v21 =	vld.idx.msk [tilespmem:v21+s14+$0x0], $0xffff  }
0x21d: {  	v26 =	vor.u32 s28, v4;
	v27 =	vor.u32 s28, v53;
	v22 =	vld.idx.msk [tilespmem:v22+s14+$0x0], $0xffff  }
0x21e: {  	v36 =	vor.u32 s28, v45;
	v37 =	vor.u32 s28, v54;
	v27 =	vand.u32 $0x7F, v27;
	v23 =	vld.idx.msk [tilespmem:v23+s14+$0x0], $0xffff  }
0x21f: {  	v39 =	vor.u32 s28, v55;
	v29 =	vand.u32 $0x7F, v37;
	v38 =	vor.u32 v27, v17  }
0x220: {  	v40 =	vor.u32 s28, v56;
	[tilespmem:v24+s17+$0x0] =	vst.idx.msk $0xffff, v19;
	v19 =	vor.u32 v29, v17;
	v24 =	vand.u32 $0x7F, v39  }
0x221: {  	[tilespmem:v25+s17+$0x0] =	vst.idx.msk $0xffff, v21;
	v21 =	vor.u32 v24, v17;
	v25 =	vand.u32 $0x7F, v40  }
0x222: {  	[tilespmem:v26+s17+$0x0] =	vst.idx.msk $0xffff, v22;
	v22 =	vor.u32 v25, v17  }
0x223: {  	[tilespmem:v36+s17+$0x0] =	vst.idx.msk $0xffff, v23  }
0x224: {  	v26 =	vor.u32 s28, v46;
	v23 =	vld.idx.msk [tilespmem:v38+s14+$0x0], $0xffff  }
0x225: {  	v41 =	vor.u32 s28, v0;
	v19 =	vld.idx.msk [tilespmem:v19+s14+$0x0], $0xffff  }
0x226: {  	v42 =	vor.u32 s28, v5;
	v43 =	vor.u32 s28, v48;
	v21 =	vld.idx.msk [tilespmem:v21+s14+$0x0], $0xffff  }
0x227: {  	v31 =	vand.u32 $0x7F, v43;
	v37 =	vor.u32 s28, v57;
	v36 =	vor.u32 s28, v6;
	v22 =	vld.idx.msk [tilespmem:v22+s14+$0x0], $0xffff  }
0x228: {  	v33 =	vand.u32 $0x7F, v37;
	v39 =	vor.u32 s28, v58;
	v38 =	vor.u32 v31, v17  }
0x229: {  	v40 =	vor.u32 s28, v59;
	[tilespmem:v26+s17+$0x0] =	vst.idx.msk $0xffff, v23;
	v23 =	vor.u32 v33, v17;
	v26 =	vand.u32 $0x7F, v39  }
0x22a: {  	v28 =	vand.u32 $0x7F, v40;
	[tilespmem:v41+s17+$0x0] =	vst.idx.msk $0xffff, v19;
	v19 =	vor.u32 v26, v17  }
0x22b: {  	[tilespmem:v42+s17+$0x0] =	vst.idx.msk $0xffff, v21;
	v21 =	vor.u32 v28, v17  }
0x22c: {  	[tilespmem:v36+s17+$0x0] =	vst.idx.msk $0xffff, v22  }
0x22d: {  	v30 =	vor.u32 s28, v49;
	v22 =	vld.idx.msk [tilespmem:v38+s14+$0x0], $0xffff  }
0x22e: {  	v32 =	vor.u32 s28, v1;
	v23 =	vld.idx.msk [tilespmem:v23+s14+$0x0], $0xffff  }
0x22f: {  	v34 =	vor.u32 s28, v7;
	v41 =	vor.u32 s28, v60;
	v19 =	vld.idx.msk [tilespmem:v19+s14+$0x0], $0xffff  }
0x230: {  	v35 =	vand.u32 $0x7F, v41;
	v42 =	vor.u32 s28, v61;
	v36 =	vor.u32 s28, v8;
	v21 =	vld.idx.msk [tilespmem:v21+s14+$0x0], $0xffff  }
0x231: {  	v43 =	vor.u32 s28, v62;
	v37 =	vand.u32 $0x7F, v42;
	v38 =	vor.u32 v35, v17  }
0x232: {  	v42 =	vor.u32 s28, v63;
	[tilespmem:v30+s17+$0x0] =	vst.idx.msk $0xffff, v22;
	v22 =	vor.u32 v37, v17;
	v30 =	vand.u32 $0x7F, v43  }
0x233: {  	v43 =	vand.u32 $0x7F, v42;
	[tilespmem:v32+s17+$0x0] =	vst.idx.msk $0xffff, v23;
	v23 =	vor.u32 v30, v17  }
0x234: {  	v17 =	vor.u32 v43, v17;
	[tilespmem:v34+s17+$0x0] =	vst.idx.msk $0xffff, v19  }
0x235: {  	[tilespmem:v36+s17+$0x0] =	vst.idx.msk $0xffff, v21  }
0x236: {  	v21 =	vor.u32 s28, v9;
	v19 =	vld.idx.msk [tilespmem:v38+s14+$0x0], $0xffff  }
0x237: {  	v40 =	vor.u32 s28, v10;
	v22 =	vld.idx.msk [tilespmem:v22+s14+$0x0], $0xffff  }
0x238: {  	v41 =	vor.u32 s28, v11;
	v23 =	vld.idx.msk [tilespmem:v23+s14+$0x0], $0xffff  }
0x239: {  	v14 =	vadd.s32 v13, v14;
	v42 =	vor.u32 s28, v12;
	v17 =	vld.idx.msk [tilespmem:v17+s14+$0x0], $0xffff  }
0x23a: {  	v15 =	vor.u32 v15, v14  }
0x23b: {  	v16 =	vor.u32 v16, v14;
	[tilespmem:v21+s17+$0x0] =	vst.idx.msk $0xffff, v19  }
0x23c: {  	v18 =	vor.u32 v18, v14;
	[tilespmem:v40+s17+$0x0] =	vst.idx.msk $0xffff, v22  }
0x23d: {  	v19 =	vor.u32 v20, v14;
	[tilespmem:v41+s17+$0x0] =	vst.idx.msk $0xffff, v23  }
0x23e: {  	s31 =	simm.s32 $0x10;
	[tilespmem:v42+s17+$0x0] =	vst.idx.msk $0xffff, v17  }
0x23f: {  	v17 =	vor.u32 s31, v52;
	v15 =	vld.idx.msk [tilespmem:v15+s14+$0x0], $0xffff  }
0x240: {  	v20 =	vor.u32 s31, v3;
	v16 =	vld.idx.msk [tilespmem:v16+s14+$0x0], $0xffff  }
0x241: {  	v21 =	vor.u32 s31, v4;
	v18 =	vld.idx.msk [tilespmem:v18+s14+$0x0], $0xffff  }
0x242: {  	v22 =	vor.u32 s31, v45;
	v19 =	vld.idx.msk [tilespmem:v19+s14+$0x0], $0xffff  }
0x243: {  	v23 =	vor.u32 v27, v14  }
0x244: {  	[tilespmem:v17+s17+$0x0] =	vst.idx.msk $0xffff, v15;
	v15 =	vor.u32 v29, v14  }
0x245: {  	[tilespmem:v20+s17+$0x0] =	vst.idx.msk $0xffff, v16;
	v16 =	vor.u32 v24, v14  }
0x246: {  	v17 =	vor.u32 v25, v14;
	[tilespmem:v21+s17+$0x0] =	vst.idx.msk $0xffff, v18  }
0x247: {  	[tilespmem:v22+s17+$0x0] =	vst.idx.msk $0xffff, v19  }
0x248: {  	v19 =	vor.u32 s31, v46;
	v18 =	vld.idx.msk [tilespmem:v23+s14+$0x0], $0xffff  }
0x249: {  	v20 =	vor.u32 s31, v0;
	v15 =	vld.idx.msk [tilespmem:v15+s14+$0x0], $0xffff  }
0x24a: {  	v21 =	vor.u32 s31, v5;
	v16 =	vld.idx.msk [tilespmem:v16+s14+$0x0], $0xffff  }
0x24b: {  	v22 =	vor.u32 s31, v6;
	v17 =	vld.idx.msk [tilespmem:v17+s14+$0x0], $0xffff  }
0x24c: {  	v23 =	vor.u32 v31, v14  }
0x24d: {  	[tilespmem:v19+s17+$0x0] =	vst.idx.msk $0xffff, v18;
	v18 =	vor.u32 v33, v14  }
0x24e: {  	[tilespmem:v20+s17+$0x0] =	vst.idx.msk $0xffff, v15;
	v15 =	vor.u32 v26, v14  }
0x24f: {  	[tilespmem:v21+s17+$0x0] =	vst.idx.msk $0xffff, v16;
	v16 =	vor.u32 v28, v14  }
0x250: {  	[tilespmem:v22+s17+$0x0] =	vst.idx.msk $0xffff, v17  }
0x251: {  	v19 =	vor.u32 s31, v49;
	v17 =	vld.idx.msk [tilespmem:v23+s14+$0x0], $0xffff  }
0x252: {  	v20 =	vor.u32 s31, v1;
	v18 =	vld.idx.msk [tilespmem:v18+s14+$0x0], $0xffff  }
0x253: {  	v21 =	vor.u32 s31, v7;
	v15 =	vld.idx.msk [tilespmem:v15+s14+$0x0], $0xffff  }
0x254: {  	v22 =	vor.u32 s31, v8;
	v16 =	vld.idx.msk [tilespmem:v16+s14+$0x0], $0xffff  }
0x255: {  	v23 =	vor.u32 v35, v14  }
0x256: {  	[tilespmem:v19+s17+$0x0] =	vst.idx.msk $0xffff, v17  }
0x257: {  	v17 =	vor.u32 v37, v14;
	[tilespmem:v20+s17+$0x0] =	vst.idx.msk $0xffff, v18  }
0x258: {  	s2 =	sor.u32 $0x1, s26;
	v18 =	vor.u32 v30, v14;
	[tilespmem:v21+s17+$0x0] =	vst.idx.msk $0xffff, v15  }
0x259: {  	s0 =	smin.u32 s2, $0xB5F;
	[tilespmem:v22+s17+$0x0] =	vst.idx.msk $0xffff, v16  }
0x25a: {  	s29 =	smulhi.u32 $0x2492493, s0;
	v14 =	vor.u32 v43, v14;
	v20 =	vor.u32 s31, v9;
	v15 =	vld.idx.msk [tilespmem:v23+s14+$0x0], $0xffff  }
0x25b: {  	v25 =	vor.u32 s31, v51  }
0x25c: {  	s2 =	smul.u32 $0xFFFFFF90, s29;
	v24 =	vor.u32 s31, v10;
	v26 =	vor.u32 s31, v11;
	v16 =	vmov s31;
	v27 =	vld.idx.msk [tilespmem:v17+s14+$0x0], $0xffff  }
0x25d: {  	v22 =	vor.u32 s31, v47;
	v16 =	vshll.u32 v16, $0x3;
	v17 =	vor.u32 s31, v50;
	v43 =	vld.idx.msk [tilespmem:v18+s14+$0x0], $0xffff  }
0x25e: {  	s0 =	sadd.s32 s0, s2;
	v23 =	vand.u32 $0x1C00, v16;
	v18 =	vor.u32 s31, v44;
	v16 =	vand.u32 $0x7F, v17  }
0x25f: {  	s30 =	smul.u32 $0x380, s0;
	v21 =	vld.idx.msk [tilespmem:v14+s14+$0x0], $0xffff;
	v19 =	vadd.s32 v2, v23;
	v17 =	vand.u32 $0x7F, v18;
	[tilespmem:v20+s17+$0x0] =	vst.idx.msk $0xffff, v15;
	v20 =	vor.u32 s31, v12  }
0x260: {  	v14 =	vadd.s32 v13, v23;
	v18 =	vand.u32 $0x7F, v22;
	v23 =	vor.u32 v17, v19  }
0x261: {  	p0 =	slt.s32 s30, $0x18300;
	v22 =	vor.u32 v16, v19;
	v15 =	vand.u32 $0x7F, v25;
	v25 =	vor.u32 v18, v19;
	[tilespmem:v24+s17+$0x0] =	vst.idx.msk $0xffff, v27  }
0x262: {  	s2 =	simm.s32 $0x20;
	s30 =	simm.s32 @!p0 $0x18300;
	v18 =	vor.u32 v18, v14;
	v24 =	vor.u32 v15, v19;
	[tilespmem:v26+s17+$0x0] =	vst.idx.msk $0xffff, v43  }
.LBB2_5:
0x263: {  	p0 =	sne.s32 s2, $0x370  }
0x264: {  	[tilespmem:v20+s17+$0x0] =	vst.idx.msk $0xffff, v21;
	s28 =	sadd.s32 $0x200, s28;
	s0 =	smov.u32 s2;
	s2 =	sadd.s32 $0x10, s2  }
0x265: {  	v21 =	vld.idx.msk [tilespmem:v23+s14+$0x0], $0xffff  }
0x266: {  	v23 =	vld.idx.msk [tilespmem:v25+s14+$0x0], $0xffff;
	v25 =	vor.u32 s28, v52  }
0x267: {  	v26 =	vor.u32 s28, v3;
	v22 =	vld.idx.msk [tilespmem:v22+s14+$0x0], $0xffff  }
0x268: {  	v20 =	vor.u32 s31, v53;
	v27 =	vor.u32 s28, v4;
	v24 =	vld.idx.msk [tilespmem:v24+s14+$0x0], $0xffff  }
0x269: {  	v29 =	vor.u32 s31, v54;
	v28 =	vor.u32 s28, v45;
	v20 =	vand.u32 $0x7F, v20  }
0x26a: {  	v31 =	vor.u32 s31, v55;
	v29 =	vand.u32 $0x7F, v29;
	v30 =	vor.u32 v20, v19  }
0x26b: {  	[tilespmem:v25+s17+$0x0] =	vst.idx.msk $0xffff, v21;
	v21 =	vor.u32 v29, v19;
	v25 =	vand.u32 $0x7F, v31;
	v31 =	vor.u32 s31, v56  }
0x26c: {  	[tilespmem:v26+s17+$0x0] =	vst.idx.msk $0xffff, v23;
	v23 =	vor.u32 v25, v19;
	v26 =	vand.u32 $0x7F, v31  }
0x26d: {  	[tilespmem:v27+s17+$0x0] =	vst.idx.msk $0xffff, v22;
	v22 =	vor.u32 v26, v19  }
0x26e: {  	[tilespmem:v28+s17+$0x0] =	vst.idx.msk $0xffff, v24  }
0x26f: {  	v24 =	vld.idx.msk [tilespmem:v30+s14+$0x0], $0xffff  }
0x270: {  	v27 =	vor.u32 s28, v46;
	v21 =	vld.idx.msk [tilespmem:v21+s14+$0x0], $0xffff  }
0x271: {  	v28 =	vor.u32 s28, v0;
	v23 =	vld.idx.msk [tilespmem:v23+s14+$0x0], $0xffff  }
0x272: {  	v31 =	vor.u32 s31, v48;
	v30 =	vor.u32 s28, v5;
	v22 =	vld.idx.msk [tilespmem:v22+s14+$0x0], $0xffff  }
0x273: {  	v33 =	vor.u32 s31, v57;
	v32 =	vor.u32 s28, v6;
	v31 =	vand.u32 $0x7F, v31  }
0x274: {  	v35 =	vor.u32 s31, v58;
	v33 =	vand.u32 $0x7F, v33;
	v34 =	vor.u32 v31, v19  }
0x275: {  	[tilespmem:v27+s17+$0x0] =	vst.idx.msk $0xffff, v24;
	v24 =	vor.u32 v33, v19;
	v27 =	vand.u32 $0x7F, v35;
	v35 =	vor.u32 s31, v59  }
0x276: {  	[tilespmem:v28+s17+$0x0] =	vst.idx.msk $0xffff, v21;
	v21 =	vor.u32 v27, v19;
	v28 =	vand.u32 $0x7F, v35  }
0x277: {  	[tilespmem:v30+s17+$0x0] =	vst.idx.msk $0xffff, v23;
	v23 =	vor.u32 v28, v19  }
0x278: {  	[tilespmem:v32+s17+$0x0] =	vst.idx.msk $0xffff, v22  }
0x279: {  	v22 =	vld.idx.msk [tilespmem:v34+s14+$0x0], $0xffff  }
0x27a: {  	v30 =	vor.u32 s28, v49;
	v24 =	vld.idx.msk [tilespmem:v24+s14+$0x0], $0xffff  }
0x27b: {  	v32 =	vor.u32 s28, v1;
	v21 =	vld.idx.msk [tilespmem:v21+s14+$0x0], $0xffff  }
0x27c: {  	v35 =	vor.u32 s31, v60;
	v34 =	vor.u32 s28, v7;
	v23 =	vld.idx.msk [tilespmem:v23+s14+$0x0], $0xffff  }
0x27d: {  	v37 =	vor.u32 s31, v61;
	v36 =	vor.u32 s28, v8;
	v35 =	vand.u32 $0x7F, v35  }
0x27e: {  	v39 =	vor.u32 s31, v62;
	v37 =	vand.u32 $0x7F, v37;
	v38 =	vor.u32 v35, v19  }
0x27f: {  	[tilespmem:v30+s17+$0x0] =	vst.idx.msk $0xffff, v22;
	v22 =	vor.u32 v37, v19;
	v30 =	vand.u32 $0x7F, v39;
	v39 =	vor.u32 s31, v63;
	s31 =	smov.u32 s0  }
0x280: {  	[tilespmem:v32+s17+$0x0] =	vst.idx.msk $0xffff, v24;
	v24 =	vor.u32 v30, v19;
	v32 =	vand.u32 $0x7F, v39  }
0x281: {  	[tilespmem:v34+s17+$0x0] =	vst.idx.msk $0xffff, v21;
	v19 =	vor.u32 v32, v19  }
0x282: {  	[tilespmem:v36+s17+$0x0] =	vst.idx.msk $0xffff, v23  }
0x283: {  	v21 =	vld.idx.msk [tilespmem:v38+s14+$0x0], $0xffff  }
0x284: {  	v23 =	vor.u32 s28, v9;
	v22 =	vld.idx.msk [tilespmem:v22+s14+$0x0], $0xffff  }
0x285: {  	v34 =	vor.u32 s28, v10;
	v24 =	vld.idx.msk [tilespmem:v24+s14+$0x0], $0xffff  }
0x286: {  	v36 =	vor.u32 s28, v11;
	v19 =	vld.idx.msk [tilespmem:v19+s14+$0x0], $0xffff  }
0x287: {  	v38 =	vor.u32 s28, v12  }
0x288: {  	v17 =	vor.u32 v17, v14  }
0x289: {  	[tilespmem:v23+s17+$0x0] =	vst.idx.msk $0xffff, v21  }
0x28a: {  	v16 =	vor.u32 v16, v14;
	[tilespmem:v34+s17+$0x0] =	vst.idx.msk $0xffff, v22  }
0x28b: {  	v15 =	vor.u32 v15, v14;
	[tilespmem:v36+s17+$0x0] =	vst.idx.msk $0xffff, v24  }
0x28c: {  	[tilespmem:v38+s17+$0x0] =	vst.idx.msk $0xffff, v19  }
0x28d: {  	s0 =	sadd.s32 $0x10, s28;
	v17 =	vld.idx.msk [tilespmem:v17+s14+$0x0], $0xffff  }
0x28e: {  	v19 =	vor.u32 s0, v52;
	v18 =	vld.idx.msk [tilespmem:v18+s14+$0x0], $0xffff  }
0x28f: {  	v21 =	vor.u32 s0, v3;
	v16 =	vld.idx.msk [tilespmem:v16+s14+$0x0], $0xffff  }
0x290: {  	v22 =	vor.u32 s0, v4;
	v15 =	vld.idx.msk [tilespmem:v15+s14+$0x0], $0xffff  }
0x291: {  	v23 =	vor.u32 s0, v45  }
0x292: {  	v20 =	vor.u32 v20, v14  }
0x293: {  	[tilespmem:v19+s17+$0x0] =	vst.idx.msk $0xffff, v17;
	v17 =	vor.u32 v29, v14  }
0x294: {  	[tilespmem:v21+s17+$0x0] =	vst.idx.msk $0xffff, v18;
	v18 =	vor.u32 v25, v14  }
0x295: {  	[tilespmem:v22+s17+$0x0] =	vst.idx.msk $0xffff, v16;
	v16 =	vor.u32 v26, v14  }
0x296: {  	[tilespmem:v23+s17+$0x0] =	vst.idx.msk $0xffff, v15  }
0x297: {  	v15 =	vld.idx.msk [tilespmem:v20+s14+$0x0], $0xffff  }
0x298: {  	v19 =	vor.u32 s0, v46;
	v17 =	vld.idx.msk [tilespmem:v17+s14+$0x0], $0xffff  }
0x299: {  	v20 =	vor.u32 s0, v0;
	v18 =	vld.idx.msk [tilespmem:v18+s14+$0x0], $0xffff  }
0x29a: {  	v21 =	vor.u32 s0, v5;
	v16 =	vld.idx.msk [tilespmem:v16+s14+$0x0], $0xffff  }
0x29b: {  	v22 =	vor.u32 s0, v6  }
0x29c: {  	v23 =	vor.u32 v31, v14  }
0x29d: {  	[tilespmem:v19+s17+$0x0] =	vst.idx.msk $0xffff, v15;
	v15 =	vor.u32 v33, v14  }
0x29e: {  	[tilespmem:v20+s17+$0x0] =	vst.idx.msk $0xffff, v17;
	v17 =	vor.u32 v27, v14  }
0x29f: {  	[tilespmem:v21+s17+$0x0] =	vst.idx.msk $0xffff, v18;
	v18 =	vor.u32 v28, v14  }
0x2a0: {  	[tilespmem:v22+s17+$0x0] =	vst.idx.msk $0xffff, v16  }
0x2a1: {  	v16 =	vld.idx.msk [tilespmem:v23+s14+$0x0], $0xffff  }
0x2a2: {  	v19 =	vor.u32 s0, v49;
	v15 =	vld.idx.msk [tilespmem:v15+s14+$0x0], $0xffff  }
0x2a3: {  	v20 =	vor.u32 s0, v1;
	v17 =	vld.idx.msk [tilespmem:v17+s14+$0x0], $0xffff  }
0x2a4: {  	v21 =	vor.u32 s0, v7;
	v18 =	vld.idx.msk [tilespmem:v18+s14+$0x0], $0xffff  }
0x2a5: {  	v22 =	vor.u32 s0, v8  }
0x2a6: {  	v23 =	vor.u32 v35, v14  }
0x2a7: {  	[tilespmem:v19+s17+$0x0] =	vst.idx.msk $0xffff, v16;
	v16 =	vor.u32 v37, v14  }
0x2a8: {  	v19 =	vor.u32 v30, v14;
	[tilespmem:v20+s17+$0x0] =	vst.idx.msk $0xffff, v15  }
0x2a9: {  	v14 =	vor.u32 v32, v14;
	[tilespmem:v21+s17+$0x0] =	vst.idx.msk $0xffff, v17  }
0x2aa: {  	v20 =	vor.u32 s0, v12;
	[tilespmem:v22+s17+$0x0] =	vst.idx.msk $0xffff, v18  }
0x2ab: {  	v26 =	vor.u32 s0, v9;
	v27 =	vor.u32 s0, v10;
	v28 =	vor.u32 s0, v11;
	v18 =	vld.idx.msk [tilespmem:v23+s14+$0x0], $0xffff  }
0x2ac: {  	v15 =	vmov s31;
	v17 =	vor.u32 s31, v51;
	v22 =	vor.u32 s31, v47;
	v29 =	vld.idx.msk [tilespmem:v16+s14+$0x0], $0xffff  }
0x2ad: {  	v21 =	vor.u32 s31, v50;
	v16 =	vshll.u32 v15, $0x3;
	v15 =	vand.u32 $0x7F, v17;
	v30 =	vld.idx.msk [tilespmem:v19+s14+$0x0], $0xffff  }
0x2ae: {  	v17 =	vor.u32 s31, v44;
	v23 =	vand.u32 $0x1C00, v16;
	v16 =	vand.u32 $0x7F, v21;
	v21 =	vld.idx.msk [tilespmem:v14+s14+$0x0], $0xffff  }
.Ltmp1:
0x2af: {  	v17 =	vand.u32 $0x7F, v17;
	v19 =	vadd.s32 v2, v23;
	v14 =	vadd.s32 v13, v23;
	(pc) =	sbr.rel @p0 .LBB2_5-.Ltmp1, $4  }
0x2b0: {  	v31 =	vand.u32 $0x7F, v22;
	v23 =	vor.u32 v17, v19;
	v22 =	vor.u32 v16, v19  }
0x2b1: {  	v25 =	vor.u32 v31, v19;
	v24 =	vor.u32 v15, v19;
	[tilespmem:v26+s17+$0x0] =	vst.idx.msk $0xffff, v18  }
0x2b2: {  	v18 =	vor.u32 v31, v14;
	[tilespmem:v27+s17+$0x0] =	vst.idx.msk $0xffff, v29  }
0x2b3: {  	[tilespmem:v28+s17+$0x0] =	vst.idx.msk $0xffff, v30  }
0x2b4: {  	_ =	sdelay $0x3  }
0x2b5: {  	[tilespmem:v20+s17+$0x0] =	vst.idx.msk $0xffff, v21;
	s0 =	sadd.s32 $0x200, s28  }
0x2b6: {  	v20 =	vld.idx.msk [tilespmem:v23+s14+$0x0], $0xffff;
	v34 =	vor.u32 s0, v52  }
0x2b7: {  	v35 =	vld.idx.msk [tilespmem:v25+s14+$0x0], $0xffff;
	v36 =	vor.u32 s0, v3  }
0x2b8: {  	v27 =	vor.u32 s31, v53;
	v22 =	vld.idx.msk [tilespmem:v22+s14+$0x0], $0xffff;
	v26 =	vor.u32 s0, v4  }
0x2b9: {  	v29 =	vor.u32 s31, v54;
	v24 =	vld.idx.msk [tilespmem:v24+s14+$0x0], $0xffff;
	v28 =	vor.u32 s0, v45;
	v27 =	vand.u32 $0x7F, v27  }
0x2ba: {  	v31 =	vor.u32 s31, v55;
	v29 =	vand.u32 $0x7F, v29;
	v30 =	vor.u32 v27, v19  }
0x2bb: {  	v38 =	vor.u32 s31, v56;
	v21 =	vand.u32 $0x7F, v31;
	v37 =	vor.u32 v29, v19;
	[tilespmem:v34+s17+$0x0] =	vst.idx.msk $0xffff, v20  }
0x2bc: {  	v25 =	vand.u32 $0x7F, v38;
	v39 =	vor.u32 v21, v19;
	[tilespmem:v36+s17+$0x0] =	vst.idx.msk $0xffff, v35  }
0x2bd: {  	v40 =	vor.u32 v25, v19;
	[tilespmem:v26+s17+$0x0] =	vst.idx.msk $0xffff, v22  }
0x2be: {  	[tilespmem:v28+s17+$0x0] =	vst.idx.msk $0xffff, v24  }
0x2bf: {  	v41 =	vor.u32 s0, v46;
	v24 =	vld.idx.msk [tilespmem:v30+s14+$0x0], $0xffff  }
0x2c0: {  	v42 =	vor.u32 s0, v0;
	v20 =	vld.idx.msk [tilespmem:v37+s14+$0x0], $0xffff  }
0x2c1: {  	v43 =	vor.u32 s0, v5;
	v36 =	vor.u32 s31, v48;
	v23 =	vld.idx.msk [tilespmem:v39+s14+$0x0], $0xffff  }
0x2c2: {  	v33 =	vor.u32 s31, v57;
	v32 =	vor.u32 s0, v6;
	v31 =	vand.u32 $0x7F, v36;
	v22 =	vld.idx.msk [tilespmem:v40+s14+$0x0], $0xffff  }
0x2c3: {  	v33 =	vand.u32 $0x7F, v33;
	v35 =	vor.u32 s31, v58;
	v34 =	vor.u32 v31, v19  }
0x2c4: {  	v38 =	vor.u32 s31, v59;
	v26 =	vand.u32 $0x7F, v35;
	v37 =	vor.u32 v33, v19;
	[tilespmem:v41+s17+$0x0] =	vst.idx.msk $0xffff, v24  }
0x2c5: {  	v28 =	vand.u32 $0x7F, v38;
	v39 =	vor.u32 v26, v19;
	[tilespmem:v42+s17+$0x0] =	vst.idx.msk $0xffff, v20  }
0x2c6: {  	v40 =	vor.u32 v28, v19;
	[tilespmem:v43+s17+$0x0] =	vst.idx.msk $0xffff, v23  }
0x2c7: {  	[tilespmem:v32+s17+$0x0] =	vst.idx.msk $0xffff, v22  }
0x2c8: {  	v42 =	vor.u32 s0, v49;
	v22 =	vld.idx.msk [tilespmem:v34+s14+$0x0], $0xffff  }
0x2c9: {  	v43 =	vor.u32 s0, v1;
	v24 =	vld.idx.msk [tilespmem:v37+s14+$0x0], $0xffff  }
0x2ca: {  	v41 =	vor.u32 s31, v60;
	v20 =	vld.idx.msk [tilespmem:v39+s14+$0x0], $0xffff;
	v34 =	vor.u32 s0, v7  }
0x2cb: {  	v36 =	vor.u32 s0, v8;
	v35 =	vand.u32 $0x7F, v41;
	v23 =	vld.idx.msk [tilespmem:v40+s14+$0x0], $0xffff;
	v37 =	vor.u32 s31, v61  }
0x2cc: {  	v38 =	vor.u32 v35, v19;
	v39 =	vor.u32 s31, v62;
	v37 =	vand.u32 $0x7F, v37  }
0x2cd: {  	v30 =	vand.u32 $0x7F, v39;
	[tilespmem:v42+s17+$0x0] =	vst.idx.msk $0xffff, v22;
	v22 =	vor.u32 v37, v19;
	v42 =	vor.u32 s31, v63  }
0x2ce: {  	[tilespmem:v43+s17+$0x0] =	vst.idx.msk $0xffff, v24;
	v43 =	vor.u32 v30, v19;
	v32 =	vand.u32 $0x7F, v42  }
0x2cf: {  	[tilespmem:v34+s17+$0x0] =	vst.idx.msk $0xffff, v20;
	v40 =	vor.u32 v32, v19  }
0x2d0: {  	[tilespmem:v36+s17+$0x0] =	vst.idx.msk $0xffff, v23  }
0x2d1: {  	v41 =	vor.u32 s0, v9;
	v20 =	vld.idx.msk [tilespmem:v38+s14+$0x0], $0xffff  }
0x2d2: {  	v42 =	vor.u32 s0, v10;
	v22 =	vld.idx.msk [tilespmem:v22+s14+$0x0], $0xffff  }
0x2d3: {  	v24 =	vld.idx.msk [tilespmem:v43+s14+$0x0], $0xffff;
	v43 =	vor.u32 s0, v11  }
0x2d4: {  	v19 =	vld.idx.msk [tilespmem:v40+s14+$0x0], $0xffff;
	v40 =	vor.u32 s0, v12  }
0x2d5: {  	v17 =	vor.u32 v17, v14  }
0x2d6: {  	[tilespmem:v41+s17+$0x0] =	vst.idx.msk $0xffff, v20  }
0x2d7: {  	v16 =	vor.u32 v16, v14;
	[tilespmem:v42+s17+$0x0] =	vst.idx.msk $0xffff, v22  }
0x2d8: {  	v15 =	vor.u32 v15, v14;
	[tilespmem:v43+s17+$0x0] =	vst.idx.msk $0xffff, v24  }
0x2d9: {  	s0 =	sadd.s32 $0x10, s0;
	[tilespmem:v40+s17+$0x0] =	vst.idx.msk $0xffff, v19  }
0x2da: {  	v41 =	vor.u32 s0, v52;
	v17 =	vld.idx.msk [tilespmem:v17+s14+$0x0], $0xffff  }
0x2db: {  	v42 =	vor.u32 s0, v3;
	v18 =	vld.idx.msk [tilespmem:v18+s14+$0x0], $0xffff  }
0x2dc: {  	v43 =	vor.u32 s0, v4;
	v16 =	vld.idx.msk [tilespmem:v16+s14+$0x0], $0xffff  }
0x2dd: {  	v34 =	vor.u32 s0, v45;
	v15 =	vld.idx.msk [tilespmem:v15+s14+$0x0], $0xffff  }
0x2de: {  	v36 =	vor.u32 v27, v14  }
0x2df: {  	v38 =	vor.u32 v29, v14;
	[tilespmem:v41+s17+$0x0] =	vst.idx.msk $0xffff, v17  }
0x2e0: {  	v39 =	vor.u32 v21, v14;
	[tilespmem:v42+s17+$0x0] =	vst.idx.msk $0xffff, v18  }
0x2e1: {  	v40 =	vor.u32 v25, v14;
	[tilespmem:v43+s17+$0x0] =	vst.idx.msk $0xffff, v16  }
0x2e2: {  	[tilespmem:v34+s17+$0x0] =	vst.idx.msk $0xffff, v15  }
0x2e3: {  	v41 =	vor.u32 s0, v46;
	v15 =	vld.idx.msk [tilespmem:v36+s14+$0x0], $0xffff  }
0x2e4: {  	v42 =	vor.u32 s0, v0;
	v17 =	vld.idx.msk [tilespmem:v38+s14+$0x0], $0xffff  }
0x2e5: {  	v43 =	vor.u32 s0, v5;
	v18 =	vld.idx.msk [tilespmem:v39+s14+$0x0], $0xffff  }
0x2e6: {  	v24 =	vor.u32 s0, v6;
	v16 =	vld.idx.msk [tilespmem:v40+s14+$0x0], $0xffff  }
0x2e7: {  	v25 =	vor.u32 v31, v14  }
0x2e8: {  	[tilespmem:v41+s17+$0x0] =	vst.idx.msk $0xffff, v15;
	v15 =	vor.u32 v33, v14  }
0x2e9: {  	v27 =	vor.u32 v26, v14;
	[tilespmem:v42+s17+$0x0] =	vst.idx.msk $0xffff, v17  }
0x2ea: {  	v29 =	vor.u32 v28, v14;
	[tilespmem:v43+s17+$0x0] =	vst.idx.msk $0xffff, v18  }
0x2eb: {  	[tilespmem:v24+s17+$0x0] =	vst.idx.msk $0xffff, v16  }
0x2ec: {  	v31 =	vor.u32 s0, v49;
	v16 =	vld.idx.msk [tilespmem:v25+s14+$0x0], $0xffff  }
0x2ed: {  	v33 =	vor.u32 s0, v1;
	v15 =	vld.idx.msk [tilespmem:v15+s14+$0x0], $0xffff  }
0x2ee: {  	v34 =	vor.u32 s0, v7;
	v17 =	vld.idx.msk [tilespmem:v27+s14+$0x0], $0xffff  }
0x2ef: {  	v36 =	vor.u32 s0, v8;
	v18 =	vld.idx.msk [tilespmem:v29+s14+$0x0], $0xffff  }
0x2f0: {  	v38 =	vor.u32 v35, v14  }
0x2f1: {  	s2 =	smin.u32 s26, $0xB5C;
	v39 =	vor.u32 v37, v14;
	[tilespmem:v31+s17+$0x0] =	vst.idx.msk $0xffff, v16  }
0x2f2: {  	s2 =	sadd.s32 $0x3, s2;
	v40 =	vor.u32 s0, v9;
	v41 =	vor.u32 s0, v10;
	[tilespmem:v33+s17+$0x0] =	vst.idx.msk $0xffff, v15;
	v15 =	vor.u32 v30, v14  }
0x2f3: {  	v42 =	vor.u32 s0, v11;
	v43 =	vor.u32 s0, v12;
	s0 =	smulhi.u32 $0x2492493, s2;
	v14 =	vor.u32 v32, v14;
	[tilespmem:v34+s17+$0x0] =	vst.idx.msk $0xffff, v17  }
0x2f4: {  	[tilespmem:v36+s17+$0x0] =	vst.idx.msk $0xffff, v18  }
0x2f5: {  	s31 =	smul.u32 $0xFFFFFF90, s0;
	v17 =	vld.idx.msk [tilespmem:v38+s14+$0x0], $0xffff  }
0x2f6: {  	v16 =	vld.idx.msk [tilespmem:v39+s14+$0x0], $0xffff  }
0x2f7: {  	s2 =	sadd.s32 s2, s31;
	v15 =	vld.idx.msk [tilespmem:v15+s14+$0x0], $0xffff  }
0x2f8: {  	s2 =	smul.u32 $0x380, s2;
	v14 =	vld.idx.msk [tilespmem:v14+s14+$0x0], $0xffff  }
0x2f9: {  	s26 =	smul.u32 $0x30D400, s29;
	s30 =	sshll.u32 s30, $0x5  }
0x2fa: {  	s25 =	sadd.s32 $0x1, s25;
	s0 =	smul.u32 $0x61C00, s0;
	p0 =	slt.s32 s2, $0x18300;
	[tilespmem:v40+s17+$0x0] =	vst.idx.msk $0xffff, v17  }
0x2fb: {  	s26 =	sadd.s32 s26, s30;
	s2 =	simm.s32 @!p0 $0x18300;
	p0 =	sne.s32 s25, $0x2E;
	[tilespmem:v41+s17+$0x0] =	vst.idx.msk $0xffff, v16  }
.Ltmp2:
0x2fc: {  	s26 =	sshrl.u32 s26, $0x3;
	s0 =	sadd.s32 s0, s2;
	[tilespmem:v42+s17+$0x0] =	vst.idx.msk $0xffff, v15;
	(pc) =	sbr.rel @p0 .LBB2_2-.Ltmp2, $4  }
0x2fd: {  	s26 =	sadd.s32 s5, s26;
	s0 =	sand.u32 $0x1FFFFF80, s0;
	[tilespmem:v43+s17+$0x0] =	vst.idx.msk $0xffff, v14  }
0x2fe: {  	[hbm4b:s26+s3] =	stream.linear.scatter [tilespmem:s17], [sflag:$0x4], $0x7000, $0x38;
	[tilespmem:$0x1D400] =	vst v63  }
0x2ff: {  	s0 =	sadd.s32 s1, s0  }
0x300: {  	[tilespmem:s14], [sflag:$0x2] =	stream.strided.gather [hbm4b:s0+s12], $0x7000, s13, s12, $0x38;
	[tilespmem:$0x1D400] =	vst v63  }
0x301: {  	_ =	swait.ge [sflag:s6], $0x7000  }
0x302: {  	[sflag:s6] =	ssyncset.done $0x0  }
0x303: {  	[sflag:s6] =	ssyncadd.s32 $0xFFFF9000  }
0x304: {  	_ =	swait.ge [sflag:s18], $0x7000  }
0x305: {  	[sflag:s18] =	ssyncset.done $0x0  }
0x306: {  	[sflag:s18] =	ssyncadd.s32 $0xFFFF9000  }
0x307: {  	_ =	swait.ge [sflag:s16], $0x7000  }
0x308: {  	[sflag:s16] =	ssyncset.done $0x0  }
0x309: {  	[sflag:s16] =	ssyncadd.s32 $0xFFFF9000  }
0x30a: {  	_ =	swait.ge [sflag:s19], $0x7000  }
0x30b: {  	[sflag:s19] =	ssyncset.done $0x0  }
0x30c: {  	[sflag:s19] =	ssyncadd.s32 $0xFFFF9000  }
0x30d: {  	[tilespmem:s21], [sflag:$0x5] =	stream.strided.gather [hbm4b:s9+s20], $0x1000, s13, s20, $0x38;
	[tilespmem:$0x1D400] =	vst v63  }
0x30e: {  	_ =	swait.ge [sflag:s22], $0x1000  }
0x30f: {  	v30 =	vld [tilespmem:$0x1FE80]  }
0x310: {  	v31 =	vld [tilespmem:$0x1FE90]  }
0x311: {  	v32 =	vld [tilespmem:$0x1FEA0]  }
0x312: {  	v33 =	vld [tilespmem:$0x1FEB0]  }
0x313: {  	v34 =	vld [tilespmem:$0x1FEC0]  }
0x314: {  	v35 =	vld [tilespmem:$0x1FED0]  }
0x315: {  	v36 =	vld [tilespmem:$0x1FEE0]  }
0x316: {  	v37 =	vld [tilespmem:$0x1FEF0]  }
0x317: {  	v38 =	vld [tilespmem:$0x1FF00]  }
0x318: {  	v39 =	vld [tilespmem:$0x1FF10]  }
0x319: {  	v40 =	vld [tilespmem:$0x1FF20]  }
0x31a: {  	v41 =	vld [tilespmem:$0x1FF30]  }
0x31b: {  	v42 =	vld [tilespmem:$0x1FF40]  }
0x31c: {  	v43 =	vld [tilespmem:$0x1FF50]  }
0x31d: {  	v24 =	vld [tilespmem:$0x1FF60]  }
0x31e: {  	v25 =	vld [tilespmem:$0x1FF70]  }
0x31f: {  	v26 =	vld [tilespmem:$0x1FF80]  }
0x320: {  	v27 =	vld [tilespmem:$0x1FF90]  }
0x321: {  	[sflag:s22] =	ssyncset.done $0x0;
	v28 =	vld [tilespmem:$0x1FFA0]  }
0x322: {  	s0 =	simm.s32 $0x0;
	p0 =	por $0x1, $0x1;
	v29 =	vld [tilespmem:$0x1FFB0];
	[sflag:s22] =	ssyncadd.s32 $0xFFFFF000  }
.LBB2_8:
0x323: {  	v16 =	vld [tilespmem:$0x1FE20];
	_ =	sdelay $0x1  }
0x324: {  	v14 =	vmul.u32 $0x81, v44;
	v17 =	vld [tilespmem:$0x1FE30]  }
0x325: {  	s2 =	sshll.u32 s0, $0x4;
	v18 =	vld [tilespmem:$0x1FE40]  }
0x326: {  	v15 =	vor.u32 s2, v14  }
0x327: {  	v16 =	vor.u32 s2, v16;
	_ =	sdelay $0x1  }
0x328: {  	v17 =	vor.u32 s2, v17  }
0x329: {  	s31 =	sshll.u32 s0, $0x9;
	v18 =	vor.u32 s2, v18  }
0x32a: {  	v19 =	vor.u32 s31, v52;
	v15 =	vld.idx.msk [tilespmem:v15+s21+$0x0], $0xffff  }
0x32b: {  	v20 =	vor.u32 s31, v3;
	v16 =	vld.idx.msk [tilespmem:v16+s21+$0x0], $0xffff  }
0x32c: {  	v23 =	vld [tilespmem:$0x1FE50]  }
0x32d: {  	v17 =	vld.idx.msk [tilespmem:v17+s21+$0x0], $0xffff  }
0x32e: {  	v18 =	vld.idx.msk [tilespmem:v18+s21+$0x0], $0xffff  }
0x32f: {  	[tilespmem:v19+s23+$0x0] =	vst.idx.msk $0xffff, v15;
	v15 =	vld [tilespmem:$0x1FE60]  }
0x330: {  	[tilespmem:v20+s23+$0x0] =	vst.idx.msk $0xffff, v16;
	v20 =	vld [tilespmem:$0x1FE70]  }
0x331: {  	v21 =	vor.u32 s31, v4  }
0x332: {  	v22 =	vor.u32 s31, v45  }
0x333: {  	v23 =	vor.u32 s2, v23  }
0x334: {  	v15 =	vor.u32 s2, v15  }
0x335: {  	v16 =	vor.u32 s2, v20  }
0x336: {  	[tilespmem:v21+s23+$0x0] =	vst.idx.msk $0xffff, v17;
	v17 =	vor.u32 s2, v30  }
0x337: {  	[tilespmem:v22+s23+$0x0] =	vst.idx.msk $0xffff, v18  }
0x338: {  	v19 =	vor.u32 s31, v46;
	v18 =	vld.idx.msk [tilespmem:v23+s21+$0x0], $0xffff  }
0x339: {  	v20 =	vor.u32 s31, v0;
	v15 =	vld.idx.msk [tilespmem:v15+s21+$0x0], $0xffff  }
0x33a: {  	v21 =	vor.u32 s31, v5;
	v16 =	vld.idx.msk [tilespmem:v16+s21+$0x0], $0xffff  }
0x33b: {  	v22 =	vor.u32 s31, v6;
	v17 =	vld.idx.msk [tilespmem:v17+s21+$0x0], $0xffff  }
0x33c: {  	v23 =	vor.u32 s2, v31  }
0x33d: {  	[tilespmem:v19+s23+$0x0] =	vst.idx.msk $0xffff, v18;
	v18 =	vor.u32 s2, v32  }
0x33e: {  	[tilespmem:v20+s23+$0x0] =	vst.idx.msk $0xffff, v15;
	v15 =	vor.u32 s2, v33  }
0x33f: {  	[tilespmem:v21+s23+$0x0] =	vst.idx.msk $0xffff, v16;
	v16 =	vor.u32 s2, v34  }
0x340: {  	[tilespmem:v22+s23+$0x0] =	vst.idx.msk $0xffff, v17  }
0x341: {  	v19 =	vor.u32 s31, v49;
	v17 =	vld.idx.msk [tilespmem:v23+s21+$0x0], $0xffff  }
0x342: {  	v20 =	vor.u32 s31, v1;
	v18 =	vld.idx.msk [tilespmem:v18+s21+$0x0], $0xffff  }
0x343: {  	v21 =	vor.u32 s31, v7;
	v15 =	vld.idx.msk [tilespmem:v15+s21+$0x0], $0xffff  }
0x344: {  	v22 =	vor.u32 s31, v8;
	v16 =	vld.idx.msk [tilespmem:v16+s21+$0x0], $0xffff  }
0x345: {  	v23 =	vor.u32 s2, v35  }
0x346: {  	[tilespmem:v19+s23+$0x0] =	vst.idx.msk $0xffff, v17;
	v17 =	vor.u32 s2, v36  }
0x347: {  	[tilespmem:v20+s23+$0x0] =	vst.idx.msk $0xffff, v18;
	v18 =	vor.u32 s2, v37  }
0x348: {  	[tilespmem:v21+s23+$0x0] =	vst.idx.msk $0xffff, v15;
	v15 =	vor.u32 s2, v38  }
0x349: {  	[tilespmem:v22+s23+$0x0] =	vst.idx.msk $0xffff, v16  }
0x34a: {  	v19 =	vor.u32 s31, v9;
	v16 =	vld.idx.msk [tilespmem:v23+s21+$0x0], $0xffff  }
0x34b: {  	v20 =	vor.u32 s31, v10;
	v17 =	vld.idx.msk [tilespmem:v17+s21+$0x0], $0xffff  }
0x34c: {  	v21 =	vor.u32 s31, v11;
	v18 =	vld.idx.msk [tilespmem:v18+s21+$0x0], $0xffff  }
0x34d: {  	v14 =	vor.u32 $0x800, v14;
	v22 =	vor.u32 s31, v12;
	v15 =	vld.idx.msk [tilespmem:v15+s21+$0x0], $0xffff  }
0x34e: {  	v14 =	vor.u32 s2, v14  }
0x34f: {  	[tilespmem:v19+s23+$0x0] =	vst.idx.msk $0xffff, v16;
	v16 =	vor.u32 s2, v39  }
0x350: {  	v23 =	vor.u32 s2, v40;
	[tilespmem:v20+s23+$0x0] =	vst.idx.msk $0xffff, v17  }
0x351: {  	[tilespmem:v21+s23+$0x0] =	vst.idx.msk $0xffff, v18;
	v18 =	vor.u32 s2, v41  }
0x352: {  	s0 =	sor.u32 $0x10, s31;
	[tilespmem:v22+s23+$0x0] =	vst.idx.msk $0xffff, v15  }
0x353: {  	v15 =	vor.u32 s0, v52;
	v14 =	vld.idx.msk [tilespmem:v14+s21+$0x0], $0xffff  }
0x354: {  	v19 =	vor.u32 s0, v3;
	v16 =	vld.idx.msk [tilespmem:v16+s21+$0x0], $0xffff  }
0x355: {  	v20 =	vor.u32 s0, v4;
	v17 =	vld.idx.msk [tilespmem:v23+s21+$0x0], $0xffff  }
0x356: {  	v21 =	vor.u32 s0, v45;
	v18 =	vld.idx.msk [tilespmem:v18+s21+$0x0], $0xffff  }
0x357: {  	v22 =	vor.u32 s2, v42  }
0x358: {  	[tilespmem:v15+s23+$0x0] =	vst.idx.msk $0xffff, v14;
	v14 =	vor.u32 s2, v43  }
0x359: {  	v15 =	vor.u32 s2, v24;
	[tilespmem:v19+s23+$0x0] =	vst.idx.msk $0xffff, v16  }
0x35a: {  	v16 =	vor.u32 s2, v25;
	[tilespmem:v20+s23+$0x0] =	vst.idx.msk $0xffff, v17  }
0x35b: {  	[tilespmem:v21+s23+$0x0] =	vst.idx.msk $0xffff, v18  }
0x35c: {  	v18 =	vor.u32 s0, v46;
	v17 =	vld.idx.msk [tilespmem:v22+s21+$0x0], $0xffff  }
0x35d: {  	v19 =	vor.u32 s0, v0;
	v14 =	vld.idx.msk [tilespmem:v14+s21+$0x0], $0xffff  }
0x35e: {  	v20 =	vor.u32 s0, v5;
	v15 =	vld.idx.msk [tilespmem:v15+s21+$0x0], $0xffff  }
0x35f: {  	v21 =	vor.u32 s0, v6;
	v16 =	vld.idx.msk [tilespmem:v16+s21+$0x0], $0xffff  }
0x360: {  	v22 =	vor.u32 s2, v26  }
0x361: {  	v23 =	vor.u32 s2, v27;
	[tilespmem:v18+s23+$0x0] =	vst.idx.msk $0xffff, v17  }
0x362: {  	[tilespmem:v19+s23+$0x0] =	vst.idx.msk $0xffff, v14  }
0x363: {  	v14 =	vor.u32 s2, v28;
	[tilespmem:v20+s23+$0x0] =	vst.idx.msk $0xffff, v15  }
0x364: {  	[tilespmem:v21+s23+$0x0] =	vst.idx.msk $0xffff, v16  }
0x365: {  	v16 =	vld.idx.msk [tilespmem:v22+s21+$0x0], $0xffff  }
0x366: {  	v18 =	vor.u32 s0, v49;
	v15 =	vor.u32 s2, v29;
	v17 =	vld.idx.msk [tilespmem:v23+s21+$0x0], $0xffff  }
0x367: {  	v19 =	vor.u32 s0, v1;
	v23 =	vld [tilespmem:$0x1FFC0]  }
0x368: {  	v20 =	vor.u32 s0, v7;
	v14 =	vld.idx.msk [tilespmem:v14+s21+$0x0], $0xffff;
	_ =	sdelay $0x1  }
0x369: {  	v22 =	vld [tilespmem:$0x1FFF0]  }
0x36a: {  	v15 =	vld.idx.msk [tilespmem:v15+s21+$0x0], $0xffff;
	[tilespmem:v18+s23+$0x0] =	vst.idx.msk $0xffff, v16  }
0x36b: {  	v16 =	vor.u32 s2, v23;
	v23 =	vld [tilespmem:$0x1FFD0];
	[tilespmem:v19+s23+$0x0] =	vst.idx.msk $0xffff, v17  }
0x36c: {  	[tilespmem:v20+s23+$0x0] =	vst.idx.msk $0xffff, v14;
	v14 =	vld [tilespmem:$0x1FFE0]  }
0x36d: {  	v21 =	vor.u32 s0, v8  }
0x36e: {  	v22 =	vor.u32 s2, v22;
	_ =	sdelay $0x1  }
0x36f: {  	v17 =	vor.u32 s2, v23  }
0x370: {  	v14 =	vor.u32 s2, v14  }
0x371: {  	[tilespmem:v21+s23+$0x0] =	vst.idx.msk $0xffff, v15  }
0x372: {  	v18 =	vor.u32 s0, v9;
	v15 =	vld.idx.msk [tilespmem:v22+s21+$0x0], $0xffff  }
0x373: {  	v19 =	vor.u32 s0, v10;
	v16 =	vld.idx.msk [tilespmem:v16+s21+$0x0], $0xffff  }
0x374: {  	v20 =	vor.u32 s0, v11;
	v17 =	vld.idx.msk [tilespmem:v17+s21+$0x0], $0xffff  }
0x375: {  	p1 =	por p0, p0;
	v21 =	vor.u32 s0, v12;
	v14 =	vld.idx.msk [tilespmem:v14+s21+$0x0], $0xffff  }
.Ltmp3:
0x376: {  	_ = 	snop;
	(pc) =	sbr.rel @p1 .LBB2_8-.Ltmp3, $4  }
0x377: {  	[tilespmem:v18+s23+$0x0] =	vst.idx.msk $0xffff, v15  }
0x378: {  	[tilespmem:v19+s23+$0x0] =	vst.idx.msk $0xffff, v16  }
0x379: {  	[tilespmem:v20+s23+$0x0] =	vst.idx.msk $0xffff, v17  }
0x37a: {  	p0 =	por $0x0, $0x0;
	s0 =	simm.s32 $0x1;
	[tilespmem:v21+s23+$0x0] =	vst.idx.msk $0xffff, v14  }
0x37b: {  	s24 =	sadd.s32 $0x1, s24  }
0x37c: {  	p0 =	sne.s32 s24, s11  }
.Ltmp4:
0x37d: {  	_ = 	snop;
	(pc) =	sbr.rel @p0 .LBB2_1-.Ltmp4, $4  }
0x37e: {  	[hbm4b:s10+s3] =	stream.linear.scatter [tilespmem:s23], [sflag:$0x5], $0x400, $0x38;
	[tilespmem:$0x1D400] =	vst v63  }
0x37f: {  	_ =	swait.ge [sflag:s22], $0x400  }
0x380: {  	[sflag:s22] =	ssyncset.done $0x0  }
0x381: {  	[sflag:s22] =	ssyncadd.s32 $0xFFFFFC00  }
0x382: {  	_ =	sfence.sel $0x180000  }
0x383: {  	[bflag:$0x0] =	sbarrier.arrive $0xFFFF  }
0x384: {  	_ =	strace $0x90000047  }
0x385: {  	s0 =	stileid.u32;
	[bflag:$0x2] =	sbarrier.arrive $0xFFFF  }
0x386: {  	p0 =	sne.s32 s0, $0x0;
	s0 =	rddreg [dreg:$0x2]  }
0x387: {  	s0 =	sadd.s32 @!p0 $0x100000, s0  }
0x388: {  	[sflag:s0] =	ssyncadd.tile.s32 @!p0 $0x1;
	_ =	shalt  }
.Lfunc_end2:
_tile_overlayer_lowered:
.L_overlay_start_2:
0x389: {  	(tag) =	ssettag $0x2  }
0x38a: {  	s0 =	rddreg [dreg:$0x0];
	s2 =	stileid.u32  }
0x38b: {  	s1 =	rddreg [dreg:$0x1];
	p0 =	sne.s32 s2, $0x0  }
0x38c: {  	s3 =	rddreg [dreg:$0x2];
	[bflag:$0x3] =	sbarrier.arrive $0xFFFF;
	s2 =	simm.s32 @!p0 $0x1C05  }
0x38d: {  	[timem:s3], [sflag:s2] =	dma.local @!p0 [hbm:s0], s1  }
0x38e: {  	s0 =	simm.s32 @!p0 $0x5  }
0x38f: {  	_ =	swait.ge @!p0 [sflag:s0], s1  }
0x390: {  	s1 =	ssub.s32 @!p0 $0x0, s1;
	[sflag:s0] =	ssyncset.done @!p0 $0x0  }
0x391: {  	[sflag:s0] =	ssyncadd.s32 @!p0 s1  }
0x392: {  	[bflag:$0x3] =	sbarrier.arrive $0xFFFF  }
0x393: {  	_ =	shalt  }

// kernel: kernel.7.cloned.1.call-start
scs
__scs_entry_jumppad:
0x0: {  	(pc) =	sbr.rel $0x88, $3  }
0x1: {  	(tag) =	ssettag $0x0;
	lr =	simm.s32 $0x1  }
0x2: {  	[smem:$0x3F9F] =	sst lr;
	_ =	strace $0xD0000000  }
0x3: {  	_ = 	snop  }
0x4: {  	_ = 	snop  }
0x5: {  	_ = 	snop  }
0x6: {  	_ = 	snop  }
0x7: {  	_ = 	snop  }
__scs_overlays_trampoline_lowered:
0x8: {  	[smem:$0x3FAE] =	sst s0  }
0x9: {  	[smem:$0x3FAF] =	sst s1  }
0xa: {  	[smem:$0x3FB0] =	sst s2  }
0xb: {  	[smem:$0x3FB1] =	sst s3  }
0xc: {  	[smem:$0x3FB2] =	sst s4  }
0xd: {  	[smem:$0x3FB3] =	sst s5  }
0xe: {  	[smem:$0x3FB4] =	sst s6  }
0xf: {  	[smem:$0x3FB5] =	sst s7  }
0x10: {  	[smem:$0x3FB6] =	sst s8  }
0x11: {  	[smem:$0x3FB7] =	sst s9;
	s0 =	simm.s32 @!p0 $0x0  }
0x12: {  	s1 =	sld [smem:$0x3F9D];
	s0 =	simm.s32 @p0 $0x1  }
0x13: {  	[smem:$0x3FB8] =	sst s0;
	s0 =	simm.s32 @!p1 $0x0  }
0x14: {  	s2 =	sld [smem:$0x3F9C];
	s0 =	simm.s32 @p1 $0x1  }
0x15: {  	[smem:$0x3FB9] =	sst s0;
	s0 =	simm.s32 @!p2 $0x0  }
0x16: {  	s3 =	sld [smem:$0x3FDB];
	s0 =	simm.s32 @p2 $0x1  }
0x17: {  	s4 =	simm.s32 $0x1BF5;
	[smem:$0x3FBB] =	sst s0  }
0x18: {  	s0 =	sld [smem:$0x3F9E];
	_ =	swait.ge [sflag:s4], $0x0  }
0x19: {  	s7 =	sld [smem:$0x3F9F]  }
0x1a: {  	s8 =	sadd.s32 $0xFFFFE003, lr  }
0x1b: {  	s9 =	sadd.s32 $0xFFFFFEF7, lr;
	s5 =	simm.s32 $0xFFFFFFFF;
	p2 =	slt.u32 s8, $0xFFFFF086  }
0x1c: {  	p1 =	slt.u32 s9, $0xF7A;
	s5 =	simm.s32 @!p2 $0x0  }
0x1d: {  	s5 =	simm.s32 @p1 $0x1;
	p0 =	seq.s32 s7, s2  }
0x1e: {  	s7 =	smul.u32 @!p0 $0xF7A, s2;
	p2 =	seq.s32 @!p0 s5, $0x0  }
0x1f: {  	s9 =	smul.u32 $0xF7A, s1;
	s8 =	simm.s32 @!p0 $0x1BF5;
	p2 =	por !p2, p0  }
0x20: {  	[sflag:s8] =	ssyncset.s32 @!p0 $0xFFFFF086;
	s6 =	sadd.s32 @!p0 s3, s7;
	s7 =	simm.s32 @!p0 $0x108  }
0x21: {  	s3 =	sadd.s32 s3, s9;
	s6 =	sadd.s32 @!p0 $0x88, s6;
	s7 =	simm.s32 @p2 $0x1082  }
0x22: {  	[simem:s7], [sflag:s8] =	dma.local @!p0 [hbm:s6], $0xF7A  }
0x23: {  	s9 =	sor.u32 $0xD0000000, s2;
	s6 =	simm.s32 $0x108;
	_ =	swait.ge @!p0 [sflag:s8], $0x0  }
0x24: {  	s3 =	sadd.s32 $0x88, s3;
	s6 =	simm.s32 @!p1 $0x1082;
	[sflag:s4] =	ssyncset.s32 $0xFFFFF086  }
0x25: {  	[simem:s6], [sflag:s4] =	dma.local [hbm:s3], $0xF7A  }
0x26: {  	[smem:$0x3F9F] =	sst s1;
	(tag) =	ssettag s2;
	_ =	strace s9  }
0x27: {  	s1 =	sld [smem:$0x3FAF]  }
0x28: {  	s2 =	sld [smem:$0x3FB0]  }
0x29: {  	s4 =	sld [smem:$0x3FB2]  }
0x2a: {  	p0 =	seq.s32 s5, $0x0;
	s5 =	sld [smem:$0x3FB3]  }
0x2b: {  	s6 =	sld [smem:$0x3FB4]  }
0x2c: {  	s7 =	sld [smem:$0x3FB5]  }
0x2d: {  	s3 =	simm.s32 $0x108;
	s8 =	sld [smem:$0x3FB6]  }
0x2e: {  	s3 =	simm.s32 @!p0 $0x1082;
	s9 =	sld [smem:$0x3FB7]  }
0x2f: {  	lr =	sadd.s32 s0, s3;
	s0 =	sld [smem:$0x3FAE]  }
0x30: {  	s3 =	sld [smem:$0x3FB1]  }
0x31: {  	[smem:$0x3FBA] =	sst s10  }
0x32: {  	s10 =	sld [smem:$0x3FB8];
	_ =	sdelay $0x3  }
0x33: {  	p0 =	seq.s32 s10, $0x1;
	s10 =	sld [smem:$0x3FBA];
	_ =	sdelay $0x3  }
0x34: {  	[smem:$0x3FBA] =	sst s10  }
0x35: {  	s10 =	sld [smem:$0x3FB9];
	_ =	sdelay $0x3  }
0x36: {  	p1 =	seq.s32 s10, $0x1;
	s10 =	sld [smem:$0x3FBA];
	_ =	sdelay $0x3  }
0x37: {  	[smem:$0x3FBA] =	sst s10  }
0x38: {  	s10 =	sld [smem:$0x3FBB]  }
0x39: {  	_ = 	snop;
	(pc) =	sbr.ind lr, $3  }
0x3a: {  	_ = 	snop  }
0x3b: {  	_ = 	snop  }
0x3c: {  	p2 =	seq.s32 s10, $0x1;
	s10 =	sld [smem:$0x3FBA]  }
0x3d: {  	_ =	shalt  }
0x3e: {  	_ =	shalt  }
0x3f: {  	_ =	shalt  }
0x40: {  	_ =	shalt  }
0x41: {  	_ =	shalt  }
0x42: {  	_ =	shalt  }
0x43: {  	_ =	shalt  }
0x44: {  	_ =	shalt  }
0x45: {  	_ =	shalt  }
0x46: {  	_ =	shalt  }
0x47: {  	_ =	shalt  }
0x48: {  	_ =	shalt  }
0x49: {  	_ =	shalt  }
0x4a: {  	_ =	shalt  }
0x4b: {  	_ =	shalt  }
0x4c: {  	_ =	shalt  }
0x4d: {  	_ =	shalt  }
0x4e: {  	_ =	shalt  }
0x4f: {  	_ =	shalt  }
0x50: {  	_ =	shalt  }
0x51: {  	_ =	shalt  }
0x52: {  	_ =	shalt  }
0x53: {  	_ =	shalt  }
0x54: {  	_ =	shalt  }
0x55: {  	_ =	shalt  }
0x56: {  	_ =	shalt  }
0x57: {  	_ =	shalt  }
0x58: {  	_ =	shalt  }
0x59: {  	_ =	shalt  }
0x5a: {  	_ =	shalt  }
0x5b: {  	_ =	shalt  }
0x5c: {  	_ =	shalt  }
0x5d: {  	_ =	shalt  }
0x5e: {  	_ =	shalt  }
0x5f: {  	_ =	shalt  }
0x60: {  	_ =	shalt  }
0x61: {  	_ =	shalt  }
0x62: {  	_ =	shalt  }
0x63: {  	_ =	shalt  }
0x64: {  	_ =	shalt  }
0x65: {  	_ =	shalt  }
0x66: {  	_ =	shalt  }
0x67: {  	_ =	shalt  }
0x68: {  	_ =	shalt  }
0x69: {  	_ =	shalt  }
0x6a: {  	_ =	shalt  }
0x6b: {  	_ =	shalt  }
0x6c: {  	_ =	shalt  }
0x6d: {  	_ =	shalt  }
0x6e: {  	_ =	shalt  }
0x6f: {  	_ =	shalt  }
0x70: {  	_ =	shalt  }
0x71: {  	_ =	shalt  }
0x72: {  	_ =	shalt  }
0x73: {  	_ =	shalt  }
0x74: {  	_ =	shalt  }
0x75: {  	_ =	shalt  }
0x76: {  	_ =	shalt  }
0x77: {  	_ =	shalt  }
0x78: {  	_ =	shalt  }
0x79: {  	_ =	shalt  }
0x7a: {  	_ =	shalt  }
0x7b: {  	_ =	shalt  }
0x7c: {  	_ =	shalt  }
0x7d: {  	_ =	shalt  }
0x7e: {  	_ =	shalt  }
0x7f: {  	_ =	shalt  }
0x80: {  	_ =	shalt  }
0x81: {  	_ =	shalt  }
0x82: {  	_ =	shalt  }
0x83: {  	_ =	shalt  }
0x84: {  	_ =	shalt  }
0x85: {  	_ =	shalt  }
0x86: {  	_ =	shalt  }
0x87: {  	_ =	shalt  }
.Lfunc_end0:
.L_simem_size_0:
called_computation.1_lowered:
.L_overlay_start_0:
0x88: {  	s2 =	sld [smem:$0x3FD9]  }
0x89: {  	s3 =	sld [smem:$0x3FFE];
	_ =	sdelay $0x1  }
0x8a: {  	s1 =	srdreg.scid  }
0x8b: {  	s0 =	sand.u32 $0x1, s1  }
0x8c: {  	s17 =	sshll.u32 s0, $0xA;
	s2 =	sadd.s32 s3, s2  }
0x8d: {  	s2 =	sadd.s32 s2, s17  }
0x8e: {  	[smem:$0x3FC6] =	sst s2  }
0x8f: {  	_ = 	snop  }
0x90: {  	s2 =	sld [smem:$0x3FD0];
	(tm) =	ssettm $0x1  }
0x91: {  	s18 =	sld [smem:$0x3FFB];
	_ =	sdelay $0x3  }
0x92: {  	_ =	strace s18  }
0x93: {  	s3 =	sld [smem:$0x3FFC];
	_ =	sdelay $0x3  }
0x94: {  	_ =	strace s3  }
0x95: {  	s3 =	sld [smem:$0x3FFD];
	_ =	sdelay $0x3  }
0x96: {  	_ =	strace s3  }
0x97: {  	_ =	strace $0x8FFFFFFF  }
0x98: {  	s19 =	sld [smem:$0x3FDB];
	_ =	sdelay $0x1  }
0x99: {  	s4 =	simm.s32 $_scs_section_size  }
0x9a: {  	s5 =	simm.s32 $_size__tile_overlayer_lowered;
	s6 =	simm.s32 $_tile_overlayer_lowered  }
0x9b: {  	s22 =	simm.s32 $0x1BFF;
	s21 =	sshll.u32 s6, $0x1;
	s3 =	sadd.s32 s4, s19  }
0x9c: {  	s7 =	simm.s32 $0x0;
	s20 =	sshll.u32 s5, $0x1;
	s5 =	sadd.s32 s21, s3  }
0x9d: {  	[timem:s7], [sflag:s22] =	dma.local [hbm:s5], s20  }
0x9e: {  	_ =	swait.ge [sflag:s22], s20  }
0x9f: {  	s4 =	ssub.s32 $0x0, s20;
	[sflag:s22] =	ssyncset.done $0x0  }
0xa0: {  	[sflag:s22] =	ssyncadd.s32 s4;
	_ =	sdelay $0x1  }
0xa1: {  	s23 =	simm.s32 $0x1B8B  }
0xa2: {  	_ =	swait.ge [sflag:s23], $0x1  }
0xa3: {  	[sflag:s23] =	ssyncset.done $0x0  }
0xa4: {  	s25 =	simm.s32 $0x1B8E;
	s24 =	sld [smem:$0x3FFE];
	[sflag:s23] =	ssyncadd.s32 $0xFFFFFFFF  }
0xa5: {  	s26 =	simm.s32 $execute0_lowered;
	[smem:$0x3FD2] =	sst s25  }
0xa6: {  	s5 =	sshll.u32 s26, $0x1;
	_ =	strace $0x80000049;
	[dreg:$0x1] =	wrdreg $0xFFFFFFFF  }
0xa7: {  	s28 =	simm.s32 $_size_execute0_lowered;
	s3 =	sadd.s32 s3, s5;
	[dreg:$0x0] =	wrdreg $0x0  }
0xa8: {  	s5 =	sshll.u32 s28, $0x1;
	[dreg:$0x2] =	wrdreg s3  }
0xa9: {  	[dreg:$0x3] =	wrdreg s5  }
0xaa: {  	[dreg:$0x4] =	wrdreg $0xC0  }
0xab: {  	_ =	task [dreg:s7], $0x5FFFF  }
0xac: {  	[dreg:$0x1] =	wrdreg $0xFFFFFFFF  }
0xad: {  	[dreg:$0x0] =	wrdreg $0x60  }
0xae: {  	[dreg:$0x2] =	wrdreg s24  }
0xaf: {  	[dreg:$0x3] =	wrdreg s2  }
0xb0: {  	[dreg:$0x4] =	wrdreg $0x9  }
0xb1: {  	_ =	task.clear_ibuf [dreg:s7], $0x5FFFF;
	_ =	strace $0x90000049  }
0xb2: {  	s29 =	simm.s32 $0x9;
	_ =	strace $0x8000004B  }
0xb3: {  	_ =	swait.ge [sflag:s29], $0x1  }
0xb4: {  	[sflag:s29] =	ssyncadd.s32 $0xFFFFFFFF  }
0xb5: {  	_ =	strace $0x9000004B  }
0xb6: {  	_ =	sfence  }
0xb7: {  	s30 =	sld [smem:$0x0];
	_ =	sdelay $0x2  }
0xb8: {  	s31 =	sshll.u32 s1, $0xD;
	s1 =	sshrl.u32 s1, $0x2  }
0xb9: {  	s3 =	sand.u32 $0x4000, s31;
	s1 =	sadd.s32 s1, s30  }
0xba: {  	s0 =	sor.u32 s3, s0;
	s1 =	sshll.u32 s1, $0x11  }
0xbb: {  	s0 =	sor.u32 s1, s0  }
0xbc: {  	s0 =	sadd.s32 $0x8F2B, s0  }
0xbd: {  	[sflag:s0] =	ssyncadd.remote.s32 $0x1  }
0xbe: {  	_ =	sfence.sel $0xFFFF  }
0xbf: {  	[dreg:$0x0] =	wrdreg $0xFFFFFFFF;
	(pc) =	sbr.abs _section_cstart, $3  }
0xc0: {  	[dreg:$0x1] =	wrdreg $0xFFFFFFFF  }
0xc1: {  	_ =	task.clear_ibuf [dreg:s7], $0x2FFFF;
	_ =	strace $0x9FFFFFFF  }
0xc2: {  	(tm) =	ssettm $0x7FFFFFFF  }
0xc3: {  	_ =	shalt  }
tec
execute0_lowered:
.L_overlay_start_1:
0x0: {  	(tag) =	ssettag $0x1  }
0x1: {  	v0 =	vimm.s32 $0xFEDCBA9;
	v1 =	vimm.s32 $0x87654321  }
0x2: {  	v0 =	vunpack.c.l.s4.s8 v0;
	v1 =	vunpack.c.l.s4.s8 v1;
	_ =	sdelay $0x1  }
0x3: {  	v0 =	vunpack.c.0.s8.s32 v0;
	v1 =	vunpack.c.0.s8.s32 v1;
	_ =	sdelay $0x1  }
0x4: {  	v2 =	vcombine.low v1, v0  }
0x5: {  	v3 =	vimm.s32 $0x10FEDCBA;
	vm13 =	vcmask $0x300;
	v4 =	vimm.s32 $0x1E07  }
0x6: {  	vm15 =	vcmask $0x704;
	v45 =	vand.u32 $0xF, v2;
	v2 =	vunpack.c.l.s4.s8 v3  }
0x7: {  	vm14 =	vcmask $0xB08;
	vm12 =	vcmask $0xF0C;
	v4 =	vsel vm13, $0x0, v4  }
0x8: {  	vm11 =	vcmask $0x1310;
	v18 =	vunpack.c.0.s8.s32 v2;
	v2 =	vsel vm15, $0x201, v4  }
0x9: {  	vm10 =	vcmask $0x1714;
	vm9 =	vcmask $0x1B18;
	v2 =	vsel vm14, $0x402, v2  }
0xa: {  	vm8 =	vcmask $0x1F1C;
	v3 =	vimm.s32 $0x98765432;
	v2 =	vsel vm12, $0x603, v2  }
0xb: {  	vm7 =	vcmask $0x2320;
	v3 =	vunpack.c.l.s4.s8 v3;
	v2 =	vsel vm11, $0x804, v2  }
0xc: {  	vm6 =	vcmask $0x2724;
	v4 =	vimm.s32 $0xA9876543;
	v2 =	vsel vm10, $0xA05, v2  }
0xd: {  	v19 =	vunpack.c.0.s8.s32 v3;
	v3 =	vimm.s32 $0x210FEDCB;
	v2 =	vsel vm9, $0xC06, v2  }
0xe: {  	v4 =	vunpack.c.l.s4.s8 v4;
	v3 =	vunpack.c.l.s4.s8 v3;
	v2 =	vsel vm8, $0xE07, v2  }
0xf: {  	vm5 =	vcmask $0x2B28;
	vm4 =	vcmask $0x2F2C;
	v2 =	vsel vm7, $0x1000, v2  }
0x10: {  	v21 =	vunpack.c.0.s8.s32 v4;
	v20 =	vunpack.c.0.s8.s32 v3;
	v2 =	vsel vm6, $0x1201, v2  }
0x11: {  	vm3 =	vcmask $0x3330;
	v3 =	vcombine.low v19, v18;
	v2 =	vsel vm5, $0x1402, v2  }
0x12: {  	vm1 =	vcmask $0x3734;
	v4 =	vcombine.low v21, v20;
	v2 =	vsel vm4, $0x1603, v2  }
0x13: {  	vm2 =	vcmask $0x3B38;
	v11 =	vand.u32 $0xF, v3;
	v2 =	vsel vm3, $0x1804, v2  }
0x14: {  	v3 =	vimm.s32 $0x7;
	v14 =	vand.u32 $0xF, v4;
	v2 =	vsel vm1, $0x1A05, v2  }
0x15: {  	v12 =	vsel vm2, $0x1C06, v2;
	v2 =	vsel vm13, $0x200, v3;
	v3 =	vimm.s32 $0x207  }
0x16: {  	v4 =	vimm.s32 $0x407;
	v2 =	vsel vm15, $0x401, v2;
	v3 =	vsel vm13, $0x400, v3  }
0x17: {  	v4 =	vsel vm13, $0x600, v4;
	v2 =	vsel vm14, $0x602, v2;
	v3 =	vsel vm15, $0x601, v3  }
0x18: {  	v4 =	vsel vm15, $0x801, v4;
	v2 =	vsel vm12, $0x803, v2;
	v3 =	vsel vm14, $0x802, v3  }
0x19: {  	v4 =	vsel vm14, $0xA02, v4;
	v2 =	vsel vm11, $0xA04, v2;
	v3 =	vsel vm12, $0xA03, v3  }
0x1a: {  	v4 =	vsel vm12, $0xC03, v4;
	v2 =	vsel vm10, $0xC05, v2;
	v3 =	vsel vm11, $0xC04, v3  }
0x1b: {  	v4 =	vsel vm11, $0xE04, v4;
	v2 =	vsel vm9, $0xE06, v2;
	v3 =	vsel vm10, $0xE05, v3  }
0x1c: {  	v4 =	vsel vm10, $0x1005, v4;
	v2 =	vsel vm8, $0x1007, v2;
	v3 =	vsel vm9, $0x1006, v3  }
0x1d: {  	v4 =	vsel vm9, $0x1206, v4;
	v2 =	vsel vm7, $0x1200, v2;
	v3 =	vsel vm8, $0x1207, v3  }
0x1e: {  	v4 =	vsel vm8, $0x1407, v4;
	v2 =	vsel vm6, $0x1401, v2;
	v3 =	vsel vm7, $0x1400, v3  }
0x1f: {  	v4 =	vsel vm7, $0x1600, v4;
	v2 =	vsel vm5, $0x1602, v2;
	v3 =	vsel vm6, $0x1601, v3  }
0x20: {  	v4 =	vsel vm6, $0x1801, v4;
	v2 =	vsel vm4, $0x1803, v2;
	v3 =	vsel vm5, $0x1802, v3  }
0x21: {  	v4 =	vsel vm5, $0x1A02, v4;
	v2 =	vsel vm3, $0x1A04, v2;
	v3 =	vsel vm4, $0x1A03, v3  }
0x22: {  	v4 =	vsel vm4, $0x1C03, v4;
	v2 =	vsel vm1, $0x1C05, v2;
	v3 =	vsel vm3, $0x1C04, v3  }
0x23: {  	v13 =	vsel vm2, $0x1E06, v2;
	v2 =	vsel vm1, $0x1E05, v3;
	v3 =	vsel vm3, $0x1E04, v4  }
0x24: {  	v5 =	vimm.s32 $0xCBA98765;
	v34 =	vsel vm2, $0x6, v2;
	v2 =	vsel vm1, $0x5, v3  }
0x25: {  	v5 =	vunpack.c.l.s4.s8 v5;
	v3 =	vimm.s32 $0x3210FEDC;
	v2 =	vsel vm2, $0x206, v2  }
0x26: {  	v6 =	vimm.s32 $0x607;
	v4 =	vimm.s32 $0x43210FED;
	[tilespmem:$0x1FC40] =	vst v2;
	v2 =	vunpack.c.l.s4.s8 v3  }
0x27: {  	v26 =	vunpack.c.0.s8.s32 v5;
	v5 =	vimm.s32 $0x6543210F;
	v4 =	vunpack.c.l.s4.s8 v4  }
0x28: {  	v5 =	vunpack.c.l.s4.s8 v5;
	v23 =	vunpack.c.0.s8.s32 v2;
	v2 =	vsel vm13, $0x800, v6  }
0x29: {  	v3 =	vimm.s32 $0xBA987654;
	v24 =	vunpack.c.0.s8.s32 v4;
	v2 =	vsel vm15, $0xA01, v2  }
0x2a: {  	v4 =	vimm.s32 $0xDCBA9876;
	v3 =	vunpack.c.l.s4.s8 v3;
	v2 =	vsel vm14, $0xC02, v2  }
0x2b: {  	v29 =	vunpack.c.0.s8.s32 v5;
	v4 =	vunpack.c.l.s4.s8 v4;
	v2 =	vsel vm12, $0xE03, v2  }
0x2c: {  	v25 =	vunpack.c.0.s8.s32 v3;
	v3 =	vimm.s32 $0x543210FE;
	v2 =	vsel vm11, $0x1004, v2  }
0x2d: {  	v6 =	vimm.s32 $0xEDCBA987;
	v3 =	vunpack.c.l.s4.s8 v3;
	v2 =	vsel vm10, $0x1205, v2  }
0x2e: {  	v6 =	vunpack.c.l.s4.s8 v6;
	v28 =	vunpack.c.0.s8.s32 v4;
	v2 =	vsel vm9, $0x1406, v2  }
0x2f: {  	v27 =	vunpack.c.0.s8.s32 v3;
	v3 =	vcombine.low v25, v23;
	v2 =	vsel vm8, $0x1607, v2  }
0x30: {  	v4 =	vcombine.low v26, v24;
	v30 =	vunpack.c.0.s8.s32 v6;
	v2 =	vsel vm7, $0x1800, v2  }
0x31: {  	v5 =	vcombine.low v28, v27;
	v3 =	vand.u32 $0xF, v3;
	v2 =	vsel vm6, $0x1A01, v2  }
0x32: {  	v6 =	vcombine.low v30, v29;
	[tilespmem:$0x1FC50] =	vst v3;
	v3 =	vand.u32 $0xF, v4;
	v2 =	vsel vm5, $0x1C02, v2  }
0x33: {  	[tilespmem:$0x1FC60] =	vst v3;
	v3 =	vand.u32 $0xF, v5;
	v2 =	vsel vm4, $0x1E03, v2  }
0x34: {  	[tilespmem:$0x1FC70] =	vst v3;
	v3 =	vand.u32 $0xF, v6;
	v2 =	vsel vm3, $0x4, v2  }
0x35: {  	[tilespmem:$0x1FC80] =	vst v3;
	v3 =	vimm.s32 $0x807;
	v2 =	vsel vm1, $0x205, v2  }
0x36: {  	v4 =	vimm.s32 $0xA07;
	v3 =	vsel vm13, $0xA00, v3;
	v2 =	vsel vm2, $0x406, v2  }
0x37: {  	v4 =	vsel vm13, $0xC00, v4;
	[tilespmem:$0x1FC90] =	vst v2;
	v2 =	vsel vm15, $0xC01, v3  }
0x38: {  	v3 =	vsel vm15, $0xE01, v4;
	v2 =	vsel vm14, $0xE02, v2  }
0x39: {  	v3 =	vsel vm14, $0x1002, v3;
	v2 =	vsel vm12, $0x1003, v2  }
0x3a: {  	v4 =	vimm.s32 $0xC07;
	v3 =	vsel vm12, $0x1203, v3;
	v2 =	vsel vm11, $0x1204, v2  }
0x3b: {  	v4 =	vsel vm13, $0xE00, v4;
	v3 =	vsel vm11, $0x1404, v3;
	v2 =	vsel vm10, $0x1405, v2  }
0x3c: {  	v4 =	vsel vm15, $0x1001, v4;
	v3 =	vsel vm10, $0x1605, v3;
	v2 =	vsel vm9, $0x1606, v2  }
0x3d: {  	v4 =	vsel vm14, $0x1202, v4;
	v3 =	vsel vm9, $0x1806, v3;
	v2 =	vsel vm8, $0x1807, v2  }
0x3e: {  	v4 =	vsel vm12, $0x1403, v4;
	v3 =	vsel vm8, $0x1A07, v3;
	v2 =	vsel vm7, $0x1A00, v2  }
0x3f: {  	v4 =	vsel vm11, $0x1604, v4;
	v3 =	vsel vm7, $0x1C00, v3;
	v2 =	vsel vm6, $0x1C01, v2  }
0x40: {  	v4 =	vsel vm10, $0x1805, v4;
	v3 =	vsel vm6, $0x1E01, v3;
	v2 =	vsel vm5, $0x1E02, v2  }
0x41: {  	v4 =	vsel vm9, $0x1A06, v4;
	v3 =	vsel vm5, $0x2, v3;
	v2 =	vsel vm4, $0x3, v2  }
0x42: {  	v4 =	vsel vm8, $0x1C07, v4;
	v3 =	vsel vm4, $0x203, v3;
	v2 =	vsel vm3, $0x204, v2  }
0x43: {  	v4 =	vsel vm7, $0x1E00, v4;
	v3 =	vsel vm3, $0x404, v3;
	v2 =	vsel vm1, $0x405, v2  }
0x44: {  	v4 =	vsel vm6, $0x1, v4;
	v3 =	vsel vm1, $0x605, v3;
	v2 =	vsel vm2, $0x606, v2  }
0x45: {  	v4 =	vsel vm5, $0x202, v4;
	[tilespmem:$0x1FCA0] =	vst v2;
	v2 =	vsel vm2, $0x806, v3  }
0x46: {  	[tilespmem:$0x1FCB0] =	vst v2;
	v2 =	vsel vm4, $0x403, v4  }
0x47: {  	v5 =	vimm.s32 $0x76543210;
	v3 =	vimm.s32 $0xFEDCBA98;
	v2 =	vsel vm3, $0x604, v2  }
0x48: {  	v4 =	vimm.s32 $0xE07;
	v3 =	vunpack.c.l.s4.s8 v3;
	v2 =	vsel vm1, $0x805, v2  }
0x49: {  	v5 =	vunpack.c.l.s4.s8 v5;
	v4 =	vsel vm13, $0x1000, v4;
	v2 =	vsel vm2, $0xA06, v2  }
0x4a: {  	v4 =	vsel vm15, $0x1201, v4;
	[tilespmem:$0x1FCC0] =	vst v2;
	v2 =	vunpack.c.0.s8.s32 v3  }
0x4b: {  	v0 =	vcombine.low v0, v1;
	v3 =	vsel vm14, $0x1402, v4;
	v4 =	vunpack.c.0.s8.s32 v5  }
0x4c: {  	v5 =	vimm.s32 $0x1007;
	v3 =	vsel vm12, $0x1603, v3;
	v2 =	vand.u32 $0xF, v2  }
0x4d: {  	v5 =	vsel vm13, $0x1200, v5;
	v3 =	vsel vm11, $0x1804, v3;
	v2 =	vcombine.low v2, v4  }
0x4e: {  	v1 =	vsel vm10, $0x1A05, v3;
	v3 =	vsel vm15, $0x1401, v5  }
0x4f: {  	v0 =	vand.u32 $0xF, v0;
	v1 =	vsel vm9, $0x1C06, v1;
	[tilespmem:$0x1FCD0] =	vst v2;
	v2 =	vsel vm14, $0x1602, v3  }
0x50: {  	[tilespmem:$0x1FCE0] =	vst v0;
	v0 =	vsel vm8, $0x1E07, v1;
	v3 =	vcombine.low v20, v21;
	v1 =	vsel vm12, $0x1803, v2  }
0x51: {  	v2 =	vcombine.low v18, v19;
	v0 =	vsel vm7, $0x0, v0;
	v1 =	vsel vm11, $0x1A04, v1  }
0x52: {  	v0 =	vsel vm6, $0x201, v0;
	v50 =	vand.u32 $0xF, v3;
	v1 =	vsel vm10, $0x1C05, v1  }
0x53: {  	v3 =	vcombine.low v24, v26;
	v0 =	vsel vm5, $0x402, v0;
	v1 =	vsel vm9, $0x1E06, v1  }
0x54: {  	v21 =	vand.u32 $0xF, v2;
	v0 =	vsel vm4, $0x603, v0;
	v1 =	vsel vm8, $0x7, v1  }
0x55: {  	v2 =	vimm.s32 $0x1207;
	v0 =	vsel vm3, $0x804, v0;
	v1 =	vsel vm7, $0x200, v1  }
0x56: {  	v2 =	vsel vm13, $0x1400, v2;
	v0 =	vsel vm1, $0xA05, v0;
	v1 =	vsel vm6, $0x401, v1  }
0x57: {  	v22 =	vsel vm2, $0xC06, v0;
	v0 =	vsel vm5, $0x602, v1;
	v1 =	vsel vm15, $0x1601, v2  }
0x58: {  	v2 =	vimm.s32 $0x1407;
	v0 =	vsel vm4, $0x803, v0;
	v1 =	vsel vm14, $0x1802, v1  }
0x59: {  	v2 =	vsel vm13, $0x1600, v2;
	v0 =	vsel vm3, $0xA04, v0;
	v1 =	vsel vm12, $0x1A03, v1  }
0x5a: {  	v2 =	vsel vm15, $0x1801, v2;
	v0 =	vsel vm1, $0xC05, v0;
	v1 =	vsel vm11, $0x1C04, v1  }
0x5b: {  	v46 =	vsel vm2, $0xE06, v0;
	v0 =	vsel vm10, $0x1E05, v1;
	v1 =	vsel vm14, $0x1A02, v2  }
0x5c: {  	v2 =	vimm.s32 $0x1607;
	v0 =	vsel vm9, $0x6, v0;
	v1 =	vsel vm12, $0x1C03, v1  }
0x5d: {  	v2 =	vsel vm13, $0x1800, v2;
	v0 =	vsel vm8, $0x207, v0;
	v1 =	vsel vm11, $0x1E04, v1  }
0x5e: {  	v2 =	vsel vm15, $0x1A01, v2;
	v0 =	vsel vm7, $0x400, v0;
	v1 =	vsel vm10, $0x5, v1  }
0x5f: {  	v2 =	vsel vm14, $0x1C02, v2;
	v0 =	vsel vm6, $0x601, v0;
	v1 =	vsel vm9, $0x206, v1  }
0x60: {  	v2 =	vsel vm12, $0x1E03, v2;
	v0 =	vsel vm5, $0x802, v0;
	v1 =	vsel vm8, $0x407, v1  }
0x61: {  	v2 =	vsel vm11, $0x4, v2;
	v0 =	vsel vm4, $0xA03, v0;
	v1 =	vsel vm7, $0x600, v1  }
0x62: {  	v2 =	vsel vm10, $0x205, v2;
	v0 =	vsel vm3, $0xC04, v0;
	v1 =	vsel vm6, $0x801, v1  }
0x63: {  	v2 =	vsel vm9, $0x406, v2;
	v0 =	vsel vm1, $0xE05, v0;
	v1 =	vsel vm5, $0xA02, v1  }
0x64: {  	v52 =	vsel vm2, $0x1006, v0;
	v0 =	vsel vm4, $0xC03, v1;
	v1 =	vsel vm8, $0x607, v2  }
0x65: {  	v0 =	vsel vm3, $0xE04, v0;
	v1 =	vsel vm7, $0x800, v1  }
0x66: {  	v55 =	vand.u32 $0xF, v3;
	v0 =	vsel vm1, $0x1005, v0;
	v1 =	vsel vm6, $0xA01, v1  }
0x67: {  	v2 =	vcombine.low v23, v25;
	v53 =	vsel vm2, $0x1206, v0;
	v0 =	vsel vm5, $0xC02, v1  }
0x68: {  	v3 =	vimm.s32 $0x1807;
	v1 =	vcombine.low v27, v28;
	v0 =	vsel vm4, $0xE03, v0  }
0x69: {  	v54 =	vand.u32 $0xF, v2;
	v2 =	vcombine.low v29, v30;
	v0 =	vsel vm3, $0x1004, v0  }
0x6a: {  	v20 =	vand.u32 $0xF, v1;
	v1 =	vsel vm13, $0x1A00, v3;
	v0 =	vsel vm1, $0x1205, v0  }
0x6b: {  	v57 =	vand.u32 $0xF, v2;
	v51 =	vsel vm2, $0x1406, v0;
	v0 =	vsel vm15, $0x1C01, v1  }
0x6c: {  	v2 =	vimm.s32 $0x1C07;
	v1 =	vimm.s32 $0x1A07;
	v0 =	vsel vm14, $0x1E02, v0  }
0x6d: {  	v2 =	vsel vm13, $0x1E00, v2;
	v1 =	vsel vm13, $0x1C00, v1;
	v0 =	vsel vm12, $0x3, v0  }
0x6e: {  	v2 =	vsel vm15, $0x1, v2;
	v1 =	vsel vm15, $0x1E01, v1;
	v0 =	vsel vm11, $0x204, v0  }
0x6f: {  	v2 =	vsel vm14, $0x202, v2;
	v1 =	vsel vm14, $0x2, v1;
	v0 =	vsel vm10, $0x405, v0  }
0x70: {  	v2 =	vsel vm12, $0x403, v2;
	v1 =	vsel vm12, $0x203, v1;
	v0 =	vsel vm9, $0x606, v0  }
0x71: {  	v2 =	vsel vm11, $0x604, v2;
	v1 =	vsel vm11, $0x404, v1;
	v0 =	vsel vm8, $0x807, v0  }
0x72: {  	v2 =	vsel vm10, $0x805, v2;
	v1 =	vsel vm10, $0x605, v1;
	v0 =	vsel vm7, $0xA00, v0  }
0x73: {  	v2 =	vsel vm9, $0xA06, v2;
	v1 =	vsel vm9, $0x806, v1;
	v0 =	vsel vm6, $0xC01, v0  }
0x74: {  	v2 =	vsel vm8, $0xC07, v2;
	v1 =	vsel vm8, $0xA07, v1;
	v0 =	vsel vm5, $0xE02, v0  }
0x75: {  	v2 =	vsel vm7, $0xE00, v2;
	v1 =	vsel vm7, $0xC00, v1;
	v0 =	vsel vm4, $0x1003, v0  }
0x76: {  	v2 =	vsel vm6, $0x1001, v2;
	v1 =	vsel vm6, $0xE01, v1;
	v0 =	vsel vm3, $0x1204, v0  }
0x77: {  	v2 =	vsel vm5, $0x1202, v2;
	v1 =	vsel vm5, $0x1002, v1;
	v0 =	vsel vm1, $0x1405, v0  }
0x78: {  	v59 =	vsel vm2, $0x1606, v0;
	v0 =	vsel vm4, $0x1203, v1;
	v1 =	vsel vm4, $0x1403, v2  }
0x79: {  	v2 =	vimm.s32 $0x3E07;
	v0 =	vsel vm3, $0x1404, v0;
	v1 =	vsel vm3, $0x1604, v1  }
0x7a: {  	v2 =	vsel vm13, $0x2000, v2;
	v0 =	vsel vm1, $0x1605, v0;
	v1 =	vsel vm1, $0x1805, v1  }
0x7b: {  	v60 =	vsel vm2, $0x1806, v0;
	v61 =	vsel vm2, $0x1A06, v1;
	v1 =	vimm.s32 $0x1C1B1A19  }
0x7c: {  	v0 =	vsel vm15, $0x2201, v2;
	v3 =	vunpack.c.0.s8.s32 v1;
	v1 =	vimm.s32 $0x101F1E1D  }
0x7d: {  	v0 =	vsel vm14, $0x2402, v0;
	v4 =	vunpack.c.0.s8.s32 v1;
	v1 =	vimm.s32 $0x14131211  }
0x7e: {  	v0 =	vsel vm12, $0x2603, v0;
	v5 =	vunpack.c.0.s8.s32 v1;
	v1 =	vimm.s32 $0x18171615  }
0x7f: {  	v0 =	vsel vm11, $0x2804, v0;
	v6 =	vunpack.c.0.s8.s32 v1;
	v1 =	vimm.s32 $0x1D1C1B1A  }
0x80: {  	v0 =	vsel vm10, $0x2A05, v0;
	v7 =	vunpack.c.0.s8.s32 v1;
	v1 =	vimm.s32 $0x11101F1E  }
0x81: {  	v0 =	vsel vm9, $0x2C06, v0;
	v15 =	vunpack.c.0.s8.s32 v1;
	v1 =	vimm.s32 $0x15141312  }
0x82: {  	v0 =	vsel vm8, $0x2E07, v0;
	v16 =	vunpack.c.0.s8.s32 v1;
	v1 =	vimm.s32 $0x19181716  }
0x83: {  	v0 =	vsel vm7, $0x3000, v0;
	v17 =	vunpack.c.0.s8.s32 v1;
	v1 =	vimm.s32 $0x1E1D1C1B  }
0x84: {  	v0 =	vsel vm6, $0x3201, v0;
	v18 =	vunpack.c.0.s8.s32 v1;
	v1 =	vimm.s32 $0x1211101F  }
0x85: {  	v0 =	vsel vm5, $0x3402, v0;
	v19 =	vunpack.c.0.s8.s32 v1;
	v1 =	vimm.s32 $0x16151413  }
0x86: {  	v0 =	vsel vm4, $0x3603, v0;
	v1 =	vunpack.c.0.s8.s32 v1  }
0x87: {  	v0 =	vsel vm3, $0x3804, v0  }
0x88: {  	v0 =	vsel vm1, $0x3A05, v0;
	[tilespmem:$0x1FCF0] =	vst v1;
	v1 =	vimm.s32 $0x1A191817  }
0x89: {  	v0 =	vsel vm2, $0x3C06, v0;
	v1 =	vunpack.c.0.s8.s32 v1  }
0x8a: {  	[tilespmem:$0x1FD10] =	vst v0;
	v0 =	vimm.s32 $0x2007  }
0x8b: {  	v0 =	vsel vm13, $0x2200, v0;
	[tilespmem:$0x1FD00] =	vst v1;
	v1 =	vimm.s32 $0x2207  }
0x8c: {  	v0 =	vsel vm15, $0x2401, v0;
	v1 =	vsel vm13, $0x2400, v1  }
0x8d: {  	v0 =	vsel vm14, $0x2602, v0;
	v1 =	vsel vm15, $0x2601, v1  }
0x8e: {  	v0 =	vsel vm12, $0x2803, v0;
	v1 =	vsel vm14, $0x2802, v1  }
0x8f: {  	v0 =	vsel vm11, $0x2A04, v0;
	v1 =	vsel vm12, $0x2A03, v1  }
0x90: {  	v2 =	vimm.s32 $0x2407;
	v0 =	vsel vm10, $0x2C05, v0;
	v1 =	vsel vm11, $0x2C04, v1  }
0x91: {  	v2 =	vsel vm13, $0x2600, v2;
	v0 =	vsel vm9, $0x2E06, v0;
	v1 =	vsel vm10, $0x2E05, v1  }
0x92: {  	v2 =	vsel vm15, $0x2801, v2;
	v0 =	vsel vm8, $0x3007, v0;
	v1 =	vsel vm9, $0x3006, v1  }
0x93: {  	v2 =	vsel vm14, $0x2A02, v2;
	v0 =	vsel vm7, $0x3200, v0;
	v1 =	vsel vm8, $0x3207, v1  }
0x94: {  	v2 =	vsel vm12, $0x2C03, v2;
	v0 =	vsel vm6, $0x3401, v0;
	v1 =	vsel vm7, $0x3400, v1  }
0x95: {  	v2 =	vsel vm11, $0x2E04, v2;
	v0 =	vsel vm5, $0x3602, v0;
	v1 =	vsel vm6, $0x3601, v1  }
0x96: {  	v2 =	vsel vm10, $0x3005, v2;
	v0 =	vsel vm4, $0x3803, v0;
	v1 =	vsel vm5, $0x3802, v1  }
0x97: {  	v2 =	vsel vm9, $0x3206, v2;
	v0 =	vsel vm3, $0x3A04, v0;
	v1 =	vsel vm4, $0x3A03, v1  }
0x98: {  	v2 =	vsel vm8, $0x3407, v2;
	v0 =	vsel vm1, $0x3C05, v0;
	v1 =	vsel vm3, $0x3C04, v1  }
0x99: {  	v2 =	vsel vm7, $0x3600, v2;
	v62 =	vsel vm2, $0x3E06, v0;
	v0 =	vsel vm1, $0x3E05, v1  }
0x9a: {  	v2 =	vsel vm6, $0x3801, v2;
	v63 =	vsel vm2, $0x2006, v0;
	v0 =	vimm.s32 $0x1F1E1D1C  }
0x9b: {  	v2 =	vsel vm5, $0x3A02, v2;
	v0 =	vunpack.c.0.s8.s32 v0  }
0x9c: {  	v2 =	vsel vm4, $0x3C03, v2  }
0x9d: {  	v2 =	vsel vm3, $0x3E04, v2;
	[tilespmem:$0x1FD20] =	vst v0;
	v0 =	vimm.s32 $0x13121110  }
0x9e: {  	v1 =	vsel vm1, $0x2005, v2;
	v0 =	vunpack.c.0.s8.s32 v0  }
0x9f: {  	v32 =	vsel vm2, $0x2206, v1;
	v1 =	vimm.s32 $0x17161514  }
0xa0: {  	[tilespmem:$0x1FD30] =	vst v0;
	v0 =	vunpack.c.0.s8.s32 v1;
	v1 =	vimm.s32 $0x2807  }
0xa1: {  	v1 =	vsel vm13, $0x2A00, v1  }
0xa2: {  	[tilespmem:$0x1FD40] =	vst v0;
	v0 =	vimm.s32 $0x1B1A1918;
	v1 =	vsel vm15, $0x2C01, v1  }
0xa3: {  	v10 =	vlaneseq.u32;
	v0 =	vunpack.c.0.s8.s32 v0;
	v1 =	vsel vm14, $0x2E02, v1  }
0xa4: {  	vm0 =	vcmask $0x1F10;
	v48 =	vor.u32 $0x10, v10;
	v1 =	vsel vm12, $0x3003, v1  }
0xa5: {  	v2 =	vimm.s32 $0x2A07;
	[tilespmem:$0x1FD50] =	vst v0;
	v0 =	vimm.s32 $0x2607;
	v1 =	vsel vm11, $0x3204, v1  }
0xa6: {  	v2 =	vsel vm13, $0x2C00, v2;
	v0 =	vsel vm13, $0x2800, v0;
	v1 =	vsel vm10, $0x3405, v1  }
0xa7: {  	v2 =	vsel vm15, $0x2E01, v2;
	v0 =	vsel vm15, $0x2A01, v0;
	v1 =	vsel vm9, $0x3606, v1  }
0xa8: {  	v2 =	vsel vm14, $0x3002, v2;
	v0 =	vsel vm14, $0x2C02, v0;
	v1 =	vsel vm8, $0x3807, v1  }
0xa9: {  	v2 =	vsel vm12, $0x3203, v2;
	v0 =	vsel vm12, $0x2E03, v0;
	v1 =	vsel vm7, $0x3A00, v1  }
0xaa: {  	v2 =	vsel vm11, $0x3404, v2;
	v0 =	vsel vm11, $0x3004, v0;
	v1 =	vsel vm6, $0x3C01, v1  }
0xab: {  	v2 =	vsel vm10, $0x3605, v2;
	v0 =	vsel vm10, $0x3205, v0;
	v1 =	vsel vm5, $0x3E02, v1  }
0xac: {  	v2 =	vsel vm9, $0x3806, v2;
	v0 =	vsel vm9, $0x3406, v0;
	v1 =	vsel vm4, $0x2003, v1  }
0xad: {  	v2 =	vsel vm8, $0x3A07, v2;
	v0 =	vsel vm8, $0x3607, v0;
	v1 =	vsel vm3, $0x2204, v1  }
0xae: {  	v2 =	vsel vm7, $0x3C00, v2;
	v0 =	vsel vm7, $0x3800, v0;
	v1 =	vsel vm1, $0x2405, v1  }
0xaf: {  	v0 =	vsel vm6, $0x3A01, v0;
	v35 =	vsel vm2, $0x2606, v1;
	v1 =	vimm.s32 $0x2E07  }
0xb0: {  	v2 =	vsel vm6, $0x3E01, v2;
	v0 =	vsel vm5, $0x3C02, v0;
	v1 =	vsel vm13, $0x3000, v1  }
0xb1: {  	v2 =	vsel vm5, $0x2002, v2;
	v0 =	vsel vm4, $0x3E03, v0;
	v1 =	vsel vm15, $0x3201, v1  }
0xb2: {  	v2 =	vsel vm4, $0x2203, v2;
	v0 =	vsel vm3, $0x2004, v0;
	v1 =	vsel vm14, $0x3402, v1  }
0xb3: {  	v2 =	vsel vm3, $0x2404, v2;
	v0 =	vsel vm1, $0x2205, v0;
	v1 =	vsel vm12, $0x3603, v1  }
0xb4: {  	v9 =	vsel vm2, $0x2406, v0;
	v0 =	vsel vm1, $0x2605, v2;
	v2 =	vimm.s32 $0x3007  }
0xb5: {  	v1 =	vsel vm11, $0x3804, v1;
	v44 =	vsel vm2, $0x2806, v0;
	v0 =	vimm.s32 $0x2C07  }
0xb6: {  	v2 =	vsel vm13, $0x3200, v2;
	v1 =	vsel vm10, $0x3A05, v1;
	v0 =	vsel vm13, $0x2E00, v0  }
0xb7: {  	v2 =	vsel vm15, $0x3401, v2;
	v1 =	vsel vm9, $0x3C06, v1;
	v0 =	vsel vm15, $0x3001, v0  }
0xb8: {  	v2 =	vsel vm14, $0x3602, v2;
	v1 =	vsel vm8, $0x3E07, v1;
	v0 =	vsel vm14, $0x3202, v0  }
0xb9: {  	v2 =	vsel vm12, $0x3803, v2;
	v1 =	vsel vm7, $0x2000, v1;
	v0 =	vsel vm12, $0x3403, v0  }
0xba: {  	v2 =	vsel vm11, $0x3A04, v2;
	v1 =	vsel vm6, $0x2201, v1;
	v0 =	vsel vm11, $0x3604, v0  }
0xbb: {  	v2 =	vsel vm10, $0x3C05, v2;
	v1 =	vsel vm5, $0x2402, v1;
	v0 =	vsel vm10, $0x3805, v0  }
0xbc: {  	v2 =	vsel vm9, $0x3E06, v2;
	v1 =	vsel vm4, $0x2603, v1;
	v0 =	vsel vm9, $0x3A06, v0  }
0xbd: {  	v2 =	vsel vm8, $0x2007, v2;
	v1 =	vsel vm3, $0x2804, v1;
	v0 =	vsel vm8, $0x3C07, v0  }
0xbe: {  	s0 =	rddreg [dreg:$0x0];
	s5 =	simm.s32 $0x0;
	v2 =	vsel vm7, $0x2200, v2;
	v1 =	vsel vm1, $0x2A05, v1;
	v0 =	vsel vm7, $0x3E00, v0  }
0xbf: {  	[smem:$0x7FF] =	sst s5;
	v39 =	vsel vm2, $0x2C06, v1;
	v1 =	vimm.s32 $0x3407;
	v0 =	vsel vm6, $0x2001, v0  }
0xc0: {  	s2 =	rddreg [dreg:$0x1];
	_ =	strace $0x8000004A;
	[tilespmem:$0x1FD60] =	vst v3;
	v2 =	vsel vm6, $0x2401, v2;
	v1 =	vsel vm13, $0x3600, v1;
	v0 =	vsel vm5, $0x2202, v0  }
0xc1: {  	[tilespmem:$0x1FD70] =	vst v4;
	v2 =	vsel vm5, $0x2602, v2;
	v1 =	vsel vm15, $0x3801, v1;
	v0 =	vsel vm4, $0x2403, v0  }
0xc2: {  	[tilespmem:$0x1FD80] =	vst v5;
	v2 =	vsel vm4, $0x2803, v2;
	v1 =	vsel vm14, $0x3A02, v1;
	v0 =	vsel vm3, $0x2604, v0  }
0xc3: {  	[tilespmem:$0x1FD90] =	vst v6;
	v2 =	vsel vm3, $0x2A04, v2;
	v1 =	vsel vm12, $0x3C03, v1;
	v0 =	vsel vm1, $0x2805, v0  }
0xc4: {  	[tilespmem:$0x1FDA0] =	vst v7;
	v1 =	vsel vm11, $0x3E04, v1;
	v36 =	vsel vm2, $0x2A06, v0;
	v0 =	vsel vm1, $0x2C05, v2  }
0xc5: {  	[tilespmem:$0x1FDB0] =	vst v15;
	v2 =	vimm.s32 $0x3607;
	v42 =	vsel vm2, $0x2E06, v0;
	v0 =	vimm.s32 $0x3207  }
0xc6: {  	[tilespmem:$0x1FDC0] =	vst v16;
	v1 =	vsel vm10, $0x2005, v1;
	v2 =	vsel vm13, $0x3800, v2;
	v0 =	vsel vm13, $0x3400, v0  }
0xc7: {  	[tilespmem:$0x1FDD0] =	vst v17;
	v1 =	vsel vm9, $0x2206, v1;
	v2 =	vsel vm15, $0x3A01, v2;
	v0 =	vsel vm15, $0x3601, v0  }
0xc8: {  	[tilespmem:$0x1FE20] =	vst v18;
	v1 =	vsel vm8, $0x2407, v1;
	v2 =	vsel vm14, $0x3C02, v2;
	v0 =	vsel vm14, $0x3802, v0  }
0xc9: {  	[tilespmem:$0x1FE30] =	vst v19;
	v1 =	vsel vm7, $0x2600, v1;
	v2 =	vsel vm12, $0x3E03, v2;
	v0 =	vsel vm12, $0x3A03, v0  }
0xca: {  	[tilespmem:$0x1FF10] =	vst v48;
	v1 =	vsel vm6, $0x2801, v1;
	v2 =	vsel vm11, $0x2004, v2;
	v0 =	vsel vm11, $0x3C04, v0  }
0xcb: {  	[tilespmem:$0x1FF40] =	vst v34;
	v1 =	vsel vm5, $0x2A02, v1;
	v2 =	vsel vm10, $0x2205, v2;
	v0 =	vsel vm10, $0x3E05, v0  }
0xcc: {  	[tilespmem:$0x1FF50] =	vst v45;
	v1 =	vsel vm4, $0x2C03, v1;
	v2 =	vsel vm9, $0x2406, v2;
	v0 =	vsel vm9, $0x2006, v0  }
0xcd: {  	[tilespmem:$0x1FF60] =	vst v55;
	v1 =	vsel vm3, $0x2E04, v1;
	v2 =	vsel vm8, $0x2607, v2;
	v0 =	vsel vm8, $0x2207, v0  }
0xce: {  	[tilespmem:$0x1FF70] =	vst v21;
	v1 =	vsel vm1, $0x3005, v1;
	v2 =	vsel vm7, $0x2800, v2;
	v0 =	vsel vm7, $0x2400, v0  }
0xcf: {  	[tilespmem:$0x1FF80] =	vst v20;
	v37 =	vsel vm2, $0x3206, v1;
	v1 =	vimm.s32 $0x3A07;
	v0 =	vsel vm6, $0x2601, v0  }
0xd0: {  	[tilespmem:$0x1FF90] =	vst v60;
	v2 =	vsel vm6, $0x2A01, v2;
	v1 =	vsel vm13, $0x3C00, v1;
	v0 =	vsel vm5, $0x2802, v0  }
0xd1: {  	[tilespmem:$0x1FFA0] =	vst v51;
	v2 =	vsel vm5, $0x2C02, v2;
	v1 =	vsel vm15, $0x3E01, v1;
	v0 =	vsel vm4, $0x2A03, v0  }
0xd2: {  	[tilespmem:$0x1FFB0] =	vst v52;
	v2 =	vsel vm4, $0x2E03, v2;
	v1 =	vsel vm14, $0x2002, v1;
	v0 =	vsel vm3, $0x2C04, v0  }
0xd3: {  	[tilespmem:$0x1FFC0] =	vst v57;
	v2 =	vsel vm3, $0x3004, v2;
	v1 =	vsel vm12, $0x2203, v1;
	v0 =	vsel vm1, $0x2E05, v0  }
0xd4: {  	[tilespmem:$0x1FFD0] =	vst v54;
	v1 =	vsel vm11, $0x2404, v1;
	v8 =	vsel vm2, $0x3006, v0;
	v0 =	vsel vm1, $0x3205, v2  }
0xd5: {  	[tilespmem:$0x1FFE0] =	vst v63;
	v1 =	vsel vm10, $0x2605, v1;
	v47 =	vsel vm2, $0x3406, v0;
	v0 =	vimm.s32 $0x3807  }
0xd6: {  	[tilespmem:$0x1FFF0] =	vst v62;
	v2 =	vimm.s32 $0x3C07;
	v1 =	vsel vm9, $0x2806, v1;
	v0 =	vsel vm13, $0x3A00, v0  }
0xd7: {  	[tilespmem:$0x1FE70] =	vst v35;
	v2 =	vsel vm13, $0x3E00, v2;
	v1 =	vsel vm8, $0x2A07, v1;
	v0 =	vsel vm15, $0x3C01, v0  }
0xd8: {  	[tilespmem:$0x1FE60] =	vst v9;
	v2 =	vsel vm15, $0x2001, v2;
	v1 =	vsel vm7, $0x2C00, v1;
	v0 =	vsel vm14, $0x3E02, v0  }
0xd9: {  	[tilespmem:$0x1FE80] =	vst v44;
	v2 =	vsel vm14, $0x2202, v2;
	v1 =	vsel vm6, $0x2E01, v1;
	v0 =	vsel vm12, $0x2003, v0  }
0xda: {  	[tilespmem:$0x1FED0] =	vst v39;
	v2 =	vsel vm12, $0x2403, v2;
	v1 =	vsel vm5, $0x3002, v1;
	v0 =	vsel vm11, $0x2204, v0  }
0xdb: {  	[tilespmem:$0x1FE90] =	vst v36;
	v2 =	vsel vm11, $0x2604, v2;
	v1 =	vsel vm4, $0x3203, v1;
	v0 =	vsel vm10, $0x2405, v0  }
0xdc: {  	[tilespmem:$0x1FEF0] =	vst v42;
	v2 =	vsel vm10, $0x2805, v2;
	v1 =	vsel vm3, $0x3404, v1;
	v0 =	vsel vm9, $0x2606, v0  }
0xdd: {  	[tilespmem:$0x1FEC0] =	vst v37;
	v2 =	vsel vm9, $0x2A06, v2;
	v1 =	vsel vm1, $0x3605, v1;
	v0 =	vsel vm8, $0x2807, v0  }
0xde: {  	s1 =	srdreg.scid;
	s4 =	stileid.u32;
	s9 =	simm.s32 $0x4;
	[tilespmem:$0x1FEE0] =	vst v8;
	v2 =	vsel vm8, $0x2C07, v2;
	v49 =	vsel vm2, $0x3806, v1;
	v0 =	vsel vm7, $0x2A00, v0  }
0xdf: {  	s10 =	simm.s32 $0x80;
	s11 =	simm.s32 $0x3400;
	s12 =	simm.s32 $0x4400;
	[tilespmem:$0x1FF30] =	vst v47;
	v1 =	vsel vm0, v4, v3;
	v2 =	vsel vm7, $0x2E00, v2;
	v0 =	vsel vm6, $0x2C01, v0  }
0xe0: {  	s13 =	simm.s32 $0x5400;
	s14 =	simm.s32 $0x6400;
	s15 =	simm.s32 $0x1;
	v3 =	vsel vm0, v15, v7;
	[tilespmem:$0x1FDE0] =	vst v1;
	v2 =	vsel vm6, $0x3001, v2;
	v0 =	vsel vm5, $0x2E02, v0  }
0xe1: {  	s16 =	simm.s32 $0xB400;
	s17 =	simm.s32 $0x200;
	s18 =	simm.s32 $0x4000;
	v4 =	vsel vm0, v17, v16;
	[tilespmem:$0x1FE00] =	vst v3;
	v2 =	vsel vm5, $0x3202, v2;
	v0 =	vsel vm4, $0x3003, v0  }
0xe2: {  	s19 =	simm.s32 $0x7400;
	s20 =	simm.s32 $0x8400;
	s21 =	simm.s32 $0x9400;
	[tilespmem:$0x1FE10] =	vst v4;
	v10 =	vcombine.low v4, v3;
	v2 =	vsel vm4, $0x3403, v2;
	v0 =	vsel vm3, $0x3204, v0  }
0xe3: {  	s22 =	simm.s32 $0xA400;
	s23 =	simm.s32 $0xF400;
	s24 =	simm.s32 $0x2;
	[tilespmem:$0x1FF20] =	vst v49;
	v2 =	vsel vm3, $0x3604, v2;
	v0 =	vsel vm1, $0x3405, v0  }
0xe4: {  	s25 =	simm.s32 $0x3;
	s1 =	sand.u32 $0x1, s1;
	s3 =	sshll.u32 s4, $0x1;
	[tilespmem:$0x1FE50] =	vst v10;
	v43 =	vsel vm2, $0x3606, v0;
	v0 =	vsel vm1, $0x3805, v2;
	v2 =	vsel vm0, v6, v5  }
0xe5: {  	s26 =	simm.s32 $0x0;
	s8 =	smul.u32 $0x6800, s4;
	s3 =	sor.u32 s1, s3;
	[tilespmem:$0x1FDF0] =	vst v2  }
0xe6: {  	s28 =	simm.s32 $0x0;
	s6 =	ssub.s32 $0x2, s1;
	s3 =	smul.u32 $0x3400, s3;
	v16 =	vmov v11;
	v11 =	vcombine.low v2, v1;
	v2 =	vsel vm0, v19, v18;
	[tilespmem:$0x1FF00] =	vst v43  }
0xe7: {  	s4 =	sadd.s32 $0xA00, s0;
	s1 =	smul.u32 $0x3400, s1;
	s7 =	sshrl.u32 s6, $0x1;
	v58 =	vsel vm2, $0x3A06, v0;
	[tilespmem:$0x1FE40] =	vst v2  }
0xe8: {  	s5 =	sadd.s32 $0x9EBC00, s0;
	s30 =	ssub.s32 s6, s7;
	s31 =	sshrl.u32 s3, $0x3;
	[tilespmem:$0x1FEB0] =	vst v58  }
0xe9: {  	s8 =	sadd.s32 s1, s8;
	s7 =	smax.u32 s30, $0x1;
	s6 =	sadd.s32 s2, s31;
	v15 =	vmovc v21;
	v17 =	vmov v22;
	v5 =	vmov v14;
	v2 =	vlaneseq.u32;
	[tilespmem:$0x1FEA0] =	vst v11  }
.LBB2_1:
0xea: {  	s0 =	simm.s32 $0x0  }
0xeb: {  	[tilespmem:s0], [sflag:$0x4] =	stream.linear.gather [hbm4b:s6+s0], $0x3400, $0x38;
	[tilespmem:$0x13400] =	vst v63  }
0xec: {  	_ =	swait.ge [sflag:s9], $0x3400  }
0xed: {  	s1 =	simm.s32 $0x40;
	[sflag:s9] =	ssyncset.done $0x0  }
0xee: {  	v0 =	vmov s8;
	s2 =	smov.u32 s8;
	s0 =	simm.s32 $0x0;
	[sflag:s9] =	ssyncadd.s32 $0xFFFFCC00  }
.LBB2_2:
0xef: {  	p0 =	sne.s32 s1, $0xCFC0;
	v1 =	vld [tilespmem:s0+$0x0];
	v0 =	vshrl.u32 v0, $0xE  }
0xf0: {  	v0 =	vmul.u32 $0x186A0, v0  }
.Ltmp0:
0xf1: {  	(pc) =	sbr.rel @p0 .LBB2_2-.Ltmp0, $3  }
0xf2: {  	v0 =	vbroadcast v0, $0x0;
	_ =	sdelay $0x1  }
0xf3: {  	s2 =	sadd.s32 $0x10, s2;
	v1 =	vadd.s32 v0, v1  }
0xf4: {  	v0 =	vmov s2;
	[tilespmem:s0+$0x0] =	vst v1;
	s0 =	sshra.s32 s1, $0x2;
	s1 =	sadd.s32 $0x40, s1  }
0xf5: {  	v1 =	vld [tilespmem:s0+$0x0]  }
0xf6: {  	v21 =	vld [tilespmem:$0x1FC40]  }
0xf7: {  	v22 =	vld [tilespmem:$0x1FC50]  }
0xf8: {  	v23 =	vld [tilespmem:$0x1FC60]  }
0xf9: {  	v24 =	vld [tilespmem:$0x1FC70]  }
0xfa: {  	v0 =	vshrl.u32 v0, $0xE;
	v25 =	vld [tilespmem:$0x1FC80]  }
0xfb: {  	v26 =	vld [tilespmem:$0x1FC90];
	v0 =	vmul.u32 $0x186A0, v0  }
0xfc: {  	v27 =	vld [tilespmem:$0x1FCA0]  }
0xfd: {  	v28 =	vld [tilespmem:$0x1FCB0];
	v0 =	vbroadcast v0, $0x0  }
0xfe: {  	v29 =	vld [tilespmem:$0x1FCC0]  }
0xff: {  	v30 =	vld [tilespmem:$0x1FCD0];
	v0 =	vadd.s32 v0, v1  }
0x100: {  	s29 =	simm.s32 $0x0;
	v31 =	vld [tilespmem:$0x1FCE0];
	[tilespmem:s0+$0x0] =	vst v0  }
.LBB2_4:
0x101: {  	s30 =	sshll.u32 s29, $0xA  }
0x102: {  	[tilespmem:s11], [sflag:$0x1] =	stream.indirect.gather [hbm4b:s4+s10], $0x20, s30, s10, $0xb8;
	[tilespmem:$0x13400] =	vst v63  }
0x103: {  	s0 =	sor.u32 $0x80, s30  }
0x104: {  	[tilespmem:s12], [sflag:$0x1] =	stream.indirect.gather [hbm4b:s4+s10], $0x20, s0, s10, $0xb8;
	[tilespmem:$0x13400] =	vst v63  }
0x105: {  	p0 =	seq.s32 s29, $0x0;
	s2 =	sor.u32 $0x100, s30  }
0x106: {  	[tilespmem:s13], [sflag:$0x1] =	stream.indirect.gather [hbm4b:s4+s10], $0x20, s2, s10, $0xb8;
	[tilespmem:$0x13400] =	vst v63  }
0x107: {  	s1 =	sor.u32 $0x180, s30;
	s0 =	simm.s32 @!p0 $0x2  }
0x108: {  	[tilespmem:s14], [sflag:$0x1] =	stream.indirect.gather [hbm4b:s4+s10], $0x20, s1, s10, $0xb8;
	[tilespmem:$0x13400] =	vst v63  }
0x109: {  	_ =	swait.ge @!p0 [sflag:s0], $0x4000  }
0x10a: {  	[sflag:s0] =	ssyncset.done @!p0 $0x0  }
0x10b: {  	[sflag:s0] =	ssyncadd.s32 @!p0 $0xFFFFC000  }
0x10c: {  	_ =	swait.ge [sflag:s15], $0x1000  }
0x10d: {  	[sflag:s15] =	ssyncset.done $0x0  }
0x10e: {  	[sflag:s15] =	ssyncadd.s32 $0xFFFFF000  }
0x10f: {  	_ =	swait.ge [sflag:s15], $0x1000  }
0x110: {  	[sflag:s15] =	ssyncset.done $0x0  }
0x111: {  	v0 =	vor.u32 s28, v2;
	[sflag:s15] =	ssyncadd.s32 $0xFFFFF000  }
0x112: {  	v2 =	vlaneseq.u32;
	v1 =	vshll.u32 v0, $0x5;
	_ =	swait.ge [sflag:s15], $0x1000  }
0x113: {  	v2 =	vor.u32 v2, v1;
	[sflag:s15] =	ssyncset.done $0x0  }
0x114: {  	v3 =	vor.u32 v45, v1;
	[sflag:s15] =	ssyncadd.s32 $0xFFFFF000  }
0x115: {  	v4 =	vor.u32 v16, v1;
	_ =	swait.ge [sflag:s15], $0x1000  }
0x116: {  	v56 =	vmov v5;
	v5 =	vor.u32 v5, v1;
	[sflag:s15] =	ssyncset.done $0x0  }
0x117: {  	v0 =	vand.u32 $0x1F8, v0;
	[sflag:s15] =	ssyncadd.s32 $0xFFFFF000  }
0x118: {  	v6 =	vor.u32 v12, v0;
	v2 =	vld.idx.msk [tilespmem:v2+s11+$0x0], $0xffff  }
0x119: {  	v7 =	vor.u32 v13, v0;
	v3 =	vld.idx.msk [tilespmem:v3+s11+$0x0], $0xffff  }
0x11a: {  	v33 =	vor.u32 v34, v0;
	v4 =	vld.idx.msk [tilespmem:v4+s11+$0x0], $0xffff  }
0x11b: {  	v14 =	vmov v9;
	v9 =	vor.u32 v21, v0;
	v5 =	vld.idx.msk [tilespmem:v5+s11+$0x0], $0xffff  }
0x11c: {  	v45 =	vmov v36;
	v36 =	vor.u32 v22, v1  }
0x11d: {  	[tilespmem:v6+s16+$0x0] =	vst.idx.msk $0xffff, v2;
	v2 =	vor.u32 v23, v1  }
0x11e: {  	[tilespmem:v7+s16+$0x0] =	vst.idx.msk $0xffff, v3;
	v3 =	vor.u32 v24, v1  }
0x11f: {  	[tilespmem:v33+s16+$0x0] =	vst.idx.msk $0xffff, v4;
	v4 =	vor.u32 v25, v1  }
0x120: {  	[tilespmem:v9+s16+$0x0] =	vst.idx.msk $0xffff, v5  }
0x121: {  	v6 =	vor.u32 v26, v0;
	v5 =	vld.idx.msk [tilespmem:v36+s11+$0x0], $0xffff  }
0x122: {  	v7 =	vor.u32 v27, v0;
	v2 =	vld.idx.msk [tilespmem:v2+s11+$0x0], $0xffff  }
0x123: {  	v38 =	vor.u32 v28, v0;
	v3 =	vld.idx.msk [tilespmem:v3+s11+$0x0], $0xffff  }
0x124: {  	v40 =	vmov v39;
	v39 =	vor.u32 v29, v0;
	v4 =	vld.idx.msk [tilespmem:v4+s11+$0x0], $0xffff  }
0x125: {  	v9 =	vor.u32 v30, v1  }
0x126: {  	[tilespmem:v6+s16+$0x0] =	vst.idx.msk $0xffff, v5;
	v5 =	vor.u32 v31, v1  }
0x127: {  	[tilespmem:v7+s16+$0x0] =	vst.idx.msk $0xffff, v2;
	v2 =	vor.u32 v15, v1  }
0x128: {  	[tilespmem:v38+s16+$0x0] =	vst.idx.msk $0xffff, v3;
	v3 =	vor.u32 v50, v1  }
0x129: {  	[tilespmem:v39+s16+$0x0] =	vst.idx.msk $0xffff, v4  }
0x12a: {  	v6 =	vor.u32 v17, v0;
	v4 =	vld.idx.msk [tilespmem:v9+s11+$0x0], $0xffff  }
0x12b: {  	v7 =	vor.u32 v46, v0;
	v5 =	vld.idx.msk [tilespmem:v5+s11+$0x0], $0xffff  }
0x12c: {  	v36 =	vor.u32 v52, v0;
	v2 =	vld.idx.msk [tilespmem:v2+s11+$0x0], $0xffff  }
0x12d: {  	v38 =	vor.u32 v53, v0;
	v3 =	vld.idx.msk [tilespmem:v3+s11+$0x0], $0xffff  }
0x12e: {  	v39 =	vmov v46;
	v46 =	vor.u32 v54, v1  }
0x12f: {  	[tilespmem:v6+s16+$0x0] =	vst.idx.msk $0xffff, v4;
	v4 =	vor.u32 v55, v1  }
0x130: {  	v15 =	vld [tilespmem:$0x1FCF0];
	[tilespmem:v7+s16+$0x0] =	vst.idx.msk $0xffff, v5;
	v5 =	vor.u32 v20, v1  }
0x131: {  	v55 =	vmov v16;
	v16 =	vld [tilespmem:$0x1FD00];
	[tilespmem:v36+s16+$0x0] =	vst.idx.msk $0xffff, v2  }
0x132: {  	v20 =	vld [tilespmem:$0x1FE40];
	v2 =	vor.u32 v57, v1;
	[tilespmem:v38+s16+$0x0] =	vst.idx.msk $0xffff, v3  }
0x133: {  	v6 =	vor.u32 v51, v0;
	v3 =	vld.idx.msk [tilespmem:v46+s11+$0x0], $0xffff  }
0x134: {  	v7 =	vor.u32 v59, v0;
	v4 =	vld.idx.msk [tilespmem:v4+s11+$0x0], $0xffff  }
0x135: {  	v51 =	vor.u32 v60, v0;
	v5 =	vld.idx.msk [tilespmem:v5+s11+$0x0], $0xffff;
	_ =	sdelay $0x1  }
0x136: {  	v57 =	vor.u32 v61, v0;
	v2 =	vld.idx.msk [tilespmem:v2+s11+$0x0], $0xffff  }
0x137: {  	v46 =	vsel vm0, v16, v15;
	[tilespmem:v6+s16+$0x0] =	vst.idx.msk $0xffff, v3  }
0x138: {  	v6 =	vcombine.low v46, v20;
	[tilespmem:v7+s16+$0x0] =	vst.idx.msk $0xffff, v4  }
0x139: {  	[tilespmem:v51+s16+$0x0] =	vst.idx.msk $0xffff, v5  }
0x13a: {  	[tilespmem:$0x1FBD0] =	vst v6;
	v5 =	vor.u32 v6, v1;
	v6 =	vld [tilespmem:$0x1FDD0]  }
0x13b: {  	[tilespmem:v57+s16+$0x0] =	vst.idx.msk $0xffff, v2;
	v2 =	vld [tilespmem:$0x1FDA0];
	_ =	sdelay $0x4  }
0x13c: {  	v34 =	vsel vm0, v2, v6;
	v2 =	vld [tilespmem:$0x1FE30];
	_ =	sdelay $0x3  }
0x13d: {  	v18 =	vld [tilespmem:$0x1FD40]  }
0x13e: {  	v38 =	vsel vm0, v15, v2;
	v2 =	vld [tilespmem:$0x1FD10]  }
0x13f: {  	v19 =	vld [tilespmem:$0x1FD50]  }
0x140: {  	v54 =	vmov v17;
	v17 =	vld [tilespmem:$0x1FD30]  }
0x141: {  	v7 =	vld [tilespmem:$0x1FD90]  }
0x142: {  	v60 =	vor.u32 v48, v1;
	v15 =	vld [tilespmem:$0x1FD20]  }
0x143: {  	v36 =	vor.u32 v2, v0;
	v2 =	vld [tilespmem:$0x1FD60];
	_ =	sdelay $0x3  }
0x144: {  	v6 =	vld.idx.msk [tilespmem:v60+s11+$0x0], $0xffff;
	v60 =	vmov v59  }
0x145: {  	v59 =	vmovc v50;
	v50 =	vsel vm0, v19, v18;
	v51 =	vsel vm0, v2, v7;
	v2 =	vsel vm0, v17, v15;
	v7 =	vld [tilespmem:$0x1FD80]  }
0x146: {  	v41 =	vmovc v35;
	v52 =	vmovc v43;
	v43 =	vor.u32 v63, v0;
	v35 =	vcombine.low v50, v2;
	v63 =	vmov v2;
	v2 =	vld [tilespmem:$0x1FD70];
	_ =	sdelay $0x4  }
0x147: {  	v4 =	vor.u32 v10, v1;
	v10 =	vsel vm0, v7, v2;
	v2 =	vld [tilespmem:$0x1FDB0]  }
0x148: {  	v7 =	vld [tilespmem:$0x1FDC0]  }
0x149: {  	v3 =	vor.u32 v11, v1;
	_ =	sdelay $0x2  }
0x14a: {  	v11 =	vmov v49  }
0x14b: {  	v57 =	vmovc v53;
	v53 =	vmovc v39;
	v49 =	vmov v51;
	v39 =	vcombine.low v51, v10;
	v51 =	vsel vm0, v7, v2;
	v2 =	vld [tilespmem:$0x1FE20]  }
0x14c: {  	v9 =	vmov v37;
	v37 =	vmov v42;
	v42 =	vor.u32 v62, v0;
	v3 =	vld.idx.msk [tilespmem:v3+s11+$0x0], $0xffff  }
0x14d: {  	v4 =	vld.idx.msk [tilespmem:v4+s11+$0x0], $0xffff  }
0x14e: {  	v33 =	vor.u32 v32, v0;
	v5 =	vld.idx.msk [tilespmem:v5+s11+$0x0], $0xffff;
	_ =	sdelay $0x1  }
0x14f: {  	v62 =	vmov v58;
	[tilespmem:v36+s16+$0x0] =	vst.idx.msk $0xffff, v6;
	v58 =	vsel vm0, v2, v16;
	v2 =	vor.u32 v35, v1  }
0x150: {  	[tilespmem:v42+s16+$0x0] =	vst.idx.msk $0xffff, v3  }
0x151: {  	[tilespmem:v43+s16+$0x0] =	vst.idx.msk $0xffff, v4  }
0x152: {  	[tilespmem:v33+s16+$0x0] =	vst.idx.msk $0xffff, v5  }
0x153: {  	[tilespmem:$0x1FBF0] =	vst v39;
	v6 =	vor.u32 v39, v1;
	v39 =	vsel vm0, v15, v19;
	v15 =	vld [tilespmem:$0x1FDF0]  }
0x154: {  	v43 =	vld.idx.msk [tilespmem:v2+s11+$0x0], $0xffff  }
0x155: {  	v2 =	vld [tilespmem:$0x1FDE0];
	_ =	sdelay $0x1  }
0x156: {  	v16 =	vcombine.low v34, v51  }
0x157: {  	[tilespmem:$0x1FBE0] =	vst v35;
	v35 =	vsel vm0, v18, v17;
	v7 =	vcombine.low v58, v38  }
0x158: {  	[tilespmem:$0x1FC00] =	vst v16;
	v3 =	vor.u32 v16, v1;
	v16 =	vcombine.low v39, v35  }
0x159: {  	v4 =	vor.u32 v7, v1;
	v17 =	vcombine.low v2, v15;
	v15 =	vld [tilespmem:$0x1FE00]  }
0x15a: {  	[tilespmem:$0x1FC20] =	vst v16;
	v2 =	vor.u32 v16, v1;
	v16 =	vld [tilespmem:$0x1FE10]  }
0x15b: {  	[tilespmem:$0x1FC10] =	vst v7;
	v7 =	vor.u32 v14, v0  }
0x15c: {  	v41 =	vor.u32 v41, v0;
	v14 =	vld.idx.msk [tilespmem:v6+s11+$0x0], $0xffff  }
0x15d: {  	v5 =	vor.u32 v44, v0;
	v6 =	vld.idx.msk [tilespmem:v3+s11+$0x0], $0xffff  }
0x15e: {  	v3 =	vor.u32 v45, v0;
	v4 =	vld.idx.msk [tilespmem:v4+s11+$0x0], $0xffff  }
0x15f: {  	v15 =	vcombine.low v15, v16  }
0x160: {  	[tilespmem:v7+s16+$0x0] =	vst.idx.msk $0xffff, v43;
	v7 =	vor.u32 v17, v1;
	v16 =	vcombine.low v20, v46  }
0x161: {  	[tilespmem:v41+s16+$0x0] =	vst.idx.msk $0xffff, v14;
	v14 =	vor.u32 v15, v1  }
0x162: {  	[tilespmem:v5+s16+$0x0] =	vst.idx.msk $0xffff, v6;
	v5 =	vor.u32 v16, v1  }
0x163: {  	v44 =	vld [tilespmem:$0x1FF70];
	[tilespmem:v3+s16+$0x0] =	vst.idx.msk $0xffff, v4  }
0x164: {  	[tilespmem:$0x1FC30] =	vst v17;
	v17 =	vor.u32 v40, v0;
	v39 =	vmov v15;
	v15 =	vld.idx.msk [tilespmem:v2+s11+$0x0], $0xffff  }
0x165: {  	v6 =	vor.u32 v37, v0;
	v35 =	vmov v16;
	v16 =	vld.idx.msk [tilespmem:v7+s11+$0x0], $0xffff  }
0x166: {  	v2 =	vcombine.low v63, v50;
	v7 =	vor.u32 v8, v0;
	v14 =	vld.idx.msk [tilespmem:v14+s11+$0x0], $0xffff  }
0x167: {  	v3 =	vcombine.low v10, v49;
	v4 =	vor.u32 v9, v0;
	v5 =	vld.idx.msk [tilespmem:v5+s11+$0x0], $0xffff  }
0x168: {  	v41 =	vmovc v8;
	v20 =	vld [tilespmem:$0x1FF40];
	v8 =	vcombine.low v51, v34;
	v34 =	vmov v2;
	v2 =	vor.u32 v2, v1  }
0x169: {  	v33 =	vmov v3;
	v3 =	vor.u32 v3, v1;
	v51 =	vmov v54;
	v54 =	vld [tilespmem:$0x1FFD0];
	[tilespmem:v17+s16+$0x0] =	vst.idx.msk $0xffff, v15  }
0x16a: {  	v46 =	vcombine.low v38, v58;
	v50 =	vmov v59;
	v59 =	vmov v60;
	v60 =	vld [tilespmem:$0x1FF90];
	[tilespmem:v6+s16+$0x0] =	vst.idx.msk $0xffff, v16  }
0x16b: {  	v15 =	vld [tilespmem:$0x1FF50];
	v6 =	vor.u32 v8, v1;
	[tilespmem:v7+s16+$0x0] =	vst.idx.msk $0xffff, v14  }
0x16c: {  	v43 =	vmov v52;
	v1 =	vor.u32 v46, v1;
	v7 =	vor.u32 v52, v0;
	v52 =	vld [tilespmem:$0x1FFB0];
	[tilespmem:v4+s16+$0x0] =	vst.idx.msk $0xffff, v5  }
0x16d: {  	v5 =	vor.u32 v47, v0;
	v4 =	vld.idx.msk [tilespmem:v2+s11+$0x0], $0xffff  }
0x16e: {  	v49 =	vmovc v46;
	v46 =	vmov v47;
	v47 =	vmov v53;
	v53 =	vmov v57;
	v57 =	vld [tilespmem:$0x1FFC0]  }
0x16f: {  	s2 =	simm.s32 $0x10;
	v38 =	vmov v8;
	v8 =	vlaneseq.u32;
	v58 =	vld.idx.msk [tilespmem:v3+s11+$0x0], $0xffff  }
0x170: {  	v63 =	vld.idx.msk [tilespmem:v6+s11+$0x0], $0xffff;
	v6 =	vor.u32 v11, v0;
	v3 =	vor.u32 s2, v8  }
0x171: {  	v17 =	vmov v56;
	v2 =	vld.idx.msk [tilespmem:v1+s11+$0x0], $0xffff;
	v1 =	vshll.u32 v3, $0x5  }
0x172: {  	[tilespmem:v5+s16+$0x0] =	vst.idx.msk $0xffff, v4;
	v5 =	vor.u32 v62, v0;
	v0 =	vand.u32 $0x1F8, v3;
	v3 =	vor.u32 v56, v1;
	v56 =	vld [tilespmem:$0x1FF80]  }
0x173: {  	v36 =	vmov v40;
	v40 =	vmov v62;
	v62 =	vld [tilespmem:$0x1FFF0]  }
0x174: {  	[tilespmem:v7+s16+$0x0] =	vst.idx.msk $0xffff, v58;
	v58 =	vld [tilespmem:$0x1FFA0]  }
0x175: {  	s31 =	sadd.s32 s3, s30;
	v16 =	vmov v55;
	v7 =	vor.u32 v8, v1;
	[tilespmem:v6+s16+$0x0] =	vst.idx.msk $0xffff, v63;
	v6 =	vor.u32 v55, v1;
	v55 =	vld [tilespmem:$0x1FF60]  }
0x176: {  	s1 =	sand.u32 $0x3C00, s31;
	s0 =	simm.s32 $0x20;
	v42 =	vmovc v37;
	v45 =	vmovc v11;
	v37 =	vmov v9;
	v14 =	vlaneseq.u32;
	v4 =	vor.u32 v15, v1;
	v63 =	vld [tilespmem:$0x1FFE0]  }
.LBB2_5:
0x177: {  	_ =	sdelay $0x1  }
0x178: {  	[tilespmem:v5+s16+$0x0] =	vst.idx.msk $0xffff, v2  }
0x179: {  	v5 =	vor.u32 v12, v0;
	v2 =	vld.idx.msk [tilespmem:v7+s11+$0x0], $0xffff  }
0x17a: {  	v4 =	vld.idx.msk [tilespmem:v4+s11+$0x0], $0xffff;
	v7 =	vor.u32 v13, v0  }
0x17b: {  	v8 =	vor.u32 v20, v0;
	v6 =	vld.idx.msk [tilespmem:v6+s11+$0x0], $0xffff  }
0x17c: {  	v9 =	vor.u32 v21, v0;
	v3 =	vld.idx.msk [tilespmem:v3+s11+$0x0], $0xffff  }
0x17d: {  	v10 =	vor.u32 v22, v1  }
0x17e: {  	[tilespmem:v5+s16+$0x0] =	vst.idx.msk $0xffff, v2;
	v2 =	vor.u32 v23, v1  }
0x17f: {  	[tilespmem:v7+s16+$0x0] =	vst.idx.msk $0xffff, v4;
	v4 =	vor.u32 v24, v1  }
0x180: {  	v5 =	vor.u32 v25, v1;
	[tilespmem:v8+s16+$0x0] =	vst.idx.msk $0xffff, v6  }
0x181: {  	[tilespmem:v9+s16+$0x0] =	vst.idx.msk $0xffff, v3  }
0x182: {  	v6 =	vor.u32 v26, v0;
	v3 =	vld.idx.msk [tilespmem:v10+s11+$0x0], $0xffff  }
0x183: {  	v7 =	vor.u32 v27, v0;
	v2 =	vld.idx.msk [tilespmem:v2+s11+$0x0], $0xffff  }
0x184: {  	v8 =	vor.u32 v28, v0;
	v4 =	vld.idx.msk [tilespmem:v4+s11+$0x0], $0xffff  }
0x185: {  	v9 =	vor.u32 v29, v0;
	v5 =	vld.idx.msk [tilespmem:v5+s11+$0x0], $0xffff  }
0x186: {  	v10 =	vor.u32 v30, v1  }
0x187: {  	[tilespmem:v6+s16+$0x0] =	vst.idx.msk $0xffff, v3;
	v3 =	vor.u32 v31, v1  }
0x188: {  	[tilespmem:v7+s16+$0x0] =	vst.idx.msk $0xffff, v2;
	v2 =	vor.u32 v44, v1  }
0x189: {  	[tilespmem:v8+s16+$0x0] =	vst.idx.msk $0xffff, v4;
	v4 =	vor.u32 v50, v1  }
0x18a: {  	[tilespmem:v9+s16+$0x0] =	vst.idx.msk $0xffff, v5  }
0x18b: {  	v6 =	vor.u32 v51, v0;
	v5 =	vld.idx.msk [tilespmem:v10+s11+$0x0], $0xffff  }
0x18c: {  	v7 =	vor.u32 v47, v0;
	v3 =	vld.idx.msk [tilespmem:v3+s11+$0x0], $0xffff  }
0x18d: {  	v8 =	vor.u32 v52, v0;
	v2 =	vld.idx.msk [tilespmem:v2+s11+$0x0], $0xffff  }
0x18e: {  	v9 =	vor.u32 v53, v0;
	v4 =	vld.idx.msk [tilespmem:v4+s11+$0x0], $0xffff  }
0x18f: {  	v10 =	vor.u32 v54, v1  }
0x190: {  	[tilespmem:v6+s16+$0x0] =	vst.idx.msk $0xffff, v5;
	v5 =	vor.u32 v55, v1  }
0x191: {  	[tilespmem:v7+s16+$0x0] =	vst.idx.msk $0xffff, v3  }
0x192: {  	v3 =	vor.u32 v56, v1;
	[tilespmem:v8+s16+$0x0] =	vst.idx.msk $0xffff, v2  }
0x193: {  	v2 =	vor.u32 v57, v1;
	[tilespmem:v9+s16+$0x0] =	vst.idx.msk $0xffff, v4  }
0x194: {  	v6 =	vor.u32 v58, v0;
	v4 =	vld.idx.msk [tilespmem:v10+s11+$0x0], $0xffff  }
0x195: {  	v7 =	vor.u32 v59, v0;
	v5 =	vld.idx.msk [tilespmem:v5+s11+$0x0], $0xffff;
	_ =	sdelay $0x1  }
0x196: {  	v8 =	vor.u32 v60, v0;
	v3 =	vld.idx.msk [tilespmem:v3+s11+$0x0], $0xffff  }
0x197: {  	v2 =	vld.idx.msk [tilespmem:v2+s11+$0x0], $0xffff  }
0x198: {  	[tilespmem:v6+s16+$0x0] =	vst.idx.msk $0xffff, v4;
	v4 =	vld [tilespmem:$0x1FEA0]  }
0x199: {  	[tilespmem:v7+s16+$0x0] =	vst.idx.msk $0xffff, v5;
	v5 =	vld [tilespmem:$0x1FE50];
	_ =	sdelay $0x1  }
0x19a: {  	v9 =	vor.u32 v61, v0;
	[tilespmem:v8+s16+$0x0] =	vst.idx.msk $0xffff, v3;
	v3 =	vld [tilespmem:$0x1FBD0]  }
0x19b: {  	v10 =	vor.u32 v48, v1;
	v6 =	vld [tilespmem:$0x1FD10]  }
0x19c: {  	v4 =	vor.u32 v4, v1  }
0x19d: {  	v5 =	vor.u32 v5, v1;
	_ =	sdelay $0x1  }
0x19e: {  	[tilespmem:v9+s16+$0x0] =	vst.idx.msk $0xffff, v2;
	v3 =	vor.u32 v3, v1  }
0x19f: {  	v2 =	vld.idx.msk [tilespmem:v10+s11+$0x0], $0xffff;
	v6 =	vor.u32 v6, v0  }
0x1a0: {  	v7 =	vor.u32 v62, v0;
	v4 =	vld.idx.msk [tilespmem:v4+s11+$0x0], $0xffff  }
0x1a1: {  	v8 =	vor.u32 v63, v0;
	v5 =	vld.idx.msk [tilespmem:v5+s11+$0x0], $0xffff  }
0x1a2: {  	v10 =	vld [tilespmem:$0x1FBE0]  }
0x1a3: {  	v3 =	vld.idx.msk [tilespmem:v3+s11+$0x0], $0xffff  }
0x1a4: {  	[tilespmem:v6+s16+$0x0] =	vst.idx.msk $0xffff, v2;
	v2 =	vld [tilespmem:$0x1FBF0]  }
0x1a5: {  	[tilespmem:v7+s16+$0x0] =	vst.idx.msk $0xffff, v4;
	v4 =	vld [tilespmem:$0x1FC00]  }
0x1a6: {  	v9 =	vor.u32 v32, v0;
	[tilespmem:v8+s16+$0x0] =	vst.idx.msk $0xffff, v5;
	v5 =	vld [tilespmem:$0x1FC10]  }
0x1a7: {  	v10 =	vor.u32 v10, v1;
	v6 =	vld [tilespmem:$0x1FE60];
	_ =	sdelay $0x1  }
0x1a8: {  	v7 =	vld [tilespmem:$0x1FE70];
	v2 =	vor.u32 v2, v1  }
0x1a9: {  	v8 =	vld [tilespmem:$0x1FE80];
	v4 =	vor.u32 v4, v1  }
0x1aa: {  	[tilespmem:v9+s16+$0x0] =	vst.idx.msk $0xffff, v3;
	v9 =	vld [tilespmem:$0x1FE90];
	v5 =	vor.u32 v5, v1  }
0x1ab: {  	v6 =	vor.u32 v6, v0;
	v3 =	vld.idx.msk [tilespmem:v10+s11+$0x0], $0xffff  }
0x1ac: {  	v10 =	vld [tilespmem:$0x1FC20]  }
0x1ad: {  	v2 =	vld.idx.msk [tilespmem:v2+s11+$0x0], $0xffff  }
0x1ae: {  	v4 =	vld.idx.msk [tilespmem:v4+s11+$0x0], $0xffff  }
0x1af: {  	v5 =	vld.idx.msk [tilespmem:v5+s11+$0x0], $0xffff  }
0x1b0: {  	[tilespmem:v6+s16+$0x0] =	vst.idx.msk $0xffff, v3;
	v3 =	vld [tilespmem:$0x1FC30]  }
0x1b1: {  	v7 =	vor.u32 v7, v0  }
0x1b2: {  	v8 =	vor.u32 v8, v0  }
0x1b3: {  	v9 =	vor.u32 v9, v0  }
0x1b4: {  	v10 =	vor.u32 v10, v1  }
0x1b5: {  	v3 =	vor.u32 v3, v1  }
0x1b6: {  	[tilespmem:v7+s16+$0x0] =	vst.idx.msk $0xffff, v2;
	v2 =	vor.u32 v39, v1  }
0x1b7: {  	[tilespmem:v8+s16+$0x0] =	vst.idx.msk $0xffff, v4;
	v4 =	vor.u32 v35, v1  }
0x1b8: {  	[tilespmem:v9+s16+$0x0] =	vst.idx.msk $0xffff, v5  }
0x1b9: {  	v6 =	vor.u32 v36, v0;
	v5 =	vld.idx.msk [tilespmem:v10+s11+$0x0], $0xffff  }
0x1ba: {  	v7 =	vor.u32 v42, v0;
	v3 =	vld.idx.msk [tilespmem:v3+s11+$0x0], $0xffff  }
0x1bb: {  	v8 =	vor.u32 v41, v0;
	v2 =	vld.idx.msk [tilespmem:v2+s11+$0x0], $0xffff  }
0x1bc: {  	v9 =	vor.u32 v37, v0;
	v4 =	vld.idx.msk [tilespmem:v4+s11+$0x0], $0xffff  }
0x1bd: {  	v10 =	vor.u32 v34, v1  }
0x1be: {  	[tilespmem:v6+s16+$0x0] =	vst.idx.msk $0xffff, v5;
	v5 =	vor.u32 v33, v1  }
0x1bf: {  	[tilespmem:v7+s16+$0x0] =	vst.idx.msk $0xffff, v3;
	v3 =	vor.u32 v38, v1  }
0x1c0: {  	[tilespmem:v8+s16+$0x0] =	vst.idx.msk $0xffff, v2  }
0x1c1: {  	v1 =	vor.u32 v49, v1;
	[tilespmem:v9+s16+$0x0] =	vst.idx.msk $0xffff, v4  }
0x1c2: {  	v8 =	vld.idx.msk [tilespmem:v10+s11+$0x0], $0xffff;
	v10 =	vor.u32 v46, v0  }
0x1c3: {  	v18 =	vmov v12;
	v12 =	vor.u32 v43, v0;
	v9 =	vld.idx.msk [tilespmem:v5+s11+$0x0], $0xffff  }
0x1c4: {  	p1 =	sne.s32 s0, $0x1F0;
	s2 =	smov.u32 s0;
	v19 =	vmov v13;
	v13 =	vor.u32 v45, v0;
	v11 =	vld.idx.msk [tilespmem:v3+s11+$0x0], $0xffff  }
.Ltmp1:
0x1c5: {  	v3 =	vor.u32 s2, v14;
	(pc) =	sbr.rel @p1 .LBB2_5-.Ltmp1, $4  }
0x1c6: {  	v2 =	vld.idx.msk [tilespmem:v1+s11+$0x0], $0xffff;
	v1 =	vshll.u32 v3, $0x5  }
0x1c7: {  	v5 =	vor.u32 v40, v0;
	v7 =	vor.u32 v14, v1;
	[tilespmem:v10+s16+$0x0] =	vst.idx.msk $0xffff, v8  }
0x1c8: {  	v4 =	vor.u32 v15, v1;
	v6 =	vor.u32 v16, v1;
	[tilespmem:v12+s16+$0x0] =	vst.idx.msk $0xffff, v9  }
0x1c9: {  	s0 =	sadd.s32 $0x10, s0;
	v0 =	vand.u32 $0x1F8, v3;
	v3 =	vor.u32 v17, v1;
	v12 =	vmovc v18;
	[tilespmem:v13+s16+$0x0] =	vst.idx.msk $0xffff, v11;
	v13 =	vmov v19  }
0x1ca: {  	_ =	sdelay $0x3  }
0x1cb: {  	[tilespmem:v5+s16+$0x0] =	vst.idx.msk $0xffff, v2  }
0x1cc: {  	v5 =	vor.u32 v12, v0;
	v2 =	vld.idx.msk [tilespmem:v7+s11+$0x0], $0xffff  }
0x1cd: {  	v4 =	vld.idx.msk [tilespmem:v4+s11+$0x0], $0xffff;
	v7 =	vor.u32 v13, v0  }
0x1ce: {  	v8 =	vor.u32 v20, v0;
	v6 =	vld.idx.msk [tilespmem:v6+s11+$0x0], $0xffff  }
0x1cf: {  	v9 =	vor.u32 v21, v0;
	v3 =	vld.idx.msk [tilespmem:v3+s11+$0x0], $0xffff  }
0x1d0: {  	v10 =	vor.u32 v22, v1  }
0x1d1: {  	[tilespmem:v5+s16+$0x0] =	vst.idx.msk $0xffff, v2;
	v2 =	vor.u32 v23, v1  }
0x1d2: {  	[tilespmem:v7+s16+$0x0] =	vst.idx.msk $0xffff, v4;
	v4 =	vor.u32 v24, v1  }
0x1d3: {  	v5 =	vor.u32 v25, v1;
	[tilespmem:v8+s16+$0x0] =	vst.idx.msk $0xffff, v6  }
0x1d4: {  	[tilespmem:v9+s16+$0x0] =	vst.idx.msk $0xffff, v3  }
0x1d5: {  	v6 =	vor.u32 v26, v0;
	v3 =	vld.idx.msk [tilespmem:v10+s11+$0x0], $0xffff  }
0x1d6: {  	v7 =	vor.u32 v27, v0;
	v2 =	vld.idx.msk [tilespmem:v2+s11+$0x0], $0xffff  }
0x1d7: {  	v8 =	vor.u32 v28, v0;
	v4 =	vld.idx.msk [tilespmem:v4+s11+$0x0], $0xffff  }
0x1d8: {  	v9 =	vor.u32 v29, v0;
	v5 =	vld.idx.msk [tilespmem:v5+s11+$0x0], $0xffff  }
0x1d9: {  	v10 =	vor.u32 v30, v1  }
0x1da: {  	[tilespmem:v6+s16+$0x0] =	vst.idx.msk $0xffff, v3;
	v3 =	vor.u32 v31, v1  }
0x1db: {  	[tilespmem:v7+s16+$0x0] =	vst.idx.msk $0xffff, v2;
	v2 =	vor.u32 v44, v1  }
0x1dc: {  	[tilespmem:v8+s16+$0x0] =	vst.idx.msk $0xffff, v4;
	v4 =	vor.u32 v50, v1  }
0x1dd: {  	[tilespmem:v9+s16+$0x0] =	vst.idx.msk $0xffff, v5  }
0x1de: {  	v6 =	vor.u32 v51, v0;
	v5 =	vld.idx.msk [tilespmem:v10+s11+$0x0], $0xffff  }
0x1df: {  	v7 =	vor.u32 v47, v0;
	v3 =	vld.idx.msk [tilespmem:v3+s11+$0x0], $0xffff  }
0x1e0: {  	v8 =	vor.u32 v52, v0;
	v2 =	vld.idx.msk [tilespmem:v2+s11+$0x0], $0xffff  }
0x1e1: {  	v9 =	vor.u32 v53, v0;
	v4 =	vld.idx.msk [tilespmem:v4+s11+$0x0], $0xffff  }
0x1e2: {  	v10 =	vor.u32 v54, v1  }
0x1e3: {  	[tilespmem:v6+s16+$0x0] =	vst.idx.msk $0xffff, v5;
	v5 =	vor.u32 v55, v1  }
0x1e4: {  	[tilespmem:v7+s16+$0x0] =	vst.idx.msk $0xffff, v3  }
0x1e5: {  	v3 =	vor.u32 v56, v1;
	[tilespmem:v8+s16+$0x0] =	vst.idx.msk $0xffff, v2  }
0x1e6: {  	v2 =	vor.u32 v57, v1;
	[tilespmem:v9+s16+$0x0] =	vst.idx.msk $0xffff, v4  }
0x1e7: {  	v6 =	vor.u32 v58, v0;
	v4 =	vld.idx.msk [tilespmem:v10+s11+$0x0], $0xffff  }
0x1e8: {  	v7 =	vor.u32 v59, v0;
	v5 =	vld.idx.msk [tilespmem:v5+s11+$0x0], $0xffff;
	_ =	sdelay $0x1  }
0x1e9: {  	v8 =	vor.u32 v60, v0;
	v3 =	vld.idx.msk [tilespmem:v3+s11+$0x0], $0xffff  }
0x1ea: {  	v2 =	vld.idx.msk [tilespmem:v2+s11+$0x0], $0xffff  }
0x1eb: {  	[tilespmem:v6+s16+$0x0] =	vst.idx.msk $0xffff, v4;
	v4 =	vld [tilespmem:$0x1FEA0]  }
0x1ec: {  	[tilespmem:v7+s16+$0x0] =	vst.idx.msk $0xffff, v5;
	v5 =	vld [tilespmem:$0x1FE50];
	_ =	sdelay $0x1  }
0x1ed: {  	v9 =	vor.u32 v61, v0;
	[tilespmem:v8+s16+$0x0] =	vst.idx.msk $0xffff, v3;
	v3 =	vld [tilespmem:$0x1FBD0]  }
0x1ee: {  	v10 =	vor.u32 v48, v1;
	v6 =	vld [tilespmem:$0x1FD10]  }
0x1ef: {  	v4 =	vor.u32 v4, v1  }
0x1f0: {  	v5 =	vor.u32 v5, v1;
	_ =	sdelay $0x1  }
0x1f1: {  	[tilespmem:v9+s16+$0x0] =	vst.idx.msk $0xffff, v2;
	v3 =	vor.u32 v3, v1  }
0x1f2: {  	v2 =	vld.idx.msk [tilespmem:v10+s11+$0x0], $0xffff;
	v6 =	vor.u32 v6, v0  }
0x1f3: {  	v7 =	vor.u32 v62, v0;
	v4 =	vld.idx.msk [tilespmem:v4+s11+$0x0], $0xffff  }
0x1f4: {  	v8 =	vor.u32 v63, v0;
	v5 =	vld.idx.msk [tilespmem:v5+s11+$0x0], $0xffff  }
0x1f5: {  	v10 =	vld [tilespmem:$0x1FBE0]  }
0x1f6: {  	v3 =	vld.idx.msk [tilespmem:v3+s11+$0x0], $0xffff  }
0x1f7: {  	[tilespmem:v6+s16+$0x0] =	vst.idx.msk $0xffff, v2;
	v2 =	vld [tilespmem:$0x1FBF0]  }
0x1f8: {  	[tilespmem:v7+s16+$0x0] =	vst.idx.msk $0xffff, v4;
	v4 =	vld [tilespmem:$0x1FC00]  }
0x1f9: {  	v9 =	vor.u32 v32, v0;
	[tilespmem:v8+s16+$0x0] =	vst.idx.msk $0xffff, v5;
	v5 =	vld [tilespmem:$0x1FC10]  }
0x1fa: {  	v11 =	vmov v21;
	v21 =	vld [tilespmem:$0x1FE60];
	v10 =	vor.u32 v10, v1;
	_ =	sdelay $0x1  }
0x1fb: {  	v7 =	vld [tilespmem:$0x1FE70];
	v2 =	vor.u32 v2, v1  }
0x1fc: {  	v8 =	vld [tilespmem:$0x1FE80];
	v4 =	vor.u32 v4, v1  }
0x1fd: {  	[tilespmem:v9+s16+$0x0] =	vst.idx.msk $0xffff, v3;
	v9 =	vld [tilespmem:$0x1FE90];
	v5 =	vor.u32 v5, v1  }
0x1fe: {  	v6 =	vor.u32 v21, v0;
	v3 =	vld.idx.msk [tilespmem:v10+s11+$0x0], $0xffff  }
0x1ff: {  	v10 =	vld [tilespmem:$0x1FC20]  }
0x200: {  	v2 =	vld.idx.msk [tilespmem:v2+s11+$0x0], $0xffff  }
0x201: {  	v4 =	vld.idx.msk [tilespmem:v4+s11+$0x0], $0xffff  }
0x202: {  	v5 =	vld.idx.msk [tilespmem:v5+s11+$0x0], $0xffff  }
0x203: {  	[tilespmem:v6+s16+$0x0] =	vst.idx.msk $0xffff, v3;
	v3 =	vld [tilespmem:$0x1FC30]  }
0x204: {  	v7 =	vor.u32 v7, v0  }
0x205: {  	v8 =	vor.u32 v8, v0  }
0x206: {  	v9 =	vor.u32 v9, v0  }
0x207: {  	v10 =	vor.u32 v10, v1  }
0x208: {  	v3 =	vor.u32 v3, v1  }
0x209: {  	[tilespmem:v7+s16+$0x0] =	vst.idx.msk $0xffff, v2;
	v2 =	vor.u32 v39, v1  }
0x20a: {  	[tilespmem:v8+s16+$0x0] =	vst.idx.msk $0xffff, v4;
	v4 =	vor.u32 v35, v1  }
0x20b: {  	[tilespmem:v9+s16+$0x0] =	vst.idx.msk $0xffff, v5  }
0x20c: {  	v6 =	vor.u32 v36, v0;
	v5 =	vld.idx.msk [tilespmem:v10+s11+$0x0], $0xffff  }
0x20d: {  	v7 =	vor.u32 v42, v0;
	v3 =	vld.idx.msk [tilespmem:v3+s11+$0x0], $0xffff  }
0x20e: {  	v8 =	vor.u32 v41, v0;
	v2 =	vld.idx.msk [tilespmem:v2+s11+$0x0], $0xffff  }
0x20f: {  	v9 =	vor.u32 v37, v0;
	v4 =	vld.idx.msk [tilespmem:v4+s11+$0x0], $0xffff  }
0x210: {  	v10 =	vor.u32 v34, v1  }
0x211: {  	[tilespmem:v6+s16+$0x0] =	vst.idx.msk $0xffff, v5;
	v5 =	vor.u32 v33, v1  }
0x212: {  	[tilespmem:v7+s16+$0x0] =	vst.idx.msk $0xffff, v3;
	v3 =	vor.u32 v38, v1  }
0x213: {  	v1 =	vor.u32 v49, v1;
	[tilespmem:v8+s16+$0x0] =	vst.idx.msk $0xffff, v2  }
0x214: {  	[tilespmem:v9+s16+$0x0] =	vst.idx.msk $0xffff, v4  }
0x215: {  	v4 =	vor.u32 v46, v0;
	v2 =	vld.idx.msk [tilespmem:v10+s11+$0x0], $0xffff  }
0x216: {  	v6 =	vor.u32 v43, v0;
	v5 =	vld.idx.msk [tilespmem:v5+s11+$0x0], $0xffff  }
0x217: {  	v7 =	vor.u32 v45, v0;
	v3 =	vld.idx.msk [tilespmem:v3+s11+$0x0], $0xffff  }
0x218: {  	[tilespmem:$0x1FB70] =	vst v39;
	v0 =	vor.u32 v40, v0;
	v1 =	vld.idx.msk [tilespmem:v1+s11+$0x0], $0xffff  }
0x219: {  	[tilespmem:$0x1FB80] =	vst v35;
	s0 =	sshll.u32 s31, $0x5  }
0x21a: {  	s0 =	sand.u32 $0x7FF80000, s0;
	[tilespmem:v4+s16+$0x0] =	vst.idx.msk $0xffff, v2  }
0x21b: {  	s0 =	sor.u32 s1, s0;
	[tilespmem:v6+s16+$0x0] =	vst.idx.msk $0xffff, v5  }
0x21c: {  	s0 =	sshrl.u32 s0, $0x3;
	[tilespmem:v7+s16+$0x0] =	vst.idx.msk $0xffff, v3  }
0x21d: {  	s0 =	sadd.s32 s5, s0;
	[tilespmem:v0+s16+$0x0] =	vst.idx.msk $0xffff, v1  }
0x21e: {  	[hbm4b:s0+s17] =	stream.strided.scatter [tilespmem:s16], [sflag:$0x2], $0x4000, s18, s17, $0x38;
	[tilespmem:$0x13400] =	vst v63  }
0x21f: {  	[tilespmem:$0x1FB90] =	vst v34;
	s0 =	sor.u32 $0x200, s30  }
0x220: {  	[tilespmem:s19], [sflag:$0x1] =	stream.indirect.gather [hbm4b:s4+s10], $0x20, s0, s10, $0xb8;
	[tilespmem:$0x13400] =	vst v63  }
0x221: {  	[tilespmem:$0x1FBA0] =	vst v33;
	s31 =	sadd.s32 $0x280, s30  }
0x222: {  	[tilespmem:s20], [sflag:$0x1] =	stream.indirect.gather [hbm4b:s4+s10], $0x20, s31, s10, $0xb8;
	[tilespmem:$0x13400] =	vst v63  }
0x223: {  	[tilespmem:$0x1FBB0] =	vst v38;
	s2 =	sadd.s32 $0x300, s30  }
0x224: {  	[tilespmem:s21], [sflag:$0x1] =	stream.indirect.gather [hbm4b:s4+s10], $0x20, s2, s10, $0xb8;
	[tilespmem:$0x13400] =	vst v63  }
0x225: {  	[tilespmem:$0x1FBC0] =	vst v49;
	s1 =	simm.s32 @!p0 $0x3;
	s31 =	sadd.s32 $0x380, s30  }
0x226: {  	[tilespmem:s22], [sflag:$0x1] =	stream.indirect.gather [hbm4b:s4+s10], $0x20, s31, s10, $0xb8;
	[tilespmem:$0x13400] =	vst v63  }
0x227: {  	_ =	swait.ge @!p0 [sflag:s1], $0x4000  }
0x228: {  	[sflag:s1] =	ssyncset.done @!p0 $0x0  }
0x229: {  	[sflag:s1] =	ssyncadd.s32 @!p0 $0xFFFFC000  }
0x22a: {  	_ =	swait.ge [sflag:s15], $0x1000  }
0x22b: {  	[sflag:s15] =	ssyncset.done $0x0  }
0x22c: {  	[sflag:s15] =	ssyncadd.s32 $0xFFFFF000  }
0x22d: {  	_ =	swait.ge [sflag:s15], $0x1000  }
0x22e: {  	s2 =	simm.s32 $0x0;
	[sflag:s15] =	ssyncset.done $0x0  }
0x22f: {  	v0 =	vor.u32 s2, v14;
	[sflag:s15] =	ssyncadd.s32 $0xFFFFF000  }
0x230: {  	v1 =	vshll.u32 v0, $0x5;
	_ =	swait.ge [sflag:s15], $0x1000  }
0x231: {  	v2 =	vor.u32 v14, v1;
	[sflag:s15] =	ssyncset.done $0x0  }
0x232: {  	v3 =	vor.u32 v15, v1;
	[sflag:s15] =	ssyncadd.s32 $0xFFFFF000  }
0x233: {  	v4 =	vor.u32 v16, v1;
	_ =	swait.ge [sflag:s15], $0x1000  }
0x234: {  	v5 =	vor.u32 v17, v1;
	[sflag:s15] =	ssyncset.done $0x0  }
0x235: {  	v0 =	vand.u32 $0x1F8, v0;
	[sflag:s15] =	ssyncadd.s32 $0xFFFFF000  }
0x236: {  	v6 =	vor.u32 v12, v0;
	v2 =	vld.idx.msk [tilespmem:v2+s19+$0x0], $0xffff  }
0x237: {  	v7 =	vor.u32 v13, v0;
	v3 =	vld.idx.msk [tilespmem:v3+s19+$0x0], $0xffff  }
0x238: {  	v8 =	vor.u32 v20, v0;
	v4 =	vld.idx.msk [tilespmem:v4+s19+$0x0], $0xffff  }
0x239: {  	v9 =	vor.u32 v11, v0;
	v5 =	vld.idx.msk [tilespmem:v5+s19+$0x0], $0xffff  }
0x23a: {  	v10 =	vor.u32 v22, v1  }
0x23b: {  	[tilespmem:v6+s23+$0x0] =	vst.idx.msk $0xffff, v2;
	v2 =	vor.u32 v23, v1  }
0x23c: {  	[tilespmem:v7+s23+$0x0] =	vst.idx.msk $0xffff, v3;
	v3 =	vor.u32 v24, v1  }
0x23d: {  	[tilespmem:v8+s23+$0x0] =	vst.idx.msk $0xffff, v4;
	v4 =	vor.u32 v25, v1  }
0x23e: {  	[tilespmem:v9+s23+$0x0] =	vst.idx.msk $0xffff, v5  }
0x23f: {  	v6 =	vor.u32 v26, v0;
	v5 =	vld.idx.msk [tilespmem:v10+s19+$0x0], $0xffff  }
0x240: {  	v7 =	vor.u32 v27, v0;
	v2 =	vld.idx.msk [tilespmem:v2+s19+$0x0], $0xffff  }
0x241: {  	v8 =	vor.u32 v28, v0;
	v3 =	vld.idx.msk [tilespmem:v3+s19+$0x0], $0xffff  }
0x242: {  	v9 =	vor.u32 v29, v0;
	v4 =	vld.idx.msk [tilespmem:v4+s19+$0x0], $0xffff  }
0x243: {  	v10 =	vor.u32 v30, v1  }
0x244: {  	[tilespmem:v6+s23+$0x0] =	vst.idx.msk $0xffff, v5;
	v5 =	vor.u32 v31, v1  }
0x245: {  	[tilespmem:v7+s23+$0x0] =	vst.idx.msk $0xffff, v2;
	v2 =	vor.u32 v44, v1  }
0x246: {  	[tilespmem:v8+s23+$0x0] =	vst.idx.msk $0xffff, v3;
	v3 =	vor.u32 v50, v1  }
0x247: {  	[tilespmem:v9+s23+$0x0] =	vst.idx.msk $0xffff, v4  }
0x248: {  	v6 =	vor.u32 v51, v0;
	v4 =	vld.idx.msk [tilespmem:v10+s19+$0x0], $0xffff  }
0x249: {  	v7 =	vor.u32 v47, v0;
	v5 =	vld.idx.msk [tilespmem:v5+s19+$0x0], $0xffff  }
0x24a: {  	v8 =	vor.u32 v52, v0;
	v2 =	vld.idx.msk [tilespmem:v2+s19+$0x0], $0xffff  }
0x24b: {  	v9 =	vor.u32 v53, v0;
	v3 =	vld.idx.msk [tilespmem:v3+s19+$0x0], $0xffff  }
0x24c: {  	v10 =	vor.u32 v54, v1  }
0x24d: {  	[tilespmem:v6+s23+$0x0] =	vst.idx.msk $0xffff, v4;
	v4 =	vor.u32 v55, v1  }
0x24e: {  	[tilespmem:v7+s23+$0x0] =	vst.idx.msk $0xffff, v5;
	v5 =	vor.u32 v56, v1  }
0x24f: {  	[tilespmem:v8+s23+$0x0] =	vst.idx.msk $0xffff, v2  }
0x250: {  	v2 =	vor.u32 v57, v1;
	[tilespmem:v9+s23+$0x0] =	vst.idx.msk $0xffff, v3  }
0x251: {  	v6 =	vor.u32 v58, v0;
	v3 =	vld.idx.msk [tilespmem:v10+s19+$0x0], $0xffff  }
0x252: {  	v7 =	vor.u32 v59, v0;
	v4 =	vld.idx.msk [tilespmem:v4+s19+$0x0], $0xffff  }
0x253: {  	v8 =	vor.u32 v60, v0;
	v5 =	vld.idx.msk [tilespmem:v5+s19+$0x0], $0xffff  }
0x254: {  	v10 =	vld [tilespmem:$0x1FF10]  }
0x255: {  	v2 =	vld.idx.msk [tilespmem:v2+s19+$0x0], $0xffff  }
0x256: {  	[tilespmem:v6+s23+$0x0] =	vst.idx.msk $0xffff, v3;
	v3 =	vld [tilespmem:$0x1FEA0]  }
0x257: {  	[tilespmem:v7+s23+$0x0] =	vst.idx.msk $0xffff, v4;
	v4 =	vld [tilespmem:$0x1FE50]  }
0x258: {  	v9 =	vor.u32 v61, v0;
	[tilespmem:v8+s23+$0x0] =	vst.idx.msk $0xffff, v5;
	v5 =	vld [tilespmem:$0x1FBD0]  }
0x259: {  	v11 =	vld [tilespmem:$0x1FD10];
	v10 =	vor.u32 v10, v1;
	_ =	sdelay $0x1  }
0x25a: {  	v3 =	vor.u32 v3, v1  }
0x25b: {  	v4 =	vor.u32 v4, v1  }
0x25c: {  	[tilespmem:v9+s23+$0x0] =	vst.idx.msk $0xffff, v2;
	v5 =	vor.u32 v5, v1  }
0x25d: {  	v6 =	vor.u32 v11, v0;
	v2 =	vld.idx.msk [tilespmem:v10+s19+$0x0], $0xffff  }
0x25e: {  	v10 =	vld [tilespmem:$0x1FBE0]  }
0x25f: {  	v7 =	vor.u32 v62, v0;
	v3 =	vld.idx.msk [tilespmem:v3+s19+$0x0], $0xffff  }
0x260: {  	v8 =	vor.u32 v63, v0;
	v4 =	vld.idx.msk [tilespmem:v4+s19+$0x0], $0xffff  }
0x261: {  	v5 =	vld.idx.msk [tilespmem:v5+s19+$0x0], $0xffff  }
0x262: {  	[tilespmem:v6+s23+$0x0] =	vst.idx.msk $0xffff, v2;
	v2 =	vld [tilespmem:$0x1FBF0];
	_ =	sdelay $0x1  }
0x263: {  	[tilespmem:v7+s23+$0x0] =	vst.idx.msk $0xffff, v3;
	v3 =	vld [tilespmem:$0x1FC00]  }
0x264: {  	v9 =	vor.u32 v32, v0;
	[tilespmem:v8+s23+$0x0] =	vst.idx.msk $0xffff, v4;
	v4 =	vld [tilespmem:$0x1FC10]  }
0x265: {  	v10 =	vor.u32 v10, v1  }
0x266: {  	v7 =	vld [tilespmem:$0x1FE70];
	v2 =	vor.u32 v2, v1;
	_ =	sdelay $0x1  }
0x267: {  	v8 =	vld [tilespmem:$0x1FE80];
	v3 =	vor.u32 v3, v1  }
0x268: {  	[tilespmem:v9+s23+$0x0] =	vst.idx.msk $0xffff, v5;
	v9 =	vld [tilespmem:$0x1FE90];
	v4 =	vor.u32 v4, v1  }
0x269: {  	v6 =	vor.u32 v21, v0;
	v5 =	vld.idx.msk [tilespmem:v10+s19+$0x0], $0xffff  }
0x26a: {  	v7 =	vor.u32 v7, v0;
	v2 =	vld.idx.msk [tilespmem:v2+s19+$0x0], $0xffff  }
0x26b: {  	v10 =	vld [tilespmem:$0x1FC20]  }
0x26c: {  	v8 =	vor.u32 v8, v0;
	v3 =	vld.idx.msk [tilespmem:v3+s19+$0x0], $0xffff  }
0x26d: {  	v4 =	vld.idx.msk [tilespmem:v4+s19+$0x0], $0xffff  }
0x26e: {  	[tilespmem:v6+s23+$0x0] =	vst.idx.msk $0xffff, v5;
	v5 =	vld [tilespmem:$0x1FC30]  }
0x26f: {  	[tilespmem:v7+s23+$0x0] =	vst.idx.msk $0xffff, v2;
	v2 =	vld [tilespmem:$0x1FB70];
	_ =	sdelay $0x1  }
0x270: {  	v9 =	vor.u32 v9, v0;
	[tilespmem:v8+s23+$0x0] =	vst.idx.msk $0xffff, v3;
	v3 =	vld [tilespmem:$0x1FB80]  }
0x271: {  	v10 =	vor.u32 v10, v1;
	v6 =	vld [tilespmem:$0x1FED0]  }
0x272: {  	v7 =	vld [tilespmem:$0x1FEF0];
	v5 =	vor.u32 v5, v1  }
0x273: {  	v8 =	vld [tilespmem:$0x1FEE0];
	v2 =	vor.u32 v2, v1;
	_ =	sdelay $0x1  }
0x274: {  	[tilespmem:v9+s23+$0x0] =	vst.idx.msk $0xffff, v4;
	v3 =	vor.u32 v3, v1  }
0x275: {  	v6 =	vor.u32 v6, v0;
	v4 =	vld.idx.msk [tilespmem:v10+s19+$0x0], $0xffff  }
0x276: {  	v7 =	vor.u32 v7, v0;
	v5 =	vld.idx.msk [tilespmem:v5+s19+$0x0], $0xffff  }
0x277: {  	v8 =	vor.u32 v8, v0;
	v2 =	vld.idx.msk [tilespmem:v2+s19+$0x0], $0xffff  }
0x278: {  	v10 =	vld [tilespmem:$0x1FB90]  }
0x279: {  	v3 =	vld.idx.msk [tilespmem:v3+s19+$0x0], $0xffff  }
0x27a: {  	[tilespmem:v6+s23+$0x0] =	vst.idx.msk $0xffff, v4;
	v4 =	vld [tilespmem:$0x1FBA0]  }
0x27b: {  	[tilespmem:v7+s23+$0x0] =	vst.idx.msk $0xffff, v5;
	v5 =	vld [tilespmem:$0x1FBB0]  }
0x27c: {  	[tilespmem:v8+s23+$0x0] =	vst.idx.msk $0xffff, v2;
	v2 =	vld [tilespmem:$0x1FBC0];
	_ =	sdelay $0x3  }
0x27d: {  	v9 =	vld [tilespmem:$0x1FEC0];
	v10 =	vor.u32 v10, v1  }
0x27e: {  	v4 =	vor.u32 v4, v1;
	v5 =	vor.u32 v5, v1;
	v1 =	vor.u32 v2, v1;
	v2 =	vld [tilespmem:$0x1FF30];
	_ =	sdelay $0x4  }
0x27f: {  	v9 =	vor.u32 v9, v0;
	v6 =	vor.u32 v2, v0;
	v2 =	vld [tilespmem:$0x1FF00];
	_ =	sdelay $0x4  }
0x280: {  	[tilespmem:v9+s23+$0x0] =	vst.idx.msk $0xffff, v3;
	v7 =	vor.u32 v2, v0;
	v2 =	vld [tilespmem:$0x1FF20]  }
0x281: {  	v3 =	vld.idx.msk [tilespmem:v10+s19+$0x0], $0xffff;
	_ =	sdelay $0x1  }
0x282: {  	v4 =	vld.idx.msk [tilespmem:v4+s19+$0x0], $0xffff  }
0x283: {  	v8 =	vld.idx.msk [tilespmem:v5+s19+$0x0], $0xffff  }
0x284: {  	v9 =	vor.u32 v2, v0;
	v2 =	vld.idx.msk [tilespmem:v1+s19+$0x0], $0xffff  }
0x285: {  	[tilespmem:v6+s23+$0x0] =	vst.idx.msk $0xffff, v3;
	v3 =	vld [tilespmem:$0x1FEB0];
	_ =	sdelay $0x2  }
0x286: {  	s31 =	simm.s32 $0x10  }
0x287: {  	v10 =	vor.u32 s31, v14  }
0x288: {  	v1 =	vshll.u32 v10, $0x5;
	v5 =	vor.u32 v3, v0  }
0x289: {  	s1 =	sadd.s32 s3, s0;
	[tilespmem:v7+s23+$0x0] =	vst.idx.msk $0xffff, v4;
	v7 =	vor.u32 v14, v1;
	v4 =	vor.u32 v15, v1  }
0x28a: {  	s0 =	simm.s32 $0x20;
	s30 =	sand.u32 $0x3E00, s1;
	v21 =	vld [tilespmem:$0x1FC40];
	v6 =	vor.u32 v16, v1;
	v0 =	vand.u32 $0x1F8, v10;
	[tilespmem:v9+s23+$0x0] =	vst.idx.msk $0xffff, v8;
	v3 =	vor.u32 v17, v1  }
.LBB2_7:
0x28b: {  	_ =	sdelay $0x1  }
0x28c: {  	[tilespmem:v5+s23+$0x0] =	vst.idx.msk $0xffff, v2  }
0x28d: {  	v5 =	vor.u32 v12, v0;
	v2 =	vld.idx.msk [tilespmem:v7+s19+$0x0], $0xffff  }
0x28e: {  	v4 =	vld.idx.msk [tilespmem:v4+s19+$0x0], $0xffff;
	v7 =	vor.u32 v13, v0  }
0x28f: {  	v8 =	vor.u32 v20, v0;
	v6 =	vld.idx.msk [tilespmem:v6+s19+$0x0], $0xffff  }
0x290: {  	v3 =	vld.idx.msk [tilespmem:v3+s19+$0x0], $0xffff;
	v9 =	vor.u32 v21, v0  }
0x291: {  	v10 =	vor.u32 v22, v1  }
0x292: {  	[tilespmem:v5+s23+$0x0] =	vst.idx.msk $0xffff, v2;
	v2 =	vor.u32 v23, v1  }
0x293: {  	[tilespmem:v7+s23+$0x0] =	vst.idx.msk $0xffff, v4;
	v4 =	vor.u32 v24, v1  }
0x294: {  	v5 =	vor.u32 v25, v1;
	[tilespmem:v8+s23+$0x0] =	vst.idx.msk $0xffff, v6  }
0x295: {  	[tilespmem:v9+s23+$0x0] =	vst.idx.msk $0xffff, v3  }
0x296: {  	v6 =	vor.u32 v26, v0;
	v3 =	vld.idx.msk [tilespmem:v10+s19+$0x0], $0xffff  }
0x297: {  	v7 =	vor.u32 v27, v0;
	v2 =	vld.idx.msk [tilespmem:v2+s19+$0x0], $0xffff  }
0x298: {  	v8 =	vor.u32 v28, v0;
	v4 =	vld.idx.msk [tilespmem:v4+s19+$0x0], $0xffff  }
0x299: {  	v9 =	vor.u32 v29, v0;
	v5 =	vld.idx.msk [tilespmem:v5+s19+$0x0], $0xffff  }
0x29a: {  	v10 =	vor.u32 v30, v1  }
0x29b: {  	[tilespmem:v6+s23+$0x0] =	vst.idx.msk $0xffff, v3;
	v3 =	vor.u32 v31, v1  }
0x29c: {  	[tilespmem:v7+s23+$0x0] =	vst.idx.msk $0xffff, v2;
	v2 =	vor.u32 v44, v1  }
0x29d: {  	[tilespmem:v8+s23+$0x0] =	vst.idx.msk $0xffff, v4;
	v4 =	vor.u32 v50, v1  }
0x29e: {  	[tilespmem:v9+s23+$0x0] =	vst.idx.msk $0xffff, v5  }
0x29f: {  	v6 =	vor.u32 v51, v0;
	v5 =	vld.idx.msk [tilespmem:v10+s19+$0x0], $0xffff  }
0x2a0: {  	v7 =	vor.u32 v47, v0;
	v3 =	vld.idx.msk [tilespmem:v3+s19+$0x0], $0xffff  }
0x2a1: {  	v8 =	vor.u32 v52, v0;
	v2 =	vld.idx.msk [tilespmem:v2+s19+$0x0], $0xffff  }
0x2a2: {  	v9 =	vor.u32 v53, v0;
	v4 =	vld.idx.msk [tilespmem:v4+s19+$0x0], $0xffff  }
0x2a3: {  	v10 =	vor.u32 v54, v1  }
0x2a4: {  	[tilespmem:v6+s23+$0x0] =	vst.idx.msk $0xffff, v5;
	v5 =	vor.u32 v55, v1  }
0x2a5: {  	[tilespmem:v7+s23+$0x0] =	vst.idx.msk $0xffff, v3  }
0x2a6: {  	v3 =	vor.u32 v56, v1;
	[tilespmem:v8+s23+$0x0] =	vst.idx.msk $0xffff, v2  }
0x2a7: {  	v2 =	vor.u32 v57, v1;
	[tilespmem:v9+s23+$0x0] =	vst.idx.msk $0xffff, v4  }
0x2a8: {  	v6 =	vor.u32 v58, v0;
	v4 =	vld.idx.msk [tilespmem:v10+s19+$0x0], $0xffff  }
0x2a9: {  	v7 =	vor.u32 v59, v0;
	v5 =	vld.idx.msk [tilespmem:v5+s19+$0x0], $0xffff;
	_ =	sdelay $0x1  }
0x2aa: {  	v8 =	vor.u32 v60, v0;
	v3 =	vld.idx.msk [tilespmem:v3+s19+$0x0], $0xffff  }
0x2ab: {  	v2 =	vld.idx.msk [tilespmem:v2+s19+$0x0], $0xffff  }
0x2ac: {  	[tilespmem:v6+s23+$0x0] =	vst.idx.msk $0xffff, v4;
	v4 =	vld [tilespmem:$0x1FEA0]  }
0x2ad: {  	[tilespmem:v7+s23+$0x0] =	vst.idx.msk $0xffff, v5;
	v5 =	vld [tilespmem:$0x1FE50];
	_ =	sdelay $0x1  }
0x2ae: {  	v9 =	vor.u32 v61, v0;
	[tilespmem:v8+s23+$0x0] =	vst.idx.msk $0xffff, v3;
	v3 =	vld [tilespmem:$0x1FBD0]  }
0x2af: {  	v10 =	vor.u32 v48, v1  }
0x2b0: {  	v4 =	vor.u32 v4, v1  }
0x2b1: {  	v5 =	vor.u32 v5, v1;
	_ =	sdelay $0x1  }
0x2b2: {  	[tilespmem:v9+s23+$0x0] =	vst.idx.msk $0xffff, v2;
	v3 =	vor.u32 v3, v1  }
0x2b3: {  	v6 =	vor.u32 v11, v0;
	v2 =	vld.idx.msk [tilespmem:v10+s19+$0x0], $0xffff  }
0x2b4: {  	v7 =	vor.u32 v62, v0;
	v4 =	vld.idx.msk [tilespmem:v4+s19+$0x0], $0xffff  }
0x2b5: {  	v8 =	vor.u32 v63, v0;
	v5 =	vld.idx.msk [tilespmem:v5+s19+$0x0], $0xffff  }
0x2b6: {  	v10 =	vld [tilespmem:$0x1FBE0]  }
0x2b7: {  	v3 =	vld.idx.msk [tilespmem:v3+s19+$0x0], $0xffff  }
0x2b8: {  	[tilespmem:v6+s23+$0x0] =	vst.idx.msk $0xffff, v2;
	v2 =	vld [tilespmem:$0x1FBF0]  }
0x2b9: {  	[tilespmem:v7+s23+$0x0] =	vst.idx.msk $0xffff, v4;
	v4 =	vld [tilespmem:$0x1FC00]  }
0x2ba: {  	v9 =	vor.u32 v32, v0;
	[tilespmem:v8+s23+$0x0] =	vst.idx.msk $0xffff, v5;
	v5 =	vld [tilespmem:$0x1FC10]  }
0x2bb: {  	v10 =	vor.u32 v10, v1;
	v6 =	vld [tilespmem:$0x1FE60];
	_ =	sdelay $0x1  }
0x2bc: {  	v7 =	vld [tilespmem:$0x1FE70];
	v2 =	vor.u32 v2, v1  }
0x2bd: {  	v8 =	vld [tilespmem:$0x1FE80];
	v4 =	vor.u32 v4, v1  }
0x2be: {  	[tilespmem:v9+s23+$0x0] =	vst.idx.msk $0xffff, v3;
	v9 =	vld [tilespmem:$0x1FE90];
	v5 =	vor.u32 v5, v1  }
0x2bf: {  	v6 =	vor.u32 v6, v0;
	v3 =	vld.idx.msk [tilespmem:v10+s19+$0x0], $0xffff  }
0x2c0: {  	v10 =	vld [tilespmem:$0x1FC20]  }
0x2c1: {  	v2 =	vld.idx.msk [tilespmem:v2+s19+$0x0], $0xffff  }
0x2c2: {  	v4 =	vld.idx.msk [tilespmem:v4+s19+$0x0], $0xffff  }
0x2c3: {  	v5 =	vld.idx.msk [tilespmem:v5+s19+$0x0], $0xffff  }
0x2c4: {  	[tilespmem:v6+s23+$0x0] =	vst.idx.msk $0xffff, v3;
	v3 =	vld [tilespmem:$0x1FC30]  }
0x2c5: {  	v7 =	vor.u32 v7, v0  }
0x2c6: {  	v8 =	vor.u32 v8, v0  }
0x2c7: {  	v9 =	vor.u32 v9, v0  }
0x2c8: {  	v10 =	vor.u32 v10, v1  }
0x2c9: {  	v3 =	vor.u32 v3, v1  }
0x2ca: {  	v22 =	vld [tilespmem:$0x1FC50];
	[tilespmem:v7+s23+$0x0] =	vst.idx.msk $0xffff, v2;
	v2 =	vor.u32 v39, v1  }
0x2cb: {  	v21 =	vld [tilespmem:$0x1FC40];
	[tilespmem:v8+s23+$0x0] =	vst.idx.msk $0xffff, v4;
	v4 =	vor.u32 v35, v1  }
0x2cc: {  	v25 =	vld [tilespmem:$0x1FC80];
	[tilespmem:v9+s23+$0x0] =	vst.idx.msk $0xffff, v5  }
0x2cd: {  	v6 =	vor.u32 v36, v0;
	v5 =	vld.idx.msk [tilespmem:v10+s19+$0x0], $0xffff  }
0x2ce: {  	v7 =	vor.u32 v42, v0;
	v3 =	vld.idx.msk [tilespmem:v3+s19+$0x0], $0xffff  }
0x2cf: {  	v8 =	vor.u32 v41, v0;
	v2 =	vld.idx.msk [tilespmem:v2+s19+$0x0], $0xffff  }
0x2d0: {  	v9 =	vor.u32 v37, v0;
	v4 =	vld.idx.msk [tilespmem:v4+s19+$0x0], $0xffff  }
0x2d1: {  	v23 =	vld [tilespmem:$0x1FC60];
	v10 =	vor.u32 v34, v1  }
0x2d2: {  	v27 =	vld [tilespmem:$0x1FCA0];
	[tilespmem:v6+s23+$0x0] =	vst.idx.msk $0xffff, v5;
	v5 =	vor.u32 v33, v1  }
0x2d3: {  	v24 =	vld [tilespmem:$0x1FC70];
	[tilespmem:v7+s23+$0x0] =	vst.idx.msk $0xffff, v3;
	v3 =	vor.u32 v38, v1  }
0x2d4: {  	v28 =	vld [tilespmem:$0x1FCB0];
	[tilespmem:v8+s23+$0x0] =	vst.idx.msk $0xffff, v2  }
0x2d5: {  	v26 =	vld [tilespmem:$0x1FC90];
	v1 =	vor.u32 v49, v1;
	[tilespmem:v9+s23+$0x0] =	vst.idx.msk $0xffff, v4  }
0x2d6: {  	v8 =	vld.idx.msk [tilespmem:v10+s19+$0x0], $0xffff;
	v10 =	vor.u32 v46, v0  }
0x2d7: {  	v12 =	vor.u32 v43, v0;
	v9 =	vld.idx.msk [tilespmem:v5+s19+$0x0], $0xffff  }
0x2d8: {  	p0 =	sne.s32 s0, $0x1F0;
	s2 =	smov.u32 s0;
	v13 =	vor.u32 v45, v0;
	v11 =	vld.idx.msk [tilespmem:v3+s19+$0x0], $0xffff  }
.Ltmp2:
0x2d9: {  	v29 =	vld [tilespmem:$0x1FCC0];
	v3 =	vor.u32 s2, v14;
	(pc) =	sbr.rel @p0 .LBB2_7-.Ltmp2, $4  }
0x2da: {  	v2 =	vld.idx.msk [tilespmem:v1+s19+$0x0], $0xffff;
	v1 =	vshll.u32 v3, $0x5  }
0x2db: {  	v30 =	vld [tilespmem:$0x1FCD0];
	v5 =	vor.u32 v40, v0;
	v7 =	vor.u32 v14, v1;
	[tilespmem:v10+s23+$0x0] =	vst.idx.msk $0xffff, v8  }
0x2dc: {  	v31 =	vld [tilespmem:$0x1FCE0];
	v4 =	vor.u32 v15, v1;
	v6 =	vor.u32 v16, v1;
	[tilespmem:v12+s23+$0x0] =	vst.idx.msk $0xffff, v9  }
0x2dd: {  	s0 =	sadd.s32 $0x10, s0;
	v0 =	vand.u32 $0x1F8, v3;
	v3 =	vor.u32 v17, v1;
	v12 =	vmovc v18;
	[tilespmem:v13+s23+$0x0] =	vst.idx.msk $0xffff, v11;
	v11 =	vld [tilespmem:$0x1FD10];
	v13 =	vmov v19  }
0x2de: {  	_ =	sdelay $0x3  }
0x2df: {  	[tilespmem:v5+s23+$0x0] =	vst.idx.msk $0xffff, v2  }
0x2e0: {  	v5 =	vor.u32 v12, v0;
	v2 =	vld.idx.msk [tilespmem:v7+s19+$0x0], $0xffff  }
0x2e1: {  	v4 =	vld.idx.msk [tilespmem:v4+s19+$0x0], $0xffff;
	v7 =	vor.u32 v13, v0  }
0x2e2: {  	v8 =	vor.u32 v20, v0;
	v6 =	vld.idx.msk [tilespmem:v6+s19+$0x0], $0xffff  }
0x2e3: {  	v9 =	vor.u32 v21, v0;
	v3 =	vld.idx.msk [tilespmem:v3+s19+$0x0], $0xffff  }
0x2e4: {  	v10 =	vor.u32 v22, v1  }
0x2e5: {  	[tilespmem:v5+s23+$0x0] =	vst.idx.msk $0xffff, v2;
	v2 =	vor.u32 v23, v1  }
0x2e6: {  	[tilespmem:v7+s23+$0x0] =	vst.idx.msk $0xffff, v4;
	v4 =	vor.u32 v24, v1  }
0x2e7: {  	v5 =	vor.u32 v25, v1;
	[tilespmem:v8+s23+$0x0] =	vst.idx.msk $0xffff, v6  }
0x2e8: {  	[tilespmem:v9+s23+$0x0] =	vst.idx.msk $0xffff, v3  }
0x2e9: {  	v6 =	vor.u32 v26, v0;
	v3 =	vld.idx.msk [tilespmem:v10+s19+$0x0], $0xffff  }
0x2ea: {  	v7 =	vor.u32 v27, v0;
	v2 =	vld.idx.msk [tilespmem:v2+s19+$0x0], $0xffff  }
0x2eb: {  	v8 =	vor.u32 v28, v0;
	v4 =	vld.idx.msk [tilespmem:v4+s19+$0x0], $0xffff  }
0x2ec: {  	v9 =	vor.u32 v29, v0;
	v5 =	vld.idx.msk [tilespmem:v5+s19+$0x0], $0xffff  }
0x2ed: {  	v10 =	vor.u32 v30, v1  }
0x2ee: {  	[tilespmem:v6+s23+$0x0] =	vst.idx.msk $0xffff, v3;
	v3 =	vor.u32 v31, v1  }
0x2ef: {  	[tilespmem:v7+s23+$0x0] =	vst.idx.msk $0xffff, v2;
	v2 =	vor.u32 v44, v1  }
0x2f0: {  	[tilespmem:v8+s23+$0x0] =	vst.idx.msk $0xffff, v4;
	v4 =	vor.u32 v50, v1  }
0x2f1: {  	[tilespmem:v9+s23+$0x0] =	vst.idx.msk $0xffff, v5  }
0x2f2: {  	v6 =	vor.u32 v51, v0;
	v5 =	vld.idx.msk [tilespmem:v10+s19+$0x0], $0xffff  }
0x2f3: {  	v7 =	vor.u32 v47, v0;
	v3 =	vld.idx.msk [tilespmem:v3+s19+$0x0], $0xffff  }
0x2f4: {  	v8 =	vor.u32 v52, v0;
	v2 =	vld.idx.msk [tilespmem:v2+s19+$0x0], $0xffff  }
0x2f5: {  	v9 =	vor.u32 v53, v0;
	v4 =	vld.idx.msk [tilespmem:v4+s19+$0x0], $0xffff  }
0x2f6: {  	v10 =	vor.u32 v54, v1  }
0x2f7: {  	[tilespmem:v6+s23+$0x0] =	vst.idx.msk $0xffff, v5;
	v5 =	vor.u32 v55, v1  }
0x2f8: {  	[tilespmem:v7+s23+$0x0] =	vst.idx.msk $0xffff, v3  }
0x2f9: {  	v3 =	vor.u32 v56, v1;
	[tilespmem:v8+s23+$0x0] =	vst.idx.msk $0xffff, v2  }
0x2fa: {  	v2 =	vor.u32 v57, v1;
	[tilespmem:v9+s23+$0x0] =	vst.idx.msk $0xffff, v4  }
0x2fb: {  	v6 =	vor.u32 v58, v0;
	v4 =	vld.idx.msk [tilespmem:v10+s19+$0x0], $0xffff  }
0x2fc: {  	v7 =	vor.u32 v59, v0;
	v5 =	vld.idx.msk [tilespmem:v5+s19+$0x0], $0xffff;
	_ =	sdelay $0x1  }
0x2fd: {  	v8 =	vor.u32 v60, v0;
	v3 =	vld.idx.msk [tilespmem:v3+s19+$0x0], $0xffff  }
0x2fe: {  	v2 =	vld.idx.msk [tilespmem:v2+s19+$0x0], $0xffff  }
0x2ff: {  	[tilespmem:v6+s23+$0x0] =	vst.idx.msk $0xffff, v4;
	v4 =	vld [tilespmem:$0x1FEA0]  }
0x300: {  	[tilespmem:v7+s23+$0x0] =	vst.idx.msk $0xffff, v5;
	v5 =	vld [tilespmem:$0x1FE50];
	_ =	sdelay $0x1  }
0x301: {  	v9 =	vor.u32 v61, v0;
	[tilespmem:v8+s23+$0x0] =	vst.idx.msk $0xffff, v3;
	v3 =	vld [tilespmem:$0x1FBD0]  }
0x302: {  	v10 =	vor.u32 v48, v1  }
0x303: {  	v4 =	vor.u32 v4, v1  }
0x304: {  	v5 =	vor.u32 v5, v1;
	_ =	sdelay $0x1  }
0x305: {  	[tilespmem:v9+s23+$0x0] =	vst.idx.msk $0xffff, v2;
	v3 =	vor.u32 v3, v1  }
0x306: {  	v6 =	vor.u32 v11, v0;
	v2 =	vld.idx.msk [tilespmem:v10+s19+$0x0], $0xffff  }
0x307: {  	v7 =	vor.u32 v62, v0;
	v4 =	vld.idx.msk [tilespmem:v4+s19+$0x0], $0xffff  }
0x308: {  	v8 =	vor.u32 v63, v0;
	v5 =	vld.idx.msk [tilespmem:v5+s19+$0x0], $0xffff  }
0x309: {  	v10 =	vld [tilespmem:$0x1FBE0]  }
0x30a: {  	v3 =	vld.idx.msk [tilespmem:v3+s19+$0x0], $0xffff  }
0x30b: {  	[tilespmem:v6+s23+$0x0] =	vst.idx.msk $0xffff, v2;
	v2 =	vld [tilespmem:$0x1FBF0]  }
0x30c: {  	[tilespmem:v7+s23+$0x0] =	vst.idx.msk $0xffff, v4;
	v4 =	vld [tilespmem:$0x1FC00]  }
0x30d: {  	v9 =	vor.u32 v32, v0;
	[tilespmem:v8+s23+$0x0] =	vst.idx.msk $0xffff, v5;
	v5 =	vld [tilespmem:$0x1FC10]  }
0x30e: {  	v10 =	vor.u32 v10, v1;
	v6 =	vld [tilespmem:$0x1FE60];
	_ =	sdelay $0x1  }
0x30f: {  	v19 =	vld [tilespmem:$0x1FE80];
	v2 =	vor.u32 v2, v1  }
0x310: {  	v14 =	vld [tilespmem:$0x1FE90];
	v4 =	vor.u32 v4, v1  }
0x311: {  	v48 =	vld [tilespmem:$0x1FE70];
	[tilespmem:v9+s23+$0x0] =	vst.idx.msk $0xffff, v3;
	v5 =	vor.u32 v5, v1  }
0x312: {  	v6 =	vor.u32 v6, v0;
	v3 =	vld.idx.msk [tilespmem:v10+s19+$0x0], $0xffff  }
0x313: {  	v10 =	vld [tilespmem:$0x1FC20]  }
0x314: {  	v2 =	vld.idx.msk [tilespmem:v2+s19+$0x0], $0xffff  }
0x315: {  	v4 =	vld.idx.msk [tilespmem:v4+s19+$0x0], $0xffff  }
0x316: {  	v5 =	vld.idx.msk [tilespmem:v5+s19+$0x0], $0xffff  }
0x317: {  	[tilespmem:v6+s23+$0x0] =	vst.idx.msk $0xffff, v3;
	v3 =	vld [tilespmem:$0x1FC30]  }
0x318: {  	v7 =	vor.u32 v48, v0  }
0x319: {  	v8 =	vor.u32 v19, v0  }
0x31a: {  	v9 =	vor.u32 v14, v0  }
0x31b: {  	v10 =	vor.u32 v10, v1  }
0x31c: {  	v3 =	vor.u32 v3, v1  }
0x31d: {  	[tilespmem:v7+s23+$0x0] =	vst.idx.msk $0xffff, v2;
	v2 =	vor.u32 v39, v1  }
0x31e: {  	[tilespmem:v8+s23+$0x0] =	vst.idx.msk $0xffff, v4;
	v4 =	vor.u32 v35, v1  }
0x31f: {  	[tilespmem:v9+s23+$0x0] =	vst.idx.msk $0xffff, v5  }
0x320: {  	v6 =	vor.u32 v36, v0;
	v5 =	vld.idx.msk [tilespmem:v10+s19+$0x0], $0xffff  }
0x321: {  	v7 =	vor.u32 v42, v0;
	v3 =	vld.idx.msk [tilespmem:v3+s19+$0x0], $0xffff  }
0x322: {  	v8 =	vor.u32 v41, v0;
	v2 =	vld.idx.msk [tilespmem:v2+s19+$0x0], $0xffff  }
0x323: {  	v9 =	vor.u32 v37, v0;
	v4 =	vld.idx.msk [tilespmem:v4+s19+$0x0], $0xffff  }
0x324: {  	v10 =	vor.u32 v34, v1  }
0x325: {  	[tilespmem:v6+s23+$0x0] =	vst.idx.msk $0xffff, v5;
	v5 =	vor.u32 v33, v1  }
0x326: {  	[tilespmem:v7+s23+$0x0] =	vst.idx.msk $0xffff, v3;
	v3 =	vor.u32 v38, v1  }
0x327: {  	v1 =	vor.u32 v49, v1;
	[tilespmem:v8+s23+$0x0] =	vst.idx.msk $0xffff, v2  }
0x328: {  	[tilespmem:v9+s23+$0x0] =	vst.idx.msk $0xffff, v4  }
0x329: {  	v4 =	vor.u32 v46, v0;
	v2 =	vld.idx.msk [tilespmem:v10+s19+$0x0], $0xffff  }
0x32a: {  	v6 =	vor.u32 v43, v0;
	v5 =	vld.idx.msk [tilespmem:v5+s19+$0x0], $0xffff  }
0x32b: {  	v7 =	vor.u32 v45, v0;
	v3 =	vld.idx.msk [tilespmem:v3+s19+$0x0], $0xffff  }
0x32c: {  	s29 =	sadd.s32 $0x1, s29;
	v0 =	vor.u32 v40, v0;
	v1 =	vld.idx.msk [tilespmem:v1+s19+$0x0], $0xffff  }
0x32d: {  	s0 =	sshll.u32 s1, $0x5;
	p0 =	sne.s32 s29, $0xD  }
.Ltmp3:
0x32e: {  	v18 =	vmov v36;
	s0 =	sand.u32 $0x7FF80000, s0;
	[tilespmem:v4+s23+$0x0] =	vst.idx.msk $0xffff, v2;
	(pc) =	sbr.rel @p0 .LBB2_4-.Ltmp3, $4  }
0x32f: {  	s0 =	sor.u32 s30, s0;
	v11 =	vld [tilespmem:$0x1FEA0];
	v36 =	vmov v14;
	v39 =	vmov v18;
	v35 =	vmov v48;
	[tilespmem:v6+s23+$0x0] =	vst.idx.msk $0xffff, v5  }
0x330: {  	s0 =	sshrl.u32 s0, $0x3;
	v48 =	vld [tilespmem:$0x1FF10];
	v34 =	vmovc v20;
	v20 =	vmovc v56;
	v38 =	vmov v46;
	v49 =	vmov v45;
	v45 =	vmov v15;
	[tilespmem:v7+s23+$0x0] =	vst.idx.msk $0xffff, v3  }
0x331: {  	s0 =	sadd.s32 s5, s0;
	v15 =	vmovc v44;
	v44 =	vmovc v19;
	v8 =	vmov v41;
	v46 =	vmov v47;
	v9 =	vld [tilespmem:$0x1FE60];
	v47 =	vmov v38;
	[tilespmem:v0+s23+$0x0] =	vst.idx.msk $0xffff, v1  }
0x332: {  	v10 =	vld [tilespmem:$0x1FE50];
	v2 =	vlaneseq.u32;
	v5 =	vmovc v17;
	v17 =	vmovc v51;
	v51 =	vmov v58;
	v58 =	vmov v40;
	[hbm4b:s0+s17] =	stream.strided.scatter [tilespmem:s23], [sflag:$0x3], $0x4000, s18, s17, $0x38  }
0x333: {  	s26 =	sadd.s32 $0x1, s26  }
0x334: {  	_ =	swait.ge [sflag:s24], $0x4000;
	p0 =	sne.s32 s26, s7  }
.Ltmp4:
0x335: {  	[sflag:s24] =	ssyncset.done $0x0;
	(pc) =	sbr.rel @p0 .LBB2_1-.Ltmp4, $4  }
0x336: {  	[sflag:s24] =	ssyncadd.s32 $0xFFFFC000  }
0x337: {  	_ =	swait.ge [sflag:s25], $0x4000  }
0x338: {  	[sflag:s25] =	ssyncset.done $0x0  }
0x339: {  	[sflag:s25] =	ssyncadd.s32 $0xFFFFC000  }
0x33a: {  	_ =	sfence.sel $0x180000  }
0x33b: {  	[bflag:$0x0] =	sbarrier.arrive $0xFFFF  }
0x33c: {  	_ =	strace $0x9000004A  }
0x33d: {  	s0 =	stileid.u32;
	[bflag:$0x2] =	sbarrier.arrive $0xFFFF  }
0x33e: {  	p0 =	sne.s32 s0, $0x0;
	s0 =	rddreg [dreg:$0x2]  }
0x33f: {  	s0 =	sadd.s32 @!p0 $0x100000, s0  }
0x340: {  	[sflag:s0] =	ssyncadd.tile.s32 @!p0 $0x1;
	_ =	shalt  }
.Lfunc_end2:
_tile_overlayer_lowered:
.L_overlay_start_2:
0x341: {  	(tag) =	ssettag $0x2  }
0x342: {  	s0 =	rddreg [dreg:$0x0];
	s2 =	stileid.u32  }
0x343: {  	s1 =	rddreg [dreg:$0x1];
	p0 =	sne.s32 s2, $0x0  }
0x344: {  	s3 =	rddreg [dreg:$0x2];
	[bflag:$0x3] =	sbarrier.arrive $0xFFFF;
	s2 =	simm.s32 @!p0 $0x1C04  }
0x345: {  	[timem:s3], [sflag:s2] =	dma.local @!p0 [hbm:s0], s1  }
0x346: {  	s0 =	simm.s32 @!p0 $0x4  }
0x347: {  	_ =	swait.ge @!p0 [sflag:s0], s1  }
0x348: {  	s1 =	ssub.s32 @!p0 $0x0, s1;
	[sflag:s0] =	ssyncset.done @!p0 $0x0  }
0x349: {  	[sflag:s0] =	ssyncadd.s32 @!p0 s1  }
0x34a: {  	[bflag:$0x3] =	sbarrier.arrive $0xFFFF  }
0x34b: {  	_ =	shalt  }

</sc_bundles>
